<compile_context>
chip_gen: v7x
topology: tpu7x:2x2x1
jax: 0.10.2.dev20260603
libtpu: 0.0.44.dev20260713+nightly
codegen_flags: <defaults>
</compile_context>

<pallas_src>
import functools

import jax
import jax.numpy as jnp
from jax import lax
from jax.experimental import pallas as pl
from jax.experimental.pallas import tpu as pltpu
from jax.experimental.pallas import tpu_sc as plsc

NUM_TOKENS = 16384
SEQ = 26
D = 64
NW = 32
TOK_PER_W = NUM_TOKENS // NW
IDX_PER_W = TOK_PER_W * SEQ
N_T1 = TOK_PER_W // 128
N_UNITS = SEQ * N_T1
NBUF = 2


def _make_kernel():
    mesh = plsc.VectorSubcoreMesh(core_axis_name="c", subcore_axis_name="s")

    @functools.partial(
        pl.kernel,
        mesh=mesh,
        out_type=jax.ShapeDtypeStruct((SEQ, 8, 128, 8, 128), jnp.float32),
        compiler_params=pltpu.CompilerParams(
            use_tc_tiling_on_sc=False, needs_layout_passes=False
        ),
        scratch_types=[
            pltpu.VMEM((IDX_PER_W,), jnp.int32),
            pltpu.VMEM((IDX_PER_W,), jnp.int32),
            pltpu.VMEM((NBUF, 128, D), jnp.float32),
            pltpu.VMEM((NBUF, D, 129), jnp.float32),
            pltpu.SemaphoreType.DMA((NBUF,)),
            pltpu.SemaphoreType.DMA((NBUF,)),
        ],
    )
    def k(idx_hbm, table_hbm, out_hbm, idx_tmp, idx_s, rows, tiles, gsem, osem):
        wid = lax.axis_index("s") * 2 + lax.axis_index("c")
        pltpu.sync_copy(idx_hbm.at[pl.ds(wid * IDX_PER_W, IDX_PER_W)], idx_tmp)

        iota = lax.broadcasted_iota(jnp.int32, (16,), 0)

        def rearr(g, carry):
            t0 = g * 16
            for s in range(SEQ):
                src = iota * SEQ + (t0 * SEQ + s)
                vals = plsc.load_gather(idx_tmp, [src])
                idx_s[pl.ds(s * TOK_PER_W + t0, 16)] = vals
            return carry

        lax.fori_loop(0, TOK_PER_W // 16, rearr, 0)

        def unit_off(u):
            s = u // N_T1
            t1l = lax.rem(u, N_T1)
            return s, t1l, s * TOK_PER_W + t1l * 128

        def gather(u, b):
            _, _, off = unit_off(u)
            return pltpu.make_async_copy(
                table_hbm.at[idx_s.at[pl.ds(off, 128)]],
                rows.at[b],
                gsem.at[b],
            )

        def out_copy(u, b, d1):
            s, t1l, _ = unit_off(u)
            t1g = wid * N_T1 + t1l
            return pltpu.make_async_copy(
                tiles.at[b, pl.ds(d1 * 8, 8), pl.ds(0, 128)],
                out_hbm.at[s, d1, t1g],
                osem.at[b],
            )

        def drain_outs(b):
            pltpu.make_async_copy(
                table_hbm.at[pl.ds(0, 128)], rows.at[b], osem.at[b]
            ).wait()

        d_base = [iota + 16 * kk for kk in range(4)]

        for b in range(NBUF):
            gather(b, b).start()

        def pair(p, carry):
            for b in range(NBUF):
                u = p * NBUF + b
                gather(u, b).wait()

                @pl.when(u >= NBUF)
                def _():
                    drain_outs(b)

                def trans(t2g, c2):
                    for tt in range(8):
                        t2 = t2g * 8 + tt
                        t2v = jnp.full((16,), 0, jnp.int32) + t2
                        for kk in range(4):
                            v = rows[b, t2, pl.ds(16 * kk, 16)]
                            plsc.store_scatter(
                                tiles.at[b], [d_base[kk], t2v], v
                            )
                    return c2

                lax.fori_loop(0, 16, trans, 0)

                @pl.when(u + NBUF < N_UNITS)
                def _():
                    gather(u + NBUF, b).start()

                for d1 in range(8):
                    out_copy(u, b, d1).start()
            return carry

        lax.fori_loop(0, N_UNITS // NBUF, pair, 0)

        for b in range(NBUF):
            drain_outs(b)

    return k


def kernel(token_ids, weights):
    idx = token_ids.astype(jnp.int32).reshape(-1)
    out5 = _make_kernel()(idx, weights)
    return out5.transpose(2, 4, 0, 1, 3).reshape(NUM_TOKENS, SEQ, D)

# --- scband reference (transcript-rebuilt; emitter-appended) ---
"""Pipeline reference for scband-embedding-14989435863688 (READ-ONLY COPY).

The authoritative reference and input builder live on the scoring server;
editing this copy changes nothing except your own understanding.
"""

import jax, jax.numpy as jnp
import numpy as np

NUM_EMBEDDINGS = 1000000
EMBEDDING_DIM = 64

def setup_inputs(seed: int = 0) -> dict:
    key = jax.random.key(seed)
    k_idx, k_w = jax.random.split(key)
    token_ids = jax.random.randint(k_idx, (16384, 26), 0, NUM_EMBEDDINGS, dtype=jnp.int64 if jax.config.jax_enable_x64 else jnp.int32)
    # trunc_normal_(mean=0, std=1, a=-3, b=3)
    weights = jax.random.truncated_normal(k_w, -3.0, 3.0, (NUM_EMBEDDINGS, EMBEDDING_DIM), dtype=jnp.float32)
    return {"token_ids": token_ids, "weights": weights}

def reference(token_ids, weights):
    token_ids = token_ids.astype(jnp.int32)
    return jnp.take(weights, token_ids, axis=0)

if __name__ == "__main__":
    import jax
    _d = setup_inputs()
    print(jax.jit(kernel)(*tuple(_d.values())))

</pallas_src>

<mosaic_0001>
#map = affine_map<(d0, d1) -> (0)>
#map1 = affine_map<(d0, d1) -> (0, 0)>
#map2 = affine_map<(d0, d1) -> (0, 0, 0, 0, 0)>
module attributes {stable_mosaic.version = 14 : i64} {
  func.func @k(%arg0: i32, %arg1: i32, %arg2: memref<425984xi32, #tpu.memory_space<hbm>>, %arg3: memref<1000000x64xf32, #tpu.memory_space<hbm>>, %arg4: memref<26x8x128x8x128xf32, #tpu.memory_space<hbm>>, %arg5: memref<13312xi32, #tpu.memory_space<vmem>>, %arg6: memref<13312xi32, #tpu.memory_space<vmem>>, %arg7: memref<2x128x64xf32, #tpu.memory_space<vmem>>, %arg8: memref<2x64x129xf32, #tpu.memory_space<vmem>>, %arg9: memref<2x!tpu.dma_semaphore, #tpu.memory_space<semaphore_mem>>, %arg10: memref<2x!tpu.dma_semaphore, #tpu.memory_space<semaphore_mem>>) attributes {dimension_semantics = [#tpu.dimension_semantics<core_parallel>, #tpu.dimension_semantics<subcore_parallel>], iteration_bounds = array<i64: 2, 16>, scalar_prefetch = 0 : i64, scratch_operands = 6 : i64, tpu.core_type = #tpu.core_type<sc_vector_subcore>, window_params = [{transform_indices = #map}, {transform_indices = #map1}, {transform_indices = #map2}]} {
    %mul3A = arith.constant 2 : i32
    %mul3A_0 = arith.muli %arg1, %mul3A : i32
    %add3A = arith.addi %mul3A_0, %arg0 : i32
    %mul3A_1 = arith.constant 13312 : i32
    %mul3A_2 = arith.muli %add3A, %mul3A_1 : i32
    "tpu.region"() ({
      %run_scoped3A = tpu.sem_alloc : memref<!tpu.dma_semaphore, #tpu.memory_space<semaphore_mem>>
      %dma_start3A_97 = tpu.memref_slice %arg2[%mul3A_2] : memref<425984xi32, #tpu.memory_space<hbm>> -> memref<13312xi32, #tpu.memory_space<hbm>>
      %dma_start3A_98 = tpu.memref_slice %arg2[%mul3A_2] : memref<425984xi32, #tpu.memory_space<hbm>> -> memref<13312xi32, #tpu.memory_space<hbm>>
      tpu.enqueue_dma source(%dma_start3A_98 : memref<13312xi32, #tpu.memory_space<hbm>>) target(%arg5 : memref<13312xi32, #tpu.memory_space<vmem>>) target_semaphore(%run_scoped3A : memref<!tpu.dma_semaphore, #tpu.memory_space<semaphore_mem>>)
      %dma_wait3A_99 = tpu.memref_slice %arg2[%mul3A_2] : memref<425984xi32, #tpu.memory_space<hbm>> -> memref<13312xi32, #tpu.memory_space<hbm>>
      %dma_wait3A_100 = tpu.memref_slice %arg2[%mul3A_2] : memref<425984xi32, #tpu.memory_space<hbm>> -> memref<13312xi32, #tpu.memory_space<hbm>>
      tpu.wait_dma2 semaphore(%run_scoped3A : memref<!tpu.dma_semaphore, #tpu.memory_space<semaphore_mem>>) src(%dma_wait3A_100 : memref<13312xi32, #tpu.memory_space<hbm>>) dst(%arg5 : memref<13312xi32, #tpu.memory_space<vmem>>)
      tpu.yield
    }) : () -> ()
    %iota3A = tpu.iota {dimensions = array<i32: 0>} : vector<16xi32>
    %scan3A = arith.constant 0 : i32
    %scan3A_3 = arith.constant 0 : i32
    %scan3A_4 = arith.constant 32 : i32
    %scan3A_5 = arith.addi %scan3A_3, %scan3A_4 : i32
    %scan3A_6 = arith.constant 1 : i32
    scf.for %scan3A_97 = %scan3A_3 to %scan3A_5 step %scan3A_6  : i32 {
      %mul3A_98 = arith.constant 16 : i32
      %mul3A_99 = arith.muli %scan3A_97, %mul3A_98 : i32
      %mul3A_100 = arith.constant 26 : i32
      %mul3A_101 = vector.broadcast %mul3A_100 : i32 to vector<16xi32>
      %mul3A_102 = arith.muli %iota3A, %mul3A_101 : vector<16xi32>
      %mul3A_103 = arith.constant 26 : i32
      %mul3A_104 = arith.muli %mul3A_99, %mul3A_103 : i32
      %add3A_105 = arith.constant 0 : i32
      %add3A_106 = arith.addi %mul3A_104, %add3A_105 : i32
      %add3A_107 = vector.broadcast %add3A_106 : i32 to vector<16xi32>
      %add3A_108 = arith.addi %mul3A_102, %add3A_107 : vector<16xi32>
      %gather3A = tpu.vector_load_idx %arg5[%add3A_108] : memref<13312xi32, #tpu.memory_space<vmem>>[vector<16xi32>], vector<16xi32>,
      %add3A_109 = arith.constant 0 : i32
      %add3A_110 = arith.addi %add3A_109, %mul3A_99 : i32
      %swap3A = arith.index_cast %add3A_110 : i32 to index
      %swap3A_111 = tpu.vector_load %arg6[%swap3A] {strides = array<i32>} : memref<13312xi32, #tpu.memory_space<vmem>>, vector<16xi32>,
      tpu.vector_store %arg6[%swap3A], %gather3A {strides = array<i32>} : memref<13312xi32, #tpu.memory_space<vmem>>, vector<16xi32>,
      %mul3A_112 = arith.constant 26 : i32
      %mul3A_113 = vector.broadcast %mul3A_112 : i32 to vector<16xi32>
      %mul3A_114 = arith.muli %iota3A, %mul3A_113 : vector<16xi32>
      %mul3A_115 = arith.constant 26 : i32
      %mul3A_116 = arith.muli %mul3A_99, %mul3A_115 : i32
      %add3A_117 = arith.constant 1 : i32
      %add3A_118 = arith.addi %mul3A_116, %add3A_117 : i32
      %add3A_119 = vector.broadcast %add3A_118 : i32 to vector<16xi32>
      %add3A_120 = arith.addi %mul3A_114, %add3A_119 : vector<16xi32>
      %gather3A_121 = tpu.vector_load_idx %arg5[%add3A_120] : memref<13312xi32, #tpu.memory_space<vmem>>[vector<16xi32>], vector<16xi32>,
      %add3A_122 = arith.constant 512 : i32
      %add3A_123 = arith.addi %add3A_122, %mul3A_99 : i32
      %swap3A_124 = arith.index_cast %add3A_123 : i32 to index
      %swap3A_125 = tpu.vector_load %arg6[%swap3A_124] {strides = array<i32>} : memref<13312xi32, #tpu.memory_space<vmem>>, vector<16xi32>,
      tpu.vector_store %arg6[%swap3A_124], %gather3A_121 {strides = array<i32>} : memref<13312xi32, #tpu.memory_space<vmem>>, vector<16xi32>,
      %mul3A_126 = arith.constant 26 : i32
      %mul3A_127 = vector.broadcast %mul3A_126 : i32 to vector<16xi32>
      %mul3A_128 = arith.muli %iota3A, %mul3A_127 : vector<16xi32>
      %mul3A_129 = arith.constant 26 : i32
      %mul3A_130 = arith.muli %mul3A_99, %mul3A_129 : i32
      %add3A_131 = arith.constant 2 : i32
      %add3A_132 = arith.addi %mul3A_130, %add3A_131 : i32
      %add3A_133 = vector.broadcast %add3A_132 : i32 to vector<16xi32>
      %add3A_134 = arith.addi %mul3A_128, %add3A_133 : vector<16xi32>
      %gather3A_135 = tpu.vector_load_idx %arg5[%add3A_134] : memref<13312xi32, #tpu.memory_space<vmem>>[vector<16xi32>], vector<16xi32>,
      %add3A_136 = arith.constant 1024 : i32
      %add3A_137 = arith.addi %add3A_136, %mul3A_99 : i32
      %swap3A_138 = arith.index_cast %add3A_137 : i32 to index
      %swap3A_139 = tpu.vector_load %arg6[%swap3A_138] {strides = array<i32>} : memref<13312xi32, #tpu.memory_space<vmem>>, vector<16xi32>,
      tpu.vector_store %arg6[%swap3A_138], %gather3A_135 {strides = array<i32>} : memref<13312xi32, #tpu.memory_space<vmem>>, vector<16xi32>,
      %mul3A_140 = arith.constant 26 : i32
      %mul3A_141 = vector.broadcast %mul3A_140 : i32 to vector<16xi32>
      %mul3A_142 = arith.muli %iota3A, %mul3A_141 : vector<16xi32>
      %mul3A_143 = arith.constant 26 : i32
      %mul3A_144 = arith.muli %mul3A_99, %mul3A_143 : i32
      %add3A_145 = arith.constant 3 : i32
      %add3A_146 = arith.addi %mul3A_144, %add3A_145 : i32
      %add3A_147 = vector.broadcast %add3A_146 : i32 to vector<16xi32>
      %add3A_148 = arith.addi %mul3A_142, %add3A_147 : vector<16xi32>
      %gather3A_149 = tpu.vector_load_idx %arg5[%add3A_148] : memref<13312xi32, #tpu.memory_space<vmem>>[vector<16xi32>], vector<16xi32>,
      %add3A_150 = arith.constant 1536 : i32
      %add3A_151 = arith.addi %add3A_150, %mul3A_99 : i32
      %swap3A_152 = arith.index_cast %add3A_151 : i32 to index
      %swap3A_153 = tpu.vector_load %arg6[%swap3A_152] {strides = array<i32>} : memref<13312xi32, #tpu.memory_space<vmem>>, vector<16xi32>,
      tpu.vector_store %arg6[%swap3A_152], %gather3A_149 {strides = array<i32>} : memref<13312xi32, #tpu.memory_space<vmem>>, vector<16xi32>,
      %mul3A_154 = arith.constant 26 : i32
      %mul3A_155 = vector.broadcast %mul3A_154 : i32 to vector<16xi32>
      %mul3A_156 = arith.muli %iota3A, %mul3A_155 : vector<16xi32>
      %mul3A_157 = arith.constant 26 : i32
      %mul3A_158 = arith.muli %mul3A_99, %mul3A_157 : i32
      %add3A_159 = arith.constant 4 : i32
      %add3A_160 = arith.addi %mul3A_158, %add3A_159 : i32
      %add3A_161 = vector.broadcast %add3A_160 : i32 to vector<16xi32>
      %add3A_162 = arith.addi %mul3A_156, %add3A_161 : vector<16xi32>
      %gather3A_163 = tpu.vector_load_idx %arg5[%add3A_162] : memref<13312xi32, #tpu.memory_space<vmem>>[vector<16xi32>], vector<16xi32>,
      %add3A_164 = arith.constant 2048 : i32
      %add3A_165 = arith.addi %add3A_164, %mul3A_99 : i32
      %swap3A_166 = arith.index_cast %add3A_165 : i32 to index
      %swap3A_167 = tpu.vector_load %arg6[%swap3A_166] {strides = array<i32>} : memref<13312xi32, #tpu.memory_space<vmem>>, vector<16xi32>,
      tpu.vector_store %arg6[%swap3A_166], %gather3A_163 {strides = array<i32>} : memref<13312xi32, #tpu.memory_space<vmem>>, vector<16xi32>,
      %mul3A_168 = arith.constant 26 : i32
      %mul3A_169 = vector.broadcast %mul3A_168 : i32 to vector<16xi32>
      %mul3A_170 = arith.muli %iota3A, %mul3A_169 : vector<16xi32>
      %mul3A_171 = arith.constant 26 : i32
      %mul3A_172 = arith.muli %mul3A_99, %mul3A_171 : i32
      %add3A_173 = arith.constant 5 : i32
      %add3A_174 = arith.addi %mul3A_172, %add3A_173 : i32
      %add3A_175 = vector.broadcast %add3A_174 : i32 to vector<16xi32>
      %add3A_176 = arith.addi %mul3A_170, %add3A_175 : vector<16xi32>
      %gather3A_177 = tpu.vector_load_idx %arg5[%add3A_176] : memref<13312xi32, #tpu.memory_space<vmem>>[vector<16xi32>], vector<16xi32>,
      %add3A_178 = arith.constant 2560 : i32
      %add3A_179 = arith.addi %add3A_178, %mul3A_99 : i32
      %swap3A_180 = arith.index_cast %add3A_179 : i32 to index
      %swap3A_181 = tpu.vector_load %arg6[%swap3A_180] {strides = array<i32>} : memref<13312xi32, #tpu.memory_space<vmem>>, vector<16xi32>,
      tpu.vector_store %arg6[%swap3A_180], %gather3A_177 {strides = array<i32>} : memref<13312xi32, #tpu.memory_space<vmem>>, vector<16xi32>,
      %mul3A_182 = arith.constant 26 : i32
      %mul3A_183 = vector.broadcast %mul3A_182 : i32 to vector<16xi32>
      %mul3A_184 = arith.muli %iota3A, %mul3A_183 : vector<16xi32>
      %mul3A_185 = arith.constant 26 : i32
      %mul3A_186 = arith.muli %mul3A_99, %mul3A_185 : i32
      %add3A_187 = arith.constant 6 : i32
      %add3A_188 = arith.addi %mul3A_186, %add3A_187 : i32
      %add3A_189 = vector.broadcast %add3A_188 : i32 to vector<16xi32>
      %add3A_190 = arith.addi %mul3A_184, %add3A_189 : vector<16xi32>
      %gather3A_191 = tpu.vector_load_idx %arg5[%add3A_190] : memref<13312xi32, #tpu.memory_space<vmem>>[vector<16xi32>], vector<16xi32>,
      %add3A_192 = arith.constant 3072 : i32
      %add3A_193 = arith.addi %add3A_192, %mul3A_99 : i32
      %swap3A_194 = arith.index_cast %add3A_193 : i32 to index
      %swap3A_195 = tpu.vector_load %arg6[%swap3A_194] {strides = array<i32>} : memref<13312xi32, #tpu.memory_space<vmem>>, vector<16xi32>,
      tpu.vector_store %arg6[%swap3A_194], %gather3A_191 {strides = array<i32>} : memref<13312xi32, #tpu.memory_space<vmem>>, vector<16xi32>,
      %mul3A_196 = arith.constant 26 : i32
      %mul3A_197 = vector.broadcast %mul3A_196 : i32 to vector<16xi32>
      %mul3A_198 = arith.muli %iota3A, %mul3A_197 : vector<16xi32>
      %mul3A_199 = arith.constant 26 : i32
      %mul3A_200 = arith.muli %mul3A_99, %mul3A_199 : i32
      %add3A_201 = arith.constant 7 : i32
      %add3A_202 = arith.addi %mul3A_200, %add3A_201 : i32
      %add3A_203 = vector.broadcast %add3A_202 : i32 to vector<16xi32>
      %add3A_204 = arith.addi %mul3A_198, %add3A_203 : vector<16xi32>
      %gather3A_205 = tpu.vector_load_idx %arg5[%add3A_204] : memref<13312xi32, #tpu.memory_space<vmem>>[vector<16xi32>], vector<16xi32>,
      %add3A_206 = arith.constant 3584 : i32
      %add3A_207 = arith.addi %add3A_206, %mul3A_99 : i32
      %swap3A_208 = arith.index_cast %add3A_207 : i32 to index
      %swap3A_209 = tpu.vector_load %arg6[%swap3A_208] {strides = array<i32>} : memref<13312xi32, #tpu.memory_space<vmem>>, vector<16xi32>,
      tpu.vector_store %arg6[%swap3A_208], %gather3A_205 {strides = array<i32>} : memref<13312xi32, #tpu.memory_space<vmem>>, vector<16xi32>,
      %mul3A_210 = arith.constant 26 : i32
      %mul3A_211 = vector.broadcast %mul3A_210 : i32 to vector<16xi32>
      %mul3A_212 = arith.muli %iota3A, %mul3A_211 : vector<16xi32>
      %mul3A_213 = arith.constant 26 : i32
      %mul3A_214 = arith.muli %mul3A_99, %mul3A_213 : i32
      %add3A_215 = arith.constant 8 : i32
      %add3A_216 = arith.addi %mul3A_214, %add3A_215 : i32
      %add3A_217 = vector.broadcast %add3A_216 : i32 to vector<16xi32>
      %add3A_218 = arith.addi %mul3A_212, %add3A_217 : vector<16xi32>
      %gather3A_219 = tpu.vector_load_idx %arg5[%add3A_218] : memref<13312xi32, #tpu.memory_space<vmem>>[vector<16xi32>], vector<16xi32>,
      %add3A_220 = arith.constant 4096 : i32
      %add3A_221 = arith.addi %add3A_220, %mul3A_99 : i32
      %swap3A_222 = arith.index_cast %add3A_221 : i32 to index
      %swap3A_223 = tpu.vector_load %arg6[%swap3A_222] {strides = array<i32>} : memref<13312xi32, #tpu.memory_space<vmem>>, vector<16xi32>,
      tpu.vector_store %arg6[%swap3A_222], %gather3A_219 {strides = array<i32>} : memref<13312xi32, #tpu.memory_space<vmem>>, vector<16xi32>,
      %mul3A_224 = arith.constant 26 : i32
      %mul3A_225 = vector.broadcast %mul3A_224 : i32 to vector<16xi32>
      %mul3A_226 = arith.muli %iota3A, %mul3A_225 : vector<16xi32>
      %mul3A_227 = arith.constant 26 : i32
      %mul3A_228 = arith.muli %mul3A_99, %mul3A_227 : i32
      %add3A_229 = arith.constant 9 : i32
      %add3A_230 = arith.addi %mul3A_228, %add3A_229 : i32
      %add3A_231 = vector.broadcast %add3A_230 : i32 to vector<16xi32>
      %add3A_232 = arith.addi %mul3A_226, %add3A_231 : vector<16xi32>
      %gather3A_233 = tpu.vector_load_idx %arg5[%add3A_232] : memref<13312xi32, #tpu.memory_space<vmem>>[vector<16xi32>], vector<16xi32>,
      %add3A_234 = arith.constant 4608 : i32
      %add3A_235 = arith.addi %add3A_234, %mul3A_99 : i32
      %swap3A_236 = arith.index_cast %add3A_235 : i32 to index
      %swap3A_237 = tpu.vector_load %arg6[%swap3A_236] {strides = array<i32>} : memref<13312xi32, #tpu.memory_space<vmem>>, vector<16xi32>,
      tpu.vector_store %arg6[%swap3A_236], %gather3A_233 {strides = array<i32>} : memref<13312xi32, #tpu.memory_space<vmem>>, vector<16xi32>,
      %mul3A_238 = arith.constant 26 : i32
      %mul3A_239 = vector.broadcast %mul3A_238 : i32 to vector<16xi32>
      %mul3A_240 = arith.muli %iota3A, %mul3A_239 : vector<16xi32>
      %mul3A_241 = arith.constant 26 : i32
      %mul3A_242 = arith.muli %mul3A_99, %mul3A_241 : i32
      %add3A_243 = arith.constant 10 : i32
      %add3A_244 = arith.addi %mul3A_242, %add3A_243 : i32
      %add3A_245 = vector.broadcast %add3A_244 : i32 to vector<16xi32>
      %add3A_246 = arith.addi %mul3A_240, %add3A_245 : vector<16xi32>
      %gather3A_247 = tpu.vector_load_idx %arg5[%add3A_246] : memref<13312xi32, #tpu.memory_space<vmem>>[vector<16xi32>], vector<16xi32>,
      %add3A_248 = arith.constant 5120 : i32
      %add3A_249 = arith.addi %add3A_248, %mul3A_99 : i32
      %swap3A_250 = arith.index_cast %add3A_249 : i32 to index
      %swap3A_251 = tpu.vector_load %arg6[%swap3A_250] {strides = array<i32>} : memref<13312xi32, #tpu.memory_space<vmem>>, vector<16xi32>,
      tpu.vector_store %arg6[%swap3A_250], %gather3A_247 {strides = array<i32>} : memref<13312xi32, #tpu.memory_space<vmem>>, vector<16xi32>,
      %mul3A_252 = arith.constant 26 : i32
      %mul3A_253 = vector.broadcast %mul3A_252 : i32 to vector<16xi32>
      %mul3A_254 = arith.muli %iota3A, %mul3A_253 : vector<16xi32>
      %mul3A_255 = arith.constant 26 : i32
      %mul3A_256 = arith.muli %mul3A_99, %mul3A_255 : i32
      %add3A_257 = arith.constant 11 : i32
      %add3A_258 = arith.addi %mul3A_256, %add3A_257 : i32
      %add3A_259 = vector.broadcast %add3A_258 : i32 to vector<16xi32>
      %add3A_260 = arith.addi %mul3A_254, %add3A_259 : vector<16xi32>
      %gather3A_261 = tpu.vector_load_idx %arg5[%add3A_260] : memref<13312xi32, #tpu.memory_space<vmem>>[vector<16xi32>], vector<16xi32>,
      %add3A_262 = arith.constant 5632 : i32
      %add3A_263 = arith.addi %add3A_262, %mul3A_99 : i32
      %swap3A_264 = arith.index_cast %add3A_263 : i32 to index
      %swap3A_265 = tpu.vector_load %arg6[%swap3A_264] {strides = array<i32>} : memref<13312xi32, #tpu.memory_space<vmem>>, vector<16xi32>,
      tpu.vector_store %arg6[%swap3A_264], %gather3A_261 {strides = array<i32>} : memref<13312xi32, #tpu.memory_space<vmem>>, vector<16xi32>,
      %mul3A_266 = arith.constant 26 : i32
      %mul3A_267 = vector.broadcast %mul3A_266 : i32 to vector<16xi32>
      %mul3A_268 = arith.muli %iota3A, %mul3A_267 : vector<16xi32>
      %mul3A_269 = arith.constant 26 : i32
      %mul3A_270 = arith.muli %mul3A_99, %mul3A_269 : i32
      %add3A_271 = arith.constant 12 : i32
      %add3A_272 = arith.addi %mul3A_270, %add3A_271 : i32
      %add3A_273 = vector.broadcast %add3A_272 : i32 to vector<16xi32>
      %add3A_274 = arith.addi %mul3A_268, %add3A_273 : vector<16xi32>
      %gather3A_275 = tpu.vector_load_idx %arg5[%add3A_274] : memref<13312xi32, #tpu.memory_space<vmem>>[vector<16xi32>], vector<16xi32>,
      %add3A_276 = arith.constant 6144 : i32
      %add3A_277 = arith.addi %add3A_276, %mul3A_99 : i32
      %swap3A_278 = arith.index_cast %add3A_277 : i32 to index
      %swap3A_279 = tpu.vector_load %arg6[%swap3A_278] {strides = array<i32>} : memref<13312xi32, #tpu.memory_space<vmem>>, vector<16xi32>,
      tpu.vector_store %arg6[%swap3A_278], %gather3A_275 {strides = array<i32>} : memref<13312xi32, #tpu.memory_space<vmem>>, vector<16xi32>,
      %mul3A_280 = arith.constant 26 : i32
      %mul3A_281 = vector.broadcast %mul3A_280 : i32 to vector<16xi32>
      %mul3A_282 = arith.muli %iota3A, %mul3A_281 : vector<16xi32>
      %mul3A_283 = arith.constant 26 : i32
      %mul3A_284 = arith.muli %mul3A_99, %mul3A_283 : i32
      %add3A_285 = arith.constant 13 : i32
      %add3A_286 = arith.addi %mul3A_284, %add3A_285 : i32
      %add3A_287 = vector.broadcast %add3A_286 : i32 to vector<16xi32>
      %add3A_288 = arith.addi %mul3A_282, %add3A_287 : vector<16xi32>
      %gather3A_289 = tpu.vector_load_idx %arg5[%add3A_288] : memref<13312xi32, #tpu.memory_space<vmem>>[vector<16xi32>], vector<16xi32>,
      %add3A_290 = arith.constant 6656 : i32
      %add3A_291 = arith.addi %add3A_290, %mul3A_99 : i32
      %swap3A_292 = arith.index_cast %add3A_291 : i32 to index
      %swap3A_293 = tpu.vector_load %arg6[%swap3A_292] {strides = array<i32>} : memref<13312xi32, #tpu.memory_space<vmem>>, vector<16xi32>,
      tpu.vector_store %arg6[%swap3A_292], %gather3A_289 {strides = array<i32>} : memref<13312xi32, #tpu.memory_space<vmem>>, vector<16xi32>,
      %mul3A_294 = arith.constant 26 : i32
      %mul3A_295 = vector.broadcast %mul3A_294 : i32 to vector<16xi32>
      %mul3A_296 = arith.muli %iota3A, %mul3A_295 : vector<16xi32>
      %mul3A_297 = arith.constant 26 : i32
      %mul3A_298 = arith.muli %mul3A_99, %mul3A_297 : i32
      %add3A_299 = arith.constant 14 : i32
      %add3A_300 = arith.addi %mul3A_298, %add3A_299 : i32
      %add3A_301 = vector.broadcast %add3A_300 : i32 to vector<16xi32>
      %add3A_302 = arith.addi %mul3A_296, %add3A_301 : vector<16xi32>
      %gather3A_303 = tpu.vector_load_idx %arg5[%add3A_302] : memref<13312xi32, #tpu.memory_space<vmem>>[vector<16xi32>], vector<16xi32>,
      %add3A_304 = arith.constant 7168 : i32
      %add3A_305 = arith.addi %add3A_304, %mul3A_99 : i32
      %swap3A_306 = arith.index_cast %add3A_305 : i32 to index
      %swap3A_307 = tpu.vector_load %arg6[%swap3A_306] {strides = array<i32>} : memref<13312xi32, #tpu.memory_space<vmem>>, vector<16xi32>,
      tpu.vector_store %arg6[%swap3A_306], %gather3A_303 {strides = array<i32>} : memref<13312xi32, #tpu.memory_space<vmem>>, vector<16xi32>,
      %mul3A_308 = arith.constant 26 : i32
      %mul3A_309 = vector.broadcast %mul3A_308 : i32 to vector<16xi32>
      %mul3A_310 = arith.muli %iota3A, %mul3A_309 : vector<16xi32>
      %mul3A_311 = arith.constant 26 : i32
      %mul3A_312 = arith.muli %mul3A_99, %mul3A_311 : i32
      %add3A_313 = arith.constant 15 : i32
      %add3A_314 = arith.addi %mul3A_312, %add3A_313 : i32
      %add3A_315 = vector.broadcast %add3A_314 : i32 to vector<16xi32>
      %add3A_316 = arith.addi %mul3A_310, %add3A_315 : vector<16xi32>
      %gather3A_317 = tpu.vector_load_idx %arg5[%add3A_316] : memref<13312xi32, #tpu.memory_space<vmem>>[vector<16xi32>], vector<16xi32>,
      %add3A_318 = arith.constant 7680 : i32
      %add3A_319 = arith.addi %add3A_318, %mul3A_99 : i32
      %swap3A_320 = arith.index_cast %add3A_319 : i32 to index
      %swap3A_321 = tpu.vector_load %arg6[%swap3A_320] {strides = array<i32>} : memref<13312xi32, #tpu.memory_space<vmem>>, vector<16xi32>,
      tpu.vector_store %arg6[%swap3A_320], %gather3A_317 {strides = array<i32>} : memref<13312xi32, #tpu.memory_space<vmem>>, vector<16xi32>,
      %mul3A_322 = arith.constant 26 : i32
      %mul3A_323 = vector.broadcast %mul3A_322 : i32 to vector<16xi32>
      %mul3A_324 = arith.muli %iota3A, %mul3A_323 : vector<16xi32>
      %mul3A_325 = arith.constant 26 : i32
      %mul3A_326 = arith.muli %mul3A_99, %mul3A_325 : i32
      %add3A_327 = arith.constant 16 : i32
      %add3A_328 = arith.addi %mul3A_326, %add3A_327 : i32
      %add3A_329 = vector.broadcast %add3A_328 : i32 to vector<16xi32>
      %add3A_330 = arith.addi %mul3A_324, %add3A_329 : vector<16xi32>
      %gather3A_331 = tpu.vector_load_idx %arg5[%add3A_330] : memref<13312xi32, #tpu.memory_space<vmem>>[vector<16xi32>], vector<16xi32>,
      %add3A_332 = arith.constant 8192 : i32
      %add3A_333 = arith.addi %add3A_332, %mul3A_99 : i32
      %swap3A_334 = arith.index_cast %add3A_333 : i32 to index
      %swap3A_335 = tpu.vector_load %arg6[%swap3A_334] {strides = array<i32>} : memref<13312xi32, #tpu.memory_space<vmem>>, vector<16xi32>,
      tpu.vector_store %arg6[%swap3A_334], %gather3A_331 {strides = array<i32>} : memref<13312xi32, #tpu.memory_space<vmem>>, vector<16xi32>,
      %mul3A_336 = arith.constant 26 : i32
      %mul3A_337 = vector.broadcast %mul3A_336 : i32 to vector<16xi32>
      %mul3A_338 = arith.muli %iota3A, %mul3A_337 : vector<16xi32>
      %mul3A_339 = arith.constant 26 : i32
      %mul3A_340 = arith.muli %mul3A_99, %mul3A_339 : i32
      %add3A_341 = arith.constant 17 : i32
      %add3A_342 = arith.addi %mul3A_340, %add3A_341 : i32
      %add3A_343 = vector.broadcast %add3A_342 : i32 to vector<16xi32>
      %add3A_344 = arith.addi %mul3A_338, %add3A_343 : vector<16xi32>
      %gather3A_345 = tpu.vector_load_idx %arg5[%add3A_344] : memref<13312xi32, #tpu.memory_space<vmem>>[vector<16xi32>], vector<16xi32>,
      %add3A_346 = arith.constant 8704 : i32
      %add3A_347 = arith.addi %add3A_346, %mul3A_99 : i32
      %swap3A_348 = arith.index_cast %add3A_347 : i32 to index
      %swap3A_349 = tpu.vector_load %arg6[%swap3A_348] {strides = array<i32>} : memref<13312xi32, #tpu.memory_space<vmem>>, vector<16xi32>,
      tpu.vector_store %arg6[%swap3A_348], %gather3A_345 {strides = array<i32>} : memref<13312xi32, #tpu.memory_space<vmem>>, vector<16xi32>,
      %mul3A_350 = arith.constant 26 : i32
      %mul3A_351 = vector.broadcast %mul3A_350 : i32 to vector<16xi32>
      %mul3A_352 = arith.muli %iota3A, %mul3A_351 : vector<16xi32>
      %mul3A_353 = arith.constant 26 : i32
      %mul3A_354 = arith.muli %mul3A_99, %mul3A_353 : i32
      %add3A_355 = arith.constant 18 : i32
      %add3A_356 = arith.addi %mul3A_354, %add3A_355 : i32
      %add3A_357 = vector.broadcast %add3A_356 : i32 to vector<16xi32>
      %add3A_358 = arith.addi %mul3A_352, %add3A_357 : vector<16xi32>
      %gather3A_359 = tpu.vector_load_idx %arg5[%add3A_358] : memref<13312xi32, #tpu.memory_space<vmem>>[vector<16xi32>], vector<16xi32>,
      %add3A_360 = arith.constant 9216 : i32
      %add3A_361 = arith.addi %add3A_360, %mul3A_99 : i32
      %swap3A_362 = arith.index_cast %add3A_361 : i32 to index
      %swap3A_363 = tpu.vector_load %arg6[%swap3A_362] {strides = array<i32>} : memref<13312xi32, #tpu.memory_space<vmem>>, vector<16xi32>,
      tpu.vector_store %arg6[%swap3A_362], %gather3A_359 {strides = array<i32>} : memref<13312xi32, #tpu.memory_space<vmem>>, vector<16xi32>,
      %mul3A_364 = arith.constant 26 : i32
      %mul3A_365 = vector.broadcast %mul3A_364 : i32 to vector<16xi32>
      %mul3A_366 = arith.muli %iota3A, %mul3A_365 : vector<16xi32>
      %mul3A_367 = arith.constant 26 : i32
      %mul3A_368 = arith.muli %mul3A_99, %mul3A_367 : i32
      %add3A_369 = arith.constant 19 : i32
      %add3A_370 = arith.addi %mul3A_368, %add3A_369 : i32
      %add3A_371 = vector.broadcast %add3A_370 : i32 to vector<16xi32>
      %add3A_372 = arith.addi %mul3A_366, %add3A_371 : vector<16xi32>
      %gather3A_373 = tpu.vector_load_idx %arg5[%add3A_372] : memref<13312xi32, #tpu.memory_space<vmem>>[vector<16xi32>], vector<16xi32>,
      %add3A_374 = arith.constant 9728 : i32
      %add3A_375 = arith.addi %add3A_374, %mul3A_99 : i32
      %swap3A_376 = arith.index_cast %add3A_375 : i32 to index
      %swap3A_377 = tpu.vector_load %arg6[%swap3A_376] {strides = array<i32>} : memref<13312xi32, #tpu.memory_space<vmem>>, vector<16xi32>,
      tpu.vector_store %arg6[%swap3A_376], %gather3A_373 {strides = array<i32>} : memref<13312xi32, #tpu.memory_space<vmem>>, vector<16xi32>,
      %mul3A_378 = arith.constant 26 : i32
      %mul3A_379 = vector.broadcast %mul3A_378 : i32 to vector<16xi32>
      %mul3A_380 = arith.muli %iota3A, %mul3A_379 : vector<16xi32>
      %mul3A_381 = arith.constant 26 : i32
      %mul3A_382 = arith.muli %mul3A_99, %mul3A_381 : i32
      %add3A_383 = arith.constant 20 : i32
      %add3A_384 = arith.addi %mul3A_382, %add3A_383 : i32
      %add3A_385 = vector.broadcast %add3A_384 : i32 to vector<16xi32>
      %add3A_386 = arith.addi %mul3A_380, %add3A_385 : vector<16xi32>
      %gather3A_387 = tpu.vector_load_idx %arg5[%add3A_386] : memref<13312xi32, #tpu.memory_space<vmem>>[vector<16xi32>], vector<16xi32>,
      %add3A_388 = arith.constant 10240 : i32
      %add3A_389 = arith.addi %add3A_388, %mul3A_99 : i32
      %swap3A_390 = arith.index_cast %add3A_389 : i32 to index
      %swap3A_391 = tpu.vector_load %arg6[%swap3A_390] {strides = array<i32>} : memref<13312xi32, #tpu.memory_space<vmem>>, vector<16xi32>,
      tpu.vector_store %arg6[%swap3A_390], %gather3A_387 {strides = array<i32>} : memref<13312xi32, #tpu.memory_space<vmem>>, vector<16xi32>,
      %mul3A_392 = arith.constant 26 : i32
      %mul3A_393 = vector.broadcast %mul3A_392 : i32 to vector<16xi32>
      %mul3A_394 = arith.muli %iota3A, %mul3A_393 : vector<16xi32>
      %mul3A_395 = arith.constant 26 : i32
      %mul3A_396 = arith.muli %mul3A_99, %mul3A_395 : i32
      %add3A_397 = arith.constant 21 : i32
      %add3A_398 = arith.addi %mul3A_396, %add3A_397 : i32
      %add3A_399 = vector.broadcast %add3A_398 : i32 to vector<16xi32>
      %add3A_400 = arith.addi %mul3A_394, %add3A_399 : vector<16xi32>
      %gather3A_401 = tpu.vector_load_idx %arg5[%add3A_400] : memref<13312xi32, #tpu.memory_space<vmem>>[vector<16xi32>], vector<16xi32>,
      %add3A_402 = arith.constant 10752 : i32
      %add3A_403 = arith.addi %add3A_402, %mul3A_99 : i32
      %swap3A_404 = arith.index_cast %add3A_403 : i32 to index
      %swap3A_405 = tpu.vector_load %arg6[%swap3A_404] {strides = array<i32>} : memref<13312xi32, #tpu.memory_space<vmem>>, vector<16xi32>,
      tpu.vector_store %arg6[%swap3A_404], %gather3A_401 {strides = array<i32>} : memref<13312xi32, #tpu.memory_space<vmem>>, vector<16xi32>,
      %mul3A_406 = arith.constant 26 : i32
      %mul3A_407 = vector.broadcast %mul3A_406 : i32 to vector<16xi32>
      %mul3A_408 = arith.muli %iota3A, %mul3A_407 : vector<16xi32>
      %mul3A_409 = arith.constant 26 : i32
      %mul3A_410 = arith.muli %mul3A_99, %mul3A_409 : i32
      %add3A_411 = arith.constant 22 : i32
      %add3A_412 = arith.addi %mul3A_410, %add3A_411 : i32
      %add3A_413 = vector.broadcast %add3A_412 : i32 to vector<16xi32>
      %add3A_414 = arith.addi %mul3A_408, %add3A_413 : vector<16xi32>
      %gather3A_415 = tpu.vector_load_idx %arg5[%add3A_414] : memref<13312xi32, #tpu.memory_space<vmem>>[vector<16xi32>], vector<16xi32>,
      %add3A_416 = arith.constant 11264 : i32
      %add3A_417 = arith.addi %add3A_416, %mul3A_99 : i32
      %swap3A_418 = arith.index_cast %add3A_417 : i32 to index
      %swap3A_419 = tpu.vector_load %arg6[%swap3A_418] {strides = array<i32>} : memref<13312xi32, #tpu.memory_space<vmem>>, vector<16xi32>,
      tpu.vector_store %arg6[%swap3A_418], %gather3A_415 {strides = array<i32>} : memref<13312xi32, #tpu.memory_space<vmem>>, vector<16xi32>,
      %mul3A_420 = arith.constant 26 : i32
      %mul3A_421 = vector.broadcast %mul3A_420 : i32 to vector<16xi32>
      %mul3A_422 = arith.muli %iota3A, %mul3A_421 : vector<16xi32>
      %mul3A_423 = arith.constant 26 : i32
      %mul3A_424 = arith.muli %mul3A_99, %mul3A_423 : i32
      %add3A_425 = arith.constant 23 : i32
      %add3A_426 = arith.addi %mul3A_424, %add3A_425 : i32
      %add3A_427 = vector.broadcast %add3A_426 : i32 to vector<16xi32>
      %add3A_428 = arith.addi %mul3A_422, %add3A_427 : vector<16xi32>
      %gather3A_429 = tpu.vector_load_idx %arg5[%add3A_428] : memref<13312xi32, #tpu.memory_space<vmem>>[vector<16xi32>], vector<16xi32>,
      %add3A_430 = arith.constant 11776 : i32
      %add3A_431 = arith.addi %add3A_430, %mul3A_99 : i32
      %swap3A_432 = arith.index_cast %add3A_431 : i32 to index
      %swap3A_433 = tpu.vector_load %arg6[%swap3A_432] {strides = array<i32>} : memref<13312xi32, #tpu.memory_space<vmem>>, vector<16xi32>,
      tpu.vector_store %arg6[%swap3A_432], %gather3A_429 {strides = array<i32>} : memref<13312xi32, #tpu.memory_space<vmem>>, vector<16xi32>,
      %mul3A_434 = arith.constant 26 : i32
      %mul3A_435 = vector.broadcast %mul3A_434 : i32 to vector<16xi32>
      %mul3A_436 = arith.muli %iota3A, %mul3A_435 : vector<16xi32>
      %mul3A_437 = arith.constant 26 : i32
      %mul3A_438 = arith.muli %mul3A_99, %mul3A_437 : i32
      %add3A_439 = arith.constant 24 : i32
      %add3A_440 = arith.addi %mul3A_438, %add3A_439 : i32
      %add3A_441 = vector.broadcast %add3A_440 : i32 to vector<16xi32>
      %add3A_442 = arith.addi %mul3A_436, %add3A_441 : vector<16xi32>
      %gather3A_443 = tpu.vector_load_idx %arg5[%add3A_442] : memref<13312xi32, #tpu.memory_space<vmem>>[vector<16xi32>], vector<16xi32>,
      %add3A_444 = arith.constant 12288 : i32
      %add3A_445 = arith.addi %add3A_444, %mul3A_99 : i32
      %swap3A_446 = arith.index_cast %add3A_445 : i32 to index
      %swap3A_447 = tpu.vector_load %arg6[%swap3A_446] {strides = array<i32>} : memref<13312xi32, #tpu.memory_space<vmem>>, vector<16xi32>,
      tpu.vector_store %arg6[%swap3A_446], %gather3A_443 {strides = array<i32>} : memref<13312xi32, #tpu.memory_space<vmem>>, vector<16xi32>,
      %mul3A_448 = arith.constant 26 : i32
      %mul3A_449 = vector.broadcast %mul3A_448 : i32 to vector<16xi32>
      %mul3A_450 = arith.muli %iota3A, %mul3A_449 : vector<16xi32>
      %mul3A_451 = arith.constant 26 : i32
      %mul3A_452 = arith.muli %mul3A_99, %mul3A_451 : i32
      %add3A_453 = arith.constant 25 : i32
      %add3A_454 = arith.addi %mul3A_452, %add3A_453 : i32
      %add3A_455 = vector.broadcast %add3A_454 : i32 to vector<16xi32>
      %add3A_456 = arith.addi %mul3A_450, %add3A_455 : vector<16xi32>
      %gather3A_457 = tpu.vector_load_idx %arg5[%add3A_456] : memref<13312xi32, #tpu.memory_space<vmem>>[vector<16xi32>], vector<16xi32>,
      %add3A_458 = arith.constant 12800 : i32
      %add3A_459 = arith.addi %add3A_458, %mul3A_99 : i32
      %swap3A_460 = arith.index_cast %add3A_459 : i32 to index
      %swap3A_461 = tpu.vector_load %arg6[%swap3A_460] {strides = array<i32>} : memref<13312xi32, #tpu.memory_space<vmem>>, vector<16xi32>,
      tpu.vector_store %arg6[%swap3A_460], %gather3A_457 {strides = array<i32>} : memref<13312xi32, #tpu.memory_space<vmem>>, vector<16xi32>,
    }
    %scan3A_7 = arith.constant 32 : i32
    %add3A_8 = arith.constant 0 : i32
    %add3A_9 = vector.broadcast %add3A_8 : i32 to vector<16xi32>
    %add3A_10 = arith.addi %iota3A, %add3A_9 : vector<16xi32>
    %add3A_11 = arith.constant 16 : i32
    %add3A_12 = vector.broadcast %add3A_11 : i32 to vector<16xi32>
    %add3A_13 = arith.addi %iota3A, %add3A_12 : vector<16xi32>
    %add3A_14 = arith.constant 32 : i32
    %add3A_15 = vector.broadcast %add3A_14 : i32 to vector<16xi32>
    %add3A_16 = arith.addi %iota3A, %add3A_15 : vector<16xi32>
    %add3A_17 = arith.constant 48 : i32
    %add3A_18 = vector.broadcast %add3A_17 : i32 to vector<16xi32>
    %add3A_19 = arith.addi %iota3A, %add3A_18 : vector<16xi32>
    %rem3A = arith.constant 0 : i32
    %rem3A_20 = arith.constant 4 : i32
    %rem3A_21 = arith.remsi %rem3A, %rem3A_20 : i32
    %mul3A_22 = arith.constant 128 : i32
    %mul3A_23 = arith.muli %rem3A_21, %mul3A_22 : i32
    %add3A_24 = arith.constant 0 : i32
    %add3A_25 = arith.addi %add3A_24, %mul3A_23 : i32
    %dma_start3A = arith.constant 0 : i32
    %dma_start3A_26 = arith.constant 0 : i32
    %dma_start3A_27 = arith.constant 0 : i32
    %dma_start3A_28 = arith.constant 0 : i32
    %dma_start3A_29 = tpu.memref_slice %arg7[%dma_start3A, %dma_start3A_27, %dma_start3A_28] : memref<2x128x64xf32, #tpu.memory_space<vmem>> -> memref<1x128x64xf32, #tpu.memory_space<vmem>>
    %dma_start3A_30 = tpu.memref_squeeze %dma_start3A_29 : memref<1x128x64xf32, #tpu.memory_space<vmem>> -> memref<128x64xf32, #tpu.memory_space<vmem>>
    %dma_start3A_31 = tpu.memref_slice %arg6[%add3A_25] : memref<13312xi32, #tpu.memory_space<vmem>> -> memref<128xi32, #tpu.memory_space<vmem>>
    %dma_start3A_32 = arith.constant 0 : i32
    %dma_start3A_33 = arith.constant 0 : i32
    %dma_start3A_34 = tpu.memref_slice %arg3[%dma_start3A_32, %dma_start3A_33] : memref<1000000x64xf32, #tpu.memory_space<hbm>> -> memref<1000000x64xf32, #tpu.memory_space<hbm>>
    %dma_start3A_35 = tpu.memref_slice %arg9[%dma_start3A_26] : memref<2x!tpu.dma_semaphore, #tpu.memory_space<semaphore_mem>> -> memref<1x!tpu.dma_semaphore, #tpu.memory_space<semaphore_mem>>
    %dma_start3A_36 = tpu.memref_squeeze %dma_start3A_35 : memref<1x!tpu.dma_semaphore, #tpu.memory_space<semaphore_mem>> -> memref<!tpu.dma_semaphore, #tpu.memory_space<semaphore_mem>>
    tpu.enqueue_indirect_dma source(%dma_start3A_34 : memref<1000000x64xf32, #tpu.memory_space<hbm>>) target(%dma_start3A_30 : memref<128x64xf32, #tpu.memory_space<vmem>>) offsets(%dma_start3A_31 : memref<128xi32, #tpu.memory_space<vmem>>) semaphore(%dma_start3A_36 : memref<!tpu.dma_semaphore, #tpu.memory_space<semaphore_mem>>)
    %rem3A_37 = arith.constant 1 : i32
    %rem3A_38 = arith.constant 4 : i32
    %rem3A_39 = arith.remsi %rem3A_37, %rem3A_38 : i32
    %mul3A_40 = arith.constant 128 : i32
    %mul3A_41 = arith.muli %rem3A_39, %mul3A_40 : i32
    %add3A_42 = arith.constant 0 : i32
    %add3A_43 = arith.addi %add3A_42, %mul3A_41 : i32
    %dma_start3A_44 = arith.constant 1 : i32
    %dma_start3A_45 = arith.constant 1 : i32
    %dma_start3A_46 = arith.constant 0 : i32
    %dma_start3A_47 = arith.constant 0 : i32
    %dma_start3A_48 = tpu.memref_slice %arg7[%dma_start3A_44, %dma_start3A_46, %dma_start3A_47] : memref<2x128x64xf32, #tpu.memory_space<vmem>> -> memref<1x128x64xf32, #tpu.memory_space<vmem>>
    %dma_start3A_49 = tpu.memref_squeeze %dma_start3A_48 : memref<1x128x64xf32, #tpu.memory_space<vmem>> -> memref<128x64xf32, #tpu.memory_space<vmem>>
    %dma_start3A_50 = tpu.memref_slice %arg6[%add3A_43] : memref<13312xi32, #tpu.memory_space<vmem>> -> memref<128xi32, #tpu.memory_space<vmem>>
    %dma_start3A_51 = arith.constant 0 : i32
    %dma_start3A_52 = arith.constant 0 : i32
    %dma_start3A_53 = tpu.memref_slice %arg3[%dma_start3A_51, %dma_start3A_52] : memref<1000000x64xf32, #tpu.memory_space<hbm>> -> memref<1000000x64xf32, #tpu.memory_space<hbm>>
    %dma_start3A_54 = tpu.memref_slice %arg9[%dma_start3A_45] : memref<2x!tpu.dma_semaphore, #tpu.memory_space<semaphore_mem>> -> memref<1x!tpu.dma_semaphore, #tpu.memory_space<semaphore_mem>>
    %dma_start3A_55 = tpu.memref_squeeze %dma_start3A_54 : memref<1x!tpu.dma_semaphore, #tpu.memory_space<semaphore_mem>> -> memref<!tpu.dma_semaphore, #tpu.memory_space<semaphore_mem>>
    tpu.enqueue_indirect_dma source(%dma_start3A_53 : memref<1000000x64xf32, #tpu.memory_space<hbm>>) target(%dma_start3A_49 : memref<128x64xf32, #tpu.memory_space<vmem>>) offsets(%dma_start3A_50 : memref<128xi32, #tpu.memory_space<vmem>>) semaphore(%dma_start3A_55 : memref<!tpu.dma_semaphore, #tpu.memory_space<semaphore_mem>>)
    %scan3A_56 = arith.constant 0 : i32
    %scan3A_57 = arith.constant 0 : i32
    %scan3A_58 = arith.constant 52 : i32
    %scan3A_59 = arith.addi %scan3A_57, %scan3A_58 : i32
    %scan3A_60 = arith.constant 1 : i32
    scf.for %scan3A_97 = %scan3A_57 to %scan3A_59 step %scan3A_60  : i32 {
      %mul3A_98 = arith.constant 2 : i32
      %mul3A_99 = arith.muli %scan3A_97, %mul3A_98 : i32
      %add3A_100 = arith.constant 0 : i32
      %add3A_101 = arith.addi %mul3A_99, %add3A_100 : i32
      %jit3A = arith.constant 4 : i32
      %div3A = arith.divsi %add3A_101, %jit3A : i32
      %sign3A = arith.constant 0 : i32
      %sign3A_102 = arith.cmpi sgt, %add3A_101, %sign3A : i32
      %sign3A_103 = arith.extui %sign3A_102 : i1 to i32
      %sign3A_104 = arith.constant 0 : i32
      %sign3A_105 = arith.cmpi slt, %add3A_101, %sign3A_104 : i32
      %sign3A_106 = arith.extui %sign3A_105 : i1 to i32
      %sign3A_107 = arith.subi %sign3A_103, %sign3A_106 : i32
      %sign3A_108 = arith.constant 0 : i32
      %sign3A_109 = arith.cmpi sgt, %jit3A, %sign3A_108 : i32
      %sign3A_110 = arith.extui %sign3A_109 : i1 to i32
      %sign3A_111 = arith.constant 0 : i32
      %sign3A_112 = arith.cmpi slt, %jit3A, %sign3A_111 : i32
      %sign3A_113 = arith.extui %sign3A_112 : i1 to i32
      %sign3A_114 = arith.subi %sign3A_110, %sign3A_113 : i32
      %ne3A = arith.cmpi ne, %sign3A_107, %sign3A_114 : i32
      %rem3A_115 = arith.remsi %add3A_101, %jit3A : i32
      %ne3A_116 = arith.constant 0 : i32
      %ne3A_117 = arith.cmpi ne, %rem3A_115, %ne3A_116 : i32
      %and3A = arith.andi %ne3A, %ne3A_117 : i1
      %sub3A = arith.constant 1 : i32
      %sub3A_118 = arith.subi %div3A, %sub3A : i32
      %select_n3A = arith.select %and3A, %sub3A_118, %div3A : i32
      %rem3A_119 = arith.constant 4 : i32
      %rem3A_120 = arith.remsi %add3A_101, %rem3A_119 : i32
      %mul3A_121 = arith.constant 512 : i32
      %mul3A_122 = arith.muli %select_n3A, %mul3A_121 : i32
      %mul3A_123 = arith.constant 128 : i32
      %mul3A_124 = arith.muli %rem3A_120, %mul3A_123 : i32
      %add3A_125 = arith.addi %mul3A_122, %mul3A_124 : i32
      %dma_wait3A_126 = arith.constant 0 : i32
      %dma_wait3A_127 = arith.constant 0 : i32
      %dma_wait3A_128 = arith.constant 0 : i32
      %dma_wait3A_129 = arith.constant 0 : i32
      %dma_wait3A_130 = tpu.memref_slice %arg7[%dma_wait3A_126, %dma_wait3A_128, %dma_wait3A_129] : memref<2x128x64xf32, #tpu.memory_space<vmem>> -> memref<1x128x64xf32, #tpu.memory_space<vmem>>
      %dma_wait3A_131 = tpu.memref_squeeze %dma_wait3A_130 : memref<1x128x64xf32, #tpu.memory_space<vmem>> -> memref<128x64xf32, #tpu.memory_space<vmem>>
      %dma_wait3A_132 = tpu.memref_slice %arg6[%add3A_125] : memref<13312xi32, #tpu.memory_space<vmem>> -> memref<128xi32, #tpu.memory_space<vmem>>
      %dma_wait3A_133 = arith.constant 0 : i32
      %dma_wait3A_134 = arith.constant 0 : i32
      %dma_wait3A_135 = tpu.memref_slice %arg3[%dma_wait3A_133, %dma_wait3A_134] : memref<1000000x64xf32, #tpu.memory_space<hbm>> -> memref<1000000x64xf32, #tpu.memory_space<hbm>>
      %dma_wait3A_136 = tpu.memref_slice %arg9[%dma_wait3A_127] : memref<2x!tpu.dma_semaphore, #tpu.memory_space<semaphore_mem>> -> memref<1x!tpu.dma_semaphore, #tpu.memory_space<semaphore_mem>>
      %dma_wait3A_137 = tpu.memref_squeeze %dma_wait3A_136 : memref<1x!tpu.dma_semaphore, #tpu.memory_space<semaphore_mem>> -> memref<!tpu.dma_semaphore, #tpu.memory_space<semaphore_mem>>
      tpu.wait_indirect_dma semaphore(%dma_wait3A_137 : memref<!tpu.dma_semaphore, #tpu.memory_space<semaphore_mem>>) src(%dma_wait3A_135 : memref<1000000x64xf32, #tpu.memory_space<hbm>>) dst(%dma_wait3A_131 : memref<128x64xf32, #tpu.memory_space<vmem>>)
      %ge3A = arith.constant 2 : i32
      %ge3A_138 = arith.cmpi sge, %add3A_101, %ge3A : i32
      %convert_element_type3A = arith.extui %ge3A_138 : i1 to i32
      %cond3A = arith.constant 0 : i32
      %cond3A_139 = arith.cmpi ne, %convert_element_type3A, %cond3A : i32
      scf.if %cond3A_139 {
        %dma_wait3A_1097 = arith.constant 0 : i32
        %dma_wait3A_1098 = arith.constant 0 : i32
        %dma_wait3A_1099 = arith.constant 0 : i32
        %dma_wait3A_1100 = arith.constant 0 : i32
        %dma_wait3A_1101 = tpu.memref_slice %arg7[%dma_wait3A_1097, %dma_wait3A_1099, %dma_wait3A_1100] : memref<2x128x64xf32, #tpu.memory_space<vmem>> -> memref<1x128x64xf32, #tpu.memory_space<vmem>>
        %dma_wait3A_1102 = tpu.memref_squeeze %dma_wait3A_1101 : memref<1x128x64xf32, #tpu.memory_space<vmem>> -> memref<128x64xf32, #tpu.memory_space<vmem>>
        %dma_wait3A_1103 = arith.constant 0 : i32
        %dma_wait3A_1104 = arith.constant 0 : i32
        %dma_wait3A_1105 = tpu.memref_slice %arg3[%dma_wait3A_1103, %dma_wait3A_1104] : memref<1000000x64xf32, #tpu.memory_space<hbm>> -> memref<128x64xf32, #tpu.memory_space<hbm>>
        %dma_wait3A_1106 = tpu.memref_slice %arg10[%dma_wait3A_1098] : memref<2x!tpu.dma_semaphore, #tpu.memory_space<semaphore_mem>> -> memref<1x!tpu.dma_semaphore, #tpu.memory_space<semaphore_mem>>
        %dma_wait3A_1107 = tpu.memref_squeeze %dma_wait3A_1106 : memref<1x!tpu.dma_semaphore, #tpu.memory_space<semaphore_mem>> -> memref<!tpu.dma_semaphore, #tpu.memory_space<semaphore_mem>>
        %dma_wait3A_1108 = arith.constant 0 : i32
        %dma_wait3A_1109 = arith.constant 0 : i32
        %dma_wait3A_1110 = tpu.memref_slice %arg7[%dma_wait3A_1097, %dma_wait3A_1108, %dma_wait3A_1109] : memref<2x128x64xf32, #tpu.memory_space<vmem>> -> memref<1x128x64xf32, #tpu.memory_space<vmem>>
        %dma_wait3A_1111 = tpu.memref_squeeze %dma_wait3A_1110 : memref<1x128x64xf32, #tpu.memory_space<vmem>> -> memref<128x64xf32, #tpu.memory_space<vmem>>
        %dma_wait3A_1112 = arith.constant 0 : i32
        %dma_wait3A_1113 = arith.constant 0 : i32
        %dma_wait3A_1114 = tpu.memref_slice %arg3[%dma_wait3A_1112, %dma_wait3A_1113] : memref<1000000x64xf32, #tpu.memory_space<hbm>> -> memref<128x64xf32, #tpu.memory_space<hbm>>
        tpu.wait_dma2 semaphore(%dma_wait3A_1107 : memref<!tpu.dma_semaphore, #tpu.memory_space<semaphore_mem>>) src(%dma_wait3A_1114 : memref<128x64xf32, #tpu.memory_space<hbm>>) dst(%dma_wait3A_1111 : memref<128x64xf32, #tpu.memory_space<vmem>>)
      } else {
      }
      %scan3A_140 = arith.constant 0 : i32
      %scan3A_141 = arith.constant 0 : i32
      %scan3A_142 = arith.constant 16 : i32
      %scan3A_143 = arith.addi %scan3A_141, %scan3A_142 : i32
      %scan3A_144 = arith.constant 1 : i32
      scf.for %scan3A_1097 = %scan3A_141 to %scan3A_143 step %scan3A_144  : i32 {
        %mul3A_1098 = arith.constant 8 : i32
        %mul3A_1099 = arith.muli %scan3A_1097, %mul3A_1098 : i32
        %add3A_1100 = arith.constant 0 : i32
        %add3A_1101 = arith.addi %mul3A_1099, %add3A_1100 : i32
        %broadcast_in_dim3A = arith.constant 0 : i32
        %broadcast_in_dim3A_1102 = vector.broadcast %broadcast_in_dim3A : i32 to vector<16xi32>
        %add3A_1103 = vector.broadcast %add3A_1101 : i32 to vector<16xi32>
        %add3A_1104 = arith.addi %broadcast_in_dim3A_1102, %add3A_1103 : vector<16xi32>
        %get3A = arith.constant 0 : i32
        %get3A_1105 = arith.index_cast %get3A : i32 to index
        %get3A_1106 = arith.index_cast %add3A_1101 : i32 to index
        %get3A_1107 = arith.constant 0 : index
        %get3A_1108 = tpu.vector_load %arg7[%get3A_1105, %get3A_1106, %get3A_1107] {strides = array<i32>} : memref<2x128x64xf32, #tpu.memory_space<vmem>>, vector<16xf32>,
        %scatter3A = arith.constant 0 : i32
        %scatter3A_1109 = arith.constant 0 : i32
        %scatter3A_1110 = arith.constant 0 : i32
        %scatter3A_1111 = tpu.memref_slice %arg8[%scatter3A, %scatter3A_1109, %scatter3A_1110] : memref<2x64x129xf32, #tpu.memory_space<vmem>> -> memref<1x64x129xf32, #tpu.memory_space<vmem>>
        %scatter3A_1112 = tpu.memref_squeeze %scatter3A_1111 : memref<1x64x129xf32, #tpu.memory_space<vmem>> -> memref<64x129xf32, #tpu.memory_space<vmem>>
        tpu.vector_store_idx %scatter3A_1112[%add3A_10, %add3A_1104], %get3A_1108 : memref<64x129xf32, #tpu.memory_space<vmem>>[vector<16xi32>, vector<16xi32>], vector<16xf32>,
        %get3A_1113 = arith.constant 0 : i32
        %get3A_1114 = arith.index_cast %get3A_1113 : i32 to index
        %get3A_1115 = arith.index_cast %add3A_1101 : i32 to index
        %get3A_1116 = arith.constant 16 : index
        %get3A_1117 = tpu.vector_load %arg7[%get3A_1114, %get3A_1115, %get3A_1116] {strides = array<i32>} : memref<2x128x64xf32, #tpu.memory_space<vmem>>, vector<16xf32>,
        %scatter3A_1118 = arith.constant 0 : i32
        %scatter3A_1119 = arith.constant 0 : i32
        %scatter3A_1120 = arith.constant 0 : i32
        %scatter3A_1121 = tpu.memref_slice %arg8[%scatter3A_1118, %scatter3A_1119, %scatter3A_1120] : memref<2x64x129xf32, #tpu.memory_space<vmem>> -> memref<1x64x129xf32, #tpu.memory_space<vmem>>
        %scatter3A_1122 = tpu.memref_squeeze %scatter3A_1121 : memref<1x64x129xf32, #tpu.memory_space<vmem>> -> memref<64x129xf32, #tpu.memory_space<vmem>>
        tpu.vector_store_idx %scatter3A_1122[%add3A_13, %add3A_1104], %get3A_1117 : memref<64x129xf32, #tpu.memory_space<vmem>>[vector<16xi32>, vector<16xi32>], vector<16xf32>,
        %get3A_1123 = arith.constant 0 : i32
        %get3A_1124 = arith.index_cast %get3A_1123 : i32 to index
        %get3A_1125 = arith.index_cast %add3A_1101 : i32 to index
        %get3A_1126 = arith.constant 32 : index
        %get3A_1127 = tpu.vector_load %arg7[%get3A_1124, %get3A_1125, %get3A_1126] {strides = array<i32>} : memref<2x128x64xf32, #tpu.memory_space<vmem>>, vector<16xf32>,
        %scatter3A_1128 = arith.constant 0 : i32
        %scatter3A_1129 = arith.constant 0 : i32
        %scatter3A_1130 = arith.constant 0 : i32
        %scatter3A_1131 = tpu.memref_slice %arg8[%scatter3A_1128, %scatter3A_1129, %scatter3A_1130] : memref<2x64x129xf32, #tpu.memory_space<vmem>> -> memref<1x64x129xf32, #tpu.memory_space<vmem>>
        %scatter3A_1132 = tpu.memref_squeeze %scatter3A_1131 : memref<1x64x129xf32, #tpu.memory_space<vmem>> -> memref<64x129xf32, #tpu.memory_space<vmem>>
        tpu.vector_store_idx %scatter3A_1132[%add3A_16, %add3A_1104], %get3A_1127 : memref<64x129xf32, #tpu.memory_space<vmem>>[vector<16xi32>, vector<16xi32>], vector<16xf32>,
        %get3A_1133 = arith.constant 0 : i32
        %get3A_1134 = arith.index_cast %get3A_1133 : i32 to index
        %get3A_1135 = arith.index_cast %add3A_1101 : i32 to index
        %get3A_1136 = arith.constant 48 : index
        %get3A_1137 = tpu.vector_load %arg7[%get3A_1134, %get3A_1135, %get3A_1136] {strides = array<i32>} : memref<2x128x64xf32, #tpu.memory_space<vmem>>, vector<16xf32>,
        %scatter3A_1138 = arith.constant 0 : i32
        %scatter3A_1139 = arith.constant 0 : i32
        %scatter3A_1140 = arith.constant 0 : i32
        %scatter3A_1141 = tpu.memref_slice %arg8[%scatter3A_1138, %scatter3A_1139, %scatter3A_1140] : memref<2x64x129xf32, #tpu.memory_space<vmem>> -> memref<1x64x129xf32, #tpu.memory_space<vmem>>
        %scatter3A_1142 = tpu.memref_squeeze %scatter3A_1141 : memref<1x64x129xf32, #tpu.memory_space<vmem>> -> memref<64x129xf32, #tpu.memory_space<vmem>>
        tpu.vector_store_idx %scatter3A_1142[%add3A_19, %add3A_1104], %get3A_1137 : memref<64x129xf32, #tpu.memory_space<vmem>>[vector<16xi32>, vector<16xi32>], vector<16xf32>,
        %mul3A_1143 = arith.constant 8 : i32
        %mul3A_1144 = arith.muli %scan3A_1097, %mul3A_1143 : i32
        %add3A_1145 = arith.constant 1 : i32
        %add3A_1146 = arith.addi %mul3A_1144, %add3A_1145 : i32
        %broadcast_in_dim3A_1147 = arith.constant 0 : i32
        %broadcast_in_dim3A_1148 = vector.broadcast %broadcast_in_dim3A_1147 : i32 to vector<16xi32>
        %add3A_1149 = vector.broadcast %add3A_1146 : i32 to vector<16xi32>
        %add3A_1150 = arith.addi %broadcast_in_dim3A_1148, %add3A_1149 : vector<16xi32>
        %get3A_1151 = arith.constant 0 : i32
        %get3A_1152 = arith.index_cast %get3A_1151 : i32 to index
        %get3A_1153 = arith.index_cast %add3A_1146 : i32 to index
        %get3A_1154 = arith.constant 0 : index
        %get3A_1155 = tpu.vector_load %arg7[%get3A_1152, %get3A_1153, %get3A_1154] {strides = array<i32>} : memref<2x128x64xf32, #tpu.memory_space<vmem>>, vector<16xf32>,
        %scatter3A_1156 = arith.constant 0 : i32
        %scatter3A_1157 = arith.constant 0 : i32
        %scatter3A_1158 = arith.constant 0 : i32
        %scatter3A_1159 = tpu.memref_slice %arg8[%scatter3A_1156, %scatter3A_1157, %scatter3A_1158] : memref<2x64x129xf32, #tpu.memory_space<vmem>> -> memref<1x64x129xf32, #tpu.memory_space<vmem>>
        %scatter3A_1160 = tpu.memref_squeeze %scatter3A_1159 : memref<1x64x129xf32, #tpu.memory_space<vmem>> -> memref<64x129xf32, #tpu.memory_space<vmem>>
        tpu.vector_store_idx %scatter3A_1160[%add3A_10, %add3A_1150], %get3A_1155 : memref<64x129xf32, #tpu.memory_space<vmem>>[vector<16xi32>, vector<16xi32>], vector<16xf32>,
        %get3A_1161 = arith.constant 0 : i32
        %get3A_1162 = arith.index_cast %get3A_1161 : i32 to index
        %get3A_1163 = arith.index_cast %add3A_1146 : i32 to index
        %get3A_1164 = arith.constant 16 : index
        %get3A_1165 = tpu.vector_load %arg7[%get3A_1162, %get3A_1163, %get3A_1164] {strides = array<i32>} : memref<2x128x64xf32, #tpu.memory_space<vmem>>, vector<16xf32>,
        %scatter3A_1166 = arith.constant 0 : i32
        %scatter3A_1167 = arith.constant 0 : i32
        %scatter3A_1168 = arith.constant 0 : i32
        %scatter3A_1169 = tpu.memref_slice %arg8[%scatter3A_1166, %scatter3A_1167, %scatter3A_1168] : memref<2x64x129xf32, #tpu.memory_space<vmem>> -> memref<1x64x129xf32, #tpu.memory_space<vmem>>
        %scatter3A_1170 = tpu.memref_squeeze %scatter3A_1169 : memref<1x64x129xf32, #tpu.memory_space<vmem>> -> memref<64x129xf32, #tpu.memory_space<vmem>>
        tpu.vector_store_idx %scatter3A_1170[%add3A_13, %add3A_1150], %get3A_1165 : memref<64x129xf32, #tpu.memory_space<vmem>>[vector<16xi32>, vector<16xi32>], vector<16xf32>,
        %get3A_1171 = arith.constant 0 : i32
        %get3A_1172 = arith.index_cast %get3A_1171 : i32 to index
        %get3A_1173 = arith.index_cast %add3A_1146 : i32 to index
        %get3A_1174 = arith.constant 32 : index
        %get3A_1175 = tpu.vector_load %arg7[%get3A_1172, %get3A_1173, %get3A_1174] {strides = array<i32>} : memref<2x128x64xf32, #tpu.memory_space<vmem>>, vector<16xf32>,
        %scatter3A_1176 = arith.constant 0 : i32
        %scatter3A_1177 = arith.constant 0 : i32
        %scatter3A_1178 = arith.constant 0 : i32
        %scatter3A_1179 = tpu.memref_slice %arg8[%scatter3A_1176, %scatter3A_1177, %scatter3A_1178] : memref<2x64x129xf32, #tpu.memory_space<vmem>> -> memref<1x64x129xf32, #tpu.memory_space<vmem>>
        %scatter3A_1180 = tpu.memref_squeeze %scatter3A_1179 : memref<1x64x129xf32, #tpu.memory_space<vmem>> -> memref<64x129xf32, #tpu.memory_space<vmem>>
        tpu.vector_store_idx %scatter3A_1180[%add3A_16, %add3A_1150], %get3A_1175 : memref<64x129xf32, #tpu.memory_space<vmem>>[vector<16xi32>, vector<16xi32>], vector<16xf32>,
        %get3A_1181 = arith.constant 0 : i32
        %get3A_1182 = arith.index_cast %get3A_1181 : i32 to index
        %get3A_1183 = arith.index_cast %add3A_1146 : i32 to index
        %get3A_1184 = arith.constant 48 : index
        %get3A_1185 = tpu.vector_load %arg7[%get3A_1182, %get3A_1183, %get3A_1184] {strides = array<i32>} : memref<2x128x64xf32, #tpu.memory_space<vmem>>, vector<16xf32>,
        %scatter3A_1186 = arith.constant 0 : i32
        %scatter3A_1187 = arith.constant 0 : i32
        %scatter3A_1188 = arith.constant 0 : i32
        %scatter3A_1189 = tpu.memref_slice %arg8[%scatter3A_1186, %scatter3A_1187, %scatter3A_1188] : memref<2x64x129xf32, #tpu.memory_space<vmem>> -> memref<1x64x129xf32, #tpu.memory_space<vmem>>
        %scatter3A_1190 = tpu.memref_squeeze %scatter3A_1189 : memref<1x64x129xf32, #tpu.memory_space<vmem>> -> memref<64x129xf32, #tpu.memory_space<vmem>>
        tpu.vector_store_idx %scatter3A_1190[%add3A_19, %add3A_1150], %get3A_1185 : memref<64x129xf32, #tpu.memory_space<vmem>>[vector<16xi32>, vector<16xi32>], vector<16xf32>,
        %mul3A_1191 = arith.constant 8 : i32
        %mul3A_1192 = arith.muli %scan3A_1097, %mul3A_1191 : i32
        %add3A_1193 = arith.constant 2 : i32
        %add3A_1194 = arith.addi %mul3A_1192, %add3A_1193 : i32
        %broadcast_in_dim3A_1195 = arith.constant 0 : i32
        %broadcast_in_dim3A_1196 = vector.broadcast %broadcast_in_dim3A_1195 : i32 to vector<16xi32>
        %add3A_1197 = vector.broadcast %add3A_1194 : i32 to vector<16xi32>
        %add3A_1198 = arith.addi %broadcast_in_dim3A_1196, %add3A_1197 : vector<16xi32>
        %get3A_1199 = arith.constant 0 : i32
        %get3A_1200 = arith.index_cast %get3A_1199 : i32 to index
        %get3A_1201 = arith.index_cast %add3A_1194 : i32 to index
        %get3A_1202 = arith.constant 0 : index
        %get3A_1203 = tpu.vector_load %arg7[%get3A_1200, %get3A_1201, %get3A_1202] {strides = array<i32>} : memref<2x128x64xf32, #tpu.memory_space<vmem>>, vector<16xf32>,
        %scatter3A_1204 = arith.constant 0 : i32
        %scatter3A_1205 = arith.constant 0 : i32
        %scatter3A_1206 = arith.constant 0 : i32
        %scatter3A_1207 = tpu.memref_slice %arg8[%scatter3A_1204, %scatter3A_1205, %scatter3A_1206] : memref<2x64x129xf32, #tpu.memory_space<vmem>> -> memref<1x64x129xf32, #tpu.memory_space<vmem>>
        %scatter3A_1208 = tpu.memref_squeeze %scatter3A_1207 : memref<1x64x129xf32, #tpu.memory_space<vmem>> -> memref<64x129xf32, #tpu.memory_space<vmem>>
        tpu.vector_store_idx %scatter3A_1208[%add3A_10, %add3A_1198], %get3A_1203 : memref<64x129xf32, #tpu.memory_space<vmem>>[vector<16xi32>, vector<16xi32>], vector<16xf32>,
        %get3A_1209 = arith.constant 0 : i32
        %get3A_1210 = arith.index_cast %get3A_1209 : i32 to index
        %get3A_1211 = arith.index_cast %add3A_1194 : i32 to index
        %get3A_1212 = arith.constant 16 : index
        %get3A_1213 = tpu.vector_load %arg7[%get3A_1210, %get3A_1211, %get3A_1212] {strides = array<i32>} : memref<2x128x64xf32, #tpu.memory_space<vmem>>, vector<16xf32>,
        %scatter3A_1214 = arith.constant 0 : i32
        %scatter3A_1215 = arith.constant 0 : i32
        %scatter3A_1216 = arith.constant 0 : i32
        %scatter3A_1217 = tpu.memref_slice %arg8[%scatter3A_1214, %scatter3A_1215, %scatter3A_1216] : memref<2x64x129xf32, #tpu.memory_space<vmem>> -> memref<1x64x129xf32, #tpu.memory_space<vmem>>
        %scatter3A_1218 = tpu.memref_squeeze %scatter3A_1217 : memref<1x64x129xf32, #tpu.memory_space<vmem>> -> memref<64x129xf32, #tpu.memory_space<vmem>>
        tpu.vector_store_idx %scatter3A_1218[%add3A_13, %add3A_1198], %get3A_1213 : memref<64x129xf32, #tpu.memory_space<vmem>>[vector<16xi32>, vector<16xi32>], vector<16xf32>,
        %get3A_1219 = arith.constant 0 : i32
        %get3A_1220 = arith.index_cast %get3A_1219 : i32 to index
        %get3A_1221 = arith.index_cast %add3A_1194 : i32 to index
        %get3A_1222 = arith.constant 32 : index
        %get3A_1223 = tpu.vector_load %arg7[%get3A_1220, %get3A_1221, %get3A_1222] {strides = array<i32>} : memref<2x128x64xf32, #tpu.memory_space<vmem>>, vector<16xf32>,
        %scatter3A_1224 = arith.constant 0 : i32
        %scatter3A_1225 = arith.constant 0 : i32
        %scatter3A_1226 = arith.constant 0 : i32
        %scatter3A_1227 = tpu.memref_slice %arg8[%scatter3A_1224, %scatter3A_1225, %scatter3A_1226] : memref<2x64x129xf32, #tpu.memory_space<vmem>> -> memref<1x64x129xf32, #tpu.memory_space<vmem>>
        %scatter3A_1228 = tpu.memref_squeeze %scatter3A_1227 : memref<1x64x129xf32, #tpu.memory_space<vmem>> -> memref<64x129xf32, #tpu.memory_space<vmem>>
        tpu.vector_store_idx %scatter3A_1228[%add3A_16, %add3A_1198], %get3A_1223 : memref<64x129xf32, #tpu.memory_space<vmem>>[vector<16xi32>, vector<16xi32>], vector<16xf32>,
        %get3A_1229 = arith.constant 0 : i32
        %get3A_1230 = arith.index_cast %get3A_1229 : i32 to index
        %get3A_1231 = arith.index_cast %add3A_1194 : i32 to index
        %get3A_1232 = arith.constant 48 : index
        %get3A_1233 = tpu.vector_load %arg7[%get3A_1230, %get3A_1231, %get3A_1232] {strides = array<i32>} : memref<2x128x64xf32, #tpu.memory_space<vmem>>, vector<16xf32>,
        %scatter3A_1234 = arith.constant 0 : i32
        %scatter3A_1235 = arith.constant 0 : i32
        %scatter3A_1236 = arith.constant 0 : i32
        %scatter3A_1237 = tpu.memref_slice %arg8[%scatter3A_1234, %scatter3A_1235, %scatter3A_1236] : memref<2x64x129xf32, #tpu.memory_space<vmem>> -> memref<1x64x129xf32, #tpu.memory_space<vmem>>
        %scatter3A_1238 = tpu.memref_squeeze %scatter3A_1237 : memref<1x64x129xf32, #tpu.memory_space<vmem>> -> memref<64x129xf32, #tpu.memory_space<vmem>>
        tpu.vector_store_idx %scatter3A_1238[%add3A_19, %add3A_1198], %get3A_1233 : memref<64x129xf32, #tpu.memory_space<vmem>>[vector<16xi32>, vector<16xi32>], vector<16xf32>,
        %mul3A_1239 = arith.constant 8 : i32
        %mul3A_1240 = arith.muli %scan3A_1097, %mul3A_1239 : i32
        %add3A_1241 = arith.constant 3 : i32
        %add3A_1242 = arith.addi %mul3A_1240, %add3A_1241 : i32
        %broadcast_in_dim3A_1243 = arith.constant 0 : i32
        %broadcast_in_dim3A_1244 = vector.broadcast %broadcast_in_dim3A_1243 : i32 to vector<16xi32>
        %add3A_1245 = vector.broadcast %add3A_1242 : i32 to vector<16xi32>
        %add3A_1246 = arith.addi %broadcast_in_dim3A_1244, %add3A_1245 : vector<16xi32>
        %get3A_1247 = arith.constant 0 : i32
        %get3A_1248 = arith.index_cast %get3A_1247 : i32 to index
        %get3A_1249 = arith.index_cast %add3A_1242 : i32 to index
        %get3A_1250 = arith.constant 0 : index
        %get3A_1251 = tpu.vector_load %arg7[%get3A_1248, %get3A_1249, %get3A_1250] {strides = array<i32>} : memref<2x128x64xf32, #tpu.memory_space<vmem>>, vector<16xf32>,
        %scatter3A_1252 = arith.constant 0 : i32
        %scatter3A_1253 = arith.constant 0 : i32
        %scatter3A_1254 = arith.constant 0 : i32
        %scatter3A_1255 = tpu.memref_slice %arg8[%scatter3A_1252, %scatter3A_1253, %scatter3A_1254] : memref<2x64x129xf32, #tpu.memory_space<vmem>> -> memref<1x64x129xf32, #tpu.memory_space<vmem>>
        %scatter3A_1256 = tpu.memref_squeeze %scatter3A_1255 : memref<1x64x129xf32, #tpu.memory_space<vmem>> -> memref<64x129xf32, #tpu.memory_space<vmem>>
        tpu.vector_store_idx %scatter3A_1256[%add3A_10, %add3A_1246], %get3A_1251 : memref<64x129xf32, #tpu.memory_space<vmem>>[vector<16xi32>, vector<16xi32>], vector<16xf32>,
        %get3A_1257 = arith.constant 0 : i32
        %get3A_1258 = arith.index_cast %get3A_1257 : i32 to index
        %get3A_1259 = arith.index_cast %add3A_1242 : i32 to index
        %get3A_1260 = arith.constant 16 : index
        %get3A_1261 = tpu.vector_load %arg7[%get3A_1258, %get3A_1259, %get3A_1260] {strides = array<i32>} : memref<2x128x64xf32, #tpu.memory_space<vmem>>, vector<16xf32>,
        %scatter3A_1262 = arith.constant 0 : i32
        %scatter3A_1263 = arith.constant 0 : i32
        %scatter3A_1264 = arith.constant 0 : i32
        %scatter3A_1265 = tpu.memref_slice %arg8[%scatter3A_1262, %scatter3A_1263, %scatter3A_1264] : memref<2x64x129xf32, #tpu.memory_space<vmem>> -> memref<1x64x129xf32, #tpu.memory_space<vmem>>
        %scatter3A_1266 = tpu.memref_squeeze %scatter3A_1265 : memref<1x64x129xf32, #tpu.memory_space<vmem>> -> memref<64x129xf32, #tpu.memory_space<vmem>>
        tpu.vector_store_idx %scatter3A_1266[%add3A_13, %add3A_1246], %get3A_1261 : memref<64x129xf32, #tpu.memory_space<vmem>>[vector<16xi32>, vector<16xi32>], vector<16xf32>,
        %get3A_1267 = arith.constant 0 : i32
        %get3A_1268 = arith.index_cast %get3A_1267 : i32 to index
        %get3A_1269 = arith.index_cast %add3A_1242 : i32 to index
        %get3A_1270 = arith.constant 32 : index
        %get3A_1271 = tpu.vector_load %arg7[%get3A_1268, %get3A_1269, %get3A_1270] {strides = array<i32>} : memref<2x128x64xf32, #tpu.memory_space<vmem>>, vector<16xf32>,
        %scatter3A_1272 = arith.constant 0 : i32
        %scatter3A_1273 = arith.constant 0 : i32
        %scatter3A_1274 = arith.constant 0 : i32
        %scatter3A_1275 = tpu.memref_slice %arg8[%scatter3A_1272, %scatter3A_1273, %scatter3A_1274] : memref<2x64x129xf32, #tpu.memory_space<vmem>> -> memref<1x64x129xf32, #tpu.memory_space<vmem>>
        %scatter3A_1276 = tpu.memref_squeeze %scatter3A_1275 : memref<1x64x129xf32, #tpu.memory_space<vmem>> -> memref<64x129xf32, #tpu.memory_space<vmem>>
        tpu.vector_store_idx %scatter3A_1276[%add3A_16, %add3A_1246], %get3A_1271 : memref<64x129xf32, #tpu.memory_space<vmem>>[vector<16xi32>, vector<16xi32>], vector<16xf32>,
        %get3A_1277 = arith.constant 0 : i32
        %get3A_1278 = arith.index_cast %get3A_1277 : i32 to index
        %get3A_1279 = arith.index_cast %add3A_1242 : i32 to index
        %get3A_1280 = arith.constant 48 : index
        %get3A_1281 = tpu.vector_load %arg7[%get3A_1278, %get3A_1279, %get3A_1280] {strides = array<i32>} : memref<2x128x64xf32, #tpu.memory_space<vmem>>, vector<16xf32>,
        %scatter3A_1282 = arith.constant 0 : i32
        %scatter3A_1283 = arith.constant 0 : i32
        %scatter3A_1284 = arith.constant 0 : i32
        %scatter3A_1285 = tpu.memref_slice %arg8[%scatter3A_1282, %scatter3A_1283, %scatter3A_1284] : memref<2x64x129xf32, #tpu.memory_space<vmem>> -> memref<1x64x129xf32, #tpu.memory_space<vmem>>
        %scatter3A_1286 = tpu.memref_squeeze %scatter3A_1285 : memref<1x64x129xf32, #tpu.memory_space<vmem>> -> memref<64x129xf32, #tpu.memory_space<vmem>>
        tpu.vector_store_idx %scatter3A_1286[%add3A_19, %add3A_1246], %get3A_1281 : memref<64x129xf32, #tpu.memory_space<vmem>>[vector<16xi32>, vector<16xi32>], vector<16xf32>,
        %mul3A_1287 = arith.constant 8 : i32
        %mul3A_1288 = arith.muli %scan3A_1097, %mul3A_1287 : i32
        %add3A_1289 = arith.constant 4 : i32
        %add3A_1290 = arith.addi %mul3A_1288, %add3A_1289 : i32
        %broadcast_in_dim3A_1291 = arith.constant 0 : i32
        %broadcast_in_dim3A_1292 = vector.broadcast %broadcast_in_dim3A_1291 : i32 to vector<16xi32>
        %add3A_1293 = vector.broadcast %add3A_1290 : i32 to vector<16xi32>
        %add3A_1294 = arith.addi %broadcast_in_dim3A_1292, %add3A_1293 : vector<16xi32>
        %get3A_1295 = arith.constant 0 : i32
        %get3A_1296 = arith.index_cast %get3A_1295 : i32 to index
        %get3A_1297 = arith.index_cast %add3A_1290 : i32 to index
        %get3A_1298 = arith.constant 0 : index
        %get3A_1299 = tpu.vector_load %arg7[%get3A_1296, %get3A_1297, %get3A_1298] {strides = array<i32>} : memref<2x128x64xf32, #tpu.memory_space<vmem>>, vector<16xf32>,
        %scatter3A_1300 = arith.constant 0 : i32
        %scatter3A_1301 = arith.constant 0 : i32
        %scatter3A_1302 = arith.constant 0 : i32
        %scatter3A_1303 = tpu.memref_slice %arg8[%scatter3A_1300, %scatter3A_1301, %scatter3A_1302] : memref<2x64x129xf32, #tpu.memory_space<vmem>> -> memref<1x64x129xf32, #tpu.memory_space<vmem>>
        %scatter3A_1304 = tpu.memref_squeeze %scatter3A_1303 : memref<1x64x129xf32, #tpu.memory_space<vmem>> -> memref<64x129xf32, #tpu.memory_space<vmem>>
        tpu.vector_store_idx %scatter3A_1304[%add3A_10, %add3A_1294], %get3A_1299 : memref<64x129xf32, #tpu.memory_space<vmem>>[vector<16xi32>, vector<16xi32>], vector<16xf32>,
        %get3A_1305 = arith.constant 0 : i32
        %get3A_1306 = arith.index_cast %get3A_1305 : i32 to index
        %get3A_1307 = arith.index_cast %add3A_1290 : i32 to index
        %get3A_1308 = arith.constant 16 : index
        %get3A_1309 = tpu.vector_load %arg7[%get3A_1306, %get3A_1307, %get3A_1308] {strides = array<i32>} : memref<2x128x64xf32, #tpu.memory_space<vmem>>, vector<16xf32>,
        %scatter3A_1310 = arith.constant 0 : i32
        %scatter3A_1311 = arith.constant 0 : i32
        %scatter3A_1312 = arith.constant 0 : i32
        %scatter3A_1313 = tpu.memref_slice %arg8[%scatter3A_1310, %scatter3A_1311, %scatter3A_1312] : memref<2x64x129xf32, #tpu.memory_space<vmem>> -> memref<1x64x129xf32, #tpu.memory_space<vmem>>
        %scatter3A_1314 = tpu.memref_squeeze %scatter3A_1313 : memref<1x64x129xf32, #tpu.memory_space<vmem>> -> memref<64x129xf32, #tpu.memory_space<vmem>>
        tpu.vector_store_idx %scatter3A_1314[%add3A_13, %add3A_1294], %get3A_1309 : memref<64x129xf32, #tpu.memory_space<vmem>>[vector<16xi32>, vector<16xi32>], vector<16xf32>,
        %get3A_1315 = arith.constant 0 : i32
        %get3A_1316 = arith.index_cast %get3A_1315 : i32 to index
        %get3A_1317 = arith.index_cast %add3A_1290 : i32 to index
        %get3A_1318 = arith.constant 32 : index
        %get3A_1319 = tpu.vector_load %arg7[%get3A_1316, %get3A_1317, %get3A_1318] {strides = array<i32>} : memref<2x128x64xf32, #tpu.memory_space<vmem>>, vector<16xf32>,
        %scatter3A_1320 = arith.constant 0 : i32
        %scatter3A_1321 = arith.constant 0 : i32
        %scatter3A_1322 = arith.constant 0 : i32
        %scatter3A_1323 = tpu.memref_slice %arg8[%scatter3A_1320, %scatter3A_1321, %scatter3A_1322] : memref<2x64x129xf32, #tpu.memory_space<vmem>> -> memref<1x64x129xf32, #tpu.memory_space<vmem>>
        %scatter3A_1324 = tpu.memref_squeeze %scatter3A_1323 : memref<1x64x129xf32, #tpu.memory_space<vmem>> -> memref<64x129xf32, #tpu.memory_space<vmem>>
        tpu.vector_store_idx %scatter3A_1324[%add3A_16, %add3A_1294], %get3A_1319 : memref<64x129xf32, #tpu.memory_space<vmem>>[vector<16xi32>, vector<16xi32>], vector<16xf32>,
        %get3A_1325 = arith.constant 0 : i32
        %get3A_1326 = arith.index_cast %get3A_1325 : i32 to index
        %get3A_1327 = arith.index_cast %add3A_1290 : i32 to index
        %get3A_1328 = arith.constant 48 : index
        %get3A_1329 = tpu.vector_load %arg7[%get3A_1326, %get3A_1327, %get3A_1328] {strides = array<i32>} : memref<2x128x64xf32, #tpu.memory_space<vmem>>, vector<16xf32>,
        %scatter3A_1330 = arith.constant 0 : i32
        %scatter3A_1331 = arith.constant 0 : i32
        %scatter3A_1332 = arith.constant 0 : i32
        %scatter3A_1333 = tpu.memref_slice %arg8[%scatter3A_1330, %scatter3A_1331, %scatter3A_1332] : memref<2x64x129xf32, #tpu.memory_space<vmem>> -> memref<1x64x129xf32, #tpu.memory_space<vmem>>
        %scatter3A_1334 = tpu.memref_squeeze %scatter3A_1333 : memref<1x64x129xf32, #tpu.memory_space<vmem>> -> memref<64x129xf32, #tpu.memory_space<vmem>>
        tpu.vector_store_idx %scatter3A_1334[%add3A_19, %add3A_1294], %get3A_1329 : memref<64x129xf32, #tpu.memory_space<vmem>>[vector<16xi32>, vector<16xi32>], vector<16xf32>,
        %mul3A_1335 = arith.constant 8 : i32
        %mul3A_1336 = arith.muli %scan3A_1097, %mul3A_1335 : i32
        %add3A_1337 = arith.constant 5 : i32
        %add3A_1338 = arith.addi %mul3A_1336, %add3A_1337 : i32
        %broadcast_in_dim3A_1339 = arith.constant 0 : i32
        %broadcast_in_dim3A_1340 = vector.broadcast %broadcast_in_dim3A_1339 : i32 to vector<16xi32>
        %add3A_1341 = vector.broadcast %add3A_1338 : i32 to vector<16xi32>
        %add3A_1342 = arith.addi %broadcast_in_dim3A_1340, %add3A_1341 : vector<16xi32>
        %get3A_1343 = arith.constant 0 : i32
        %get3A_1344 = arith.index_cast %get3A_1343 : i32 to index
        %get3A_1345 = arith.index_cast %add3A_1338 : i32 to index
        %get3A_1346 = arith.constant 0 : index
        %get3A_1347 = tpu.vector_load %arg7[%get3A_1344, %get3A_1345, %get3A_1346] {strides = array<i32>} : memref<2x128x64xf32, #tpu.memory_space<vmem>>, vector<16xf32>,
        %scatter3A_1348 = arith.constant 0 : i32
        %scatter3A_1349 = arith.constant 0 : i32
        %scatter3A_1350 = arith.constant 0 : i32
        %scatter3A_1351 = tpu.memref_slice %arg8[%scatter3A_1348, %scatter3A_1349, %scatter3A_1350] : memref<2x64x129xf32, #tpu.memory_space<vmem>> -> memref<1x64x129xf32, #tpu.memory_space<vmem>>
        %scatter3A_1352 = tpu.memref_squeeze %scatter3A_1351 : memref<1x64x129xf32, #tpu.memory_space<vmem>> -> memref<64x129xf32, #tpu.memory_space<vmem>>
        tpu.vector_store_idx %scatter3A_1352[%add3A_10, %add3A_1342], %get3A_1347 : memref<64x129xf32, #tpu.memory_space<vmem>>[vector<16xi32>, vector<16xi32>], vector<16xf32>,
        %get3A_1353 = arith.constant 0 : i32
        %get3A_1354 = arith.index_cast %get3A_1353 : i32 to index
        %get3A_1355 = arith.index_cast %add3A_1338 : i32 to index
        %get3A_1356 = arith.constant 16 : index
        %get3A_1357 = tpu.vector_load %arg7[%get3A_1354, %get3A_1355, %get3A_1356] {strides = array<i32>} : memref<2x128x64xf32, #tpu.memory_space<vmem>>, vector<16xf32>,
        %scatter3A_1358 = arith.constant 0 : i32
        %scatter3A_1359 = arith.constant 0 : i32
        %scatter3A_1360 = arith.constant 0 : i32
        %scatter3A_1361 = tpu.memref_slice %arg8[%scatter3A_1358, %scatter3A_1359, %scatter3A_1360] : memref<2x64x129xf32, #tpu.memory_space<vmem>> -> memref<1x64x129xf32, #tpu.memory_space<vmem>>
        %scatter3A_1362 = tpu.memref_squeeze %scatter3A_1361 : memref<1x64x129xf32, #tpu.memory_space<vmem>> -> memref<64x129xf32, #tpu.memory_space<vmem>>
        tpu.vector_store_idx %scatter3A_1362[%add3A_13, %add3A_1342], %get3A_1357 : memref<64x129xf32, #tpu.memory_space<vmem>>[vector<16xi32>, vector<16xi32>], vector<16xf32>,
        %get3A_1363 = arith.constant 0 : i32
        %get3A_1364 = arith.index_cast %get3A_1363 : i32 to index
        %get3A_1365 = arith.index_cast %add3A_1338 : i32 to index
        %get3A_1366 = arith.constant 32 : index
        %get3A_1367 = tpu.vector_load %arg7[%get3A_1364, %get3A_1365, %get3A_1366] {strides = array<i32>} : memref<2x128x64xf32, #tpu.memory_space<vmem>>, vector<16xf32>,
        %scatter3A_1368 = arith.constant 0 : i32
        %scatter3A_1369 = arith.constant 0 : i32
        %scatter3A_1370 = arith.constant 0 : i32
        %scatter3A_1371 = tpu.memref_slice %arg8[%scatter3A_1368, %scatter3A_1369, %scatter3A_1370] : memref<2x64x129xf32, #tpu.memory_space<vmem>> -> memref<1x64x129xf32, #tpu.memory_space<vmem>>
        %scatter3A_1372 = tpu.memref_squeeze %scatter3A_1371 : memref<1x64x129xf32, #tpu.memory_space<vmem>> -> memref<64x129xf32, #tpu.memory_space<vmem>>
        tpu.vector_store_idx %scatter3A_1372[%add3A_16, %add3A_1342], %get3A_1367 : memref<64x129xf32, #tpu.memory_space<vmem>>[vector<16xi32>, vector<16xi32>], vector<16xf32>,
        %get3A_1373 = arith.constant 0 : i32
        %get3A_1374 = arith.index_cast %get3A_1373 : i32 to index
        %get3A_1375 = arith.index_cast %add3A_1338 : i32 to index
        %get3A_1376 = arith.constant 48 : index
        %get3A_1377 = tpu.vector_load %arg7[%get3A_1374, %get3A_1375, %get3A_1376] {strides = array<i32>} : memref<2x128x64xf32, #tpu.memory_space<vmem>>, vector<16xf32>,
        %scatter3A_1378 = arith.constant 0 : i32
        %scatter3A_1379 = arith.constant 0 : i32
        %scatter3A_1380 = arith.constant 0 : i32
        %scatter3A_1381 = tpu.memref_slice %arg8[%scatter3A_1378, %scatter3A_1379, %scatter3A_1380] : memref<2x64x129xf32, #tpu.memory_space<vmem>> -> memref<1x64x129xf32, #tpu.memory_space<vmem>>
        %scatter3A_1382 = tpu.memref_squeeze %scatter3A_1381 : memref<1x64x129xf32, #tpu.memory_space<vmem>> -> memref<64x129xf32, #tpu.memory_space<vmem>>
        tpu.vector_store_idx %scatter3A_1382[%add3A_19, %add3A_1342], %get3A_1377 : memref<64x129xf32, #tpu.memory_space<vmem>>[vector<16xi32>, vector<16xi32>], vector<16xf32>,
        %mul3A_1383 = arith.constant 8 : i32
        %mul3A_1384 = arith.muli %scan3A_1097, %mul3A_1383 : i32
        %add3A_1385 = arith.constant 6 : i32
        %add3A_1386 = arith.addi %mul3A_1384, %add3A_1385 : i32
        %broadcast_in_dim3A_1387 = arith.constant 0 : i32
        %broadcast_in_dim3A_1388 = vector.broadcast %broadcast_in_dim3A_1387 : i32 to vector<16xi32>
        %add3A_1389 = vector.broadcast %add3A_1386 : i32 to vector<16xi32>
        %add3A_1390 = arith.addi %broadcast_in_dim3A_1388, %add3A_1389 : vector<16xi32>
        %get3A_1391 = arith.constant 0 : i32
        %get3A_1392 = arith.index_cast %get3A_1391 : i32 to index
        %get3A_1393 = arith.index_cast %add3A_1386 : i32 to index
        %get3A_1394 = arith.constant 0 : index
        %get3A_1395 = tpu.vector_load %arg7[%get3A_1392, %get3A_1393, %get3A_1394] {strides = array<i32>} : memref<2x128x64xf32, #tpu.memory_space<vmem>>, vector<16xf32>,
        %scatter3A_1396 = arith.constant 0 : i32
        %scatter3A_1397 = arith.constant 0 : i32
        %scatter3A_1398 = arith.constant 0 : i32
        %scatter3A_1399 = tpu.memref_slice %arg8[%scatter3A_1396, %scatter3A_1397, %scatter3A_1398] : memref<2x64x129xf32, #tpu.memory_space<vmem>> -> memref<1x64x129xf32, #tpu.memory_space<vmem>>
        %scatter3A_1400 = tpu.memref_squeeze %scatter3A_1399 : memref<1x64x129xf32, #tpu.memory_space<vmem>> -> memref<64x129xf32, #tpu.memory_space<vmem>>
        tpu.vector_store_idx %scatter3A_1400[%add3A_10, %add3A_1390], %get3A_1395 : memref<64x129xf32, #tpu.memory_space<vmem>>[vector<16xi32>, vector<16xi32>], vector<16xf32>,
        %get3A_1401 = arith.constant 0 : i32
        %get3A_1402 = arith.index_cast %get3A_1401 : i32 to index
        %get3A_1403 = arith.index_cast %add3A_1386 : i32 to index
        %get3A_1404 = arith.constant 16 : index
        %get3A_1405 = tpu.vector_load %arg7[%get3A_1402, %get3A_1403, %get3A_1404] {strides = array<i32>} : memref<2x128x64xf32, #tpu.memory_space<vmem>>, vector<16xf32>,
        %scatter3A_1406 = arith.constant 0 : i32
        %scatter3A_1407 = arith.constant 0 : i32
        %scatter3A_1408 = arith.constant 0 : i32
        %scatter3A_1409 = tpu.memref_slice %arg8[%scatter3A_1406, %scatter3A_1407, %scatter3A_1408] : memref<2x64x129xf32, #tpu.memory_space<vmem>> -> memref<1x64x129xf32, #tpu.memory_space<vmem>>
        %scatter3A_1410 = tpu.memref_squeeze %scatter3A_1409 : memref<1x64x129xf32, #tpu.memory_space<vmem>> -> memref<64x129xf32, #tpu.memory_space<vmem>>
        tpu.vector_store_idx %scatter3A_1410[%add3A_13, %add3A_1390], %get3A_1405 : memref<64x129xf32, #tpu.memory_space<vmem>>[vector<16xi32>, vector<16xi32>], vector<16xf32>,
        %get3A_1411 = arith.constant 0 : i32
        %get3A_1412 = arith.index_cast %get3A_1411 : i32 to index
        %get3A_1413 = arith.index_cast %add3A_1386 : i32 to index
        %get3A_1414 = arith.constant 32 : index
        %get3A_1415 = tpu.vector_load %arg7[%get3A_1412, %get3A_1413, %get3A_1414] {strides = array<i32>} : memref<2x128x64xf32, #tpu.memory_space<vmem>>, vector<16xf32>,
        %scatter3A_1416 = arith.constant 0 : i32
        %scatter3A_1417 = arith.constant 0 : i32
        %scatter3A_1418 = arith.constant 0 : i32
        %scatter3A_1419 = tpu.memref_slice %arg8[%scatter3A_1416, %scatter3A_1417, %scatter3A_1418] : memref<2x64x129xf32, #tpu.memory_space<vmem>> -> memref<1x64x129xf32, #tpu.memory_space<vmem>>
        %scatter3A_1420 = tpu.memref_squeeze %scatter3A_1419 : memref<1x64x129xf32, #tpu.memory_space<vmem>> -> memref<64x129xf32, #tpu.memory_space<vmem>>
        tpu.vector_store_idx %scatter3A_1420[%add3A_16, %add3A_1390], %get3A_1415 : memref<64x129xf32, #tpu.memory_space<vmem>>[vector<16xi32>, vector<16xi32>], vector<16xf32>,
        %get3A_1421 = arith.constant 0 : i32
        %get3A_1422 = arith.index_cast %get3A_1421 : i32 to index
        %get3A_1423 = arith.index_cast %add3A_1386 : i32 to index
        %get3A_1424 = arith.constant 48 : index
        %get3A_1425 = tpu.vector_load %arg7[%get3A_1422, %get3A_1423, %get3A_1424] {strides = array<i32>} : memref<2x128x64xf32, #tpu.memory_space<vmem>>, vector<16xf32>,
        %scatter3A_1426 = arith.constant 0 : i32
        %scatter3A_1427 = arith.constant 0 : i32
        %scatter3A_1428 = arith.constant 0 : i32
        %scatter3A_1429 = tpu.memref_slice %arg8[%scatter3A_1426, %scatter3A_1427, %scatter3A_1428] : memref<2x64x129xf32, #tpu.memory_space<vmem>> -> memref<1x64x129xf32, #tpu.memory_space<vmem>>
        %scatter3A_1430 = tpu.memref_squeeze %scatter3A_1429 : memref<1x64x129xf32, #tpu.memory_space<vmem>> -> memref<64x129xf32, #tpu.memory_space<vmem>>
        tpu.vector_store_idx %scatter3A_1430[%add3A_19, %add3A_1390], %get3A_1425 : memref<64x129xf32, #tpu.memory_space<vmem>>[vector<16xi32>, vector<16xi32>], vector<16xf32>,
        %mul3A_1431 = arith.constant 8 : i32
        %mul3A_1432 = arith.muli %scan3A_1097, %mul3A_1431 : i32
        %add3A_1433 = arith.constant 7 : i32
        %add3A_1434 = arith.addi %mul3A_1432, %add3A_1433 : i32
        %broadcast_in_dim3A_1435 = arith.constant 0 : i32
        %broadcast_in_dim3A_1436 = vector.broadcast %broadcast_in_dim3A_1435 : i32 to vector<16xi32>
        %add3A_1437 = vector.broadcast %add3A_1434 : i32 to vector<16xi32>
        %add3A_1438 = arith.addi %broadcast_in_dim3A_1436, %add3A_1437 : vector<16xi32>
        %get3A_1439 = arith.constant 0 : i32
        %get3A_1440 = arith.index_cast %get3A_1439 : i32 to index
        %get3A_1441 = arith.index_cast %add3A_1434 : i32 to index
        %get3A_1442 = arith.constant 0 : index
        %get3A_1443 = tpu.vector_load %arg7[%get3A_1440, %get3A_1441, %get3A_1442] {strides = array<i32>} : memref<2x128x64xf32, #tpu.memory_space<vmem>>, vector<16xf32>,
        %scatter3A_1444 = arith.constant 0 : i32
        %scatter3A_1445 = arith.constant 0 : i32
        %scatter3A_1446 = arith.constant 0 : i32
        %scatter3A_1447 = tpu.memref_slice %arg8[%scatter3A_1444, %scatter3A_1445, %scatter3A_1446] : memref<2x64x129xf32, #tpu.memory_space<vmem>> -> memref<1x64x129xf32, #tpu.memory_space<vmem>>
        %scatter3A_1448 = tpu.memref_squeeze %scatter3A_1447 : memref<1x64x129xf32, #tpu.memory_space<vmem>> -> memref<64x129xf32, #tpu.memory_space<vmem>>
        tpu.vector_store_idx %scatter3A_1448[%add3A_10, %add3A_1438], %get3A_1443 : memref<64x129xf32, #tpu.memory_space<vmem>>[vector<16xi32>, vector<16xi32>], vector<16xf32>,
        %get3A_1449 = arith.constant 0 : i32
        %get3A_1450 = arith.index_cast %get3A_1449 : i32 to index
        %get3A_1451 = arith.index_cast %add3A_1434 : i32 to index
        %get3A_1452 = arith.constant 16 : index
        %get3A_1453 = tpu.vector_load %arg7[%get3A_1450, %get3A_1451, %get3A_1452] {strides = array<i32>} : memref<2x128x64xf32, #tpu.memory_space<vmem>>, vector<16xf32>,
        %scatter3A_1454 = arith.constant 0 : i32
        %scatter3A_1455 = arith.constant 0 : i32
        %scatter3A_1456 = arith.constant 0 : i32
        %scatter3A_1457 = tpu.memref_slice %arg8[%scatter3A_1454, %scatter3A_1455, %scatter3A_1456] : memref<2x64x129xf32, #tpu.memory_space<vmem>> -> memref<1x64x129xf32, #tpu.memory_space<vmem>>
        %scatter3A_1458 = tpu.memref_squeeze %scatter3A_1457 : memref<1x64x129xf32, #tpu.memory_space<vmem>> -> memref<64x129xf32, #tpu.memory_space<vmem>>
        tpu.vector_store_idx %scatter3A_1458[%add3A_13, %add3A_1438], %get3A_1453 : memref<64x129xf32, #tpu.memory_space<vmem>>[vector<16xi32>, vector<16xi32>], vector<16xf32>,
        %get3A_1459 = arith.constant 0 : i32
        %get3A_1460 = arith.index_cast %get3A_1459 : i32 to index
        %get3A_1461 = arith.index_cast %add3A_1434 : i32 to index
        %get3A_1462 = arith.constant 32 : index
        %get3A_1463 = tpu.vector_load %arg7[%get3A_1460, %get3A_1461, %get3A_1462] {strides = array<i32>} : memref<2x128x64xf32, #tpu.memory_space<vmem>>, vector<16xf32>,
        %scatter3A_1464 = arith.constant 0 : i32
        %scatter3A_1465 = arith.constant 0 : i32
        %scatter3A_1466 = arith.constant 0 : i32
        %scatter3A_1467 = tpu.memref_slice %arg8[%scatter3A_1464, %scatter3A_1465, %scatter3A_1466] : memref<2x64x129xf32, #tpu.memory_space<vmem>> -> memref<1x64x129xf32, #tpu.memory_space<vmem>>
        %scatter3A_1468 = tpu.memref_squeeze %scatter3A_1467 : memref<1x64x129xf32, #tpu.memory_space<vmem>> -> memref<64x129xf32, #tpu.memory_space<vmem>>
        tpu.vector_store_idx %scatter3A_1468[%add3A_16, %add3A_1438], %get3A_1463 : memref<64x129xf32, #tpu.memory_space<vmem>>[vector<16xi32>, vector<16xi32>], vector<16xf32>,
        %get3A_1469 = arith.constant 0 : i32
        %get3A_1470 = arith.index_cast %get3A_1469 : i32 to index
        %get3A_1471 = arith.index_cast %add3A_1434 : i32 to index
        %get3A_1472 = arith.constant 48 : index
        %get3A_1473 = tpu.vector_load %arg7[%get3A_1470, %get3A_1471, %get3A_1472] {strides = array<i32>} : memref<2x128x64xf32, #tpu.memory_space<vmem>>, vector<16xf32>,
        %scatter3A_1474 = arith.constant 0 : i32
        %scatter3A_1475 = arith.constant 0 : i32
        %scatter3A_1476 = arith.constant 0 : i32
        %scatter3A_1477 = tpu.memref_slice %arg8[%scatter3A_1474, %scatter3A_1475, %scatter3A_1476] : memref<2x64x129xf32, #tpu.memory_space<vmem>> -> memref<1x64x129xf32, #tpu.memory_space<vmem>>
        %scatter3A_1478 = tpu.memref_squeeze %scatter3A_1477 : memref<1x64x129xf32, #tpu.memory_space<vmem>> -> memref<64x129xf32, #tpu.memory_space<vmem>>
        tpu.vector_store_idx %scatter3A_1478[%add3A_19, %add3A_1438], %get3A_1473 : memref<64x129xf32, #tpu.memory_space<vmem>>[vector<16xi32>, vector<16xi32>], vector<16xf32>,
      }
      %scan3A_145 = arith.constant 16 : i32
      %add3A_146 = arith.constant 2 : i32
      %add3A_147 = arith.addi %add3A_101, %add3A_146 : i32
      %lt3A = arith.constant 104 : i32
      %lt3A_148 = arith.cmpi slt, %add3A_147, %lt3A : i32
      %convert_element_type3A_149 = arith.extui %lt3A_148 : i1 to i32
      %cond3A_150 = arith.constant 0 : i32
      %cond3A_151 = arith.cmpi ne, %convert_element_type3A_149, %cond3A_150 : i32
      scf.if %cond3A_151 {
        %add3A_1097 = arith.constant 2 : i32
        %add3A_1098 = arith.addi %add3A_101, %add3A_1097 : i32
        %jit3A_1099 = arith.constant 4 : i32
        %div3A_1100 = arith.divsi %add3A_1098, %jit3A_1099 : i32
        %sign3A_1101 = arith.constant 0 : i32
        %sign3A_1102 = arith.cmpi sgt, %add3A_1098, %sign3A_1101 : i32
        %sign3A_1103 = arith.extui %sign3A_1102 : i1 to i32
        %sign3A_1104 = arith.constant 0 : i32
        %sign3A_1105 = arith.cmpi slt, %add3A_1098, %sign3A_1104 : i32
        %sign3A_1106 = arith.extui %sign3A_1105 : i1 to i32
        %sign3A_1107 = arith.subi %sign3A_1103, %sign3A_1106 : i32
        %sign3A_1108 = arith.constant 0 : i32
        %sign3A_1109 = arith.cmpi sgt, %jit3A_1099, %sign3A_1108 : i32
        %sign3A_1110 = arith.extui %sign3A_1109 : i1 to i32
        %sign3A_1111 = arith.constant 0 : i32
        %sign3A_1112 = arith.cmpi slt, %jit3A_1099, %sign3A_1111 : i32
        %sign3A_1113 = arith.extui %sign3A_1112 : i1 to i32
        %sign3A_1114 = arith.subi %sign3A_1110, %sign3A_1113 : i32
        %ne3A_1115 = arith.cmpi ne, %sign3A_1107, %sign3A_1114 : i32
        %rem3A_1116 = arith.remsi %add3A_1098, %jit3A_1099 : i32
        %ne3A_1117 = arith.constant 0 : i32
        %ne3A_1118 = arith.cmpi ne, %rem3A_1116, %ne3A_1117 : i32
        %and3A_1119 = arith.andi %ne3A_1115, %ne3A_1118 : i1
        %sub3A_1120 = arith.constant 1 : i32
        %sub3A_1121 = arith.subi %div3A_1100, %sub3A_1120 : i32
        %select_n3A_1122 = arith.select %and3A_1119, %sub3A_1121, %div3A_1100 : i32
        %rem3A_1123 = arith.constant 4 : i32
        %rem3A_1124 = arith.remsi %add3A_1098, %rem3A_1123 : i32
        %mul3A_1125 = arith.constant 512 : i32
        %mul3A_1126 = arith.muli %select_n3A_1122, %mul3A_1125 : i32
        %mul3A_1127 = arith.constant 128 : i32
        %mul3A_1128 = arith.muli %rem3A_1124, %mul3A_1127 : i32
        %add3A_1129 = arith.addi %mul3A_1126, %mul3A_1128 : i32
        %dma_start3A_1130 = arith.constant 0 : i32
        %dma_start3A_1131 = arith.constant 0 : i32
        %dma_start3A_1132 = arith.constant 0 : i32
        %dma_start3A_1133 = arith.constant 0 : i32
        %dma_start3A_1134 = tpu.memref_slice %arg7[%dma_start3A_1130, %dma_start3A_1132, %dma_start3A_1133] : memref<2x128x64xf32, #tpu.memory_space<vmem>> -> memref<1x128x64xf32, #tpu.memory_space<vmem>>
        %dma_start3A_1135 = tpu.memref_squeeze %dma_start3A_1134 : memref<1x128x64xf32, #tpu.memory_space<vmem>> -> memref<128x64xf32, #tpu.memory_space<vmem>>
        %dma_start3A_1136 = tpu.memref_slice %arg6[%add3A_1129] : memref<13312xi32, #tpu.memory_space<vmem>> -> memref<128xi32, #tpu.memory_space<vmem>>
        %dma_start3A_1137 = arith.constant 0 : i32
        %dma_start3A_1138 = arith.constant 0 : i32
        %dma_start3A_1139 = tpu.memref_slice %arg3[%dma_start3A_1137, %dma_start3A_1138] : memref<1000000x64xf32, #tpu.memory_space<hbm>> -> memref<1000000x64xf32, #tpu.memory_space<hbm>>
        %dma_start3A_1140 = tpu.memref_slice %arg9[%dma_start3A_1131] : memref<2x!tpu.dma_semaphore, #tpu.memory_space<semaphore_mem>> -> memref<1x!tpu.dma_semaphore, #tpu.memory_space<semaphore_mem>>
        %dma_start3A_1141 = tpu.memref_squeeze %dma_start3A_1140 : memref<1x!tpu.dma_semaphore, #tpu.memory_space<semaphore_mem>> -> memref<!tpu.dma_semaphore, #tpu.memory_space<semaphore_mem>>
        tpu.enqueue_indirect_dma source(%dma_start3A_1139 : memref<1000000x64xf32, #tpu.memory_space<hbm>>) target(%dma_start3A_1135 : memref<128x64xf32, #tpu.memory_space<vmem>>) offsets(%dma_start3A_1136 : memref<128xi32, #tpu.memory_space<vmem>>) semaphore(%dma_start3A_1141 : memref<!tpu.dma_semaphore, #tpu.memory_space<semaphore_mem>>)
      } else {
      }
      %jit3A_152 = arith.constant 4 : i32
      %div3A_153 = arith.divsi %add3A_101, %jit3A_152 : i32
      %sign3A_154 = arith.constant 0 : i32
      %sign3A_155 = arith.cmpi sgt, %add3A_101, %sign3A_154 : i32
      %sign3A_156 = arith.extui %sign3A_155 : i1 to i32
      %sign3A_157 = arith.constant 0 : i32
      %sign3A_158 = arith.cmpi slt, %add3A_101, %sign3A_157 : i32
      %sign3A_159 = arith.extui %sign3A_158 : i1 to i32
      %sign3A_160 = arith.subi %sign3A_156, %sign3A_159 : i32
      %sign3A_161 = arith.constant 0 : i32
      %sign3A_162 = arith.cmpi sgt, %jit3A_152, %sign3A_161 : i32
      %sign3A_163 = arith.extui %sign3A_162 : i1 to i32
      %sign3A_164 = arith.constant 0 : i32
      %sign3A_165 = arith.cmpi slt, %jit3A_152, %sign3A_164 : i32
      %sign3A_166 = arith.extui %sign3A_165 : i1 to i32
      %sign3A_167 = arith.subi %sign3A_163, %sign3A_166 : i32
      %ne3A_168 = arith.cmpi ne, %sign3A_160, %sign3A_167 : i32
      %rem3A_169 = arith.remsi %add3A_101, %jit3A_152 : i32
      %ne3A_170 = arith.constant 0 : i32
      %ne3A_171 = arith.cmpi ne, %rem3A_169, %ne3A_170 : i32
      %and3A_172 = arith.andi %ne3A_168, %ne3A_171 : i1
      %sub3A_173 = arith.constant 1 : i32
      %sub3A_174 = arith.subi %div3A_153, %sub3A_173 : i32
      %select_n3A_175 = arith.select %and3A_172, %sub3A_174, %div3A_153 : i32
      %rem3A_176 = arith.constant 4 : i32
      %rem3A_177 = arith.remsi %add3A_101, %rem3A_176 : i32
      %mul3A_178 = arith.constant 512 : i32
      %mul3A_179 = arith.muli %select_n3A_175, %mul3A_178 : i32
      %mul3A_180 = arith.constant 128 : i32
      %mul3A_181 = arith.muli %rem3A_177, %mul3A_180 : i32
      %add3A_182 = arith.addi %mul3A_179, %mul3A_181 : i32
      %mul3A_183 = arith.constant 4 : i32
      %mul3A_184 = arith.muli %add3A, %mul3A_183 : i32
      %add3A_185 = arith.addi %mul3A_184, %rem3A_177 : i32
      %dma_start3A_186 = arith.constant 0 : i32
      %dma_start3A_187 = arith.constant 0 : i32
      %dma_start3A_188 = arith.constant 0 : i32
      %dma_start3A_189 = arith.constant 0 : i32
      %dma_start3A_190 = arith.constant 0 : i32
      %dma_start3A_191 = tpu.memref_slice %arg8[%dma_start3A_186, %dma_start3A_189, %dma_start3A_190] : memref<2x64x129xf32, #tpu.memory_space<vmem>> -> memref<1x8x128xf32, #tpu.memory_space<vmem>>
      %dma_start3A_192 = tpu.memref_squeeze %dma_start3A_191 : memref<1x8x128xf32, #tpu.memory_space<vmem>> -> memref<8x128xf32, #tpu.memory_space<vmem>>
      %dma_start3A_193 = arith.constant 0 : i32
      %dma_start3A_194 = arith.constant 0 : i32
      %dma_start3A_195 = tpu.memref_slice %arg4[%select_n3A_175, %dma_start3A_187, %add3A_185, %dma_start3A_193, %dma_start3A_194] : memref<26x8x128x8x128xf32, #tpu.memory_space<hbm>> -> memref<1x1x1x8x128xf32, #tpu.memory_space<hbm>>
      %dma_start3A_196 = tpu.memref_squeeze %dma_start3A_195 : memref<1x1x1x8x128xf32, #tpu.memory_space<hbm>> -> memref<8x128xf32, #tpu.memory_space<hbm>>
      %dma_start3A_197 = tpu.memref_slice %arg10[%dma_start3A_188] : memref<2x!tpu.dma_semaphore, #tpu.memory_space<semaphore_mem>> -> memref<1x!tpu.dma_semaphore, #tpu.memory_space<semaphore_mem>>
      %dma_start3A_198 = tpu.memref_squeeze %dma_start3A_197 : memref<1x!tpu.dma_semaphore, #tpu.memory_space<semaphore_mem>> -> memref<!tpu.dma_semaphore, #tpu.memory_space<semaphore_mem>>
      %dma_start3A_199 = arith.constant 0 : i32
      %dma_start3A_200 = arith.constant 0 : i32
      %dma_start3A_201 = tpu.memref_slice %arg4[%select_n3A_175, %dma_start3A_187, %add3A_185, %dma_start3A_199, %dma_start3A_200] : memref<26x8x128x8x128xf32, #tpu.memory_space<hbm>> -> memref<1x1x1x8x128xf32, #tpu.memory_space<hbm>>
      %dma_start3A_202 = tpu.memref_squeeze %dma_start3A_201 : memref<1x1x1x8x128xf32, #tpu.memory_space<hbm>> -> memref<8x128xf32, #tpu.memory_space<hbm>>
      %dma_start3A_203 = arith.constant 0 : i32
      %dma_start3A_204 = arith.constant 0 : i32
      %dma_start3A_205 = tpu.memref_slice %arg8[%dma_start3A_186, %dma_start3A_203, %dma_start3A_204] : memref<2x64x129xf32, #tpu.memory_space<vmem>> -> memref<1x8x128xf32, #tpu.memory_space<vmem>>
      %dma_start3A_206 = tpu.memref_squeeze %dma_start3A_205 : memref<1x8x128xf32, #tpu.memory_space<vmem>> -> memref<8x128xf32, #tpu.memory_space<vmem>>
      tpu.enqueue_dma source(%dma_start3A_206 : memref<8x128xf32, #tpu.memory_space<vmem>>) target(%dma_start3A_202 : memref<8x128xf32, #tpu.memory_space<hbm>>) target_semaphore(%dma_start3A_198 : memref<!tpu.dma_semaphore, #tpu.memory_space<semaphore_mem>>)
      %jit3A_207 = arith.constant 4 : i32
      %div3A_208 = arith.divsi %add3A_101, %jit3A_207 : i32
      %sign3A_209 = arith.constant 0 : i32
      %sign3A_210 = arith.cmpi sgt, %add3A_101, %sign3A_209 : i32
      %sign3A_211 = arith.extui %sign3A_210 : i1 to i32
      %sign3A_212 = arith.constant 0 : i32
      %sign3A_213 = arith.cmpi slt, %add3A_101, %sign3A_212 : i32
      %sign3A_214 = arith.extui %sign3A_213 : i1 to i32
      %sign3A_215 = arith.subi %sign3A_211, %sign3A_214 : i32
      %sign3A_216 = arith.constant 0 : i32
      %sign3A_217 = arith.cmpi sgt, %jit3A_207, %sign3A_216 : i32
      %sign3A_218 = arith.extui %sign3A_217 : i1 to i32
      %sign3A_219 = arith.constant 0 : i32
      %sign3A_220 = arith.cmpi slt, %jit3A_207, %sign3A_219 : i32
      %sign3A_221 = arith.extui %sign3A_220 : i1 to i32
      %sign3A_222 = arith.subi %sign3A_218, %sign3A_221 : i32
      %ne3A_223 = arith.cmpi ne, %sign3A_215, %sign3A_222 : i32
      %rem3A_224 = arith.remsi %add3A_101, %jit3A_207 : i32
      %ne3A_225 = arith.constant 0 : i32
      %ne3A_226 = arith.cmpi ne, %rem3A_224, %ne3A_225 : i32
      %and3A_227 = arith.andi %ne3A_223, %ne3A_226 : i1
      %sub3A_228 = arith.constant 1 : i32
      %sub3A_229 = arith.subi %div3A_208, %sub3A_228 : i32
      %select_n3A_230 = arith.select %and3A_227, %sub3A_229, %div3A_208 : i32
      %rem3A_231 = arith.constant 4 : i32
      %rem3A_232 = arith.remsi %add3A_101, %rem3A_231 : i32
      %mul3A_233 = arith.constant 512 : i32
      %mul3A_234 = arith.muli %select_n3A_230, %mul3A_233 : i32
      %mul3A_235 = arith.constant 128 : i32
      %mul3A_236 = arith.muli %rem3A_232, %mul3A_235 : i32
      %add3A_237 = arith.addi %mul3A_234, %mul3A_236 : i32
      %mul3A_238 = arith.constant 4 : i32
      %mul3A_239 = arith.muli %add3A, %mul3A_238 : i32
      %add3A_240 = arith.addi %mul3A_239, %rem3A_232 : i32
      %dma_start3A_241 = arith.constant 0 : i32
      %dma_start3A_242 = arith.constant 1 : i32
      %dma_start3A_243 = arith.constant 0 : i32
      %dma_start3A_244 = arith.constant 8 : i32
      %dma_start3A_245 = arith.constant 0 : i32
      %dma_start3A_246 = tpu.memref_slice %arg8[%dma_start3A_241, %dma_start3A_244, %dma_start3A_245] : memref<2x64x129xf32, #tpu.memory_space<vmem>> -> memref<1x8x128xf32, #tpu.memory_space<vmem>>
      %dma_start3A_247 = tpu.memref_squeeze %dma_start3A_246 : memref<1x8x128xf32, #tpu.memory_space<vmem>> -> memref<8x128xf32, #tpu.memory_space<vmem>>
      %dma_start3A_248 = arith.constant 0 : i32
      %dma_start3A_249 = arith.constant 0 : i32
      %dma_start3A_250 = tpu.memref_slice %arg4[%select_n3A_230, %dma_start3A_242, %add3A_240, %dma_start3A_248, %dma_start3A_249] : memref<26x8x128x8x128xf32, #tpu.memory_space<hbm>> -> memref<1x1x1x8x128xf32, #tpu.memory_space<hbm>>
      %dma_start3A_251 = tpu.memref_squeeze %dma_start3A_250 : memref<1x1x1x8x128xf32, #tpu.memory_space<hbm>> -> memref<8x128xf32, #tpu.memory_space<hbm>>
      %dma_start3A_252 = tpu.memref_slice %arg10[%dma_start3A_243] : memref<2x!tpu.dma_semaphore, #tpu.memory_space<semaphore_mem>> -> memref<1x!tpu.dma_semaphore, #tpu.memory_space<semaphore_mem>>
      %dma_start3A_253 = tpu.memref_squeeze %dma_start3A_252 : memref<1x!tpu.dma_semaphore, #tpu.memory_space<semaphore_mem>> -> memref<!tpu.dma_semaphore, #tpu.memory_space<semaphore_mem>>
      %dma_start3A_254 = arith.constant 0 : i32
      %dma_start3A_255 = arith.constant 0 : i32
      %dma_start3A_256 = tpu.memref_slice %arg4[%select_n3A_230, %dma_start3A_242, %add3A_240, %dma_start3A_254, %dma_start3A_255] : memref<26x8x128x8x128xf32, #tpu.memory_space<hbm>> -> memref<1x1x1x8x128xf32, #tpu.memory_space<hbm>>
      %dma_start3A_257 = tpu.memref_squeeze %dma_start3A_256 : memref<1x1x1x8x128xf32, #tpu.memory_space<hbm>> -> memref<8x128xf32, #tpu.memory_space<hbm>>
      %dma_start3A_258 = arith.constant 8 : i32
      %dma_start3A_259 = arith.constant 0 : i32
      %dma_start3A_260 = tpu.memref_slice %arg8[%dma_start3A_241, %dma_start3A_258, %dma_start3A_259] : memref<2x64x129xf32, #tpu.memory_space<vmem>> -> memref<1x8x128xf32, #tpu.memory_space<vmem>>
      %dma_start3A_261 = tpu.memref_squeeze %dma_start3A_260 : memref<1x8x128xf32, #tpu.memory_space<vmem>> -> memref<8x128xf32, #tpu.memory_space<vmem>>
      tpu.enqueue_dma source(%dma_start3A_261 : memref<8x128xf32, #tpu.memory_space<vmem>>) target(%dma_start3A_257 : memref<8x128xf32, #tpu.memory_space<hbm>>) target_semaphore(%dma_start3A_253 : memref<!tpu.dma_semaphore, #tpu.memory_space<semaphore_mem>>)
      %jit3A_262 = arith.constant 4 : i32
      %div3A_263 = arith.divsi %add3A_101, %jit3A_262 : i32
      %sign3A_264 = arith.constant 0 : i32
      %sign3A_265 = arith.cmpi sgt, %add3A_101, %sign3A_264 : i32
      %sign3A_266 = arith.extui %sign3A_265 : i1 to i32
      %sign3A_267 = arith.constant 0 : i32
      %sign3A_268 = arith.cmpi slt, %add3A_101, %sign3A_267 : i32
      %sign3A_269 = arith.extui %sign3A_268 : i1 to i32
      %sign3A_270 = arith.subi %sign3A_266, %sign3A_269 : i32
      %sign3A_271 = arith.constant 0 : i32
      %sign3A_272 = arith.cmpi sgt, %jit3A_262, %sign3A_271 : i32
      %sign3A_273 = arith.extui %sign3A_272 : i1 to i32
      %sign3A_274 = arith.constant 0 : i32
      %sign3A_275 = arith.cmpi slt, %jit3A_262, %sign3A_274 : i32
      %sign3A_276 = arith.extui %sign3A_275 : i1 to i32
      %sign3A_277 = arith.subi %sign3A_273, %sign3A_276 : i32
      %ne3A_278 = arith.cmpi ne, %sign3A_270, %sign3A_277 : i32
      %rem3A_279 = arith.remsi %add3A_101, %jit3A_262 : i32
      %ne3A_280 = arith.constant 0 : i32
      %ne3A_281 = arith.cmpi ne, %rem3A_279, %ne3A_280 : i32
      %and3A_282 = arith.andi %ne3A_278, %ne3A_281 : i1
      %sub3A_283 = arith.constant 1 : i32
      %sub3A_284 = arith.subi %div3A_263, %sub3A_283 : i32
      %select_n3A_285 = arith.select %and3A_282, %sub3A_284, %div3A_263 : i32
      %rem3A_286 = arith.constant 4 : i32
      %rem3A_287 = arith.remsi %add3A_101, %rem3A_286 : i32
      %mul3A_288 = arith.constant 512 : i32
      %mul3A_289 = arith.muli %select_n3A_285, %mul3A_288 : i32
      %mul3A_290 = arith.constant 128 : i32
      %mul3A_291 = arith.muli %rem3A_287, %mul3A_290 : i32
      %add3A_292 = arith.addi %mul3A_289, %mul3A_291 : i32
      %mul3A_293 = arith.constant 4 : i32
      %mul3A_294 = arith.muli %add3A, %mul3A_293 : i32
      %add3A_295 = arith.addi %mul3A_294, %rem3A_287 : i32
      %dma_start3A_296 = arith.constant 0 : i32
      %dma_start3A_297 = arith.constant 2 : i32
      %dma_start3A_298 = arith.constant 0 : i32
      %dma_start3A_299 = arith.constant 16 : i32
      %dma_start3A_300 = arith.constant 0 : i32
      %dma_start3A_301 = tpu.memref_slice %arg8[%dma_start3A_296, %dma_start3A_299, %dma_start3A_300] : memref<2x64x129xf32, #tpu.memory_space<vmem>> -> memref<1x8x128xf32, #tpu.memory_space<vmem>>
      %dma_start3A_302 = tpu.memref_squeeze %dma_start3A_301 : memref<1x8x128xf32, #tpu.memory_space<vmem>> -> memref<8x128xf32, #tpu.memory_space<vmem>>
      %dma_start3A_303 = arith.constant 0 : i32
      %dma_start3A_304 = arith.constant 0 : i32
      %dma_start3A_305 = tpu.memref_slice %arg4[%select_n3A_285, %dma_start3A_297, %add3A_295, %dma_start3A_303, %dma_start3A_304] : memref<26x8x128x8x128xf32, #tpu.memory_space<hbm>> -> memref<1x1x1x8x128xf32, #tpu.memory_space<hbm>>
      %dma_start3A_306 = tpu.memref_squeeze %dma_start3A_305 : memref<1x1x1x8x128xf32, #tpu.memory_space<hbm>> -> memref<8x128xf32, #tpu.memory_space<hbm>>
      %dma_start3A_307 = tpu.memref_slice %arg10[%dma_start3A_298] : memref<2x!tpu.dma_semaphore, #tpu.memory_space<semaphore_mem>> -> memref<1x!tpu.dma_semaphore, #tpu.memory_space<semaphore_mem>>
      %dma_start3A_308 = tpu.memref_squeeze %dma_start3A_307 : memref<1x!tpu.dma_semaphore, #tpu.memory_space<semaphore_mem>> -> memref<!tpu.dma_semaphore, #tpu.memory_space<semaphore_mem>>
      %dma_start3A_309 = arith.constant 0 : i32
      %dma_start3A_310 = arith.constant 0 : i32
      %dma_start3A_311 = tpu.memref_slice %arg4[%select_n3A_285, %dma_start3A_297, %add3A_295, %dma_start3A_309, %dma_start3A_310] : memref<26x8x128x8x128xf32, #tpu.memory_space<hbm>> -> memref<1x1x1x8x128xf32, #tpu.memory_space<hbm>>
      %dma_start3A_312 = tpu.memref_squeeze %dma_start3A_311 : memref<1x1x1x8x128xf32, #tpu.memory_space<hbm>> -> memref<8x128xf32, #tpu.memory_space<hbm>>
      %dma_start3A_313 = arith.constant 16 : i32
      %dma_start3A_314 = arith.constant 0 : i32
      %dma_start3A_315 = tpu.memref_slice %arg8[%dma_start3A_296, %dma_start3A_313, %dma_start3A_314] : memref<2x64x129xf32, #tpu.memory_space<vmem>> -> memref<1x8x128xf32, #tpu.memory_space<vmem>>
      %dma_start3A_316 = tpu.memref_squeeze %dma_start3A_315 : memref<1x8x128xf32, #tpu.memory_space<vmem>> -> memref<8x128xf32, #tpu.memory_space<vmem>>
      tpu.enqueue_dma source(%dma_start3A_316 : memref<8x128xf32, #tpu.memory_space<vmem>>) target(%dma_start3A_312 : memref<8x128xf32, #tpu.memory_space<hbm>>) target_semaphore(%dma_start3A_308 : memref<!tpu.dma_semaphore, #tpu.memory_space<semaphore_mem>>)
      %jit3A_317 = arith.constant 4 : i32
      %div3A_318 = arith.divsi %add3A_101, %jit3A_317 : i32
      %sign3A_319 = arith.constant 0 : i32
      %sign3A_320 = arith.cmpi sgt, %add3A_101, %sign3A_319 : i32
      %sign3A_321 = arith.extui %sign3A_320 : i1 to i32
      %sign3A_322 = arith.constant 0 : i32
      %sign3A_323 = arith.cmpi slt, %add3A_101, %sign3A_322 : i32
      %sign3A_324 = arith.extui %sign3A_323 : i1 to i32
      %sign3A_325 = arith.subi %sign3A_321, %sign3A_324 : i32
      %sign3A_326 = arith.constant 0 : i32
      %sign3A_327 = arith.cmpi sgt, %jit3A_317, %sign3A_326 : i32
      %sign3A_328 = arith.extui %sign3A_327 : i1 to i32
      %sign3A_329 = arith.constant 0 : i32
      %sign3A_330 = arith.cmpi slt, %jit3A_317, %sign3A_329 : i32
      %sign3A_331 = arith.extui %sign3A_330 : i1 to i32
      %sign3A_332 = arith.subi %sign3A_328, %sign3A_331 : i32
      %ne3A_333 = arith.cmpi ne, %sign3A_325, %sign3A_332 : i32
      %rem3A_334 = arith.remsi %add3A_101, %jit3A_317 : i32
      %ne3A_335 = arith.constant 0 : i32
      %ne3A_336 = arith.cmpi ne, %rem3A_334, %ne3A_335 : i32
      %and3A_337 = arith.andi %ne3A_333, %ne3A_336 : i1
      %sub3A_338 = arith.constant 1 : i32
      %sub3A_339 = arith.subi %div3A_318, %sub3A_338 : i32
      %select_n3A_340 = arith.select %and3A_337, %sub3A_339, %div3A_318 : i32
      %rem3A_341 = arith.constant 4 : i32
      %rem3A_342 = arith.remsi %add3A_101, %rem3A_341 : i32
      %mul3A_343 = arith.constant 512 : i32
      %mul3A_344 = arith.muli %select_n3A_340, %mul3A_343 : i32
      %mul3A_345 = arith.constant 128 : i32
      %mul3A_346 = arith.muli %rem3A_342, %mul3A_345 : i32
      %add3A_347 = arith.addi %mul3A_344, %mul3A_346 : i32
      %mul3A_348 = arith.constant 4 : i32
      %mul3A_349 = arith.muli %add3A, %mul3A_348 : i32
      %add3A_350 = arith.addi %mul3A_349, %rem3A_342 : i32
      %dma_start3A_351 = arith.constant 0 : i32
      %dma_start3A_352 = arith.constant 3 : i32
      %dma_start3A_353 = arith.constant 0 : i32
      %dma_start3A_354 = arith.constant 24 : i32
      %dma_start3A_355 = arith.constant 0 : i32
      %dma_start3A_356 = tpu.memref_slice %arg8[%dma_start3A_351, %dma_start3A_354, %dma_start3A_355] : memref<2x64x129xf32, #tpu.memory_space<vmem>> -> memref<1x8x128xf32, #tpu.memory_space<vmem>>
      %dma_start3A_357 = tpu.memref_squeeze %dma_start3A_356 : memref<1x8x128xf32, #tpu.memory_space<vmem>> -> memref<8x128xf32, #tpu.memory_space<vmem>>
      %dma_start3A_358 = arith.constant 0 : i32
      %dma_start3A_359 = arith.constant 0 : i32
      %dma_start3A_360 = tpu.memref_slice %arg4[%select_n3A_340, %dma_start3A_352, %add3A_350, %dma_start3A_358, %dma_start3A_359] : memref<26x8x128x8x128xf32, #tpu.memory_space<hbm>> -> memref<1x1x1x8x128xf32, #tpu.memory_space<hbm>>
      %dma_start3A_361 = tpu.memref_squeeze %dma_start3A_360 : memref<1x1x1x8x128xf32, #tpu.memory_space<hbm>> -> memref<8x128xf32, #tpu.memory_space<hbm>>
      %dma_start3A_362 = tpu.memref_slice %arg10[%dma_start3A_353] : memref<2x!tpu.dma_semaphore, #tpu.memory_space<semaphore_mem>> -> memref<1x!tpu.dma_semaphore, #tpu.memory_space<semaphore_mem>>
      %dma_start3A_363 = tpu.memref_squeeze %dma_start3A_362 : memref<1x!tpu.dma_semaphore, #tpu.memory_space<semaphore_mem>> -> memref<!tpu.dma_semaphore, #tpu.memory_space<semaphore_mem>>
      %dma_start3A_364 = arith.constant 0 : i32
      %dma_start3A_365 = arith.constant 0 : i32
      %dma_start3A_366 = tpu.memref_slice %arg4[%select_n3A_340, %dma_start3A_352, %add3A_350, %dma_start3A_364, %dma_start3A_365] : memref<26x8x128x8x128xf32, #tpu.memory_space<hbm>> -> memref<1x1x1x8x128xf32, #tpu.memory_space<hbm>>
      %dma_start3A_367 = tpu.memref_squeeze %dma_start3A_366 : memref<1x1x1x8x128xf32, #tpu.memory_space<hbm>> -> memref<8x128xf32, #tpu.memory_space<hbm>>
      %dma_start3A_368 = arith.constant 24 : i32
      %dma_start3A_369 = arith.constant 0 : i32
      %dma_start3A_370 = tpu.memref_slice %arg8[%dma_start3A_351, %dma_start3A_368, %dma_start3A_369] : memref<2x64x129xf32, #tpu.memory_space<vmem>> -> memref<1x8x128xf32, #tpu.memory_space<vmem>>
      %dma_start3A_371 = tpu.memref_squeeze %dma_start3A_370 : memref<1x8x128xf32, #tpu.memory_space<vmem>> -> memref<8x128xf32, #tpu.memory_space<vmem>>
      tpu.enqueue_dma source(%dma_start3A_371 : memref<8x128xf32, #tpu.memory_space<vmem>>) target(%dma_start3A_367 : memref<8x128xf32, #tpu.memory_space<hbm>>) target_semaphore(%dma_start3A_363 : memref<!tpu.dma_semaphore, #tpu.memory_space<semaphore_mem>>)
      %jit3A_372 = arith.constant 4 : i32
      %div3A_373 = arith.divsi %add3A_101, %jit3A_372 : i32
      %sign3A_374 = arith.constant 0 : i32
      %sign3A_375 = arith.cmpi sgt, %add3A_101, %sign3A_374 : i32
      %sign3A_376 = arith.extui %sign3A_375 : i1 to i32
      %sign3A_377 = arith.constant 0 : i32
      %sign3A_378 = arith.cmpi slt, %add3A_101, %sign3A_377 : i32
      %sign3A_379 = arith.extui %sign3A_378 : i1 to i32
      %sign3A_380 = arith.subi %sign3A_376, %sign3A_379 : i32
      %sign3A_381 = arith.constant 0 : i32
      %sign3A_382 = arith.cmpi sgt, %jit3A_372, %sign3A_381 : i32
      %sign3A_383 = arith.extui %sign3A_382 : i1 to i32
      %sign3A_384 = arith.constant 0 : i32
      %sign3A_385 = arith.cmpi slt, %jit3A_372, %sign3A_384 : i32
      %sign3A_386 = arith.extui %sign3A_385 : i1 to i32
      %sign3A_387 = arith.subi %sign3A_383, %sign3A_386 : i32
      %ne3A_388 = arith.cmpi ne, %sign3A_380, %sign3A_387 : i32
      %rem3A_389 = arith.remsi %add3A_101, %jit3A_372 : i32
      %ne3A_390 = arith.constant 0 : i32
      %ne3A_391 = arith.cmpi ne, %rem3A_389, %ne3A_390 : i32
      %and3A_392 = arith.andi %ne3A_388, %ne3A_391 : i1
      %sub3A_393 = arith.constant 1 : i32
      %sub3A_394 = arith.subi %div3A_373, %sub3A_393 : i32
      %select_n3A_395 = arith.select %and3A_392, %sub3A_394, %div3A_373 : i32
      %rem3A_396 = arith.constant 4 : i32
      %rem3A_397 = arith.remsi %add3A_101, %rem3A_396 : i32
      %mul3A_398 = arith.constant 512 : i32
      %mul3A_399 = arith.muli %select_n3A_395, %mul3A_398 : i32
      %mul3A_400 = arith.constant 128 : i32
      %mul3A_401 = arith.muli %rem3A_397, %mul3A_400 : i32
      %add3A_402 = arith.addi %mul3A_399, %mul3A_401 : i32
      %mul3A_403 = arith.constant 4 : i32
      %mul3A_404 = arith.muli %add3A, %mul3A_403 : i32
      %add3A_405 = arith.addi %mul3A_404, %rem3A_397 : i32
      %dma_start3A_406 = arith.constant 0 : i32
      %dma_start3A_407 = arith.constant 4 : i32
      %dma_start3A_408 = arith.constant 0 : i32
      %dma_start3A_409 = arith.constant 32 : i32
      %dma_start3A_410 = arith.constant 0 : i32
      %dma_start3A_411 = tpu.memref_slice %arg8[%dma_start3A_406, %dma_start3A_409, %dma_start3A_410] : memref<2x64x129xf32, #tpu.memory_space<vmem>> -> memref<1x8x128xf32, #tpu.memory_space<vmem>>
      %dma_start3A_412 = tpu.memref_squeeze %dma_start3A_411 : memref<1x8x128xf32, #tpu.memory_space<vmem>> -> memref<8x128xf32, #tpu.memory_space<vmem>>
      %dma_start3A_413 = arith.constant 0 : i32
      %dma_start3A_414 = arith.constant 0 : i32
      %dma_start3A_415 = tpu.memref_slice %arg4[%select_n3A_395, %dma_start3A_407, %add3A_405, %dma_start3A_413, %dma_start3A_414] : memref<26x8x128x8x128xf32, #tpu.memory_space<hbm>> -> memref<1x1x1x8x128xf32, #tpu.memory_space<hbm>>
      %dma_start3A_416 = tpu.memref_squeeze %dma_start3A_415 : memref<1x1x1x8x128xf32, #tpu.memory_space<hbm>> -> memref<8x128xf32, #tpu.memory_space<hbm>>
      %dma_start3A_417 = tpu.memref_slice %arg10[%dma_start3A_408] : memref<2x!tpu.dma_semaphore, #tpu.memory_space<semaphore_mem>> -> memref<1x!tpu.dma_semaphore, #tpu.memory_space<semaphore_mem>>
      %dma_start3A_418 = tpu.memref_squeeze %dma_start3A_417 : memref<1x!tpu.dma_semaphore, #tpu.memory_space<semaphore_mem>> -> memref<!tpu.dma_semaphore, #tpu.memory_space<semaphore_mem>>
      %dma_start3A_419 = arith.constant 0 : i32
      %dma_start3A_420 = arith.constant 0 : i32
      %dma_start3A_421 = tpu.memref_slice %arg4[%select_n3A_395, %dma_start3A_407, %add3A_405, %dma_start3A_419, %dma_start3A_420] : memref<26x8x128x8x128xf32, #tpu.memory_space<hbm>> -> memref<1x1x1x8x128xf32, #tpu.memory_space<hbm>>
      %dma_start3A_422 = tpu.memref_squeeze %dma_start3A_421 : memref<1x1x1x8x128xf32, #tpu.memory_space<hbm>> -> memref<8x128xf32, #tpu.memory_space<hbm>>
      %dma_start3A_423 = arith.constant 32 : i32
      %dma_start3A_424 = arith.constant 0 : i32
      %dma_start3A_425 = tpu.memref_slice %arg8[%dma_start3A_406, %dma_start3A_423, %dma_start3A_424] : memref<2x64x129xf32, #tpu.memory_space<vmem>> -> memref<1x8x128xf32, #tpu.memory_space<vmem>>
      %dma_start3A_426 = tpu.memref_squeeze %dma_start3A_425 : memref<1x8x128xf32, #tpu.memory_space<vmem>> -> memref<8x128xf32, #tpu.memory_space<vmem>>
      tpu.enqueue_dma source(%dma_start3A_426 : memref<8x128xf32, #tpu.memory_space<vmem>>) target(%dma_start3A_422 : memref<8x128xf32, #tpu.memory_space<hbm>>) target_semaphore(%dma_start3A_418 : memref<!tpu.dma_semaphore, #tpu.memory_space<semaphore_mem>>)
      %jit3A_427 = arith.constant 4 : i32
      %div3A_428 = arith.divsi %add3A_101, %jit3A_427 : i32
      %sign3A_429 = arith.constant 0 : i32
      %sign3A_430 = arith.cmpi sgt, %add3A_101, %sign3A_429 : i32
      %sign3A_431 = arith.extui %sign3A_430 : i1 to i32
      %sign3A_432 = arith.constant 0 : i32
      %sign3A_433 = arith.cmpi slt, %add3A_101, %sign3A_432 : i32
      %sign3A_434 = arith.extui %sign3A_433 : i1 to i32
      %sign3A_435 = arith.subi %sign3A_431, %sign3A_434 : i32
      %sign3A_436 = arith.constant 0 : i32
      %sign3A_437 = arith.cmpi sgt, %jit3A_427, %sign3A_436 : i32
      %sign3A_438 = arith.extui %sign3A_437 : i1 to i32
      %sign3A_439 = arith.constant 0 : i32
      %sign3A_440 = arith.cmpi slt, %jit3A_427, %sign3A_439 : i32
      %sign3A_441 = arith.extui %sign3A_440 : i1 to i32
      %sign3A_442 = arith.subi %sign3A_438, %sign3A_441 : i32
      %ne3A_443 = arith.cmpi ne, %sign3A_435, %sign3A_442 : i32
      %rem3A_444 = arith.remsi %add3A_101, %jit3A_427 : i32
      %ne3A_445 = arith.constant 0 : i32
      %ne3A_446 = arith.cmpi ne, %rem3A_444, %ne3A_445 : i32
      %and3A_447 = arith.andi %ne3A_443, %ne3A_446 : i1
      %sub3A_448 = arith.constant 1 : i32
      %sub3A_449 = arith.subi %div3A_428, %sub3A_448 : i32
      %select_n3A_450 = arith.select %and3A_447, %sub3A_449, %div3A_428 : i32
      %rem3A_451 = arith.constant 4 : i32
      %rem3A_452 = arith.remsi %add3A_101, %rem3A_451 : i32
      %mul3A_453 = arith.constant 512 : i32
      %mul3A_454 = arith.muli %select_n3A_450, %mul3A_453 : i32
      %mul3A_455 = arith.constant 128 : i32
      %mul3A_456 = arith.muli %rem3A_452, %mul3A_455 : i32
      %add3A_457 = arith.addi %mul3A_454, %mul3A_456 : i32
      %mul3A_458 = arith.constant 4 : i32
      %mul3A_459 = arith.muli %add3A, %mul3A_458 : i32
      %add3A_460 = arith.addi %mul3A_459, %rem3A_452 : i32
      %dma_start3A_461 = arith.constant 0 : i32
      %dma_start3A_462 = arith.constant 5 : i32
      %dma_start3A_463 = arith.constant 0 : i32
      %dma_start3A_464 = arith.constant 40 : i32
      %dma_start3A_465 = arith.constant 0 : i32
      %dma_start3A_466 = tpu.memref_slice %arg8[%dma_start3A_461, %dma_start3A_464, %dma_start3A_465] : memref<2x64x129xf32, #tpu.memory_space<vmem>> -> memref<1x8x128xf32, #tpu.memory_space<vmem>>
      %dma_start3A_467 = tpu.memref_squeeze %dma_start3A_466 : memref<1x8x128xf32, #tpu.memory_space<vmem>> -> memref<8x128xf32, #tpu.memory_space<vmem>>
      %dma_start3A_468 = arith.constant 0 : i32
      %dma_start3A_469 = arith.constant 0 : i32
      %dma_start3A_470 = tpu.memref_slice %arg4[%select_n3A_450, %dma_start3A_462, %add3A_460, %dma_start3A_468, %dma_start3A_469] : memref<26x8x128x8x128xf32, #tpu.memory_space<hbm>> -> memref<1x1x1x8x128xf32, #tpu.memory_space<hbm>>
      %dma_start3A_471 = tpu.memref_squeeze %dma_start3A_470 : memref<1x1x1x8x128xf32, #tpu.memory_space<hbm>> -> memref<8x128xf32, #tpu.memory_space<hbm>>
      %dma_start3A_472 = tpu.memref_slice %arg10[%dma_start3A_463] : memref<2x!tpu.dma_semaphore, #tpu.memory_space<semaphore_mem>> -> memref<1x!tpu.dma_semaphore, #tpu.memory_space<semaphore_mem>>
      %dma_start3A_473 = tpu.memref_squeeze %dma_start3A_472 : memref<1x!tpu.dma_semaphore, #tpu.memory_space<semaphore_mem>> -> memref<!tpu.dma_semaphore, #tpu.memory_space<semaphore_mem>>
      %dma_start3A_474 = arith.constant 0 : i32
      %dma_start3A_475 = arith.constant 0 : i32
      %dma_start3A_476 = tpu.memref_slice %arg4[%select_n3A_450, %dma_start3A_462, %add3A_460, %dma_start3A_474, %dma_start3A_475] : memref<26x8x128x8x128xf32, #tpu.memory_space<hbm>> -> memref<1x1x1x8x128xf32, #tpu.memory_space<hbm>>
      %dma_start3A_477 = tpu.memref_squeeze %dma_start3A_476 : memref<1x1x1x8x128xf32, #tpu.memory_space<hbm>> -> memref<8x128xf32, #tpu.memory_space<hbm>>
      %dma_start3A_478 = arith.constant 40 : i32
      %dma_start3A_479 = arith.constant 0 : i32
      %dma_start3A_480 = tpu.memref_slice %arg8[%dma_start3A_461, %dma_start3A_478, %dma_start3A_479] : memref<2x64x129xf32, #tpu.memory_space<vmem>> -> memref<1x8x128xf32, #tpu.memory_space<vmem>>
      %dma_start3A_481 = tpu.memref_squeeze %dma_start3A_480 : memref<1x8x128xf32, #tpu.memory_space<vmem>> -> memref<8x128xf32, #tpu.memory_space<vmem>>
      tpu.enqueue_dma source(%dma_start3A_481 : memref<8x128xf32, #tpu.memory_space<vmem>>) target(%dma_start3A_477 : memref<8x128xf32, #tpu.memory_space<hbm>>) target_semaphore(%dma_start3A_473 : memref<!tpu.dma_semaphore, #tpu.memory_space<semaphore_mem>>)
      %jit3A_482 = arith.constant 4 : i32
      %div3A_483 = arith.divsi %add3A_101, %jit3A_482 : i32
      %sign3A_484 = arith.constant 0 : i32
      %sign3A_485 = arith.cmpi sgt, %add3A_101, %sign3A_484 : i32
      %sign3A_486 = arith.extui %sign3A_485 : i1 to i32
      %sign3A_487 = arith.constant 0 : i32
      %sign3A_488 = arith.cmpi slt, %add3A_101, %sign3A_487 : i32
      %sign3A_489 = arith.extui %sign3A_488 : i1 to i32
      %sign3A_490 = arith.subi %sign3A_486, %sign3A_489 : i32
      %sign3A_491 = arith.constant 0 : i32
      %sign3A_492 = arith.cmpi sgt, %jit3A_482, %sign3A_491 : i32
      %sign3A_493 = arith.extui %sign3A_492 : i1 to i32
      %sign3A_494 = arith.constant 0 : i32
      %sign3A_495 = arith.cmpi slt, %jit3A_482, %sign3A_494 : i32
      %sign3A_496 = arith.extui %sign3A_495 : i1 to i32
      %sign3A_497 = arith.subi %sign3A_493, %sign3A_496 : i32
      %ne3A_498 = arith.cmpi ne, %sign3A_490, %sign3A_497 : i32
      %rem3A_499 = arith.remsi %add3A_101, %jit3A_482 : i32
      %ne3A_500 = arith.constant 0 : i32
      %ne3A_501 = arith.cmpi ne, %rem3A_499, %ne3A_500 : i32
      %and3A_502 = arith.andi %ne3A_498, %ne3A_501 : i1
      %sub3A_503 = arith.constant 1 : i32
      %sub3A_504 = arith.subi %div3A_483, %sub3A_503 : i32
      %select_n3A_505 = arith.select %and3A_502, %sub3A_504, %div3A_483 : i32
      %rem3A_506 = arith.constant 4 : i32
      %rem3A_507 = arith.remsi %add3A_101, %rem3A_506 : i32
      %mul3A_508 = arith.constant 512 : i32
      %mul3A_509 = arith.muli %select_n3A_505, %mul3A_508 : i32
      %mul3A_510 = arith.constant 128 : i32
      %mul3A_511 = arith.muli %rem3A_507, %mul3A_510 : i32
      %add3A_512 = arith.addi %mul3A_509, %mul3A_511 : i32
      %mul3A_513 = arith.constant 4 : i32
      %mul3A_514 = arith.muli %add3A, %mul3A_513 : i32
      %add3A_515 = arith.addi %mul3A_514, %rem3A_507 : i32
      %dma_start3A_516 = arith.constant 0 : i32
      %dma_start3A_517 = arith.constant 6 : i32
      %dma_start3A_518 = arith.constant 0 : i32
      %dma_start3A_519 = arith.constant 48 : i32
      %dma_start3A_520 = arith.constant 0 : i32
      %dma_start3A_521 = tpu.memref_slice %arg8[%dma_start3A_516, %dma_start3A_519, %dma_start3A_520] : memref<2x64x129xf32, #tpu.memory_space<vmem>> -> memref<1x8x128xf32, #tpu.memory_space<vmem>>
      %dma_start3A_522 = tpu.memref_squeeze %dma_start3A_521 : memref<1x8x128xf32, #tpu.memory_space<vmem>> -> memref<8x128xf32, #tpu.memory_space<vmem>>
      %dma_start3A_523 = arith.constant 0 : i32
      %dma_start3A_524 = arith.constant 0 : i32
      %dma_start3A_525 = tpu.memref_slice %arg4[%select_n3A_505, %dma_start3A_517, %add3A_515, %dma_start3A_523, %dma_start3A_524] : memref<26x8x128x8x128xf32, #tpu.memory_space<hbm>> -> memref<1x1x1x8x128xf32, #tpu.memory_space<hbm>>
      %dma_start3A_526 = tpu.memref_squeeze %dma_start3A_525 : memref<1x1x1x8x128xf32, #tpu.memory_space<hbm>> -> memref<8x128xf32, #tpu.memory_space<hbm>>
      %dma_start3A_527 = tpu.memref_slice %arg10[%dma_start3A_518] : memref<2x!tpu.dma_semaphore, #tpu.memory_space<semaphore_mem>> -> memref<1x!tpu.dma_semaphore, #tpu.memory_space<semaphore_mem>>
      %dma_start3A_528 = tpu.memref_squeeze %dma_start3A_527 : memref<1x!tpu.dma_semaphore, #tpu.memory_space<semaphore_mem>> -> memref<!tpu.dma_semaphore, #tpu.memory_space<semaphore_mem>>
      %dma_start3A_529 = arith.constant 0 : i32
      %dma_start3A_530 = arith.constant 0 : i32
      %dma_start3A_531 = tpu.memref_slice %arg4[%select_n3A_505, %dma_start3A_517, %add3A_515, %dma_start3A_529, %dma_start3A_530] : memref<26x8x128x8x128xf32, #tpu.memory_space<hbm>> -> memref<1x1x1x8x128xf32, #tpu.memory_space<hbm>>
      %dma_start3A_532 = tpu.memref_squeeze %dma_start3A_531 : memref<1x1x1x8x128xf32, #tpu.memory_space<hbm>> -> memref<8x128xf32, #tpu.memory_space<hbm>>
      %dma_start3A_533 = arith.constant 48 : i32
      %dma_start3A_534 = arith.constant 0 : i32
      %dma_start3A_535 = tpu.memref_slice %arg8[%dma_start3A_516, %dma_start3A_533, %dma_start3A_534] : memref<2x64x129xf32, #tpu.memory_space<vmem>> -> memref<1x8x128xf32, #tpu.memory_space<vmem>>
      %dma_start3A_536 = tpu.memref_squeeze %dma_start3A_535 : memref<1x8x128xf32, #tpu.memory_space<vmem>> -> memref<8x128xf32, #tpu.memory_space<vmem>>
      tpu.enqueue_dma source(%dma_start3A_536 : memref<8x128xf32, #tpu.memory_space<vmem>>) target(%dma_start3A_532 : memref<8x128xf32, #tpu.memory_space<hbm>>) target_semaphore(%dma_start3A_528 : memref<!tpu.dma_semaphore, #tpu.memory_space<semaphore_mem>>)
      %jit3A_537 = arith.constant 4 : i32
      %div3A_538 = arith.divsi %add3A_101, %jit3A_537 : i32
      %sign3A_539 = arith.constant 0 : i32
      %sign3A_540 = arith.cmpi sgt, %add3A_101, %sign3A_539 : i32
      %sign3A_541 = arith.extui %sign3A_540 : i1 to i32
      %sign3A_542 = arith.constant 0 : i32
      %sign3A_543 = arith.cmpi slt, %add3A_101, %sign3A_542 : i32
      %sign3A_544 = arith.extui %sign3A_543 : i1 to i32
      %sign3A_545 = arith.subi %sign3A_541, %sign3A_544 : i32
      %sign3A_546 = arith.constant 0 : i32
      %sign3A_547 = arith.cmpi sgt, %jit3A_537, %sign3A_546 : i32
      %sign3A_548 = arith.extui %sign3A_547 : i1 to i32
      %sign3A_549 = arith.constant 0 : i32
      %sign3A_550 = arith.cmpi slt, %jit3A_537, %sign3A_549 : i32
      %sign3A_551 = arith.extui %sign3A_550 : i1 to i32
      %sign3A_552 = arith.subi %sign3A_548, %sign3A_551 : i32
      %ne3A_553 = arith.cmpi ne, %sign3A_545, %sign3A_552 : i32
      %rem3A_554 = arith.remsi %add3A_101, %jit3A_537 : i32
      %ne3A_555 = arith.constant 0 : i32
      %ne3A_556 = arith.cmpi ne, %rem3A_554, %ne3A_555 : i32
      %and3A_557 = arith.andi %ne3A_553, %ne3A_556 : i1
      %sub3A_558 = arith.constant 1 : i32
      %sub3A_559 = arith.subi %div3A_538, %sub3A_558 : i32
      %select_n3A_560 = arith.select %and3A_557, %sub3A_559, %div3A_538 : i32
      %rem3A_561 = arith.constant 4 : i32
      %rem3A_562 = arith.remsi %add3A_101, %rem3A_561 : i32
      %mul3A_563 = arith.constant 512 : i32
      %mul3A_564 = arith.muli %select_n3A_560, %mul3A_563 : i32
      %mul3A_565 = arith.constant 128 : i32
      %mul3A_566 = arith.muli %rem3A_562, %mul3A_565 : i32
      %add3A_567 = arith.addi %mul3A_564, %mul3A_566 : i32
      %mul3A_568 = arith.constant 4 : i32
      %mul3A_569 = arith.muli %add3A, %mul3A_568 : i32
      %add3A_570 = arith.addi %mul3A_569, %rem3A_562 : i32
      %dma_start3A_571 = arith.constant 0 : i32
      %dma_start3A_572 = arith.constant 7 : i32
      %dma_start3A_573 = arith.constant 0 : i32
      %dma_start3A_574 = arith.constant 56 : i32
      %dma_start3A_575 = arith.constant 0 : i32
      %dma_start3A_576 = tpu.memref_slice %arg8[%dma_start3A_571, %dma_start3A_574, %dma_start3A_575] : memref<2x64x129xf32, #tpu.memory_space<vmem>> -> memref<1x8x128xf32, #tpu.memory_space<vmem>>
      %dma_start3A_577 = tpu.memref_squeeze %dma_start3A_576 : memref<1x8x128xf32, #tpu.memory_space<vmem>> -> memref<8x128xf32, #tpu.memory_space<vmem>>
      %dma_start3A_578 = arith.constant 0 : i32
      %dma_start3A_579 = arith.constant 0 : i32
      %dma_start3A_580 = tpu.memref_slice %arg4[%select_n3A_560, %dma_start3A_572, %add3A_570, %dma_start3A_578, %dma_start3A_579] : memref<26x8x128x8x128xf32, #tpu.memory_space<hbm>> -> memref<1x1x1x8x128xf32, #tpu.memory_space<hbm>>
      %dma_start3A_581 = tpu.memref_squeeze %dma_start3A_580 : memref<1x1x1x8x128xf32, #tpu.memory_space<hbm>> -> memref<8x128xf32, #tpu.memory_space<hbm>>
      %dma_start3A_582 = tpu.memref_slice %arg10[%dma_start3A_573] : memref<2x!tpu.dma_semaphore, #tpu.memory_space<semaphore_mem>> -> memref<1x!tpu.dma_semaphore, #tpu.memory_space<semaphore_mem>>
      %dma_start3A_583 = tpu.memref_squeeze %dma_start3A_582 : memref<1x!tpu.dma_semaphore, #tpu.memory_space<semaphore_mem>> -> memref<!tpu.dma_semaphore, #tpu.memory_space<semaphore_mem>>
      %dma_start3A_584 = arith.constant 0 : i32
      %dma_start3A_585 = arith.constant 0 : i32
      %dma_start3A_586 = tpu.memref_slice %arg4[%select_n3A_560, %dma_start3A_572, %add3A_570, %dma_start3A_584, %dma_start3A_585] : memref<26x8x128x8x128xf32, #tpu.memory_space<hbm>> -> memref<1x1x1x8x128xf32, #tpu.memory_space<hbm>>
      %dma_start3A_587 = tpu.memref_squeeze %dma_start3A_586 : memref<1x1x1x8x128xf32, #tpu.memory_space<hbm>> -> memref<8x128xf32, #tpu.memory_space<hbm>>
      %dma_start3A_588 = arith.constant 56 : i32
      %dma_start3A_589 = arith.constant 0 : i32
      %dma_start3A_590 = tpu.memref_slice %arg8[%dma_start3A_571, %dma_start3A_588, %dma_start3A_589] : memref<2x64x129xf32, #tpu.memory_space<vmem>> -> memref<1x8x128xf32, #tpu.memory_space<vmem>>
      %dma_start3A_591 = tpu.memref_squeeze %dma_start3A_590 : memref<1x8x128xf32, #tpu.memory_space<vmem>> -> memref<8x128xf32, #tpu.memory_space<vmem>>
      tpu.enqueue_dma source(%dma_start3A_591 : memref<8x128xf32, #tpu.memory_space<vmem>>) target(%dma_start3A_587 : memref<8x128xf32, #tpu.memory_space<hbm>>) target_semaphore(%dma_start3A_583 : memref<!tpu.dma_semaphore, #tpu.memory_space<semaphore_mem>>)
      %mul3A_592 = arith.constant 2 : i32
      %mul3A_593 = arith.muli %scan3A_97, %mul3A_592 : i32
      %add3A_594 = arith.constant 1 : i32
      %add3A_595 = arith.addi %mul3A_593, %add3A_594 : i32
      %jit3A_596 = arith.constant 4 : i32
      %div3A_597 = arith.divsi %add3A_595, %jit3A_596 : i32
      %sign3A_598 = arith.constant 0 : i32
      %sign3A_599 = arith.cmpi sgt, %add3A_595, %sign3A_598 : i32
      %sign3A_600 = arith.extui %sign3A_599 : i1 to i32
      %sign3A_601 = arith.constant 0 : i32
      %sign3A_602 = arith.cmpi slt, %add3A_595, %sign3A_601 : i32
      %sign3A_603 = arith.extui %sign3A_602 : i1 to i32
      %sign3A_604 = arith.subi %sign3A_600, %sign3A_603 : i32
      %sign3A_605 = arith.constant 0 : i32
      %sign3A_606 = arith.cmpi sgt, %jit3A_596, %sign3A_605 : i32
      %sign3A_607 = arith.extui %sign3A_606 : i1 to i32
      %sign3A_608 = arith.constant 0 : i32
      %sign3A_609 = arith.cmpi slt, %jit3A_596, %sign3A_608 : i32
      %sign3A_610 = arith.extui %sign3A_609 : i1 to i32
      %sign3A_611 = arith.subi %sign3A_607, %sign3A_610 : i32
      %ne3A_612 = arith.cmpi ne, %sign3A_604, %sign3A_611 : i32
      %rem3A_613 = arith.remsi %add3A_595, %jit3A_596 : i32
      %ne3A_614 = arith.constant 0 : i32
      %ne3A_615 = arith.cmpi ne, %rem3A_613, %ne3A_614 : i32
      %and3A_616 = arith.andi %ne3A_612, %ne3A_615 : i1
      %sub3A_617 = arith.constant 1 : i32
      %sub3A_618 = arith.subi %div3A_597, %sub3A_617 : i32
      %select_n3A_619 = arith.select %and3A_616, %sub3A_618, %div3A_597 : i32
      %rem3A_620 = arith.constant 4 : i32
      %rem3A_621 = arith.remsi %add3A_595, %rem3A_620 : i32
      %mul3A_622 = arith.constant 512 : i32
      %mul3A_623 = arith.muli %select_n3A_619, %mul3A_622 : i32
      %mul3A_624 = arith.constant 128 : i32
      %mul3A_625 = arith.muli %rem3A_621, %mul3A_624 : i32
      %add3A_626 = arith.addi %mul3A_623, %mul3A_625 : i32
      %dma_wait3A_627 = arith.constant 1 : i32
      %dma_wait3A_628 = arith.constant 1 : i32
      %dma_wait3A_629 = arith.constant 0 : i32
      %dma_wait3A_630 = arith.constant 0 : i32
      %dma_wait3A_631 = tpu.memref_slice %arg7[%dma_wait3A_627, %dma_wait3A_629, %dma_wait3A_630] : memref<2x128x64xf32, #tpu.memory_space<vmem>> -> memref<1x128x64xf32, #tpu.memory_space<vmem>>
      %dma_wait3A_632 = tpu.memref_squeeze %dma_wait3A_631 : memref<1x128x64xf32, #tpu.memory_space<vmem>> -> memref<128x64xf32, #tpu.memory_space<vmem>>
      %dma_wait3A_633 = tpu.memref_slice %arg6[%add3A_626] : memref<13312xi32, #tpu.memory_space<vmem>> -> memref<128xi32, #tpu.memory_space<vmem>>
      %dma_wait3A_634 = arith.constant 0 : i32
      %dma_wait3A_635 = arith.constant 0 : i32
      %dma_wait3A_636 = tpu.memref_slice %arg3[%dma_wait3A_634, %dma_wait3A_635] : memref<1000000x64xf32, #tpu.memory_space<hbm>> -> memref<1000000x64xf32, #tpu.memory_space<hbm>>
      %dma_wait3A_637 = tpu.memref_slice %arg9[%dma_wait3A_628] : memref<2x!tpu.dma_semaphore, #tpu.memory_space<semaphore_mem>> -> memref<1x!tpu.dma_semaphore, #tpu.memory_space<semaphore_mem>>
      %dma_wait3A_638 = tpu.memref_squeeze %dma_wait3A_637 : memref<1x!tpu.dma_semaphore, #tpu.memory_space<semaphore_mem>> -> memref<!tpu.dma_semaphore, #tpu.memory_space<semaphore_mem>>
      tpu.wait_indirect_dma semaphore(%dma_wait3A_638 : memref<!tpu.dma_semaphore, #tpu.memory_space<semaphore_mem>>) src(%dma_wait3A_636 : memref<1000000x64xf32, #tpu.memory_space<hbm>>) dst(%dma_wait3A_632 : memref<128x64xf32, #tpu.memory_space<vmem>>)
      %ge3A_639 = arith.constant 2 : i32
      %ge3A_640 = arith.cmpi sge, %add3A_595, %ge3A_639 : i32
      %convert_element_type3A_641 = arith.extui %ge3A_640 : i1 to i32
      %cond3A_642 = arith.constant 0 : i32
      %cond3A_643 = arith.cmpi ne, %convert_element_type3A_641, %cond3A_642 : i32
      scf.if %cond3A_643 {
        %dma_wait3A_1097 = arith.constant 1 : i32
        %dma_wait3A_1098 = arith.constant 1 : i32
        %dma_wait3A_1099 = arith.constant 0 : i32
        %dma_wait3A_1100 = arith.constant 0 : i32
        %dma_wait3A_1101 = tpu.memref_slice %arg7[%dma_wait3A_1097, %dma_wait3A_1099, %dma_wait3A_1100] : memref<2x128x64xf32, #tpu.memory_space<vmem>> -> memref<1x128x64xf32, #tpu.memory_space<vmem>>
        %dma_wait3A_1102 = tpu.memref_squeeze %dma_wait3A_1101 : memref<1x128x64xf32, #tpu.memory_space<vmem>> -> memref<128x64xf32, #tpu.memory_space<vmem>>
        %dma_wait3A_1103 = arith.constant 0 : i32
        %dma_wait3A_1104 = arith.constant 0 : i32
        %dma_wait3A_1105 = tpu.memref_slice %arg3[%dma_wait3A_1103, %dma_wait3A_1104] : memref<1000000x64xf32, #tpu.memory_space<hbm>> -> memref<128x64xf32, #tpu.memory_space<hbm>>
        %dma_wait3A_1106 = tpu.memref_slice %arg10[%dma_wait3A_1098] : memref<2x!tpu.dma_semaphore, #tpu.memory_space<semaphore_mem>> -> memref<1x!tpu.dma_semaphore, #tpu.memory_space<semaphore_mem>>
        %dma_wait3A_1107 = tpu.memref_squeeze %dma_wait3A_1106 : memref<1x!tpu.dma_semaphore, #tpu.memory_space<semaphore_mem>> -> memref<!tpu.dma_semaphore, #tpu.memory_space<semaphore_mem>>
        %dma_wait3A_1108 = arith.constant 0 : i32
        %dma_wait3A_1109 = arith.constant 0 : i32
        %dma_wait3A_1110 = tpu.memref_slice %arg7[%dma_wait3A_1097, %dma_wait3A_1108, %dma_wait3A_1109] : memref<2x128x64xf32, #tpu.memory_space<vmem>> -> memref<1x128x64xf32, #tpu.memory_space<vmem>>
        %dma_wait3A_1111 = tpu.memref_squeeze %dma_wait3A_1110 : memref<1x128x64xf32, #tpu.memory_space<vmem>> -> memref<128x64xf32, #tpu.memory_space<vmem>>
        %dma_wait3A_1112 = arith.constant 0 : i32
        %dma_wait3A_1113 = arith.constant 0 : i32
        %dma_wait3A_1114 = tpu.memref_slice %arg3[%dma_wait3A_1112, %dma_wait3A_1113] : memref<1000000x64xf32, #tpu.memory_space<hbm>> -> memref<128x64xf32, #tpu.memory_space<hbm>>
        tpu.wait_dma2 semaphore(%dma_wait3A_1107 : memref<!tpu.dma_semaphore, #tpu.memory_space<semaphore_mem>>) src(%dma_wait3A_1114 : memref<128x64xf32, #tpu.memory_space<hbm>>) dst(%dma_wait3A_1111 : memref<128x64xf32, #tpu.memory_space<vmem>>)
      } else {
      }
      %scan3A_644 = arith.constant 0 : i32
      %scan3A_645 = arith.constant 0 : i32
      %scan3A_646 = arith.constant 16 : i32
      %scan3A_647 = arith.addi %scan3A_645, %scan3A_646 : i32
      %scan3A_648 = arith.constant 1 : i32
      scf.for %scan3A_1097 = %scan3A_645 to %scan3A_647 step %scan3A_648  : i32 {
        %mul3A_1098 = arith.constant 8 : i32
        %mul3A_1099 = arith.muli %scan3A_1097, %mul3A_1098 : i32
        %add3A_1100 = arith.constant 0 : i32
        %add3A_1101 = arith.addi %mul3A_1099, %add3A_1100 : i32
        %broadcast_in_dim3A = arith.constant 0 : i32
        %broadcast_in_dim3A_1102 = vector.broadcast %broadcast_in_dim3A : i32 to vector<16xi32>
        %add3A_1103 = vector.broadcast %add3A_1101 : i32 to vector<16xi32>
        %add3A_1104 = arith.addi %broadcast_in_dim3A_1102, %add3A_1103 : vector<16xi32>
        %get3A = arith.constant 1 : i32
        %get3A_1105 = arith.index_cast %get3A : i32 to index
        %get3A_1106 = arith.index_cast %add3A_1101 : i32 to index
        %get3A_1107 = arith.constant 0 : index
        %get3A_1108 = tpu.vector_load %arg7[%get3A_1105, %get3A_1106, %get3A_1107] {strides = array<i32>} : memref<2x128x64xf32, #tpu.memory_space<vmem>>, vector<16xf32>,
        %scatter3A = arith.constant 1 : i32
        %scatter3A_1109 = arith.constant 0 : i32
        %scatter3A_1110 = arith.constant 0 : i32
        %scatter3A_1111 = tpu.memref_slice %arg8[%scatter3A, %scatter3A_1109, %scatter3A_1110] : memref<2x64x129xf32, #tpu.memory_space<vmem>> -> memref<1x64x129xf32, #tpu.memory_space<vmem>>
        %scatter3A_1112 = tpu.memref_squeeze %scatter3A_1111 : memref<1x64x129xf32, #tpu.memory_space<vmem>> -> memref<64x129xf32, #tpu.memory_space<vmem>>
        tpu.vector_store_idx %scatter3A_1112[%add3A_10, %add3A_1104], %get3A_1108 : memref<64x129xf32, #tpu.memory_space<vmem>>[vector<16xi32>, vector<16xi32>], vector<16xf32>,
        %get3A_1113 = arith.constant 1 : i32
        %get3A_1114 = arith.index_cast %get3A_1113 : i32 to index
        %get3A_1115 = arith.index_cast %add3A_1101 : i32 to index
        %get3A_1116 = arith.constant 16 : index
        %get3A_1117 = tpu.vector_load %arg7[%get3A_1114, %get3A_1115, %get3A_1116] {strides = array<i32>} : memref<2x128x64xf32, #tpu.memory_space<vmem>>, vector<16xf32>,
        %scatter3A_1118 = arith.constant 1 : i32
        %scatter3A_1119 = arith.constant 0 : i32
        %scatter3A_1120 = arith.constant 0 : i32
        %scatter3A_1121 = tpu.memref_slice %arg8[%scatter3A_1118, %scatter3A_1119, %scatter3A_1120] : memref<2x64x129xf32, #tpu.memory_space<vmem>> -> memref<1x64x129xf32, #tpu.memory_space<vmem>>
        %scatter3A_1122 = tpu.memref_squeeze %scatter3A_1121 : memref<1x64x129xf32, #tpu.memory_space<vmem>> -> memref<64x129xf32, #tpu.memory_space<vmem>>
        tpu.vector_store_idx %scatter3A_1122[%add3A_13, %add3A_1104], %get3A_1117 : memref<64x129xf32, #tpu.memory_space<vmem>>[vector<16xi32>, vector<16xi32>], vector<16xf32>,
        %get3A_1123 = arith.constant 1 : i32
        %get3A_1124 = arith.index_cast %get3A_1123 : i32 to index
        %get3A_1125 = arith.index_cast %add3A_1101 : i32 to index
        %get3A_1126 = arith.constant 32 : index
        %get3A_1127 = tpu.vector_load %arg7[%get3A_1124, %get3A_1125, %get3A_1126] {strides = array<i32>} : memref<2x128x64xf32, #tpu.memory_space<vmem>>, vector<16xf32>,
        %scatter3A_1128 = arith.constant 1 : i32
        %scatter3A_1129 = arith.constant 0 : i32
        %scatter3A_1130 = arith.constant 0 : i32
        %scatter3A_1131 = tpu.memref_slice %arg8[%scatter3A_1128, %scatter3A_1129, %scatter3A_1130] : memref<2x64x129xf32, #tpu.memory_space<vmem>> -> memref<1x64x129xf32, #tpu.memory_space<vmem>>
        %scatter3A_1132 = tpu.memref_squeeze %scatter3A_1131 : memref<1x64x129xf32, #tpu.memory_space<vmem>> -> memref<64x129xf32, #tpu.memory_space<vmem>>
        tpu.vector_store_idx %scatter3A_1132[%add3A_16, %add3A_1104], %get3A_1127 : memref<64x129xf32, #tpu.memory_space<vmem>>[vector<16xi32>, vector<16xi32>], vector<16xf32>,
        %get3A_1133 = arith.constant 1 : i32
        %get3A_1134 = arith.index_cast %get3A_1133 : i32 to index
        %get3A_1135 = arith.index_cast %add3A_1101 : i32 to index
        %get3A_1136 = arith.constant 48 : index
        %get3A_1137 = tpu.vector_load %arg7[%get3A_1134, %get3A_1135, %get3A_1136] {strides = array<i32>} : memref<2x128x64xf32, #tpu.memory_space<vmem>>, vector<16xf32>,
        %scatter3A_1138 = arith.constant 1 : i32
        %scatter3A_1139 = arith.constant 0 : i32
        %scatter3A_1140 = arith.constant 0 : i32
        %scatter3A_1141 = tpu.memref_slice %arg8[%scatter3A_1138, %scatter3A_1139, %scatter3A_1140] : memref<2x64x129xf32, #tpu.memory_space<vmem>> -> memref<1x64x129xf32, #tpu.memory_space<vmem>>
        %scatter3A_1142 = tpu.memref_squeeze %scatter3A_1141 : memref<1x64x129xf32, #tpu.memory_space<vmem>> -> memref<64x129xf32, #tpu.memory_space<vmem>>
        tpu.vector_store_idx %scatter3A_1142[%add3A_19, %add3A_1104], %get3A_1137 : memref<64x129xf32, #tpu.memory_space<vmem>>[vector<16xi32>, vector<16xi32>], vector<16xf32>,
        %mul3A_1143 = arith.constant 8 : i32
        %mul3A_1144 = arith.muli %scan3A_1097, %mul3A_1143 : i32
        %add3A_1145 = arith.constant 1 : i32
        %add3A_1146 = arith.addi %mul3A_1144, %add3A_1145 : i32
        %broadcast_in_dim3A_1147 = arith.constant 0 : i32
        %broadcast_in_dim3A_1148 = vector.broadcast %broadcast_in_dim3A_1147 : i32 to vector<16xi32>
        %add3A_1149 = vector.broadcast %add3A_1146 : i32 to vector<16xi32>
        %add3A_1150 = arith.addi %broadcast_in_dim3A_1148, %add3A_1149 : vector<16xi32>
        %get3A_1151 = arith.constant 1 : i32
        %get3A_1152 = arith.index_cast %get3A_1151 : i32 to index
        %get3A_1153 = arith.index_cast %add3A_1146 : i32 to index
        %get3A_1154 = arith.constant 0 : index
        %get3A_1155 = tpu.vector_load %arg7[%get3A_1152, %get3A_1153, %get3A_1154] {strides = array<i32>} : memref<2x128x64xf32, #tpu.memory_space<vmem>>, vector<16xf32>,
        %scatter3A_1156 = arith.constant 1 : i32
        %scatter3A_1157 = arith.constant 0 : i32
        %scatter3A_1158 = arith.constant 0 : i32
        %scatter3A_1159 = tpu.memref_slice %arg8[%scatter3A_1156, %scatter3A_1157, %scatter3A_1158] : memref<2x64x129xf32, #tpu.memory_space<vmem>> -> memref<1x64x129xf32, #tpu.memory_space<vmem>>
        %scatter3A_1160 = tpu.memref_squeeze %scatter3A_1159 : memref<1x64x129xf32, #tpu.memory_space<vmem>> -> memref<64x129xf32, #tpu.memory_space<vmem>>
        tpu.vector_store_idx %scatter3A_1160[%add3A_10, %add3A_1150], %get3A_1155 : memref<64x129xf32, #tpu.memory_space<vmem>>[vector<16xi32>, vector<16xi32>], vector<16xf32>,
        %get3A_1161 = arith.constant 1 : i32
        %get3A_1162 = arith.index_cast %get3A_1161 : i32 to index
        %get3A_1163 = arith.index_cast %add3A_1146 : i32 to index
        %get3A_1164 = arith.constant 16 : index
        %get3A_1165 = tpu.vector_load %arg7[%get3A_1162, %get3A_1163, %get3A_1164] {strides = array<i32>} : memref<2x128x64xf32, #tpu.memory_space<vmem>>, vector<16xf32>,
        %scatter3A_1166 = arith.constant 1 : i32
        %scatter3A_1167 = arith.constant 0 : i32
        %scatter3A_1168 = arith.constant 0 : i32
        %scatter3A_1169 = tpu.memref_slice %arg8[%scatter3A_1166, %scatter3A_1167, %scatter3A_1168] : memref<2x64x129xf32, #tpu.memory_space<vmem>> -> memref<1x64x129xf32, #tpu.memory_space<vmem>>
        %scatter3A_1170 = tpu.memref_squeeze %scatter3A_1169 : memref<1x64x129xf32, #tpu.memory_space<vmem>> -> memref<64x129xf32, #tpu.memory_space<vmem>>
        tpu.vector_store_idx %scatter3A_1170[%add3A_13, %add3A_1150], %get3A_1165 : memref<64x129xf32, #tpu.memory_space<vmem>>[vector<16xi32>, vector<16xi32>], vector<16xf32>,
        %get3A_1171 = arith.constant 1 : i32
        %get3A_1172 = arith.index_cast %get3A_1171 : i32 to index
        %get3A_1173 = arith.index_cast %add3A_1146 : i32 to index
        %get3A_1174 = arith.constant 32 : index
        %get3A_1175 = tpu.vector_load %arg7[%get3A_1172, %get3A_1173, %get3A_1174] {strides = array<i32>} : memref<2x128x64xf32, #tpu.memory_space<vmem>>, vector<16xf32>,
        %scatter3A_1176 = arith.constant 1 : i32
        %scatter3A_1177 = arith.constant 0 : i32
        %scatter3A_1178 = arith.constant 0 : i32
        %scatter3A_1179 = tpu.memref_slice %arg8[%scatter3A_1176, %scatter3A_1177, %scatter3A_1178] : memref<2x64x129xf32, #tpu.memory_space<vmem>> -> memref<1x64x129xf32, #tpu.memory_space<vmem>>
        %scatter3A_1180 = tpu.memref_squeeze %scatter3A_1179 : memref<1x64x129xf32, #tpu.memory_space<vmem>> -> memref<64x129xf32, #tpu.memory_space<vmem>>
        tpu.vector_store_idx %scatter3A_1180[%add3A_16, %add3A_1150], %get3A_1175 : memref<64x129xf32, #tpu.memory_space<vmem>>[vector<16xi32>, vector<16xi32>], vector<16xf32>,
        %get3A_1181 = arith.constant 1 : i32
        %get3A_1182 = arith.index_cast %get3A_1181 : i32 to index
        %get3A_1183 = arith.index_cast %add3A_1146 : i32 to index
        %get3A_1184 = arith.constant 48 : index
        %get3A_1185 = tpu.vector_load %arg7[%get3A_1182, %get3A_1183, %get3A_1184] {strides = array<i32>} : memref<2x128x64xf32, #tpu.memory_space<vmem>>, vector<16xf32>,
        %scatter3A_1186 = arith.constant 1 : i32
        %scatter3A_1187 = arith.constant 0 : i32
        %scatter3A_1188 = arith.constant 0 : i32
        %scatter3A_1189 = tpu.memref_slice %arg8[%scatter3A_1186, %scatter3A_1187, %scatter3A_1188] : memref<2x64x129xf32, #tpu.memory_space<vmem>> -> memref<1x64x129xf32, #tpu.memory_space<vmem>>
        %scatter3A_1190 = tpu.memref_squeeze %scatter3A_1189 : memref<1x64x129xf32, #tpu.memory_space<vmem>> -> memref<64x129xf32, #tpu.memory_space<vmem>>
        tpu.vector_store_idx %scatter3A_1190[%add3A_19, %add3A_1150], %get3A_1185 : memref<64x129xf32, #tpu.memory_space<vmem>>[vector<16xi32>, vector<16xi32>], vector<16xf32>,
        %mul3A_1191 = arith.constant 8 : i32
        %mul3A_1192 = arith.muli %scan3A_1097, %mul3A_1191 : i32
        %add3A_1193 = arith.constant 2 : i32
        %add3A_1194 = arith.addi %mul3A_1192, %add3A_1193 : i32
        %broadcast_in_dim3A_1195 = arith.constant 0 : i32
        %broadcast_in_dim3A_1196 = vector.broadcast %broadcast_in_dim3A_1195 : i32 to vector<16xi32>
        %add3A_1197 = vector.broadcast %add3A_1194 : i32 to vector<16xi32>
        %add3A_1198 = arith.addi %broadcast_in_dim3A_1196, %add3A_1197 : vector<16xi32>
        %get3A_1199 = arith.constant 1 : i32
        %get3A_1200 = arith.index_cast %get3A_1199 : i32 to index
        %get3A_1201 = arith.index_cast %add3A_1194 : i32 to index
        %get3A_1202 = arith.constant 0 : index
        %get3A_1203 = tpu.vector_load %arg7[%get3A_1200, %get3A_1201, %get3A_1202] {strides = array<i32>} : memref<2x128x64xf32, #tpu.memory_space<vmem>>, vector<16xf32>,
        %scatter3A_1204 = arith.constant 1 : i32
        %scatter3A_1205 = arith.constant 0 : i32
        %scatter3A_1206 = arith.constant 0 : i32
        %scatter3A_1207 = tpu.memref_slice %arg8[%scatter3A_1204, %scatter3A_1205, %scatter3A_1206] : memref<2x64x129xf32, #tpu.memory_space<vmem>> -> memref<1x64x129xf32, #tpu.memory_space<vmem>>
        %scatter3A_1208 = tpu.memref_squeeze %scatter3A_1207 : memref<1x64x129xf32, #tpu.memory_space<vmem>> -> memref<64x129xf32, #tpu.memory_space<vmem>>
        tpu.vector_store_idx %scatter3A_1208[%add3A_10, %add3A_1198], %get3A_1203 : memref<64x129xf32, #tpu.memory_space<vmem>>[vector<16xi32>, vector<16xi32>], vector<16xf32>,
        %get3A_1209 = arith.constant 1 : i32
        %get3A_1210 = arith.index_cast %get3A_1209 : i32 to index
        %get3A_1211 = arith.index_cast %add3A_1194 : i32 to index
        %get3A_1212 = arith.constant 16 : index
        %get3A_1213 = tpu.vector_load %arg7[%get3A_1210, %get3A_1211, %get3A_1212] {strides = array<i32>} : memref<2x128x64xf32, #tpu.memory_space<vmem>>, vector<16xf32>,
        %scatter3A_1214 = arith.constant 1 : i32
        %scatter3A_1215 = arith.constant 0 : i32
        %scatter3A_1216 = arith.constant 0 : i32
        %scatter3A_1217 = tpu.memref_slice %arg8[%scatter3A_1214, %scatter3A_1215, %scatter3A_1216] : memref<2x64x129xf32, #tpu.memory_space<vmem>> -> memref<1x64x129xf32, #tpu.memory_space<vmem>>
        %scatter3A_1218 = tpu.memref_squeeze %scatter3A_1217 : memref<1x64x129xf32, #tpu.memory_space<vmem>> -> memref<64x129xf32, #tpu.memory_space<vmem>>
        tpu.vector_store_idx %scatter3A_1218[%add3A_13, %add3A_1198], %get3A_1213 : memref<64x129xf32, #tpu.memory_space<vmem>>[vector<16xi32>, vector<16xi32>], vector<16xf32>,
        %get3A_1219 = arith.constant 1 : i32
        %get3A_1220 = arith.index_cast %get3A_1219 : i32 to index
        %get3A_1221 = arith.index_cast %add3A_1194 : i32 to index
        %get3A_1222 = arith.constant 32 : index
        %get3A_1223 = tpu.vector_load %arg7[%get3A_1220, %get3A_1221, %get3A_1222] {strides = array<i32>} : memref<2x128x64xf32, #tpu.memory_space<vmem>>, vector<16xf32>,
        %scatter3A_1224 = arith.constant 1 : i32
        %scatter3A_1225 = arith.constant 0 : i32
        %scatter3A_1226 = arith.constant 0 : i32
        %scatter3A_1227 = tpu.memref_slice %arg8[%scatter3A_1224, %scatter3A_1225, %scatter3A_1226] : memref<2x64x129xf32, #tpu.memory_space<vmem>> -> memref<1x64x129xf32, #tpu.memory_space<vmem>>
        %scatter3A_1228 = tpu.memref_squeeze %scatter3A_1227 : memref<1x64x129xf32, #tpu.memory_space<vmem>> -> memref<64x129xf32, #tpu.memory_space<vmem>>
        tpu.vector_store_idx %scatter3A_1228[%add3A_16, %add3A_1198], %get3A_1223 : memref<64x129xf32, #tpu.memory_space<vmem>>[vector<16xi32>, vector<16xi32>], vector<16xf32>,
        %get3A_1229 = arith.constant 1 : i32
        %get3A_1230 = arith.index_cast %get3A_1229 : i32 to index
        %get3A_1231 = arith.index_cast %add3A_1194 : i32 to index
        %get3A_1232 = arith.constant 48 : index
        %get3A_1233 = tpu.vector_load %arg7[%get3A_1230, %get3A_1231, %get3A_1232] {strides = array<i32>} : memref<2x128x64xf32, #tpu.memory_space<vmem>>, vector<16xf32>,
        %scatter3A_1234 = arith.constant 1 : i32
        %scatter3A_1235 = arith.constant 0 : i32
        %scatter3A_1236 = arith.constant 0 : i32
        %scatter3A_1237 = tpu.memref_slice %arg8[%scatter3A_1234, %scatter3A_1235, %scatter3A_1236] : memref<2x64x129xf32, #tpu.memory_space<vmem>> -> memref<1x64x129xf32, #tpu.memory_space<vmem>>
        %scatter3A_1238 = tpu.memref_squeeze %scatter3A_1237 : memref<1x64x129xf32, #tpu.memory_space<vmem>> -> memref<64x129xf32, #tpu.memory_space<vmem>>
        tpu.vector_store_idx %scatter3A_1238[%add3A_19, %add3A_1198], %get3A_1233 : memref<64x129xf32, #tpu.memory_space<vmem>>[vector<16xi32>, vector<16xi32>], vector<16xf32>,
        %mul3A_1239 = arith.constant 8 : i32
        %mul3A_1240 = arith.muli %scan3A_1097, %mul3A_1239 : i32
        %add3A_1241 = arith.constant 3 : i32
        %add3A_1242 = arith.addi %mul3A_1240, %add3A_1241 : i32
        %broadcast_in_dim3A_1243 = arith.constant 0 : i32
        %broadcast_in_dim3A_1244 = vector.broadcast %broadcast_in_dim3A_1243 : i32 to vector<16xi32>
        %add3A_1245 = vector.broadcast %add3A_1242 : i32 to vector<16xi32>
        %add3A_1246 = arith.addi %broadcast_in_dim3A_1244, %add3A_1245 : vector<16xi32>
        %get3A_1247 = arith.constant 1 : i32
        %get3A_1248 = arith.index_cast %get3A_1247 : i32 to index
        %get3A_1249 = arith.index_cast %add3A_1242 : i32 to index
        %get3A_1250 = arith.constant 0 : index
        %get3A_1251 = tpu.vector_load %arg7[%get3A_1248, %get3A_1249, %get3A_1250] {strides = array<i32>} : memref<2x128x64xf32, #tpu.memory_space<vmem>>, vector<16xf32>,
        %scatter3A_1252 = arith.constant 1 : i32
        %scatter3A_1253 = arith.constant 0 : i32
        %scatter3A_1254 = arith.constant 0 : i32
        %scatter3A_1255 = tpu.memref_slice %arg8[%scatter3A_1252, %scatter3A_1253, %scatter3A_1254] : memref<2x64x129xf32, #tpu.memory_space<vmem>> -> memref<1x64x129xf32, #tpu.memory_space<vmem>>
        %scatter3A_1256 = tpu.memref_squeeze %scatter3A_1255 : memref<1x64x129xf32, #tpu.memory_space<vmem>> -> memref<64x129xf32, #tpu.memory_space<vmem>>
        tpu.vector_store_idx %scatter3A_1256[%add3A_10, %add3A_1246], %get3A_1251 : memref<64x129xf32, #tpu.memory_space<vmem>>[vector<16xi32>, vector<16xi32>], vector<16xf32>,
        %get3A_1257 = arith.constant 1 : i32
        %get3A_1258 = arith.index_cast %get3A_1257 : i32 to index
        %get3A_1259 = arith.index_cast %add3A_1242 : i32 to index
        %get3A_1260 = arith.constant 16 : index
        %get3A_1261 = tpu.vector_load %arg7[%get3A_1258, %get3A_1259, %get3A_1260] {strides = array<i32>} : memref<2x128x64xf32, #tpu.memory_space<vmem>>, vector<16xf32>,
        %scatter3A_1262 = arith.constant 1 : i32
        %scatter3A_1263 = arith.constant 0 : i32
        %scatter3A_1264 = arith.constant 0 : i32
        %scatter3A_1265 = tpu.memref_slice %arg8[%scatter3A_1262, %scatter3A_1263, %scatter3A_1264] : memref<2x64x129xf32, #tpu.memory_space<vmem>> -> memref<1x64x129xf32, #tpu.memory_space<vmem>>
        %scatter3A_1266 = tpu.memref_squeeze %scatter3A_1265 : memref<1x64x129xf32, #tpu.memory_space<vmem>> -> memref<64x129xf32, #tpu.memory_space<vmem>>
        tpu.vector_store_idx %scatter3A_1266[%add3A_13, %add3A_1246], %get3A_1261 : memref<64x129xf32, #tpu.memory_space<vmem>>[vector<16xi32>, vector<16xi32>], vector<16xf32>,
        %get3A_1267 = arith.constant 1 : i32
        %get3A_1268 = arith.index_cast %get3A_1267 : i32 to index
        %get3A_1269 = arith.index_cast %add3A_1242 : i32 to index
        %get3A_1270 = arith.constant 32 : index
        %get3A_1271 = tpu.vector_load %arg7[%get3A_1268, %get3A_1269, %get3A_1270] {strides = array<i32>} : memref<2x128x64xf32, #tpu.memory_space<vmem>>, vector<16xf32>,
        %scatter3A_1272 = arith.constant 1 : i32
        %scatter3A_1273 = arith.constant 0 : i32
        %scatter3A_1274 = arith.constant 0 : i32
        %scatter3A_1275 = tpu.memref_slice %arg8[%scatter3A_1272, %scatter3A_1273, %scatter3A_1274] : memref<2x64x129xf32, #tpu.memory_space<vmem>> -> memref<1x64x129xf32, #tpu.memory_space<vmem>>
        %scatter3A_1276 = tpu.memref_squeeze %scatter3A_1275 : memref<1x64x129xf32, #tpu.memory_space<vmem>> -> memref<64x129xf32, #tpu.memory_space<vmem>>
        tpu.vector_store_idx %scatter3A_1276[%add3A_16, %add3A_1246], %get3A_1271 : memref<64x129xf32, #tpu.memory_space<vmem>>[vector<16xi32>, vector<16xi32>], vector<16xf32>,
        %get3A_1277 = arith.constant 1 : i32
        %get3A_1278 = arith.index_cast %get3A_1277 : i32 to index
        %get3A_1279 = arith.index_cast %add3A_1242 : i32 to index
        %get3A_1280 = arith.constant 48 : index
        %get3A_1281 = tpu.vector_load %arg7[%get3A_1278, %get3A_1279, %get3A_1280] {strides = array<i32>} : memref<2x128x64xf32, #tpu.memory_space<vmem>>, vector<16xf32>,
        %scatter3A_1282 = arith.constant 1 : i32
        %scatter3A_1283 = arith.constant 0 : i32
        %scatter3A_1284 = arith.constant 0 : i32
        %scatter3A_1285 = tpu.memref_slice %arg8[%scatter3A_1282, %scatter3A_1283, %scatter3A_1284] : memref<2x64x129xf32, #tpu.memory_space<vmem>> -> memref<1x64x129xf32, #tpu.memory_space<vmem>>
        %scatter3A_1286 = tpu.memref_squeeze %scatter3A_1285 : memref<1x64x129xf32, #tpu.memory_space<vmem>> -> memref<64x129xf32, #tpu.memory_space<vmem>>
        tpu.vector_store_idx %scatter3A_1286[%add3A_19, %add3A_1246], %get3A_1281 : memref<64x129xf32, #tpu.memory_space<vmem>>[vector<16xi32>, vector<16xi32>], vector<16xf32>,
        %mul3A_1287 = arith.constant 8 : i32
        %mul3A_1288 = arith.muli %scan3A_1097, %mul3A_1287 : i32
        %add3A_1289 = arith.constant 4 : i32
        %add3A_1290 = arith.addi %mul3A_1288, %add3A_1289 : i32
        %broadcast_in_dim3A_1291 = arith.constant 0 : i32
        %broadcast_in_dim3A_1292 = vector.broadcast %broadcast_in_dim3A_1291 : i32 to vector<16xi32>
        %add3A_1293 = vector.broadcast %add3A_1290 : i32 to vector<16xi32>
        %add3A_1294 = arith.addi %broadcast_in_dim3A_1292, %add3A_1293 : vector<16xi32>
        %get3A_1295 = arith.constant 1 : i32
        %get3A_1296 = arith.index_cast %get3A_1295 : i32 to index
        %get3A_1297 = arith.index_cast %add3A_1290 : i32 to index
        %get3A_1298 = arith.constant 0 : index
        %get3A_1299 = tpu.vector_load %arg7[%get3A_1296, %get3A_1297, %get3A_1298] {strides = array<i32>} : memref<2x128x64xf32, #tpu.memory_space<vmem>>, vector<16xf32>,
        %scatter3A_1300 = arith.constant 1 : i32
        %scatter3A_1301 = arith.constant 0 : i32
        %scatter3A_1302 = arith.constant 0 : i32
        %scatter3A_1303 = tpu.memref_slice %arg8[%scatter3A_1300, %scatter3A_1301, %scatter3A_1302] : memref<2x64x129xf32, #tpu.memory_space<vmem>> -> memref<1x64x129xf32, #tpu.memory_space<vmem>>
        %scatter3A_1304 = tpu.memref_squeeze %scatter3A_1303 : memref<1x64x129xf32, #tpu.memory_space<vmem>> -> memref<64x129xf32, #tpu.memory_space<vmem>>
        tpu.vector_store_idx %scatter3A_1304[%add3A_10, %add3A_1294], %get3A_1299 : memref<64x129xf32, #tpu.memory_space<vmem>>[vector<16xi32>, vector<16xi32>], vector<16xf32>,
        %get3A_1305 = arith.constant 1 : i32
        %get3A_1306 = arith.index_cast %get3A_1305 : i32 to index
        %get3A_1307 = arith.index_cast %add3A_1290 : i32 to index
        %get3A_1308 = arith.constant 16 : index
        %get3A_1309 = tpu.vector_load %arg7[%get3A_1306, %get3A_1307, %get3A_1308] {strides = array<i32>} : memref<2x128x64xf32, #tpu.memory_space<vmem>>, vector<16xf32>,
        %scatter3A_1310 = arith.constant 1 : i32
        %scatter3A_1311 = arith.constant 0 : i32
        %scatter3A_1312 = arith.constant 0 : i32
        %scatter3A_1313 = tpu.memref_slice %arg8[%scatter3A_1310, %scatter3A_1311, %scatter3A_1312] : memref<2x64x129xf32, #tpu.memory_space<vmem>> -> memref<1x64x129xf32, #tpu.memory_space<vmem>>
        %scatter3A_1314 = tpu.memref_squeeze %scatter3A_1313 : memref<1x64x129xf32, #tpu.memory_space<vmem>> -> memref<64x129xf32, #tpu.memory_space<vmem>>
        tpu.vector_store_idx %scatter3A_1314[%add3A_13, %add3A_1294], %get3A_1309 : memref<64x129xf32, #tpu.memory_space<vmem>>[vector<16xi32>, vector<16xi32>], vector<16xf32>,
        %get3A_1315 = arith.constant 1 : i32
        %get3A_1316 = arith.index_cast %get3A_1315 : i32 to index
        %get3A_1317 = arith.index_cast %add3A_1290 : i32 to index
        %get3A_1318 = arith.constant 32 : index
        %get3A_1319 = tpu.vector_load %arg7[%get3A_1316, %get3A_1317, %get3A_1318] {strides = array<i32>} : memref<2x128x64xf32, #tpu.memory_space<vmem>>, vector<16xf32>,
        %scatter3A_1320 = arith.constant 1 : i32
        %scatter3A_1321 = arith.constant 0 : i32
        %scatter3A_1322 = arith.constant 0 : i32
        %scatter3A_1323 = tpu.memref_slice %arg8[%scatter3A_1320, %scatter3A_1321, %scatter3A_1322] : memref<2x64x129xf32, #tpu.memory_space<vmem>> -> memref<1x64x129xf32, #tpu.memory_space<vmem>>
        %scatter3A_1324 = tpu.memref_squeeze %scatter3A_1323 : memref<1x64x129xf32, #tpu.memory_space<vmem>> -> memref<64x129xf32, #tpu.memory_space<vmem>>
        tpu.vector_store_idx %scatter3A_1324[%add3A_16, %add3A_1294], %get3A_1319 : memref<64x129xf32, #tpu.memory_space<vmem>>[vector<16xi32>, vector<16xi32>], vector<16xf32>,
        %get3A_1325 = arith.constant 1 : i32
        %get3A_1326 = arith.index_cast %get3A_1325 : i32 to index
        %get3A_1327 = arith.index_cast %add3A_1290 : i32 to index
        %get3A_1328 = arith.constant 48 : index
        %get3A_1329 = tpu.vector_load %arg7[%get3A_1326, %get3A_1327, %get3A_1328] {strides = array<i32>} : memref<2x128x64xf32, #tpu.memory_space<vmem>>, vector<16xf32>,
        %scatter3A_1330 = arith.constant 1 : i32
        %scatter3A_1331 = arith.constant 0 : i32
        %scatter3A_1332 = arith.constant 0 : i32
        %scatter3A_1333 = tpu.memref_slice %arg8[%scatter3A_1330, %scatter3A_1331, %scatter3A_1332] : memref<2x64x129xf32, #tpu.memory_space<vmem>> -> memref<1x64x129xf32, #tpu.memory_space<vmem>>
        %scatter3A_1334 = tpu.memref_squeeze %scatter3A_1333 : memref<1x64x129xf32, #tpu.memory_space<vmem>> -> memref<64x129xf32, #tpu.memory_space<vmem>>
        tpu.vector_store_idx %scatter3A_1334[%add3A_19, %add3A_1294], %get3A_1329 : memref<64x129xf32, #tpu.memory_space<vmem>>[vector<16xi32>, vector<16xi32>], vector<16xf32>,
        %mul3A_1335 = arith.constant 8 : i32
        %mul3A_1336 = arith.muli %scan3A_1097, %mul3A_1335 : i32
        %add3A_1337 = arith.constant 5 : i32
        %add3A_1338 = arith.addi %mul3A_1336, %add3A_1337 : i32
        %broadcast_in_dim3A_1339 = arith.constant 0 : i32
        %broadcast_in_dim3A_1340 = vector.broadcast %broadcast_in_dim3A_1339 : i32 to vector<16xi32>
        %add3A_1341 = vector.broadcast %add3A_1338 : i32 to vector<16xi32>
        %add3A_1342 = arith.addi %broadcast_in_dim3A_1340, %add3A_1341 : vector<16xi32>
        %get3A_1343 = arith.constant 1 : i32
        %get3A_1344 = arith.index_cast %get3A_1343 : i32 to index
        %get3A_1345 = arith.index_cast %add3A_1338 : i32 to index
        %get3A_1346 = arith.constant 0 : index
        %get3A_1347 = tpu.vector_load %arg7[%get3A_1344, %get3A_1345, %get3A_1346] {strides = array<i32>} : memref<2x128x64xf32, #tpu.memory_space<vmem>>, vector<16xf32>,
        %scatter3A_1348 = arith.constant 1 : i32
        %scatter3A_1349 = arith.constant 0 : i32
        %scatter3A_1350 = arith.constant 0 : i32
        %scatter3A_1351 = tpu.memref_slice %arg8[%scatter3A_1348, %scatter3A_1349, %scatter3A_1350] : memref<2x64x129xf32, #tpu.memory_space<vmem>> -> memref<1x64x129xf32, #tpu.memory_space<vmem>>
        %scatter3A_1352 = tpu.memref_squeeze %scatter3A_1351 : memref<1x64x129xf32, #tpu.memory_space<vmem>> -> memref<64x129xf32, #tpu.memory_space<vmem>>
        tpu.vector_store_idx %scatter3A_1352[%add3A_10, %add3A_1342], %get3A_1347 : memref<64x129xf32, #tpu.memory_space<vmem>>[vector<16xi32>, vector<16xi32>], vector<16xf32>,
        %get3A_1353 = arith.constant 1 : i32
        %get3A_1354 = arith.index_cast %get3A_1353 : i32 to index
        %get3A_1355 = arith.index_cast %add3A_1338 : i32 to index
        %get3A_1356 = arith.constant 16 : index
        %get3A_1357 = tpu.vector_load %arg7[%get3A_1354, %get3A_1355, %get3A_1356] {strides = array<i32>} : memref<2x128x64xf32, #tpu.memory_space<vmem>>, vector<16xf32>,
        %scatter3A_1358 = arith.constant 1 : i32
        %scatter3A_1359 = arith.constant 0 : i32
        %scatter3A_1360 = arith.constant 0 : i32
        %scatter3A_1361 = tpu.memref_slice %arg8[%scatter3A_1358, %scatter3A_1359, %scatter3A_1360] : memref<2x64x129xf32, #tpu.memory_space<vmem>> -> memref<1x64x129xf32, #tpu.memory_space<vmem>>
        %scatter3A_1362 = tpu.memref_squeeze %scatter3A_1361 : memref<1x64x129xf32, #tpu.memory_space<vmem>> -> memref<64x129xf32, #tpu.memory_space<vmem>>
        tpu.vector_store_idx %scatter3A_1362[%add3A_13, %add3A_1342], %get3A_1357 : memref<64x129xf32, #tpu.memory_space<vmem>>[vector<16xi32>, vector<16xi32>], vector<16xf32>,
        %get3A_1363 = arith.constant 1 : i32
        %get3A_1364 = arith.index_cast %get3A_1363 : i32 to index
        %get3A_1365 = arith.index_cast %add3A_1338 : i32 to index
        %get3A_1366 = arith.constant 32 : index
        %get3A_1367 = tpu.vector_load %arg7[%get3A_1364, %get3A_1365, %get3A_1366] {strides = array<i32>} : memref<2x128x64xf32, #tpu.memory_space<vmem>>, vector<16xf32>,
        %scatter3A_1368 = arith.constant 1 : i32
        %scatter3A_1369 = arith.constant 0 : i32
        %scatter3A_1370 = arith.constant 0 : i32
        %scatter3A_1371 = tpu.memref_slice %arg8[%scatter3A_1368, %scatter3A_1369, %scatter3A_1370] : memref<2x64x129xf32, #tpu.memory_space<vmem>> -> memref<1x64x129xf32, #tpu.memory_space<vmem>>
        %scatter3A_1372 = tpu.memref_squeeze %scatter3A_1371 : memref<1x64x129xf32, #tpu.memory_space<vmem>> -> memref<64x129xf32, #tpu.memory_space<vmem>>
        tpu.vector_store_idx %scatter3A_1372[%add3A_16, %add3A_1342], %get3A_1367 : memref<64x129xf32, #tpu.memory_space<vmem>>[vector<16xi32>, vector<16xi32>], vector<16xf32>,
        %get3A_1373 = arith.constant 1 : i32
        %get3A_1374 = arith.index_cast %get3A_1373 : i32 to index
        %get3A_1375 = arith.index_cast %add3A_1338 : i32 to index
        %get3A_1376 = arith.constant 48 : index
        %get3A_1377 = tpu.vector_load %arg7[%get3A_1374, %get3A_1375, %get3A_1376] {strides = array<i32>} : memref<2x128x64xf32, #tpu.memory_space<vmem>>, vector<16xf32>,
        %scatter3A_1378 = arith.constant 1 : i32
        %scatter3A_1379 = arith.constant 0 : i32
        %scatter3A_1380 = arith.constant 0 : i32
        %scatter3A_1381 = tpu.memref_slice %arg8[%scatter3A_1378, %scatter3A_1379, %scatter3A_1380] : memref<2x64x129xf32, #tpu.memory_space<vmem>> -> memref<1x64x129xf32, #tpu.memory_space<vmem>>
        %scatter3A_1382 = tpu.memref_squeeze %scatter3A_1381 : memref<1x64x129xf32, #tpu.memory_space<vmem>> -> memref<64x129xf32, #tpu.memory_space<vmem>>
        tpu.vector_store_idx %scatter3A_1382[%add3A_19, %add3A_1342], %get3A_1377 : memref<64x129xf32, #tpu.memory_space<vmem>>[vector<16xi32>, vector<16xi32>], vector<16xf32>,
        %mul3A_1383 = arith.constant 8 : i32
        %mul3A_1384 = arith.muli %scan3A_1097, %mul3A_1383 : i32
        %add3A_1385 = arith.constant 6 : i32
        %add3A_1386 = arith.addi %mul3A_1384, %add3A_1385 : i32
        %broadcast_in_dim3A_1387 = arith.constant 0 : i32
        %broadcast_in_dim3A_1388 = vector.broadcast %broadcast_in_dim3A_1387 : i32 to vector<16xi32>
        %add3A_1389 = vector.broadcast %add3A_1386 : i32 to vector<16xi32>
        %add3A_1390 = arith.addi %broadcast_in_dim3A_1388, %add3A_1389 : vector<16xi32>
        %get3A_1391 = arith.constant 1 : i32
        %get3A_1392 = arith.index_cast %get3A_1391 : i32 to index
        %get3A_1393 = arith.index_cast %add3A_1386 : i32 to index
        %get3A_1394 = arith.constant 0 : index
        %get3A_1395 = tpu.vector_load %arg7[%get3A_1392, %get3A_1393, %get3A_1394] {strides = array<i32>} : memref<2x128x64xf32, #tpu.memory_space<vmem>>, vector<16xf32>,
        %scatter3A_1396 = arith.constant 1 : i32
        %scatter3A_1397 = arith.constant 0 : i32
        %scatter3A_1398 = arith.constant 0 : i32
        %scatter3A_1399 = tpu.memref_slice %arg8[%scatter3A_1396, %scatter3A_1397, %scatter3A_1398] : memref<2x64x129xf32, #tpu.memory_space<vmem>> -> memref<1x64x129xf32, #tpu.memory_space<vmem>>
        %scatter3A_1400 = tpu.memref_squeeze %scatter3A_1399 : memref<1x64x129xf32, #tpu.memory_space<vmem>> -> memref<64x129xf32, #tpu.memory_space<vmem>>
        tpu.vector_store_idx %scatter3A_1400[%add3A_10, %add3A_1390], %get3A_1395 : memref<64x129xf32, #tpu.memory_space<vmem>>[vector<16xi32>, vector<16xi32>], vector<16xf32>,
        %get3A_1401 = arith.constant 1 : i32
        %get3A_1402 = arith.index_cast %get3A_1401 : i32 to index
        %get3A_1403 = arith.index_cast %add3A_1386 : i32 to index
        %get3A_1404 = arith.constant 16 : index
        %get3A_1405 = tpu.vector_load %arg7[%get3A_1402, %get3A_1403, %get3A_1404] {strides = array<i32>} : memref<2x128x64xf32, #tpu.memory_space<vmem>>, vector<16xf32>,
        %scatter3A_1406 = arith.constant 1 : i32
        %scatter3A_1407 = arith.constant 0 : i32
        %scatter3A_1408 = arith.constant 0 : i32
        %scatter3A_1409 = tpu.memref_slice %arg8[%scatter3A_1406, %scatter3A_1407, %scatter3A_1408] : memref<2x64x129xf32, #tpu.memory_space<vmem>> -> memref<1x64x129xf32, #tpu.memory_space<vmem>>
        %scatter3A_1410 = tpu.memref_squeeze %scatter3A_1409 : memref<1x64x129xf32, #tpu.memory_space<vmem>> -> memref<64x129xf32, #tpu.memory_space<vmem>>
        tpu.vector_store_idx %scatter3A_1410[%add3A_13, %add3A_1390], %get3A_1405 : memref<64x129xf32, #tpu.memory_space<vmem>>[vector<16xi32>, vector<16xi32>], vector<16xf32>,
        %get3A_1411 = arith.constant 1 : i32
        %get3A_1412 = arith.index_cast %get3A_1411 : i32 to index
        %get3A_1413 = arith.index_cast %add3A_1386 : i32 to index
        %get3A_1414 = arith.constant 32 : index
        %get3A_1415 = tpu.vector_load %arg7[%get3A_1412, %get3A_1413, %get3A_1414] {strides = array<i32>} : memref<2x128x64xf32, #tpu.memory_space<vmem>>, vector<16xf32>,
        %scatter3A_1416 = arith.constant 1 : i32
        %scatter3A_1417 = arith.constant 0 : i32
        %scatter3A_1418 = arith.constant 0 : i32
        %scatter3A_1419 = tpu.memref_slice %arg8[%scatter3A_1416, %scatter3A_1417, %scatter3A_1418] : memref<2x64x129xf32, #tpu.memory_space<vmem>> -> memref<1x64x129xf32, #tpu.memory_space<vmem>>
        %scatter3A_1420 = tpu.memref_squeeze %scatter3A_1419 : memref<1x64x129xf32, #tpu.memory_space<vmem>> -> memref<64x129xf32, #tpu.memory_space<vmem>>
        tpu.vector_store_idx %scatter3A_1420[%add3A_16, %add3A_1390], %get3A_1415 : memref<64x129xf32, #tpu.memory_space<vmem>>[vector<16xi32>, vector<16xi32>], vector<16xf32>,
        %get3A_1421 = arith.constant 1 : i32
        %get3A_1422 = arith.index_cast %get3A_1421 : i32 to index
        %get3A_1423 = arith.index_cast %add3A_1386 : i32 to index
        %get3A_1424 = arith.constant 48 : index
        %get3A_1425 = tpu.vector_load %arg7[%get3A_1422, %get3A_1423, %get3A_1424] {strides = array<i32>} : memref<2x128x64xf32, #tpu.memory_space<vmem>>, vector<16xf32>,
        %scatter3A_1426 = arith.constant 1 : i32
        %scatter3A_1427 = arith.constant 0 : i32
        %scatter3A_1428 = arith.constant 0 : i32
        %scatter3A_1429 = tpu.memref_slice %arg8[%scatter3A_1426, %scatter3A_1427, %scatter3A_1428] : memref<2x64x129xf32, #tpu.memory_space<vmem>> -> memref<1x64x129xf32, #tpu.memory_space<vmem>>
        %scatter3A_1430 = tpu.memref_squeeze %scatter3A_1429 : memref<1x64x129xf32, #tpu.memory_space<vmem>> -> memref<64x129xf32, #tpu.memory_space<vmem>>
        tpu.vector_store_idx %scatter3A_1430[%add3A_19, %add3A_1390], %get3A_1425 : memref<64x129xf32, #tpu.memory_space<vmem>>[vector<16xi32>, vector<16xi32>], vector<16xf32>,
        %mul3A_1431 = arith.constant 8 : i32
        %mul3A_1432 = arith.muli %scan3A_1097, %mul3A_1431 : i32
        %add3A_1433 = arith.constant 7 : i32
        %add3A_1434 = arith.addi %mul3A_1432, %add3A_1433 : i32
        %broadcast_in_dim3A_1435 = arith.constant 0 : i32
        %broadcast_in_dim3A_1436 = vector.broadcast %broadcast_in_dim3A_1435 : i32 to vector<16xi32>
        %add3A_1437 = vector.broadcast %add3A_1434 : i32 to vector<16xi32>
        %add3A_1438 = arith.addi %broadcast_in_dim3A_1436, %add3A_1437 : vector<16xi32>
        %get3A_1439 = arith.constant 1 : i32
        %get3A_1440 = arith.index_cast %get3A_1439 : i32 to index
        %get3A_1441 = arith.index_cast %add3A_1434 : i32 to index
        %get3A_1442 = arith.constant 0 : index
        %get3A_1443 = tpu.vector_load %arg7[%get3A_1440, %get3A_1441, %get3A_1442] {strides = array<i32>} : memref<2x128x64xf32, #tpu.memory_space<vmem>>, vector<16xf32>,
        %scatter3A_1444 = arith.constant 1 : i32
        %scatter3A_1445 = arith.constant 0 : i32
        %scatter3A_1446 = arith.constant 0 : i32
        %scatter3A_1447 = tpu.memref_slice %arg8[%scatter3A_1444, %scatter3A_1445, %scatter3A_1446] : memref<2x64x129xf32, #tpu.memory_space<vmem>> -> memref<1x64x129xf32, #tpu.memory_space<vmem>>
        %scatter3A_1448 = tpu.memref_squeeze %scatter3A_1447 : memref<1x64x129xf32, #tpu.memory_space<vmem>> -> memref<64x129xf32, #tpu.memory_space<vmem>>
        tpu.vector_store_idx %scatter3A_1448[%add3A_10, %add3A_1438], %get3A_1443 : memref<64x129xf32, #tpu.memory_space<vmem>>[vector<16xi32>, vector<16xi32>], vector<16xf32>,
        %get3A_1449 = arith.constant 1 : i32
        %get3A_1450 = arith.index_cast %get3A_1449 : i32 to index
        %get3A_1451 = arith.index_cast %add3A_1434 : i32 to index
        %get3A_1452 = arith.constant 16 : index
        %get3A_1453 = tpu.vector_load %arg7[%get3A_1450, %get3A_1451, %get3A_1452] {strides = array<i32>} : memref<2x128x64xf32, #tpu.memory_space<vmem>>, vector<16xf32>,
        %scatter3A_1454 = arith.constant 1 : i32
        %scatter3A_1455 = arith.constant 0 : i32
        %scatter3A_1456 = arith.constant 0 : i32
        %scatter3A_1457 = tpu.memref_slice %arg8[%scatter3A_1454, %scatter3A_1455, %scatter3A_1456] : memref<2x64x129xf32, #tpu.memory_space<vmem>> -> memref<1x64x129xf32, #tpu.memory_space<vmem>>
        %scatter3A_1458 = tpu.memref_squeeze %scatter3A_1457 : memref<1x64x129xf32, #tpu.memory_space<vmem>> -> memref<64x129xf32, #tpu.memory_space<vmem>>
        tpu.vector_store_idx %scatter3A_1458[%add3A_13, %add3A_1438], %get3A_1453 : memref<64x129xf32, #tpu.memory_space<vmem>>[vector<16xi32>, vector<16xi32>], vector<16xf32>,
        %get3A_1459 = arith.constant 1 : i32
        %get3A_1460 = arith.index_cast %get3A_1459 : i32 to index
        %get3A_1461 = arith.index_cast %add3A_1434 : i32 to index
        %get3A_1462 = arith.constant 32 : index
        %get3A_1463 = tpu.vector_load %arg7[%get3A_1460, %get3A_1461, %get3A_1462] {strides = array<i32>} : memref<2x128x64xf32, #tpu.memory_space<vmem>>, vector<16xf32>,
        %scatter3A_1464 = arith.constant 1 : i32
        %scatter3A_1465 = arith.constant 0 : i32
        %scatter3A_1466 = arith.constant 0 : i32
        %scatter3A_1467 = tpu.memref_slice %arg8[%scatter3A_1464, %scatter3A_1465, %scatter3A_1466] : memref<2x64x129xf32, #tpu.memory_space<vmem>> -> memref<1x64x129xf32, #tpu.memory_space<vmem>>
        %scatter3A_1468 = tpu.memref_squeeze %scatter3A_1467 : memref<1x64x129xf32, #tpu.memory_space<vmem>> -> memref<64x129xf32, #tpu.memory_space<vmem>>
        tpu.vector_store_idx %scatter3A_1468[%add3A_16, %add3A_1438], %get3A_1463 : memref<64x129xf32, #tpu.memory_space<vmem>>[vector<16xi32>, vector<16xi32>], vector<16xf32>,
        %get3A_1469 = arith.constant 1 : i32
        %get3A_1470 = arith.index_cast %get3A_1469 : i32 to index
        %get3A_1471 = arith.index_cast %add3A_1434 : i32 to index
        %get3A_1472 = arith.constant 48 : index
        %get3A_1473 = tpu.vector_load %arg7[%get3A_1470, %get3A_1471, %get3A_1472] {strides = array<i32>} : memref<2x128x64xf32, #tpu.memory_space<vmem>>, vector<16xf32>,
        %scatter3A_1474 = arith.constant 1 : i32
        %scatter3A_1475 = arith.constant 0 : i32
        %scatter3A_1476 = arith.constant 0 : i32
        %scatter3A_1477 = tpu.memref_slice %arg8[%scatter3A_1474, %scatter3A_1475, %scatter3A_1476] : memref<2x64x129xf32, #tpu.memory_space<vmem>> -> memref<1x64x129xf32, #tpu.memory_space<vmem>>
        %scatter3A_1478 = tpu.memref_squeeze %scatter3A_1477 : memref<1x64x129xf32, #tpu.memory_space<vmem>> -> memref<64x129xf32, #tpu.memory_space<vmem>>
        tpu.vector_store_idx %scatter3A_1478[%add3A_19, %add3A_1438], %get3A_1473 : memref<64x129xf32, #tpu.memory_space<vmem>>[vector<16xi32>, vector<16xi32>], vector<16xf32>,
      }
      %scan3A_649 = arith.constant 16 : i32
      %add3A_650 = arith.constant 2 : i32
      %add3A_651 = arith.addi %add3A_595, %add3A_650 : i32
      %lt3A_652 = arith.constant 104 : i32
      %lt3A_653 = arith.cmpi slt, %add3A_651, %lt3A_652 : i32
      %convert_element_type3A_654 = arith.extui %lt3A_653 : i1 to i32
      %cond3A_655 = arith.constant 0 : i32
      %cond3A_656 = arith.cmpi ne, %convert_element_type3A_654, %cond3A_655 : i32
      scf.if %cond3A_656 {
        %add3A_1097 = arith.constant 2 : i32
        %add3A_1098 = arith.addi %add3A_595, %add3A_1097 : i32
        %jit3A_1099 = arith.constant 4 : i32
        %div3A_1100 = arith.divsi %add3A_1098, %jit3A_1099 : i32
        %sign3A_1101 = arith.constant 0 : i32
        %sign3A_1102 = arith.cmpi sgt, %add3A_1098, %sign3A_1101 : i32
        %sign3A_1103 = arith.extui %sign3A_1102 : i1 to i32
        %sign3A_1104 = arith.constant 0 : i32
        %sign3A_1105 = arith.cmpi slt, %add3A_1098, %sign3A_1104 : i32
        %sign3A_1106 = arith.extui %sign3A_1105 : i1 to i32
        %sign3A_1107 = arith.subi %sign3A_1103, %sign3A_1106 : i32
        %sign3A_1108 = arith.constant 0 : i32
        %sign3A_1109 = arith.cmpi sgt, %jit3A_1099, %sign3A_1108 : i32
        %sign3A_1110 = arith.extui %sign3A_1109 : i1 to i32
        %sign3A_1111 = arith.constant 0 : i32
        %sign3A_1112 = arith.cmpi slt, %jit3A_1099, %sign3A_1111 : i32
        %sign3A_1113 = arith.extui %sign3A_1112 : i1 to i32
        %sign3A_1114 = arith.subi %sign3A_1110, %sign3A_1113 : i32
        %ne3A_1115 = arith.cmpi ne, %sign3A_1107, %sign3A_1114 : i32
        %rem3A_1116 = arith.remsi %add3A_1098, %jit3A_1099 : i32
        %ne3A_1117 = arith.constant 0 : i32
        %ne3A_1118 = arith.cmpi ne, %rem3A_1116, %ne3A_1117 : i32
        %and3A_1119 = arith.andi %ne3A_1115, %ne3A_1118 : i1
        %sub3A_1120 = arith.constant 1 : i32
        %sub3A_1121 = arith.subi %div3A_1100, %sub3A_1120 : i32
        %select_n3A_1122 = arith.select %and3A_1119, %sub3A_1121, %div3A_1100 : i32
        %rem3A_1123 = arith.constant 4 : i32
        %rem3A_1124 = arith.remsi %add3A_1098, %rem3A_1123 : i32
        %mul3A_1125 = arith.constant 512 : i32
        %mul3A_1126 = arith.muli %select_n3A_1122, %mul3A_1125 : i32
        %mul3A_1127 = arith.constant 128 : i32
        %mul3A_1128 = arith.muli %rem3A_1124, %mul3A_1127 : i32
        %add3A_1129 = arith.addi %mul3A_1126, %mul3A_1128 : i32
        %dma_start3A_1130 = arith.constant 1 : i32
        %dma_start3A_1131 = arith.constant 1 : i32
        %dma_start3A_1132 = arith.constant 0 : i32
        %dma_start3A_1133 = arith.constant 0 : i32
        %dma_start3A_1134 = tpu.memref_slice %arg7[%dma_start3A_1130, %dma_start3A_1132, %dma_start3A_1133] : memref<2x128x64xf32, #tpu.memory_space<vmem>> -> memref<1x128x64xf32, #tpu.memory_space<vmem>>
        %dma_start3A_1135 = tpu.memref_squeeze %dma_start3A_1134 : memref<1x128x64xf32, #tpu.memory_space<vmem>> -> memref<128x64xf32, #tpu.memory_space<vmem>>
        %dma_start3A_1136 = tpu.memref_slice %arg6[%add3A_1129] : memref<13312xi32, #tpu.memory_space<vmem>> -> memref<128xi32, #tpu.memory_space<vmem>>
        %dma_start3A_1137 = arith.constant 0 : i32
        %dma_start3A_1138 = arith.constant 0 : i32
        %dma_start3A_1139 = tpu.memref_slice %arg3[%dma_start3A_1137, %dma_start3A_1138] : memref<1000000x64xf32, #tpu.memory_space<hbm>> -> memref<1000000x64xf32, #tpu.memory_space<hbm>>
        %dma_start3A_1140 = tpu.memref_slice %arg9[%dma_start3A_1131] : memref<2x!tpu.dma_semaphore, #tpu.memory_space<semaphore_mem>> -> memref<1x!tpu.dma_semaphore, #tpu.memory_space<semaphore_mem>>
        %dma_start3A_1141 = tpu.memref_squeeze %dma_start3A_1140 : memref<1x!tpu.dma_semaphore, #tpu.memory_space<semaphore_mem>> -> memref<!tpu.dma_semaphore, #tpu.memory_space<semaphore_mem>>
        tpu.enqueue_indirect_dma source(%dma_start3A_1139 : memref<1000000x64xf32, #tpu.memory_space<hbm>>) target(%dma_start3A_1135 : memref<128x64xf32, #tpu.memory_space<vmem>>) offsets(%dma_start3A_1136 : memref<128xi32, #tpu.memory_space<vmem>>) semaphore(%dma_start3A_1141 : memref<!tpu.dma_semaphore, #tpu.memory_space<semaphore_mem>>)
      } else {
      }
      %jit3A_657 = arith.constant 4 : i32
      %div3A_658 = arith.divsi %add3A_595, %jit3A_657 : i32
      %sign3A_659 = arith.constant 0 : i32
      %sign3A_660 = arith.cmpi sgt, %add3A_595, %sign3A_659 : i32
      %sign3A_661 = arith.extui %sign3A_660 : i1 to i32
      %sign3A_662 = arith.constant 0 : i32
      %sign3A_663 = arith.cmpi slt, %add3A_595, %sign3A_662 : i32
      %sign3A_664 = arith.extui %sign3A_663 : i1 to i32
      %sign3A_665 = arith.subi %sign3A_661, %sign3A_664 : i32
      %sign3A_666 = arith.constant 0 : i32
      %sign3A_667 = arith.cmpi sgt, %jit3A_657, %sign3A_666 : i32
      %sign3A_668 = arith.extui %sign3A_667 : i1 to i32
      %sign3A_669 = arith.constant 0 : i32
      %sign3A_670 = arith.cmpi slt, %jit3A_657, %sign3A_669 : i32
      %sign3A_671 = arith.extui %sign3A_670 : i1 to i32
      %sign3A_672 = arith.subi %sign3A_668, %sign3A_671 : i32
      %ne3A_673 = arith.cmpi ne, %sign3A_665, %sign3A_672 : i32
      %rem3A_674 = arith.remsi %add3A_595, %jit3A_657 : i32
      %ne3A_675 = arith.constant 0 : i32
      %ne3A_676 = arith.cmpi ne, %rem3A_674, %ne3A_675 : i32
      %and3A_677 = arith.andi %ne3A_673, %ne3A_676 : i1
      %sub3A_678 = arith.constant 1 : i32
      %sub3A_679 = arith.subi %div3A_658, %sub3A_678 : i32
      %select_n3A_680 = arith.select %and3A_677, %sub3A_679, %div3A_658 : i32
      %rem3A_681 = arith.constant 4 : i32
      %rem3A_682 = arith.remsi %add3A_595, %rem3A_681 : i32
      %mul3A_683 = arith.constant 512 : i32
      %mul3A_684 = arith.muli %select_n3A_680, %mul3A_683 : i32
      %mul3A_685 = arith.constant 128 : i32
      %mul3A_686 = arith.muli %rem3A_682, %mul3A_685 : i32
      %add3A_687 = arith.addi %mul3A_684, %mul3A_686 : i32
      %mul3A_688 = arith.constant 4 : i32
      %mul3A_689 = arith.muli %add3A, %mul3A_688 : i32
      %add3A_690 = arith.addi %mul3A_689, %rem3A_682 : i32
      %dma_start3A_691 = arith.constant 1 : i32
      %dma_start3A_692 = arith.constant 0 : i32
      %dma_start3A_693 = arith.constant 1 : i32
      %dma_start3A_694 = arith.constant 0 : i32
      %dma_start3A_695 = arith.constant 0 : i32
      %dma_start3A_696 = tpu.memref_slice %arg8[%dma_start3A_691, %dma_start3A_694, %dma_start3A_695] : memref<2x64x129xf32, #tpu.memory_space<vmem>> -> memref<1x8x128xf32, #tpu.memory_space<vmem>>
      %dma_start3A_697 = tpu.memref_squeeze %dma_start3A_696 : memref<1x8x128xf32, #tpu.memory_space<vmem>> -> memref<8x128xf32, #tpu.memory_space<vmem>>
      %dma_start3A_698 = arith.constant 0 : i32
      %dma_start3A_699 = arith.constant 0 : i32
      %dma_start3A_700 = tpu.memref_slice %arg4[%select_n3A_680, %dma_start3A_692, %add3A_690, %dma_start3A_698, %dma_start3A_699] : memref<26x8x128x8x128xf32, #tpu.memory_space<hbm>> -> memref<1x1x1x8x128xf32, #tpu.memory_space<hbm>>
      %dma_start3A_701 = tpu.memref_squeeze %dma_start3A_700 : memref<1x1x1x8x128xf32, #tpu.memory_space<hbm>> -> memref<8x128xf32, #tpu.memory_space<hbm>>
      %dma_start3A_702 = tpu.memref_slice %arg10[%dma_start3A_693] : memref<2x!tpu.dma_semaphore, #tpu.memory_space<semaphore_mem>> -> memref<1x!tpu.dma_semaphore, #tpu.memory_space<semaphore_mem>>
      %dma_start3A_703 = tpu.memref_squeeze %dma_start3A_702 : memref<1x!tpu.dma_semaphore, #tpu.memory_space<semaphore_mem>> -> memref<!tpu.dma_semaphore, #tpu.memory_space<semaphore_mem>>
      %dma_start3A_704 = arith.constant 0 : i32
      %dma_start3A_705 = arith.constant 0 : i32
      %dma_start3A_706 = tpu.memref_slice %arg4[%select_n3A_680, %dma_start3A_692, %add3A_690, %dma_start3A_704, %dma_start3A_705] : memref<26x8x128x8x128xf32, #tpu.memory_space<hbm>> -> memref<1x1x1x8x128xf32, #tpu.memory_space<hbm>>
      %dma_start3A_707 = tpu.memref_squeeze %dma_start3A_706 : memref<1x1x1x8x128xf32, #tpu.memory_space<hbm>> -> memref<8x128xf32, #tpu.memory_space<hbm>>
      %dma_start3A_708 = arith.constant 0 : i32
      %dma_start3A_709 = arith.constant 0 : i32
      %dma_start3A_710 = tpu.memref_slice %arg8[%dma_start3A_691, %dma_start3A_708, %dma_start3A_709] : memref<2x64x129xf32, #tpu.memory_space<vmem>> -> memref<1x8x128xf32, #tpu.memory_space<vmem>>
      %dma_start3A_711 = tpu.memref_squeeze %dma_start3A_710 : memref<1x8x128xf32, #tpu.memory_space<vmem>> -> memref<8x128xf32, #tpu.memory_space<vmem>>
      tpu.enqueue_dma source(%dma_start3A_711 : memref<8x128xf32, #tpu.memory_space<vmem>>) target(%dma_start3A_707 : memref<8x128xf32, #tpu.memory_space<hbm>>) target_semaphore(%dma_start3A_703 : memref<!tpu.dma_semaphore, #tpu.memory_space<semaphore_mem>>)
      %jit3A_712 = arith.constant 4 : i32
      %div3A_713 = arith.divsi %add3A_595, %jit3A_712 : i32
      %sign3A_714 = arith.constant 0 : i32
      %sign3A_715 = arith.cmpi sgt, %add3A_595, %sign3A_714 : i32
      %sign3A_716 = arith.extui %sign3A_715 : i1 to i32
      %sign3A_717 = arith.constant 0 : i32
      %sign3A_718 = arith.cmpi slt, %add3A_595, %sign3A_717 : i32
      %sign3A_719 = arith.extui %sign3A_718 : i1 to i32
      %sign3A_720 = arith.subi %sign3A_716, %sign3A_719 : i32
      %sign3A_721 = arith.constant 0 : i32
      %sign3A_722 = arith.cmpi sgt, %jit3A_712, %sign3A_721 : i32
      %sign3A_723 = arith.extui %sign3A_722 : i1 to i32
      %sign3A_724 = arith.constant 0 : i32
      %sign3A_725 = arith.cmpi slt, %jit3A_712, %sign3A_724 : i32
      %sign3A_726 = arith.extui %sign3A_725 : i1 to i32
      %sign3A_727 = arith.subi %sign3A_723, %sign3A_726 : i32
      %ne3A_728 = arith.cmpi ne, %sign3A_720, %sign3A_727 : i32
      %rem3A_729 = arith.remsi %add3A_595, %jit3A_712 : i32
      %ne3A_730 = arith.constant 0 : i32
      %ne3A_731 = arith.cmpi ne, %rem3A_729, %ne3A_730 : i32
      %and3A_732 = arith.andi %ne3A_728, %ne3A_731 : i1
      %sub3A_733 = arith.constant 1 : i32
      %sub3A_734 = arith.subi %div3A_713, %sub3A_733 : i32
      %select_n3A_735 = arith.select %and3A_732, %sub3A_734, %div3A_713 : i32
      %rem3A_736 = arith.constant 4 : i32
      %rem3A_737 = arith.remsi %add3A_595, %rem3A_736 : i32
      %mul3A_738 = arith.constant 512 : i32
      %mul3A_739 = arith.muli %select_n3A_735, %mul3A_738 : i32
      %mul3A_740 = arith.constant 128 : i32
      %mul3A_741 = arith.muli %rem3A_737, %mul3A_740 : i32
      %add3A_742 = arith.addi %mul3A_739, %mul3A_741 : i32
      %mul3A_743 = arith.constant 4 : i32
      %mul3A_744 = arith.muli %add3A, %mul3A_743 : i32
      %add3A_745 = arith.addi %mul3A_744, %rem3A_737 : i32
      %dma_start3A_746 = arith.constant 1 : i32
      %dma_start3A_747 = arith.constant 1 : i32
      %dma_start3A_748 = arith.constant 1 : i32
      %dma_start3A_749 = arith.constant 8 : i32
      %dma_start3A_750 = arith.constant 0 : i32
      %dma_start3A_751 = tpu.memref_slice %arg8[%dma_start3A_746, %dma_start3A_749, %dma_start3A_750] : memref<2x64x129xf32, #tpu.memory_space<vmem>> -> memref<1x8x128xf32, #tpu.memory_space<vmem>>
      %dma_start3A_752 = tpu.memref_squeeze %dma_start3A_751 : memref<1x8x128xf32, #tpu.memory_space<vmem>> -> memref<8x128xf32, #tpu.memory_space<vmem>>
      %dma_start3A_753 = arith.constant 0 : i32
      %dma_start3A_754 = arith.constant 0 : i32
      %dma_start3A_755 = tpu.memref_slice %arg4[%select_n3A_735, %dma_start3A_747, %add3A_745, %dma_start3A_753, %dma_start3A_754] : memref<26x8x128x8x128xf32, #tpu.memory_space<hbm>> -> memref<1x1x1x8x128xf32, #tpu.memory_space<hbm>>
      %dma_start3A_756 = tpu.memref_squeeze %dma_start3A_755 : memref<1x1x1x8x128xf32, #tpu.memory_space<hbm>> -> memref<8x128xf32, #tpu.memory_space<hbm>>
      %dma_start3A_757 = tpu.memref_slice %arg10[%dma_start3A_748] : memref<2x!tpu.dma_semaphore, #tpu.memory_space<semaphore_mem>> -> memref<1x!tpu.dma_semaphore, #tpu.memory_space<semaphore_mem>>
      %dma_start3A_758 = tpu.memref_squeeze %dma_start3A_757 : memref<1x!tpu.dma_semaphore, #tpu.memory_space<semaphore_mem>> -> memref<!tpu.dma_semaphore, #tpu.memory_space<semaphore_mem>>
      %dma_start3A_759 = arith.constant 0 : i32
      %dma_start3A_760 = arith.constant 0 : i32
      %dma_start3A_761 = tpu.memref_slice %arg4[%select_n3A_735, %dma_start3A_747, %add3A_745, %dma_start3A_759, %dma_start3A_760] : memref<26x8x128x8x128xf32, #tpu.memory_space<hbm>> -> memref<1x1x1x8x128xf32, #tpu.memory_space<hbm>>
      %dma_start3A_762 = tpu.memref_squeeze %dma_start3A_761 : memref<1x1x1x8x128xf32, #tpu.memory_space<hbm>> -> memref<8x128xf32, #tpu.memory_space<hbm>>
      %dma_start3A_763 = arith.constant 8 : i32
      %dma_start3A_764 = arith.constant 0 : i32
      %dma_start3A_765 = tpu.memref_slice %arg8[%dma_start3A_746, %dma_start3A_763, %dma_start3A_764] : memref<2x64x129xf32, #tpu.memory_space<vmem>> -> memref<1x8x128xf32, #tpu.memory_space<vmem>>
      %dma_start3A_766 = tpu.memref_squeeze %dma_start3A_765 : memref<1x8x128xf32, #tpu.memory_space<vmem>> -> memref<8x128xf32, #tpu.memory_space<vmem>>
      tpu.enqueue_dma source(%dma_start3A_766 : memref<8x128xf32, #tpu.memory_space<vmem>>) target(%dma_start3A_762 : memref<8x128xf32, #tpu.memory_space<hbm>>) target_semaphore(%dma_start3A_758 : memref<!tpu.dma_semaphore, #tpu.memory_space<semaphore_mem>>)
      %jit3A_767 = arith.constant 4 : i32
      %div3A_768 = arith.divsi %add3A_595, %jit3A_767 : i32
      %sign3A_769 = arith.constant 0 : i32
      %sign3A_770 = arith.cmpi sgt, %add3A_595, %sign3A_769 : i32
      %sign3A_771 = arith.extui %sign3A_770 : i1 to i32
      %sign3A_772 = arith.constant 0 : i32
      %sign3A_773 = arith.cmpi slt, %add3A_595, %sign3A_772 : i32
      %sign3A_774 = arith.extui %sign3A_773 : i1 to i32
      %sign3A_775 = arith.subi %sign3A_771, %sign3A_774 : i32
      %sign3A_776 = arith.constant 0 : i32
      %sign3A_777 = arith.cmpi sgt, %jit3A_767, %sign3A_776 : i32
      %sign3A_778 = arith.extui %sign3A_777 : i1 to i32
      %sign3A_779 = arith.constant 0 : i32
      %sign3A_780 = arith.cmpi slt, %jit3A_767, %sign3A_779 : i32
      %sign3A_781 = arith.extui %sign3A_780 : i1 to i32
      %sign3A_782 = arith.subi %sign3A_778, %sign3A_781 : i32
      %ne3A_783 = arith.cmpi ne, %sign3A_775, %sign3A_782 : i32
      %rem3A_784 = arith.remsi %add3A_595, %jit3A_767 : i32
      %ne3A_785 = arith.constant 0 : i32
      %ne3A_786 = arith.cmpi ne, %rem3A_784, %ne3A_785 : i32
      %and3A_787 = arith.andi %ne3A_783, %ne3A_786 : i1
      %sub3A_788 = arith.constant 1 : i32
      %sub3A_789 = arith.subi %div3A_768, %sub3A_788 : i32
      %select_n3A_790 = arith.select %and3A_787, %sub3A_789, %div3A_768 : i32
      %rem3A_791 = arith.constant 4 : i32
      %rem3A_792 = arith.remsi %add3A_595, %rem3A_791 : i32
      %mul3A_793 = arith.constant 512 : i32
      %mul3A_794 = arith.muli %select_n3A_790, %mul3A_793 : i32
      %mul3A_795 = arith.constant 128 : i32
      %mul3A_796 = arith.muli %rem3A_792, %mul3A_795 : i32
      %add3A_797 = arith.addi %mul3A_794, %mul3A_796 : i32
      %mul3A_798 = arith.constant 4 : i32
      %mul3A_799 = arith.muli %add3A, %mul3A_798 : i32
      %add3A_800 = arith.addi %mul3A_799, %rem3A_792 : i32
      %dma_start3A_801 = arith.constant 1 : i32
      %dma_start3A_802 = arith.constant 2 : i32
      %dma_start3A_803 = arith.constant 1 : i32
      %dma_start3A_804 = arith.constant 16 : i32
      %dma_start3A_805 = arith.constant 0 : i32
      %dma_start3A_806 = tpu.memref_slice %arg8[%dma_start3A_801, %dma_start3A_804, %dma_start3A_805] : memref<2x64x129xf32, #tpu.memory_space<vmem>> -> memref<1x8x128xf32, #tpu.memory_space<vmem>>
      %dma_start3A_807 = tpu.memref_squeeze %dma_start3A_806 : memref<1x8x128xf32, #tpu.memory_space<vmem>> -> memref<8x128xf32, #tpu.memory_space<vmem>>
      %dma_start3A_808 = arith.constant 0 : i32
      %dma_start3A_809 = arith.constant 0 : i32
      %dma_start3A_810 = tpu.memref_slice %arg4[%select_n3A_790, %dma_start3A_802, %add3A_800, %dma_start3A_808, %dma_start3A_809] : memref<26x8x128x8x128xf32, #tpu.memory_space<hbm>> -> memref<1x1x1x8x128xf32, #tpu.memory_space<hbm>>
      %dma_start3A_811 = tpu.memref_squeeze %dma_start3A_810 : memref<1x1x1x8x128xf32, #tpu.memory_space<hbm>> -> memref<8x128xf32, #tpu.memory_space<hbm>>
      %dma_start3A_812 = tpu.memref_slice %arg10[%dma_start3A_803] : memref<2x!tpu.dma_semaphore, #tpu.memory_space<semaphore_mem>> -> memref<1x!tpu.dma_semaphore, #tpu.memory_space<semaphore_mem>>
      %dma_start3A_813 = tpu.memref_squeeze %dma_start3A_812 : memref<1x!tpu.dma_semaphore, #tpu.memory_space<semaphore_mem>> -> memref<!tpu.dma_semaphore, #tpu.memory_space<semaphore_mem>>
      %dma_start3A_814 = arith.constant 0 : i32
      %dma_start3A_815 = arith.constant 0 : i32
      %dma_start3A_816 = tpu.memref_slice %arg4[%select_n3A_790, %dma_start3A_802, %add3A_800, %dma_start3A_814, %dma_start3A_815] : memref<26x8x128x8x128xf32, #tpu.memory_space<hbm>> -> memref<1x1x1x8x128xf32, #tpu.memory_space<hbm>>
      %dma_start3A_817 = tpu.memref_squeeze %dma_start3A_816 : memref<1x1x1x8x128xf32, #tpu.memory_space<hbm>> -> memref<8x128xf32, #tpu.memory_space<hbm>>
      %dma_start3A_818 = arith.constant 16 : i32
      %dma_start3A_819 = arith.constant 0 : i32
      %dma_start3A_820 = tpu.memref_slice %arg8[%dma_start3A_801, %dma_start3A_818, %dma_start3A_819] : memref<2x64x129xf32, #tpu.memory_space<vmem>> -> memref<1x8x128xf32, #tpu.memory_space<vmem>>
      %dma_start3A_821 = tpu.memref_squeeze %dma_start3A_820 : memref<1x8x128xf32, #tpu.memory_space<vmem>> -> memref<8x128xf32, #tpu.memory_space<vmem>>
      tpu.enqueue_dma source(%dma_start3A_821 : memref<8x128xf32, #tpu.memory_space<vmem>>) target(%dma_start3A_817 : memref<8x128xf32, #tpu.memory_space<hbm>>) target_semaphore(%dma_start3A_813 : memref<!tpu.dma_semaphore, #tpu.memory_space<semaphore_mem>>)
      %jit3A_822 = arith.constant 4 : i32
      %div3A_823 = arith.divsi %add3A_595, %jit3A_822 : i32
      %sign3A_824 = arith.constant 0 : i32
      %sign3A_825 = arith.cmpi sgt, %add3A_595, %sign3A_824 : i32
      %sign3A_826 = arith.extui %sign3A_825 : i1 to i32
      %sign3A_827 = arith.constant 0 : i32
      %sign3A_828 = arith.cmpi slt, %add3A_595, %sign3A_827 : i32
      %sign3A_829 = arith.extui %sign3A_828 : i1 to i32
      %sign3A_830 = arith.subi %sign3A_826, %sign3A_829 : i32
      %sign3A_831 = arith.constant 0 : i32
      %sign3A_832 = arith.cmpi sgt, %jit3A_822, %sign3A_831 : i32
      %sign3A_833 = arith.extui %sign3A_832 : i1 to i32
      %sign3A_834 = arith.constant 0 : i32
      %sign3A_835 = arith.cmpi slt, %jit3A_822, %sign3A_834 : i32
      %sign3A_836 = arith.extui %sign3A_835 : i1 to i32
      %sign3A_837 = arith.subi %sign3A_833, %sign3A_836 : i32
      %ne3A_838 = arith.cmpi ne, %sign3A_830, %sign3A_837 : i32
      %rem3A_839 = arith.remsi %add3A_595, %jit3A_822 : i32
      %ne3A_840 = arith.constant 0 : i32
      %ne3A_841 = arith.cmpi ne, %rem3A_839, %ne3A_840 : i32
      %and3A_842 = arith.andi %ne3A_838, %ne3A_841 : i1
      %sub3A_843 = arith.constant 1 : i32
      %sub3A_844 = arith.subi %div3A_823, %sub3A_843 : i32
      %select_n3A_845 = arith.select %and3A_842, %sub3A_844, %div3A_823 : i32
      %rem3A_846 = arith.constant 4 : i32
      %rem3A_847 = arith.remsi %add3A_595, %rem3A_846 : i32
      %mul3A_848 = arith.constant 512 : i32
      %mul3A_849 = arith.muli %select_n3A_845, %mul3A_848 : i32
      %mul3A_850 = arith.constant 128 : i32
      %mul3A_851 = arith.muli %rem3A_847, %mul3A_850 : i32
      %add3A_852 = arith.addi %mul3A_849, %mul3A_851 : i32
      %mul3A_853 = arith.constant 4 : i32
      %mul3A_854 = arith.muli %add3A, %mul3A_853 : i32
      %add3A_855 = arith.addi %mul3A_854, %rem3A_847 : i32
      %dma_start3A_856 = arith.constant 1 : i32
      %dma_start3A_857 = arith.constant 3 : i32
      %dma_start3A_858 = arith.constant 1 : i32
      %dma_start3A_859 = arith.constant 24 : i32
      %dma_start3A_860 = arith.constant 0 : i32
      %dma_start3A_861 = tpu.memref_slice %arg8[%dma_start3A_856, %dma_start3A_859, %dma_start3A_860] : memref<2x64x129xf32, #tpu.memory_space<vmem>> -> memref<1x8x128xf32, #tpu.memory_space<vmem>>
      %dma_start3A_862 = tpu.memref_squeeze %dma_start3A_861 : memref<1x8x128xf32, #tpu.memory_space<vmem>> -> memref<8x128xf32, #tpu.memory_space<vmem>>
      %dma_start3A_863 = arith.constant 0 : i32
      %dma_start3A_864 = arith.constant 0 : i32
      %dma_start3A_865 = tpu.memref_slice %arg4[%select_n3A_845, %dma_start3A_857, %add3A_855, %dma_start3A_863, %dma_start3A_864] : memref<26x8x128x8x128xf32, #tpu.memory_space<hbm>> -> memref<1x1x1x8x128xf32, #tpu.memory_space<hbm>>
      %dma_start3A_866 = tpu.memref_squeeze %dma_start3A_865 : memref<1x1x1x8x128xf32, #tpu.memory_space<hbm>> -> memref<8x128xf32, #tpu.memory_space<hbm>>
      %dma_start3A_867 = tpu.memref_slice %arg10[%dma_start3A_858] : memref<2x!tpu.dma_semaphore, #tpu.memory_space<semaphore_mem>> -> memref<1x!tpu.dma_semaphore, #tpu.memory_space<semaphore_mem>>
      %dma_start3A_868 = tpu.memref_squeeze %dma_start3A_867 : memref<1x!tpu.dma_semaphore, #tpu.memory_space<semaphore_mem>> -> memref<!tpu.dma_semaphore, #tpu.memory_space<semaphore_mem>>
      %dma_start3A_869 = arith.constant 0 : i32
      %dma_start3A_870 = arith.constant 0 : i32
      %dma_start3A_871 = tpu.memref_slice %arg4[%select_n3A_845, %dma_start3A_857, %add3A_855, %dma_start3A_869, %dma_start3A_870] : memref<26x8x128x8x128xf32, #tpu.memory_space<hbm>> -> memref<1x1x1x8x128xf32, #tpu.memory_space<hbm>>
      %dma_start3A_872 = tpu.memref_squeeze %dma_start3A_871 : memref<1x1x1x8x128xf32, #tpu.memory_space<hbm>> -> memref<8x128xf32, #tpu.memory_space<hbm>>
      %dma_start3A_873 = arith.constant 24 : i32
      %dma_start3A_874 = arith.constant 0 : i32
      %dma_start3A_875 = tpu.memref_slice %arg8[%dma_start3A_856, %dma_start3A_873, %dma_start3A_874] : memref<2x64x129xf32, #tpu.memory_space<vmem>> -> memref<1x8x128xf32, #tpu.memory_space<vmem>>
      %dma_start3A_876 = tpu.memref_squeeze %dma_start3A_875 : memref<1x8x128xf32, #tpu.memory_space<vmem>> -> memref<8x128xf32, #tpu.memory_space<vmem>>
      tpu.enqueue_dma source(%dma_start3A_876 : memref<8x128xf32, #tpu.memory_space<vmem>>) target(%dma_start3A_872 : memref<8x128xf32, #tpu.memory_space<hbm>>) target_semaphore(%dma_start3A_868 : memref<!tpu.dma_semaphore, #tpu.memory_space<semaphore_mem>>)
      %jit3A_877 = arith.constant 4 : i32
      %div3A_878 = arith.divsi %add3A_595, %jit3A_877 : i32
      %sign3A_879 = arith.constant 0 : i32
      %sign3A_880 = arith.cmpi sgt, %add3A_595, %sign3A_879 : i32
      %sign3A_881 = arith.extui %sign3A_880 : i1 to i32
      %sign3A_882 = arith.constant 0 : i32
      %sign3A_883 = arith.cmpi slt, %add3A_595, %sign3A_882 : i32
      %sign3A_884 = arith.extui %sign3A_883 : i1 to i32
      %sign3A_885 = arith.subi %sign3A_881, %sign3A_884 : i32
      %sign3A_886 = arith.constant 0 : i32
      %sign3A_887 = arith.cmpi sgt, %jit3A_877, %sign3A_886 : i32
      %sign3A_888 = arith.extui %sign3A_887 : i1 to i32
      %sign3A_889 = arith.constant 0 : i32
      %sign3A_890 = arith.cmpi slt, %jit3A_877, %sign3A_889 : i32
      %sign3A_891 = arith.extui %sign3A_890 : i1 to i32
      %sign3A_892 = arith.subi %sign3A_888, %sign3A_891 : i32
      %ne3A_893 = arith.cmpi ne, %sign3A_885, %sign3A_892 : i32
      %rem3A_894 = arith.remsi %add3A_595, %jit3A_877 : i32
      %ne3A_895 = arith.constant 0 : i32
      %ne3A_896 = arith.cmpi ne, %rem3A_894, %ne3A_895 : i32
      %and3A_897 = arith.andi %ne3A_893, %ne3A_896 : i1
      %sub3A_898 = arith.constant 1 : i32
      %sub3A_899 = arith.subi %div3A_878, %sub3A_898 : i32
      %select_n3A_900 = arith.select %and3A_897, %sub3A_899, %div3A_878 : i32
      %rem3A_901 = arith.constant 4 : i32
      %rem3A_902 = arith.remsi %add3A_595, %rem3A_901 : i32
      %mul3A_903 = arith.constant 512 : i32
      %mul3A_904 = arith.muli %select_n3A_900, %mul3A_903 : i32
      %mul3A_905 = arith.constant 128 : i32
      %mul3A_906 = arith.muli %rem3A_902, %mul3A_905 : i32
      %add3A_907 = arith.addi %mul3A_904, %mul3A_906 : i32
      %mul3A_908 = arith.constant 4 : i32
      %mul3A_909 = arith.muli %add3A, %mul3A_908 : i32
      %add3A_910 = arith.addi %mul3A_909, %rem3A_902 : i32
      %dma_start3A_911 = arith.constant 1 : i32
      %dma_start3A_912 = arith.constant 4 : i32
      %dma_start3A_913 = arith.constant 1 : i32
      %dma_start3A_914 = arith.constant 32 : i32
      %dma_start3A_915 = arith.constant 0 : i32
      %dma_start3A_916 = tpu.memref_slice %arg8[%dma_start3A_911, %dma_start3A_914, %dma_start3A_915] : memref<2x64x129xf32, #tpu.memory_space<vmem>> -> memref<1x8x128xf32, #tpu.memory_space<vmem>>
      %dma_start3A_917 = tpu.memref_squeeze %dma_start3A_916 : memref<1x8x128xf32, #tpu.memory_space<vmem>> -> memref<8x128xf32, #tpu.memory_space<vmem>>
      %dma_start3A_918 = arith.constant 0 : i32
      %dma_start3A_919 = arith.constant 0 : i32
      %dma_start3A_920 = tpu.memref_slice %arg4[%select_n3A_900, %dma_start3A_912, %add3A_910, %dma_start3A_918, %dma_start3A_919] : memref<26x8x128x8x128xf32, #tpu.memory_space<hbm>> -> memref<1x1x1x8x128xf32, #tpu.memory_space<hbm>>
      %dma_start3A_921 = tpu.memref_squeeze %dma_start3A_920 : memref<1x1x1x8x128xf32, #tpu.memory_space<hbm>> -> memref<8x128xf32, #tpu.memory_space<hbm>>
      %dma_start3A_922 = tpu.memref_slice %arg10[%dma_start3A_913] : memref<2x!tpu.dma_semaphore, #tpu.memory_space<semaphore_mem>> -> memref<1x!tpu.dma_semaphore, #tpu.memory_space<semaphore_mem>>
      %dma_start3A_923 = tpu.memref_squeeze %dma_start3A_922 : memref<1x!tpu.dma_semaphore, #tpu.memory_space<semaphore_mem>> -> memref<!tpu.dma_semaphore, #tpu.memory_space<semaphore_mem>>
      %dma_start3A_924 = arith.constant 0 : i32
      %dma_start3A_925 = arith.constant 0 : i32
      %dma_start3A_926 = tpu.memref_slice %arg4[%select_n3A_900, %dma_start3A_912, %add3A_910, %dma_start3A_924, %dma_start3A_925] : memref<26x8x128x8x128xf32, #tpu.memory_space<hbm>> -> memref<1x1x1x8x128xf32, #tpu.memory_space<hbm>>
      %dma_start3A_927 = tpu.memref_squeeze %dma_start3A_926 : memref<1x1x1x8x128xf32, #tpu.memory_space<hbm>> -> memref<8x128xf32, #tpu.memory_space<hbm>>
      %dma_start3A_928 = arith.constant 32 : i32
      %dma_start3A_929 = arith.constant 0 : i32
      %dma_start3A_930 = tpu.memref_slice %arg8[%dma_start3A_911, %dma_start3A_928, %dma_start3A_929] : memref<2x64x129xf32, #tpu.memory_space<vmem>> -> memref<1x8x128xf32, #tpu.memory_space<vmem>>
      %dma_start3A_931 = tpu.memref_squeeze %dma_start3A_930 : memref<1x8x128xf32, #tpu.memory_space<vmem>> -> memref<8x128xf32, #tpu.memory_space<vmem>>
      tpu.enqueue_dma source(%dma_start3A_931 : memref<8x128xf32, #tpu.memory_space<vmem>>) target(%dma_start3A_927 : memref<8x128xf32, #tpu.memory_space<hbm>>) target_semaphore(%dma_start3A_923 : memref<!tpu.dma_semaphore, #tpu.memory_space<semaphore_mem>>)
      %jit3A_932 = arith.constant 4 : i32
      %div3A_933 = arith.divsi %add3A_595, %jit3A_932 : i32
      %sign3A_934 = arith.constant 0 : i32
      %sign3A_935 = arith.cmpi sgt, %add3A_595, %sign3A_934 : i32
      %sign3A_936 = arith.extui %sign3A_935 : i1 to i32
      %sign3A_937 = arith.constant 0 : i32
      %sign3A_938 = arith.cmpi slt, %add3A_595, %sign3A_937 : i32
      %sign3A_939 = arith.extui %sign3A_938 : i1 to i32
      %sign3A_940 = arith.subi %sign3A_936, %sign3A_939 : i32
      %sign3A_941 = arith.constant 0 : i32
      %sign3A_942 = arith.cmpi sgt, %jit3A_932, %sign3A_941 : i32
      %sign3A_943 = arith.extui %sign3A_942 : i1 to i32
      %sign3A_944 = arith.constant 0 : i32
      %sign3A_945 = arith.cmpi slt, %jit3A_932, %sign3A_944 : i32
      %sign3A_946 = arith.extui %sign3A_945 : i1 to i32
      %sign3A_947 = arith.subi %sign3A_943, %sign3A_946 : i32
      %ne3A_948 = arith.cmpi ne, %sign3A_940, %sign3A_947 : i32
      %rem3A_949 = arith.remsi %add3A_595, %jit3A_932 : i32
      %ne3A_950 = arith.constant 0 : i32
      %ne3A_951 = arith.cmpi ne, %rem3A_949, %ne3A_950 : i32
      %and3A_952 = arith.andi %ne3A_948, %ne3A_951 : i1
      %sub3A_953 = arith.constant 1 : i32
      %sub3A_954 = arith.subi %div3A_933, %sub3A_953 : i32
      %select_n3A_955 = arith.select %and3A_952, %sub3A_954, %div3A_933 : i32
      %rem3A_956 = arith.constant 4 : i32
      %rem3A_957 = arith.remsi %add3A_595, %rem3A_956 : i32
      %mul3A_958 = arith.constant 512 : i32
      %mul3A_959 = arith.muli %select_n3A_955, %mul3A_958 : i32
      %mul3A_960 = arith.constant 128 : i32
      %mul3A_961 = arith.muli %rem3A_957, %mul3A_960 : i32
      %add3A_962 = arith.addi %mul3A_959, %mul3A_961 : i32
      %mul3A_963 = arith.constant 4 : i32
      %mul3A_964 = arith.muli %add3A, %mul3A_963 : i32
      %add3A_965 = arith.addi %mul3A_964, %rem3A_957 : i32
      %dma_start3A_966 = arith.constant 1 : i32
      %dma_start3A_967 = arith.constant 5 : i32
      %dma_start3A_968 = arith.constant 1 : i32
      %dma_start3A_969 = arith.constant 40 : i32
      %dma_start3A_970 = arith.constant 0 : i32
      %dma_start3A_971 = tpu.memref_slice %arg8[%dma_start3A_966, %dma_start3A_969, %dma_start3A_970] : memref<2x64x129xf32, #tpu.memory_space<vmem>> -> memref<1x8x128xf32, #tpu.memory_space<vmem>>
      %dma_start3A_972 = tpu.memref_squeeze %dma_start3A_971 : memref<1x8x128xf32, #tpu.memory_space<vmem>> -> memref<8x128xf32, #tpu.memory_space<vmem>>
      %dma_start3A_973 = arith.constant 0 : i32
      %dma_start3A_974 = arith.constant 0 : i32
      %dma_start3A_975 = tpu.memref_slice %arg4[%select_n3A_955, %dma_start3A_967, %add3A_965, %dma_start3A_973, %dma_start3A_974] : memref<26x8x128x8x128xf32, #tpu.memory_space<hbm>> -> memref<1x1x1x8x128xf32, #tpu.memory_space<hbm>>
      %dma_start3A_976 = tpu.memref_squeeze %dma_start3A_975 : memref<1x1x1x8x128xf32, #tpu.memory_space<hbm>> -> memref<8x128xf32, #tpu.memory_space<hbm>>
      %dma_start3A_977 = tpu.memref_slice %arg10[%dma_start3A_968] : memref<2x!tpu.dma_semaphore, #tpu.memory_space<semaphore_mem>> -> memref<1x!tpu.dma_semaphore, #tpu.memory_space<semaphore_mem>>
      %dma_start3A_978 = tpu.memref_squeeze %dma_start3A_977 : memref<1x!tpu.dma_semaphore, #tpu.memory_space<semaphore_mem>> -> memref<!tpu.dma_semaphore, #tpu.memory_space<semaphore_mem>>
      %dma_start3A_979 = arith.constant 0 : i32
      %dma_start3A_980 = arith.constant 0 : i32
      %dma_start3A_981 = tpu.memref_slice %arg4[%select_n3A_955, %dma_start3A_967, %add3A_965, %dma_start3A_979, %dma_start3A_980] : memref<26x8x128x8x128xf32, #tpu.memory_space<hbm>> -> memref<1x1x1x8x128xf32, #tpu.memory_space<hbm>>
      %dma_start3A_982 = tpu.memref_squeeze %dma_start3A_981 : memref<1x1x1x8x128xf32, #tpu.memory_space<hbm>> -> memref<8x128xf32, #tpu.memory_space<hbm>>
      %dma_start3A_983 = arith.constant 40 : i32
      %dma_start3A_984 = arith.constant 0 : i32
      %dma_start3A_985 = tpu.memref_slice %arg8[%dma_start3A_966, %dma_start3A_983, %dma_start3A_984] : memref<2x64x129xf32, #tpu.memory_space<vmem>> -> memref<1x8x128xf32, #tpu.memory_space<vmem>>
      %dma_start3A_986 = tpu.memref_squeeze %dma_start3A_985 : memref<1x8x128xf32, #tpu.memory_space<vmem>> -> memref<8x128xf32, #tpu.memory_space<vmem>>
      tpu.enqueue_dma source(%dma_start3A_986 : memref<8x128xf32, #tpu.memory_space<vmem>>) target(%dma_start3A_982 : memref<8x128xf32, #tpu.memory_space<hbm>>) target_semaphore(%dma_start3A_978 : memref<!tpu.dma_semaphore, #tpu.memory_space<semaphore_mem>>)
      %jit3A_987 = arith.constant 4 : i32
      %div3A_988 = arith.divsi %add3A_595, %jit3A_987 : i32
      %sign3A_989 = arith.constant 0 : i32
      %sign3A_990 = arith.cmpi sgt, %add3A_595, %sign3A_989 : i32
      %sign3A_991 = arith.extui %sign3A_990 : i1 to i32
      %sign3A_992 = arith.constant 0 : i32
      %sign3A_993 = arith.cmpi slt, %add3A_595, %sign3A_992 : i32
      %sign3A_994 = arith.extui %sign3A_993 : i1 to i32
      %sign3A_995 = arith.subi %sign3A_991, %sign3A_994 : i32
      %sign3A_996 = arith.constant 0 : i32
      %sign3A_997 = arith.cmpi sgt, %jit3A_987, %sign3A_996 : i32
      %sign3A_998 = arith.extui %sign3A_997 : i1 to i32
      %sign3A_999 = arith.constant 0 : i32
      %sign3A_1000 = arith.cmpi slt, %jit3A_987, %sign3A_999 : i32
      %sign3A_1001 = arith.extui %sign3A_1000 : i1 to i32
      %sign3A_1002 = arith.subi %sign3A_998, %sign3A_1001 : i32
      %ne3A_1003 = arith.cmpi ne, %sign3A_995, %sign3A_1002 : i32
      %rem3A_1004 = arith.remsi %add3A_595, %jit3A_987 : i32
      %ne3A_1005 = arith.constant 0 : i32
      %ne3A_1006 = arith.cmpi ne, %rem3A_1004, %ne3A_1005 : i32
      %and3A_1007 = arith.andi %ne3A_1003, %ne3A_1006 : i1
      %sub3A_1008 = arith.constant 1 : i32
      %sub3A_1009 = arith.subi %div3A_988, %sub3A_1008 : i32
      %select_n3A_1010 = arith.select %and3A_1007, %sub3A_1009, %div3A_988 : i32
      %rem3A_1011 = arith.constant 4 : i32
      %rem3A_1012 = arith.remsi %add3A_595, %rem3A_1011 : i32
      %mul3A_1013 = arith.constant 512 : i32
      %mul3A_1014 = arith.muli %select_n3A_1010, %mul3A_1013 : i32
      %mul3A_1015 = arith.constant 128 : i32
      %mul3A_1016 = arith.muli %rem3A_1012, %mul3A_1015 : i32
      %add3A_1017 = arith.addi %mul3A_1014, %mul3A_1016 : i32
      %mul3A_1018 = arith.constant 4 : i32
      %mul3A_1019 = arith.muli %add3A, %mul3A_1018 : i32
      %add3A_1020 = arith.addi %mul3A_1019, %rem3A_1012 : i32
      %dma_start3A_1021 = arith.constant 1 : i32
      %dma_start3A_1022 = arith.constant 6 : i32
      %dma_start3A_1023 = arith.constant 1 : i32
      %dma_start3A_1024 = arith.constant 48 : i32
      %dma_start3A_1025 = arith.constant 0 : i32
      %dma_start3A_1026 = tpu.memref_slice %arg8[%dma_start3A_1021, %dma_start3A_1024, %dma_start3A_1025] : memref<2x64x129xf32, #tpu.memory_space<vmem>> -> memref<1x8x128xf32, #tpu.memory_space<vmem>>
      %dma_start3A_1027 = tpu.memref_squeeze %dma_start3A_1026 : memref<1x8x128xf32, #tpu.memory_space<vmem>> -> memref<8x128xf32, #tpu.memory_space<vmem>>
      %dma_start3A_1028 = arith.constant 0 : i32
      %dma_start3A_1029 = arith.constant 0 : i32
      %dma_start3A_1030 = tpu.memref_slice %arg4[%select_n3A_1010, %dma_start3A_1022, %add3A_1020, %dma_start3A_1028, %dma_start3A_1029] : memref<26x8x128x8x128xf32, #tpu.memory_space<hbm>> -> memref<1x1x1x8x128xf32, #tpu.memory_space<hbm>>
      %dma_start3A_1031 = tpu.memref_squeeze %dma_start3A_1030 : memref<1x1x1x8x128xf32, #tpu.memory_space<hbm>> -> memref<8x128xf32, #tpu.memory_space<hbm>>
      %dma_start3A_1032 = tpu.memref_slice %arg10[%dma_start3A_1023] : memref<2x!tpu.dma_semaphore, #tpu.memory_space<semaphore_mem>> -> memref<1x!tpu.dma_semaphore, #tpu.memory_space<semaphore_mem>>
      %dma_start3A_1033 = tpu.memref_squeeze %dma_start3A_1032 : memref<1x!tpu.dma_semaphore, #tpu.memory_space<semaphore_mem>> -> memref<!tpu.dma_semaphore, #tpu.memory_space<semaphore_mem>>
      %dma_start3A_1034 = arith.constant 0 : i32
      %dma_start3A_1035 = arith.constant 0 : i32
      %dma_start3A_1036 = tpu.memref_slice %arg4[%select_n3A_1010, %dma_start3A_1022, %add3A_1020, %dma_start3A_1034, %dma_start3A_1035] : memref<26x8x128x8x128xf32, #tpu.memory_space<hbm>> -> memref<1x1x1x8x128xf32, #tpu.memory_space<hbm>>
      %dma_start3A_1037 = tpu.memref_squeeze %dma_start3A_1036 : memref<1x1x1x8x128xf32, #tpu.memory_space<hbm>> -> memref<8x128xf32, #tpu.memory_space<hbm>>
      %dma_start3A_1038 = arith.constant 48 : i32
      %dma_start3A_1039 = arith.constant 0 : i32
      %dma_start3A_1040 = tpu.memref_slice %arg8[%dma_start3A_1021, %dma_start3A_1038, %dma_start3A_1039] : memref<2x64x129xf32, #tpu.memory_space<vmem>> -> memref<1x8x128xf32, #tpu.memory_space<vmem>>
      %dma_start3A_1041 = tpu.memref_squeeze %dma_start3A_1040 : memref<1x8x128xf32, #tpu.memory_space<vmem>> -> memref<8x128xf32, #tpu.memory_space<vmem>>
      tpu.enqueue_dma source(%dma_start3A_1041 : memref<8x128xf32, #tpu.memory_space<vmem>>) target(%dma_start3A_1037 : memref<8x128xf32, #tpu.memory_space<hbm>>) target_semaphore(%dma_start3A_1033 : memref<!tpu.dma_semaphore, #tpu.memory_space<semaphore_mem>>)
      %jit3A_1042 = arith.constant 4 : i32
      %div3A_1043 = arith.divsi %add3A_595, %jit3A_1042 : i32
      %sign3A_1044 = arith.constant 0 : i32
      %sign3A_1045 = arith.cmpi sgt, %add3A_595, %sign3A_1044 : i32
      %sign3A_1046 = arith.extui %sign3A_1045 : i1 to i32
      %sign3A_1047 = arith.constant 0 : i32
      %sign3A_1048 = arith.cmpi slt, %add3A_595, %sign3A_1047 : i32
      %sign3A_1049 = arith.extui %sign3A_1048 : i1 to i32
      %sign3A_1050 = arith.subi %sign3A_1046, %sign3A_1049 : i32
      %sign3A_1051 = arith.constant 0 : i32
      %sign3A_1052 = arith.cmpi sgt, %jit3A_1042, %sign3A_1051 : i32
      %sign3A_1053 = arith.extui %sign3A_1052 : i1 to i32
      %sign3A_1054 = arith.constant 0 : i32
      %sign3A_1055 = arith.cmpi slt, %jit3A_1042, %sign3A_1054 : i32
      %sign3A_1056 = arith.extui %sign3A_1055 : i1 to i32
      %sign3A_1057 = arith.subi %sign3A_1053, %sign3A_1056 : i32
      %ne3A_1058 = arith.cmpi ne, %sign3A_1050, %sign3A_1057 : i32
      %rem3A_1059 = arith.remsi %add3A_595, %jit3A_1042 : i32
      %ne3A_1060 = arith.constant 0 : i32
      %ne3A_1061 = arith.cmpi ne, %rem3A_1059, %ne3A_1060 : i32
      %and3A_1062 = arith.andi %ne3A_1058, %ne3A_1061 : i1
      %sub3A_1063 = arith.constant 1 : i32
      %sub3A_1064 = arith.subi %div3A_1043, %sub3A_1063 : i32
      %select_n3A_1065 = arith.select %and3A_1062, %sub3A_1064, %div3A_1043 : i32
      %rem3A_1066 = arith.constant 4 : i32
      %rem3A_1067 = arith.remsi %add3A_595, %rem3A_1066 : i32
      %mul3A_1068 = arith.constant 512 : i32
      %mul3A_1069 = arith.muli %select_n3A_1065, %mul3A_1068 : i32
      %mul3A_1070 = arith.constant 128 : i32
      %mul3A_1071 = arith.muli %rem3A_1067, %mul3A_1070 : i32
      %add3A_1072 = arith.addi %mul3A_1069, %mul3A_1071 : i32
      %mul3A_1073 = arith.constant 4 : i32
      %mul3A_1074 = arith.muli %add3A, %mul3A_1073 : i32
      %add3A_1075 = arith.addi %mul3A_1074, %rem3A_1067 : i32
      %dma_start3A_1076 = arith.constant 1 : i32
      %dma_start3A_1077 = arith.constant 7 : i32
      %dma_start3A_1078 = arith.constant 1 : i32
      %dma_start3A_1079 = arith.constant 56 : i32
      %dma_start3A_1080 = arith.constant 0 : i32
      %dma_start3A_1081 = tpu.memref_slice %arg8[%dma_start3A_1076, %dma_start3A_1079, %dma_start3A_1080] : memref<2x64x129xf32, #tpu.memory_space<vmem>> -> memref<1x8x128xf32, #tpu.memory_space<vmem>>
      %dma_start3A_1082 = tpu.memref_squeeze %dma_start3A_1081 : memref<1x8x128xf32, #tpu.memory_space<vmem>> -> memref<8x128xf32, #tpu.memory_space<vmem>>
      %dma_start3A_1083 = arith.constant 0 : i32
      %dma_start3A_1084 = arith.constant 0 : i32
      %dma_start3A_1085 = tpu.memref_slice %arg4[%select_n3A_1065, %dma_start3A_1077, %add3A_1075, %dma_start3A_1083, %dma_start3A_1084] : memref<26x8x128x8x128xf32, #tpu.memory_space<hbm>> -> memref<1x1x1x8x128xf32, #tpu.memory_space<hbm>>
      %dma_start3A_1086 = tpu.memref_squeeze %dma_start3A_1085 : memref<1x1x1x8x128xf32, #tpu.memory_space<hbm>> -> memref<8x128xf32, #tpu.memory_space<hbm>>
      %dma_start3A_1087 = tpu.memref_slice %arg10[%dma_start3A_1078] : memref<2x!tpu.dma_semaphore, #tpu.memory_space<semaphore_mem>> -> memref<1x!tpu.dma_semaphore, #tpu.memory_space<semaphore_mem>>
      %dma_start3A_1088 = tpu.memref_squeeze %dma_start3A_1087 : memref<1x!tpu.dma_semaphore, #tpu.memory_space<semaphore_mem>> -> memref<!tpu.dma_semaphore, #tpu.memory_space<semaphore_mem>>
      %dma_start3A_1089 = arith.constant 0 : i32
      %dma_start3A_1090 = arith.constant 0 : i32
      %dma_start3A_1091 = tpu.memref_slice %arg4[%select_n3A_1065, %dma_start3A_1077, %add3A_1075, %dma_start3A_1089, %dma_start3A_1090] : memref<26x8x128x8x128xf32, #tpu.memory_space<hbm>> -> memref<1x1x1x8x128xf32, #tpu.memory_space<hbm>>
      %dma_start3A_1092 = tpu.memref_squeeze %dma_start3A_1091 : memref<1x1x1x8x128xf32, #tpu.memory_space<hbm>> -> memref<8x128xf32, #tpu.memory_space<hbm>>
      %dma_start3A_1093 = arith.constant 56 : i32
      %dma_start3A_1094 = arith.constant 0 : i32
      %dma_start3A_1095 = tpu.memref_slice %arg8[%dma_start3A_1076, %dma_start3A_1093, %dma_start3A_1094] : memref<2x64x129xf32, #tpu.memory_space<vmem>> -> memref<1x8x128xf32, #tpu.memory_space<vmem>>
      %dma_start3A_1096 = tpu.memref_squeeze %dma_start3A_1095 : memref<1x8x128xf32, #tpu.memory_space<vmem>> -> memref<8x128xf32, #tpu.memory_space<vmem>>
      tpu.enqueue_dma source(%dma_start3A_1096 : memref<8x128xf32, #tpu.memory_space<vmem>>) target(%dma_start3A_1092 : memref<8x128xf32, #tpu.memory_space<hbm>>) target_semaphore(%dma_start3A_1088 : memref<!tpu.dma_semaphore, #tpu.memory_space<semaphore_mem>>)
    }
    %scan3A_61 = arith.constant 52 : i32
    %dma_wait3A = arith.constant 0 : i32
    %dma_wait3A_62 = arith.constant 0 : i32
    %dma_wait3A_63 = arith.constant 0 : i32
    %dma_wait3A_64 = arith.constant 0 : i32
    %dma_wait3A_65 = tpu.memref_slice %arg7[%dma_wait3A, %dma_wait3A_63, %dma_wait3A_64] : memref<2x128x64xf32, #tpu.memory_space<vmem>> -> memref<1x128x64xf32, #tpu.memory_space<vmem>>
    %dma_wait3A_66 = tpu.memref_squeeze %dma_wait3A_65 : memref<1x128x64xf32, #tpu.memory_space<vmem>> -> memref<128x64xf32, #tpu.memory_space<vmem>>
    %dma_wait3A_67 = arith.constant 0 : i32
    %dma_wait3A_68 = arith.constant 0 : i32
    %dma_wait3A_69 = tpu.memref_slice %arg3[%dma_wait3A_67, %dma_wait3A_68] : memref<1000000x64xf32, #tpu.memory_space<hbm>> -> memref<128x64xf32, #tpu.memory_space<hbm>>
    %dma_wait3A_70 = tpu.memref_slice %arg10[%dma_wait3A_62] : memref<2x!tpu.dma_semaphore, #tpu.memory_space<semaphore_mem>> -> memref<1x!tpu.dma_semaphore, #tpu.memory_space<semaphore_mem>>
    %dma_wait3A_71 = tpu.memref_squeeze %dma_wait3A_70 : memref<1x!tpu.dma_semaphore, #tpu.memory_space<semaphore_mem>> -> memref<!tpu.dma_semaphore, #tpu.memory_space<semaphore_mem>>
    %dma_wait3A_72 = arith.constant 0 : i32
    %dma_wait3A_73 = arith.constant 0 : i32
    %dma_wait3A_74 = tpu.memref_slice %arg7[%dma_wait3A, %dma_wait3A_72, %dma_wait3A_73] : memref<2x128x64xf32, #tpu.memory_space<vmem>> -> memref<1x128x64xf32, #tpu.memory_space<vmem>>
    %dma_wait3A_75 = tpu.memref_squeeze %dma_wait3A_74 : memref<1x128x64xf32, #tpu.memory_space<vmem>> -> memref<128x64xf32, #tpu.memory_space<vmem>>
    %dma_wait3A_76 = arith.constant 0 : i32
    %dma_wait3A_77 = arith.constant 0 : i32
    %dma_wait3A_78 = tpu.memref_slice %arg3[%dma_wait3A_76, %dma_wait3A_77] : memref<1000000x64xf32, #tpu.memory_space<hbm>> -> memref<128x64xf32, #tpu.memory_space<hbm>>
    tpu.wait_dma2 semaphore(%dma_wait3A_71 : memref<!tpu.dma_semaphore, #tpu.memory_space<semaphore_mem>>) src(%dma_wait3A_78 : memref<128x64xf32, #tpu.memory_space<hbm>>) dst(%dma_wait3A_75 : memref<128x64xf32, #tpu.memory_space<vmem>>)
    %dma_wait3A_79 = arith.constant 1 : i32
    %dma_wait3A_80 = arith.constant 1 : i32
    %dma_wait3A_81 = arith.constant 0 : i32
    %dma_wait3A_82 = arith.constant 0 : i32
    %dma_wait3A_83 = tpu.memref_slice %arg7[%dma_wait3A_79, %dma_wait3A_81, %dma_wait3A_82] : memref<2x128x64xf32, #tpu.memory_space<vmem>> -> memref<1x128x64xf32, #tpu.memory_space<vmem>>
    %dma_wait3A_84 = tpu.memref_squeeze %dma_wait3A_83 : memref<1x128x64xf32, #tpu.memory_space<vmem>> -> memref<128x64xf32, #tpu.memory_space<vmem>>
    %dma_wait3A_85 = arith.constant 0 : i32
    %dma_wait3A_86 = arith.constant 0 : i32
    %dma_wait3A_87 = tpu.memref_slice %arg3[%dma_wait3A_85, %dma_wait3A_86] : memref<1000000x64xf32, #tpu.memory_space<hbm>> -> memref<128x64xf32, #tpu.memory_space<hbm>>
    %dma_wait3A_88 = tpu.memref_slice %arg10[%dma_wait3A_80] : memref<2x!tpu.dma_semaphore, #tpu.memory_space<semaphore_mem>> -> memref<1x!tpu.dma_semaphore, #tpu.memory_space<semaphore_mem>>
    %dma_wait3A_89 = tpu.memref_squeeze %dma_wait3A_88 : memref<1x!tpu.dma_semaphore, #tpu.memory_space<semaphore_mem>> -> memref<!tpu.dma_semaphore, #tpu.memory_space<semaphore_mem>>
    %dma_wait3A_90 = arith.constant 0 : i32
    %dma_wait3A_91 = arith.constant 0 : i32
    %dma_wait3A_92 = tpu.memref_slice %arg7[%dma_wait3A_79, %dma_wait3A_90, %dma_wait3A_91] : memref<2x128x64xf32, #tpu.memory_space<vmem>> -> memref<1x128x64xf32, #tpu.memory_space<vmem>>
    %dma_wait3A_93 = tpu.memref_squeeze %dma_wait3A_92 : memref<1x128x64xf32, #tpu.memory_space<vmem>> -> memref<128x64xf32, #tpu.memory_space<vmem>>
    %dma_wait3A_94 = arith.constant 0 : i32
    %dma_wait3A_95 = arith.constant 0 : i32
    %dma_wait3A_96 = tpu.memref_slice %arg3[%dma_wait3A_94, %dma_wait3A_95] : memref<1000000x64xf32, #tpu.memory_space<hbm>> -> memref<128x64xf32, #tpu.memory_space<hbm>>
    tpu.wait_dma2 semaphore(%dma_wait3A_89 : memref<!tpu.dma_semaphore, #tpu.memory_space<semaphore_mem>>) src(%dma_wait3A_96 : memref<128x64xf32, #tpu.memory_space<hbm>>) dst(%dma_wait3A_93 : memref<128x64xf32, #tpu.memory_space<vmem>>)
    return
  }
}

</mosaic_0001>

<sc_bundles>
// kernel: kernel.3.cloned.1.call-start
scs
__scs_entry_jumppad:
0x0: {  	(pc) =	sbr.rel $0x88, $3  }
0x1: {  	(tag) =	ssettag $0x0;
	lr =	simm.s32 $0x1  }
0x2: {  	[smem:$0x3F9F] =	sst lr;
	_ =	strace $0xD0000000  }
0x3: {  	_ = 	snop  }
0x4: {  	_ = 	snop  }
0x5: {  	_ = 	snop  }
0x6: {  	_ = 	snop  }
0x7: {  	_ = 	snop  }
__scs_overlays_trampoline_lowered:
0x8: {  	[smem:$0x3FAE] =	sst s0  }
0x9: {  	[smem:$0x3FAF] =	sst s1  }
0xa: {  	[smem:$0x3FB0] =	sst s2  }
0xb: {  	[smem:$0x3FB1] =	sst s3  }
0xc: {  	[smem:$0x3FB2] =	sst s4  }
0xd: {  	[smem:$0x3FB3] =	sst s5  }
0xe: {  	[smem:$0x3FB4] =	sst s6  }
0xf: {  	[smem:$0x3FB5] =	sst s7  }
0x10: {  	[smem:$0x3FB6] =	sst s8  }
0x11: {  	[smem:$0x3FB7] =	sst s9;
	s0 =	simm.s32 @!p0 $0x0  }
0x12: {  	s1 =	sld [smem:$0x3F9D];
	s0 =	simm.s32 @p0 $0x1  }
0x13: {  	[smem:$0x3FB8] =	sst s0;
	s0 =	simm.s32 @!p1 $0x0  }
0x14: {  	s2 =	sld [smem:$0x3F9C];
	s0 =	simm.s32 @p1 $0x1  }
0x15: {  	[smem:$0x3FB9] =	sst s0;
	s0 =	simm.s32 @!p2 $0x0  }
0x16: {  	s3 =	sld [smem:$0x3FDB];
	s0 =	simm.s32 @p2 $0x1  }
0x17: {  	s4 =	simm.s32 $0x1BF5;
	[smem:$0x3FBB] =	sst s0  }
0x18: {  	s0 =	sld [smem:$0x3F9E];
	_ =	swait.ge [sflag:s4], $0x0  }
0x19: {  	s7 =	sld [smem:$0x3F9F]  }
0x1a: {  	s8 =	sadd.s32 $0xFFFFE003, lr  }
0x1b: {  	s9 =	sadd.s32 $0xFFFFFEF7, lr;
	s5 =	simm.s32 $0xFFFFFFFF;
	p2 =	slt.u32 s8, $0xFFFFF086  }
0x1c: {  	p1 =	slt.u32 s9, $0xF7A;
	s5 =	simm.s32 @!p2 $0x0  }
0x1d: {  	s5 =	simm.s32 @p1 $0x1;
	p0 =	seq.s32 s7, s2  }
0x1e: {  	s7 =	smul.u32 @!p0 $0xF7A, s2;
	p2 =	seq.s32 @!p0 s5, $0x0  }
0x1f: {  	s9 =	smul.u32 $0xF7A, s1;
	s8 =	simm.s32 @!p0 $0x1BF5;
	p2 =	por !p2, p0  }
0x20: {  	[sflag:s8] =	ssyncset.s32 @!p0 $0xFFFFF086;
	s6 =	sadd.s32 @!p0 s3, s7;
	s7 =	simm.s32 @!p0 $0x108  }
0x21: {  	s3 =	sadd.s32 s3, s9;
	s6 =	sadd.s32 @!p0 $0x88, s6;
	s7 =	simm.s32 @p2 $0x1082  }
0x22: {  	[simem:s7], [sflag:s8] =	dma.local @!p0 [hbm:s6], $0xF7A  }
0x23: {  	s9 =	sor.u32 $0xD0000000, s2;
	s6 =	simm.s32 $0x108;
	_ =	swait.ge @!p0 [sflag:s8], $0x0  }
0x24: {  	s3 =	sadd.s32 $0x88, s3;
	s6 =	simm.s32 @!p1 $0x1082;
	[sflag:s4] =	ssyncset.s32 $0xFFFFF086  }
0x25: {  	[simem:s6], [sflag:s4] =	dma.local [hbm:s3], $0xF7A  }
0x26: {  	[smem:$0x3F9F] =	sst s1;
	(tag) =	ssettag s2;
	_ =	strace s9  }
0x27: {  	s1 =	sld [smem:$0x3FAF]  }
0x28: {  	s2 =	sld [smem:$0x3FB0]  }
0x29: {  	s4 =	sld [smem:$0x3FB2]  }
0x2a: {  	p0 =	seq.s32 s5, $0x0;
	s5 =	sld [smem:$0x3FB3]  }
0x2b: {  	s6 =	sld [smem:$0x3FB4]  }
0x2c: {  	s7 =	sld [smem:$0x3FB5]  }
0x2d: {  	s3 =	simm.s32 $0x108;
	s8 =	sld [smem:$0x3FB6]  }
0x2e: {  	s3 =	simm.s32 @!p0 $0x1082;
	s9 =	sld [smem:$0x3FB7]  }
0x2f: {  	lr =	sadd.s32 s0, s3;
	s0 =	sld [smem:$0x3FAE]  }
0x30: {  	s3 =	sld [smem:$0x3FB1]  }
0x31: {  	[smem:$0x3FBA] =	sst s10  }
0x32: {  	s10 =	sld [smem:$0x3FB8];
	_ =	sdelay $0x3  }
0x33: {  	p0 =	seq.s32 s10, $0x1;
	s10 =	sld [smem:$0x3FBA];
	_ =	sdelay $0x3  }
0x34: {  	[smem:$0x3FBA] =	sst s10  }
0x35: {  	s10 =	sld [smem:$0x3FB9];
	_ =	sdelay $0x3  }
0x36: {  	p1 =	seq.s32 s10, $0x1;
	s10 =	sld [smem:$0x3FBA];
	_ =	sdelay $0x3  }
0x37: {  	[smem:$0x3FBA] =	sst s10  }
0x38: {  	s10 =	sld [smem:$0x3FBB]  }
0x39: {  	_ = 	snop;
	(pc) =	sbr.ind lr, $3  }
0x3a: {  	_ = 	snop  }
0x3b: {  	_ = 	snop  }
0x3c: {  	p2 =	seq.s32 s10, $0x1;
	s10 =	sld [smem:$0x3FBA]  }
0x3d: {  	_ =	shalt  }
0x3e: {  	_ =	shalt  }
0x3f: {  	_ =	shalt  }
0x40: {  	_ =	shalt  }
0x41: {  	_ =	shalt  }
0x42: {  	_ =	shalt  }
0x43: {  	_ =	shalt  }
0x44: {  	_ =	shalt  }
0x45: {  	_ =	shalt  }
0x46: {  	_ =	shalt  }
0x47: {  	_ =	shalt  }
0x48: {  	_ =	shalt  }
0x49: {  	_ =	shalt  }
0x4a: {  	_ =	shalt  }
0x4b: {  	_ =	shalt  }
0x4c: {  	_ =	shalt  }
0x4d: {  	_ =	shalt  }
0x4e: {  	_ =	shalt  }
0x4f: {  	_ =	shalt  }
0x50: {  	_ =	shalt  }
0x51: {  	_ =	shalt  }
0x52: {  	_ =	shalt  }
0x53: {  	_ =	shalt  }
0x54: {  	_ =	shalt  }
0x55: {  	_ =	shalt  }
0x56: {  	_ =	shalt  }
0x57: {  	_ =	shalt  }
0x58: {  	_ =	shalt  }
0x59: {  	_ =	shalt  }
0x5a: {  	_ =	shalt  }
0x5b: {  	_ =	shalt  }
0x5c: {  	_ =	shalt  }
0x5d: {  	_ =	shalt  }
0x5e: {  	_ =	shalt  }
0x5f: {  	_ =	shalt  }
0x60: {  	_ =	shalt  }
0x61: {  	_ =	shalt  }
0x62: {  	_ =	shalt  }
0x63: {  	_ =	shalt  }
0x64: {  	_ =	shalt  }
0x65: {  	_ =	shalt  }
0x66: {  	_ =	shalt  }
0x67: {  	_ =	shalt  }
0x68: {  	_ =	shalt  }
0x69: {  	_ =	shalt  }
0x6a: {  	_ =	shalt  }
0x6b: {  	_ =	shalt  }
0x6c: {  	_ =	shalt  }
0x6d: {  	_ =	shalt  }
0x6e: {  	_ =	shalt  }
0x6f: {  	_ =	shalt  }
0x70: {  	_ =	shalt  }
0x71: {  	_ =	shalt  }
0x72: {  	_ =	shalt  }
0x73: {  	_ =	shalt  }
0x74: {  	_ =	shalt  }
0x75: {  	_ =	shalt  }
0x76: {  	_ =	shalt  }
0x77: {  	_ =	shalt  }
0x78: {  	_ =	shalt  }
0x79: {  	_ =	shalt  }
0x7a: {  	_ =	shalt  }
0x7b: {  	_ =	shalt  }
0x7c: {  	_ =	shalt  }
0x7d: {  	_ =	shalt  }
0x7e: {  	_ =	shalt  }
0x7f: {  	_ =	shalt  }
0x80: {  	_ =	shalt  }
0x81: {  	_ =	shalt  }
0x82: {  	_ =	shalt  }
0x83: {  	_ =	shalt  }
0x84: {  	_ =	shalt  }
0x85: {  	_ =	shalt  }
0x86: {  	_ =	shalt  }
0x87: {  	_ =	shalt  }
.Lfunc_end0:
.L_simem_size_0:
called_computation_lowered:
.L_overlay_start_0:
0x88: {  	s2 =	sld [smem:$0x3FD9]  }
0x89: {  	s3 =	sld [smem:$0x3FFE];
	_ =	sdelay $0x1  }
0x8a: {  	s1 =	srdreg.scid  }
0x8b: {  	s0 =	sand.u32 $0x1, s1  }
0x8c: {  	s17 =	sshll.u32 s0, $0xA;
	s2 =	sadd.s32 s3, s2  }
0x8d: {  	s2 =	sadd.s32 s2, s17  }
0x8e: {  	[smem:$0x3FC6] =	sst s2  }
0x8f: {  	_ = 	snop  }
0x90: {  	s2 =	sld [smem:$0x3FD0];
	(tm) =	ssettm $0x1  }
0x91: {  	s18 =	sld [smem:$0x3FFB];
	_ =	sdelay $0x3  }
0x92: {  	_ =	strace s18  }
0x93: {  	s3 =	sld [smem:$0x3FFC];
	_ =	sdelay $0x3  }
0x94: {  	_ =	strace s3  }
0x95: {  	s3 =	sld [smem:$0x3FFD];
	_ =	sdelay $0x3  }
0x96: {  	_ =	strace s3  }
0x97: {  	_ =	strace $0x8FFFFFFF  }
0x98: {  	s19 =	sld [smem:$0x3FDB];
	_ =	sdelay $0x1  }
0x99: {  	s4 =	simm.s32 $_scs_section_size  }
0x9a: {  	s5 =	simm.s32 $_size__tile_overlayer_lowered;
	s6 =	simm.s32 $_tile_overlayer_lowered  }
0x9b: {  	s22 =	simm.s32 $0x1BFF;
	s21 =	sshll.u32 s6, $0x1;
	s3 =	sadd.s32 s4, s19  }
0x9c: {  	s7 =	simm.s32 $0x0;
	s20 =	sshll.u32 s5, $0x1;
	s5 =	sadd.s32 s21, s3  }
0x9d: {  	[timem:s7], [sflag:s22] =	dma.local [hbm:s5], s20  }
0x9e: {  	_ =	swait.ge [sflag:s22], s20  }
0x9f: {  	s4 =	ssub.s32 $0x0, s20;
	[sflag:s22] =	ssyncset.done $0x0  }
0xa0: {  	[sflag:s22] =	ssyncadd.s32 s4;
	_ =	sdelay $0x1  }
0xa1: {  	s23 =	simm.s32 $0x1B8B  }
0xa2: {  	_ =	swait.ge [sflag:s23], $0x1  }
0xa3: {  	[sflag:s23] =	ssyncset.done $0x0  }
0xa4: {  	s25 =	simm.s32 $0x1B8E;
	s24 =	sld [smem:$0x3FFE];
	[sflag:s23] =	ssyncadd.s32 $0xFFFFFFFF  }
0xa5: {  	s26 =	simm.s32 $execute0_lowered;
	[smem:$0x3FD2] =	sst s25  }
0xa6: {  	s5 =	sshll.u32 s26, $0x1;
	_ =	strace $0x80000046;
	[dreg:$0x1] =	wrdreg $0xFFFFFFFF  }
0xa7: {  	s28 =	simm.s32 $_size_execute0_lowered;
	s3 =	sadd.s32 s3, s5;
	[dreg:$0x0] =	wrdreg $0x0  }
0xa8: {  	s5 =	sshll.u32 s28, $0x1;
	[dreg:$0x2] =	wrdreg s3  }
0xa9: {  	[dreg:$0x3] =	wrdreg s5  }
0xaa: {  	[dreg:$0x4] =	wrdreg $0xC0  }
0xab: {  	_ =	task [dreg:s7], $0x5FFFF  }
0xac: {  	[dreg:$0x1] =	wrdreg $0xFFFFFFFF  }
0xad: {  	[dreg:$0x0] =	wrdreg $0x60  }
0xae: {  	[dreg:$0x2] =	wrdreg s24  }
0xaf: {  	[dreg:$0x3] =	wrdreg s2  }
0xb0: {  	[dreg:$0x4] =	wrdreg $0x9  }
0xb1: {  	_ =	task.clear_ibuf [dreg:s7], $0x5FFFF;
	_ =	strace $0x90000046  }
0xb2: {  	s29 =	simm.s32 $0x9;
	_ =	strace $0x80000048  }
0xb3: {  	_ =	swait.ge [sflag:s29], $0x1  }
0xb4: {  	[sflag:s29] =	ssyncadd.s32 $0xFFFFFFFF  }
0xb5: {  	_ =	strace $0x90000048  }
0xb6: {  	_ =	sfence  }
0xb7: {  	s30 =	sld [smem:$0x0];
	_ =	sdelay $0x2  }
0xb8: {  	s31 =	sshll.u32 s1, $0xD;
	s1 =	sshrl.u32 s1, $0x2  }
0xb9: {  	s3 =	sand.u32 $0x4000, s31;
	s1 =	sadd.s32 s1, s30  }
0xba: {  	s0 =	sor.u32 s3, s0;
	s1 =	sshll.u32 s1, $0x11  }
0xbb: {  	s0 =	sor.u32 s1, s0  }
0xbc: {  	s0 =	sadd.s32 $0x8F2B, s0  }
0xbd: {  	[sflag:s0] =	ssyncadd.remote.s32 $0x1  }
0xbe: {  	_ =	sfence.sel $0xFFFF  }
0xbf: {  	[dreg:$0x0] =	wrdreg $0xFFFFFFFF;
	(pc) =	sbr.abs _section_cstart, $3  }
0xc0: {  	[dreg:$0x1] =	wrdreg $0xFFFFFFFF  }
0xc1: {  	_ =	task.clear_ibuf [dreg:s7], $0x2FFFF;
	_ =	strace $0x9FFFFFFF  }
0xc2: {  	(tm) =	ssettm $0x7FFFFFFF  }
0xc3: {  	_ =	shalt  }
tec
execute0_lowered:
.L_overlay_start_1:
0x0: {  	(tag) =	ssettag $0x1  }
0x1: {  	s0 =	srdreg.scid  }
0x2: {  	s2 =	stileid.u32;
	s1 =	rddreg [dreg:$0x0];
	v2 =	vlaneseq.u32  }
0x3: {  	s14 =	simm.s32 $0x1;
	s15 =	simm.s32 $0xA800;
	s30 =	simm.s32 $0x2;
	v3 =	vimm.s32 $0x0;
	v1 =	vmul.u32 $0x88, v2  }
0x4: {  	s31 =	simm.s32 $0xCA00;
	vm0 =	vcmask $0x300;
	s10 =	simm.s32 $0xE408;
	s11 =	simm.s32 $0xE490;
	v0 =	vmul.u32 $0x1A, v2;
	v2 =	vand.u32 $0x3, v2  }
0x5: {  	s12 =	simm.s32 $0xE518;
	s13 =	simm.s32 $0xE5A0;
	s9 =	simm.s32 $0xE628;
	v3 =	vsel vm0, $0x3, v3;
	v2 =	vmul.u32 $0x2, v2;
	v4 =	vadd.s32 $0x880, v1  }
0x6: {  	s8 =	simm.s32 $0xE7C0;
	s16 =	simm.s32 $0xE848;
	s17 =	simm.s32 $0xE8D0;
	v5 =	vadd.s32 $0x1100, v1;
	v6 =	vadd.s32 $0x1980, v1;
	v7 =	vor.u32 $0x1, v1  }
0x7: {  	s18 =	simm.s32 $0xE958;
	s19 =	simm.s32 $0xE9E0;
	s20 =	simm.s32 $0xEA68;
	v8 =	vadd.s32 $0x881, v1;
	v9 =	vadd.s32 $0x1101, v1;
	v10 =	vadd.s32 $0x1981, v1  }
0x8: {  	s21 =	simm.s32 $0xEAF0;
	s22 =	simm.s32 $0xEB78;
	s24 =	simm.s32 $0x0;
	v11 =	vor.u32 $0x2, v1;
	v12 =	vadd.s32 $0x882, v1;
	v13 =	vadd.s32 $0x1102, v1  }
0x9: {  	s0 =	sand.u32 $0x1, s0;
	s3 =	sshll.u32 s2, $0x1;
	s2 =	rddreg [dreg:$0x1];
	v14 =	vadd.s32 $0x1982, v1;
	v15 =	vor.u32 $0x3, v1;
	v16 =	vadd.s32 $0x883, v1  }
0xa: {  	s5 =	sor.u32 s0, s3;
	s3 =	simm.s32 $0x0;
	s0 =	ssub.s32 $0x2, s0;
	v17 =	vadd.s32 $0x1103, v1;
	v18 =	vadd.s32 $0x1983, v1;
	v19 =	vor.u32 $0x4, v1  }
0xb: {  	s4 =	smul.u32 $0x680, s5;
	[smem:$0x7FF] =	sst s3;
	s7 =	sshrl.u32 s0, $0x1;
	v20 =	vadd.s32 $0x884, v1;
	v21 =	vadd.s32 $0x1104, v1;
	v22 =	vadd.s32 $0x1984, v1  }
0xc: {  	v23 =	vor.u32 $0x5, v1;
	v24 =	vadd.s32 $0x885, v1;
	v25 =	vadd.s32 $0x1105, v1;
	_ =	strace $0x80000047;
	s0 =	ssub.s32 s0, s7;
	s7 =	simm.s32 $0xE738  }
0xd: {  	v26 =	vadd.s32 $0x1985, v1;
	v27 =	vor.u32 $0x6, v1;
	v28 =	vadd.s32 $0x886, v1;
	s6 =	sadd.s32 s4, s1;
	s4 =	sadd.s32 $0xF42A00, s1;
	s0 =	smax.u32 s0, $0x1  }
0xe: {  	v29 =	vadd.s32 $0x1106, v1;
	v30 =	vadd.s32 $0x1986, v1;
	v31 =	vor.u32 $0x7, v1;
	s29 =	sadd.s32 $0x600, s6;
	s6 =	sshll.u32 s5, $0xC;
	[dreg:$0x4] =	wrdreg s0  }
0xf: {  	v32 =	vadd.s32 $0x887, v1;
	v33 =	vadd.s32 $0x1107, v1;
	v34 =	vadd.s32 $0x1987, v1;
	s0 =	simm.s32 $0xE380;
	s5 =	simm.s32 $0xE6B0;
	[dreg:$0x3] =	wrdreg s29  }
.LBB2_1:
0x10: {  	s1 =	simm.s32 $0x0  }
0x11: {  	v35 =	vadd.s32 s1, v0  }
0x12: {  	[dreg:$0x5] =	wrdreg s24;
	v35 =	vand.u32 $0x7FF8, v35  }
0x13: {  	s29 =	rddreg [dreg:$0x3];
	s23 =	simm.s32 $0x5;
	v35 =	vor.u32 v2, v35  }
0x14: {  	[tilespmem:s3], [sflag:$0x5] =	stream.linear.gather [hbm4b:s29+s3], $0x3400, $0x38;
	[tilespmem:$0xEC00] =	vst v63  }
0x15: {  	_ =	swait.ge [sflag:s23], $0x3400  }
0x16: {  	[sflag:s23] =	ssyncset.done $0x0  }
0x17: {  	[sflag:s23] =	ssyncadd.s32 $0xFFFFCC00  }
0x18: {  	s24 =	simm.s32 $0x1;
	v35 =	vld.idx.msk [tilespmem:v35+s3+$0x0], $0xffff  }
0x19: {  	v36 =	vadd.s32 s24, v0;
	_ =	sdelay $0x2  }
0x1a: {  	s23 =	simm.s32 $0x4E00  }
0x1b: {  	[tilespmem:s23+$0xFFFFE600] =	vst v35  }
0x1c: {  	s25 =	simm.s32 $0x2;
	v35 =	vld.idx.msk [tilespmem:v36+s3+$0x0], $0xffff  }
0x1d: {  	v41 =	vadd.s32 s25, v0;
	_ =	sdelay $0x3  }
0x1e: {  	[tilespmem:s23+$0xFFFFE800] =	vst v35  }
0x1f: {  	s26 =	simm.s32 $0x3;
	v35 =	vld.idx.msk [tilespmem:v41+s3+$0x0], $0xffff  }
0x20: {  	v42 =	vadd.s32 s26, v0;
	_ =	sdelay $0x3  }
0x21: {  	[tilespmem:s23+$0xFFFFEA00] =	vst v35  }
0x22: {  	s28 =	simm.s32 $0x4;
	v35 =	vld.idx.msk [tilespmem:v42+s3+$0x0], $0xffff  }
0x23: {  	v43 =	vadd.s32 s28, v0;
	_ =	sdelay $0x3  }
0x24: {  	[tilespmem:s23+$0xFFFFEC00] =	vst v35  }
0x25: {  	s29 =	simm.s32 $0x5;
	v35 =	vld.idx.msk [tilespmem:v43+s3+$0x0], $0xffff  }
0x26: {  	v44 =	vadd.s32 s29, v0;
	_ =	sdelay $0x3  }
0x27: {  	[tilespmem:s23+$0xFFFFEE00] =	vst v35  }
0x28: {  	s24 =	simm.s32 $0x6;
	v35 =	vld.idx.msk [tilespmem:v44+s3+$0x0], $0xffff  }
0x29: {  	v45 =	vadd.s32 s24, v0;
	_ =	sdelay $0x3  }
0x2a: {  	[tilespmem:s23+$0xFFFFF000] =	vst v35  }
0x2b: {  	s25 =	simm.s32 $0x7;
	v35 =	vld.idx.msk [tilespmem:v45+s3+$0x0], $0xffff  }
0x2c: {  	v46 =	vadd.s32 s25, v0;
	_ =	sdelay $0x2  }
0x2d: {  	s26 =	simm.s32 $0x8  }
0x2e: {  	v47 =	vadd.s32 s26, v0;
	[tilespmem:s23+$0xFFFFF200] =	vst v35  }
0x2f: {  	v35 =	vand.u32 $0x7FF8, v47;
	v36 =	vld.idx.msk [tilespmem:v46+s3+$0x0], $0xffff  }
0x30: {  	v35 =	vor.u32 v2, v35;
	_ =	sdelay $0x3  }
0x31: {  	[tilespmem:s23+$0xFFFFF400] =	vst v36  }
0x32: {  	s28 =	simm.s32 $0x9;
	v35 =	vld.idx.msk [tilespmem:v35+s3+$0x0], $0xffff  }
0x33: {  	v48 =	vadd.s32 s28, v0;
	_ =	sdelay $0x3  }
0x34: {  	[tilespmem:s23+$0xFFFFF600] =	vst v35  }
0x35: {  	s29 =	simm.s32 $0xA;
	v35 =	vld.idx.msk [tilespmem:v48+s3+$0x0], $0xffff  }
0x36: {  	v49 =	vadd.s32 s29, v0;
	_ =	sdelay $0x3  }
0x37: {  	[tilespmem:s23+$0xFFFFF800] =	vst v35  }
0x38: {  	s24 =	simm.s32 $0xB;
	v35 =	vld.idx.msk [tilespmem:v49+s3+$0x0], $0xffff  }
0x39: {  	v50 =	vadd.s32 s24, v0;
	_ =	sdelay $0x3  }
0x3a: {  	[tilespmem:s23+$0xFFFFFA00] =	vst v35  }
0x3b: {  	s25 =	simm.s32 $0xC;
	v35 =	vld.idx.msk [tilespmem:v50+s3+$0x0], $0xffff  }
0x3c: {  	v51 =	vadd.s32 s25, v0;
	_ =	sdelay $0x3  }
0x3d: {  	[tilespmem:s23+$0xFFFFFC00] =	vst v35  }
0x3e: {  	s26 =	simm.s32 $0xD;
	v35 =	vld.idx.msk [tilespmem:v51+s3+$0x0], $0xffff  }
0x3f: {  	v52 =	vadd.s32 s26, v0;
	_ =	sdelay $0x3  }
0x40: {  	[tilespmem:s23+$0xFFFFFE00] =	vst v35  }
0x41: {  	s28 =	simm.s32 $0xE;
	v35 =	vld.idx.msk [tilespmem:v52+s3+$0x0], $0xffff  }
0x42: {  	v53 =	vadd.s32 s28, v0;
	_ =	sdelay $0x3  }
0x43: {  	[tilespmem:s23+$0x0] =	vst v35  }
0x44: {  	s29 =	simm.s32 $0xF;
	v35 =	vld.idx.msk [tilespmem:v53+s3+$0x0], $0xffff  }
0x45: {  	v54 =	vadd.s32 s29, v0;
	_ =	sdelay $0x2  }
0x46: {  	s24 =	simm.s32 $0x10  }
0x47: {  	v55 =	vadd.s32 s24, v0;
	[tilespmem:s23+$0x200] =	vst v35  }
0x48: {  	v35 =	vand.u32 $0x7FF8, v55;
	v36 =	vld.idx.msk [tilespmem:v54+s3+$0x0], $0xffff  }
0x49: {  	v35 =	vor.u32 v2, v35;
	_ =	sdelay $0x3  }
0x4a: {  	[tilespmem:s23+$0x400] =	vst v36  }
0x4b: {  	s25 =	simm.s32 $0x11;
	v35 =	vld.idx.msk [tilespmem:v35+s3+$0x0], $0xffff  }
0x4c: {  	v56 =	vadd.s32 s25, v0;
	_ =	sdelay $0x3  }
0x4d: {  	[tilespmem:s23+$0x600] =	vst v35  }
0x4e: {  	s26 =	simm.s32 $0x12;
	v35 =	vld.idx.msk [tilespmem:v56+s3+$0x0], $0xffff  }
0x4f: {  	v57 =	vadd.s32 s26, v0;
	_ =	sdelay $0x3  }
0x50: {  	[tilespmem:s23+$0x800] =	vst v35  }
0x51: {  	s28 =	simm.s32 $0x13;
	v35 =	vld.idx.msk [tilespmem:v57+s3+$0x0], $0xffff  }
0x52: {  	v58 =	vadd.s32 s28, v0;
	_ =	sdelay $0x3  }
0x53: {  	[tilespmem:s23+$0xA00] =	vst v35  }
0x54: {  	s29 =	simm.s32 $0x14;
	v35 =	vld.idx.msk [tilespmem:v58+s3+$0x0], $0xffff  }
0x55: {  	v59 =	vadd.s32 s29, v0;
	_ =	sdelay $0x3  }
0x56: {  	[tilespmem:s23+$0xC00] =	vst v35  }
0x57: {  	s24 =	simm.s32 $0x15;
	v35 =	vld.idx.msk [tilespmem:v59+s3+$0x0], $0xffff  }
0x58: {  	v60 =	vadd.s32 s24, v0;
	_ =	sdelay $0x3  }
0x59: {  	[tilespmem:s23+$0xE00] =	vst v35  }
0x5a: {  	s25 =	simm.s32 $0x16;
	v35 =	vld.idx.msk [tilespmem:v60+s3+$0x0], $0xffff  }
0x5b: {  	v61 =	vadd.s32 s25, v0;
	_ =	sdelay $0x3  }
0x5c: {  	[tilespmem:s23+$0x1000] =	vst v35  }
0x5d: {  	s26 =	simm.s32 $0x17;
	v35 =	vld.idx.msk [tilespmem:v61+s3+$0x0], $0xffff  }
0x5e: {  	v62 =	vadd.s32 s26, v0;
	_ =	sdelay $0x2  }
0x5f: {  	s28 =	simm.s32 $0x18  }
0x60: {  	v63 =	vadd.s32 s28, v0;
	[tilespmem:s23+$0x1200] =	vst v35  }
0x61: {  	v35 =	vand.u32 $0x7FF8, v63;
	v36 =	vld.idx.msk [tilespmem:v62+s3+$0x0], $0xffff  }
0x62: {  	v35 =	vor.u32 v2, v35;
	_ =	sdelay $0x3  }
0x63: {  	[tilespmem:s23+$0x1400] =	vst v36  }
0x64: {  	s29 =	simm.s32 $0x19;
	v36 =	vld.idx.msk [tilespmem:v35+s3+$0x0], $0xffff  }
0x65: {  	v35 =	vadd.s32 s29, v0;
	_ =	sdelay $0x3  }
0x66: {  	s1 =	simm.s32 $0x1A0;
	s24 =	simm.s32 $0x1B9;
	s25 =	simm.s32 $0x359;
	[tilespmem:s23+$0x1600] =	vst v36  }
.LBB2_2:
0x67: {  	p0 =	sne.s32 s25, $0x3279;
	v36 =	vadd.s32 s1, v0;
	v35 =	vld.idx.msk [tilespmem:v35+s3+$0x0], $0xffff  }
0x68: {  	v36 =	vand.u32 $0x7FF8, v36  }
0x69: {  	v36 =	vor.u32 v2, v36;
	_ =	sdelay $0x3  }
0x6a: {  	[tilespmem:s23+$0x1800] =	vst v35  }
0x6b: {  	v35 =	vld.idx.msk [tilespmem:v36+s3+$0x0], $0xffff  }
0x6c: {  	s1 =	sadd.s32 $0xFFFFFFE8, s24  }
0x6d: {  	v36 =	vadd.s32 s1, v0;
	_ =	sdelay $0x2  }
0x6e: {  	s23 =	sadd.s32 $0x10, s23  }
0x6f: {  	[tilespmem:s23+$0xFFFFE600] =	vst v35  }
0x70: {  	v35 =	vld.idx.msk [tilespmem:v36+s3+$0x0], $0xffff  }
0x71: {  	s1 =	sadd.s32 $0xFFFFFFE9, s24  }
0x72: {  	v36 =	vadd.s32 s1, v0;
	_ =	sdelay $0x3  }
0x73: {  	[tilespmem:s23+$0xFFFFE800] =	vst v35  }
0x74: {  	v35 =	vld.idx.msk [tilespmem:v36+s3+$0x0], $0xffff  }
0x75: {  	s1 =	sadd.s32 $0xFFFFFFEA, s24  }
0x76: {  	v36 =	vadd.s32 s1, v0;
	_ =	sdelay $0x3  }
0x77: {  	[tilespmem:s23+$0xFFFFEA00] =	vst v35  }
0x78: {  	v35 =	vld.idx.msk [tilespmem:v36+s3+$0x0], $0xffff  }
0x79: {  	s1 =	sadd.s32 $0xFFFFFFEB, s24  }
0x7a: {  	v36 =	vadd.s32 s1, v0;
	_ =	sdelay $0x3  }
0x7b: {  	[tilespmem:s23+$0xFFFFEC00] =	vst v35  }
0x7c: {  	v35 =	vld.idx.msk [tilespmem:v36+s3+$0x0], $0xffff  }
0x7d: {  	s1 =	sadd.s32 $0xFFFFFFEC, s24  }
0x7e: {  	v36 =	vadd.s32 s1, v0;
	_ =	sdelay $0x3  }
0x7f: {  	[tilespmem:s23+$0xFFFFEE00] =	vst v35  }
0x80: {  	v35 =	vld.idx.msk [tilespmem:v36+s3+$0x0], $0xffff  }
0x81: {  	s1 =	sadd.s32 $0xFFFFFFED, s24  }
0x82: {  	v36 =	vadd.s32 s1, v0;
	_ =	sdelay $0x3  }
0x83: {  	[tilespmem:s23+$0xFFFFF000] =	vst v35  }
0x84: {  	v35 =	vld.idx.msk [tilespmem:v36+s3+$0x0], $0xffff  }
0x85: {  	s1 =	sadd.s32 $0xFFFFFFEE, s24  }
0x86: {  	v36 =	vadd.s32 s1, v0;
	_ =	sdelay $0x3  }
0x87: {  	s1 =	sadd.s32 $0xFFFFFFEF, s24;
	[tilespmem:s23+$0xFFFFF200] =	vst v35  }
0x88: {  	v35 =	vld.idx.msk [tilespmem:v36+s3+$0x0], $0xffff;
	v36 =	vadd.s32 s1, v0  }
0x89: {  	v36 =	vand.u32 $0x7FF8, v36  }
0x8a: {  	v36 =	vor.u32 v2, v36;
	_ =	sdelay $0x3  }
0x8b: {  	[tilespmem:s23+$0xFFFFF400] =	vst v35  }
0x8c: {  	v35 =	vld.idx.msk [tilespmem:v36+s3+$0x0], $0xffff  }
0x8d: {  	s1 =	sadd.s32 $0xFFFFFFF0, s24  }
0x8e: {  	v36 =	vadd.s32 s1, v0;
	_ =	sdelay $0x3  }
0x8f: {  	[tilespmem:s23+$0xFFFFF600] =	vst v35  }
0x90: {  	v35 =	vld.idx.msk [tilespmem:v36+s3+$0x0], $0xffff  }
0x91: {  	s1 =	sadd.s32 $0xFFFFFFF1, s24  }
0x92: {  	v36 =	vadd.s32 s1, v0;
	_ =	sdelay $0x3  }
0x93: {  	[tilespmem:s23+$0xFFFFF800] =	vst v35  }
0x94: {  	v35 =	vld.idx.msk [tilespmem:v36+s3+$0x0], $0xffff  }
0x95: {  	s1 =	sadd.s32 $0xFFFFFFF2, s24  }
0x96: {  	v36 =	vadd.s32 s1, v0;
	_ =	sdelay $0x3  }
0x97: {  	[tilespmem:s23+$0xFFFFFA00] =	vst v35  }
0x98: {  	v35 =	vld.idx.msk [tilespmem:v36+s3+$0x0], $0xffff  }
0x99: {  	s1 =	sadd.s32 $0xFFFFFFF3, s24  }
0x9a: {  	v36 =	vadd.s32 s1, v0;
	_ =	sdelay $0x3  }
0x9b: {  	[tilespmem:s23+$0xFFFFFC00] =	vst v35  }
0x9c: {  	v35 =	vld.idx.msk [tilespmem:v36+s3+$0x0], $0xffff  }
0x9d: {  	s1 =	sadd.s32 $0xFFFFFFF4, s24  }
0x9e: {  	v36 =	vadd.s32 s1, v0;
	_ =	sdelay $0x3  }
0x9f: {  	[tilespmem:s23+$0xFFFFFE00] =	vst v35  }
0xa0: {  	v35 =	vld.idx.msk [tilespmem:v36+s3+$0x0], $0xffff  }
0xa1: {  	s1 =	sadd.s32 $0xFFFFFFF5, s24  }
0xa2: {  	v36 =	vadd.s32 s1, v0;
	_ =	sdelay $0x3  }
0xa3: {  	[tilespmem:s23+$0x0] =	vst v35  }
0xa4: {  	v35 =	vld.idx.msk [tilespmem:v36+s3+$0x0], $0xffff  }
0xa5: {  	s1 =	sadd.s32 $0xFFFFFFF6, s24  }
0xa6: {  	v36 =	vadd.s32 s1, v0;
	_ =	sdelay $0x3  }
0xa7: {  	s1 =	sadd.s32 $0xFFFFFFF7, s24;
	[tilespmem:s23+$0x200] =	vst v35  }
0xa8: {  	v35 =	vld.idx.msk [tilespmem:v36+s3+$0x0], $0xffff;
	v36 =	vadd.s32 s1, v0  }
0xa9: {  	v36 =	vand.u32 $0x7FF8, v36  }
0xaa: {  	v36 =	vor.u32 v2, v36;
	_ =	sdelay $0x3  }
0xab: {  	[tilespmem:s23+$0x400] =	vst v35  }
0xac: {  	v35 =	vld.idx.msk [tilespmem:v36+s3+$0x0], $0xffff  }
0xad: {  	s1 =	sadd.s32 $0xFFFFFFF8, s24  }
0xae: {  	v36 =	vadd.s32 s1, v0;
	_ =	sdelay $0x3  }
0xaf: {  	[tilespmem:s23+$0x600] =	vst v35  }
0xb0: {  	v35 =	vld.idx.msk [tilespmem:v36+s3+$0x0], $0xffff  }
0xb1: {  	s1 =	sadd.s32 $0xFFFFFFF9, s24  }
0xb2: {  	v36 =	vadd.s32 s1, v0;
	_ =	sdelay $0x3  }
0xb3: {  	[tilespmem:s23+$0x800] =	vst v35  }
0xb4: {  	v35 =	vld.idx.msk [tilespmem:v36+s3+$0x0], $0xffff  }
0xb5: {  	s1 =	sadd.s32 $0xFFFFFFFA, s24  }
0xb6: {  	v36 =	vadd.s32 s1, v0;
	_ =	sdelay $0x3  }
0xb7: {  	[tilespmem:s23+$0xA00] =	vst v35  }
0xb8: {  	v35 =	vld.idx.msk [tilespmem:v36+s3+$0x0], $0xffff  }
0xb9: {  	s1 =	sadd.s32 $0xFFFFFFFB, s24  }
0xba: {  	v36 =	vadd.s32 s1, v0;
	_ =	sdelay $0x3  }
0xbb: {  	[tilespmem:s23+$0xC00] =	vst v35  }
0xbc: {  	v35 =	vld.idx.msk [tilespmem:v36+s3+$0x0], $0xffff  }
0xbd: {  	s1 =	sadd.s32 $0xFFFFFFFC, s24  }
0xbe: {  	v36 =	vadd.s32 s1, v0;
	_ =	sdelay $0x3  }
0xbf: {  	[tilespmem:s23+$0xE00] =	vst v35  }
0xc0: {  	v35 =	vld.idx.msk [tilespmem:v36+s3+$0x0], $0xffff  }
0xc1: {  	s1 =	sadd.s32 $0xFFFFFFFD, s24  }
0xc2: {  	v36 =	vadd.s32 s1, v0;
	_ =	sdelay $0x3  }
0xc3: {  	[tilespmem:s23+$0x1000] =	vst v35  }
0xc4: {  	v35 =	vld.idx.msk [tilespmem:v36+s3+$0x0], $0xffff  }
0xc5: {  	s1 =	sadd.s32 $0xFFFFFFFE, s24  }
0xc6: {  	v36 =	vadd.s32 s1, v0;
	_ =	sdelay $0x3  }
0xc7: {  	s1 =	sadd.s32 $0xFFFFFFFF, s24;
	[tilespmem:s23+$0x1200] =	vst v35  }
0xc8: {  	v35 =	vld.idx.msk [tilespmem:v36+s3+$0x0], $0xffff;
	v36 =	vadd.s32 s1, v0  }
0xc9: {  	v36 =	vand.u32 $0x7FF8, v36  }
0xca: {  	v36 =	vor.u32 v2, v36;
	_ =	sdelay $0x3  }
0xcb: {  	[tilespmem:s23+$0x1400] =	vst v35  }
0xcc: {  	v36 =	vld.idx.msk [tilespmem:v36+s3+$0x0], $0xffff;
	_ =	sdelay $0x1  }
.Ltmp0:
0xcd: {  	v35 =	vadd.s32 s24, v0;
	s24 =	smov.u32 s25;
	(pc) =	sbr.rel @p0 .LBB2_2-.Ltmp0, $2  }
0xce: {  	_ =	sdelay $0x2  }
0xcf: {  	s25 =	sadd.s32 $0x1A0, s25;
	s1 =	sadd.s32 $0xFFFFFFE7, s24;
	[tilespmem:s23+$0x1600] =	vst v36  }
0xd0: {  	_ =	sdelay $0x2  }
0xd1: {  	v36 =	vadd.s32 s1, v0  }
0xd2: {  	v35 =	vld.idx.msk [tilespmem:v35+s3+$0x0], $0xffff;
	v36 =	vand.u32 $0x7FF8, v36  }
0xd3: {  	v36 =	vor.u32 v2, v36;
	_ =	sdelay $0x3  }
0xd4: {  	[tilespmem:s23+$0x1800] =	vst v35  }
0xd5: {  	s25 =	sadd.s32 $0xFFFFFFE8, s24;
	v35 =	vld.idx.msk [tilespmem:v36+s3+$0x0], $0xffff  }
0xd6: {  	v63 =	vadd.s32 s25, v0;
	_ =	sdelay $0x2  }
0xd7: {  	s23 =	sadd.s32 $0x10, s23  }
0xd8: {  	[tilespmem:s23+$0xFFFFE600] =	vst v35  }
0xd9: {  	s26 =	sadd.s32 $0xFFFFFFE9, s24;
	v35 =	vld.idx.msk [tilespmem:v63+s3+$0x0], $0xffff  }
0xda: {  	v40 =	vadd.s32 s26, v0;
	_ =	sdelay $0x3  }
0xdb: {  	[tilespmem:s23+$0xFFFFE800] =	vst v35  }
0xdc: {  	s28 =	sadd.s32 $0xFFFFFFEA, s24;
	v35 =	vld.idx.msk [tilespmem:v40+s3+$0x0], $0xffff  }
0xdd: {  	v41 =	vadd.s32 s28, v0;
	_ =	sdelay $0x3  }
0xde: {  	[tilespmem:s23+$0xFFFFEA00] =	vst v35  }
0xdf: {  	s29 =	sadd.s32 $0xFFFFFFEB, s24;
	v35 =	vld.idx.msk [tilespmem:v41+s3+$0x0], $0xffff  }
0xe0: {  	v42 =	vadd.s32 s29, v0;
	_ =	sdelay $0x3  }
0xe1: {  	[tilespmem:s23+$0xFFFFEC00] =	vst v35  }
0xe2: {  	s25 =	sadd.s32 $0xFFFFFFEC, s24;
	v35 =	vld.idx.msk [tilespmem:v42+s3+$0x0], $0xffff  }
0xe3: {  	v43 =	vadd.s32 s25, v0;
	_ =	sdelay $0x3  }
0xe4: {  	[tilespmem:s23+$0xFFFFEE00] =	vst v35  }
0xe5: {  	s26 =	sadd.s32 $0xFFFFFFED, s24;
	v35 =	vld.idx.msk [tilespmem:v43+s3+$0x0], $0xffff  }
0xe6: {  	v44 =	vadd.s32 s26, v0;
	_ =	sdelay $0x3  }
0xe7: {  	[tilespmem:s23+$0xFFFFF000] =	vst v35  }
0xe8: {  	s28 =	sadd.s32 $0xFFFFFFEE, s24;
	v35 =	vld.idx.msk [tilespmem:v44+s3+$0x0], $0xffff  }
0xe9: {  	v45 =	vadd.s32 s28, v0;
	_ =	sdelay $0x2  }
0xea: {  	s29 =	sadd.s32 $0xFFFFFFEF, s24  }
0xeb: {  	v46 =	vadd.s32 s29, v0;
	[tilespmem:s23+$0xFFFFF200] =	vst v35  }
0xec: {  	v35 =	vand.u32 $0x7FF8, v46;
	v36 =	vld.idx.msk [tilespmem:v45+s3+$0x0], $0xffff  }
0xed: {  	v35 =	vor.u32 v2, v35;
	_ =	sdelay $0x3  }
0xee: {  	[tilespmem:s23+$0xFFFFF400] =	vst v36  }
0xef: {  	s25 =	sadd.s32 $0xFFFFFFF0, s24;
	v35 =	vld.idx.msk [tilespmem:v35+s3+$0x0], $0xffff  }
0xf0: {  	v47 =	vadd.s32 s25, v0;
	_ =	sdelay $0x3  }
0xf1: {  	[tilespmem:s23+$0xFFFFF600] =	vst v35  }
0xf2: {  	s26 =	sadd.s32 $0xFFFFFFF1, s24;
	v35 =	vld.idx.msk [tilespmem:v47+s3+$0x0], $0xffff  }
0xf3: {  	v48 =	vadd.s32 s26, v0;
	_ =	sdelay $0x3  }
0xf4: {  	[tilespmem:s23+$0xFFFFF800] =	vst v35  }
0xf5: {  	s28 =	sadd.s32 $0xFFFFFFF2, s24;
	v35 =	vld.idx.msk [tilespmem:v48+s3+$0x0], $0xffff  }
0xf6: {  	v49 =	vadd.s32 s28, v0;
	_ =	sdelay $0x3  }
0xf7: {  	[tilespmem:s23+$0xFFFFFA00] =	vst v35  }
0xf8: {  	s29 =	sadd.s32 $0xFFFFFFF3, s24;
	v35 =	vld.idx.msk [tilespmem:v49+s3+$0x0], $0xffff  }
0xf9: {  	v50 =	vadd.s32 s29, v0;
	_ =	sdelay $0x3  }
0xfa: {  	[tilespmem:s23+$0xFFFFFC00] =	vst v35  }
0xfb: {  	s25 =	sadd.s32 $0xFFFFFFF4, s24;
	v35 =	vld.idx.msk [tilespmem:v50+s3+$0x0], $0xffff  }
0xfc: {  	v51 =	vadd.s32 s25, v0;
	_ =	sdelay $0x3  }
0xfd: {  	[tilespmem:s23+$0xFFFFFE00] =	vst v35  }
0xfe: {  	s26 =	sadd.s32 $0xFFFFFFF5, s24;
	v35 =	vld.idx.msk [tilespmem:v51+s3+$0x0], $0xffff  }
0xff: {  	v52 =	vadd.s32 s26, v0;
	_ =	sdelay $0x3  }
0x100: {  	[tilespmem:s23+$0x0] =	vst v35  }
0x101: {  	s28 =	sadd.s32 $0xFFFFFFF6, s24;
	v35 =	vld.idx.msk [tilespmem:v52+s3+$0x0], $0xffff  }
0x102: {  	v53 =	vadd.s32 s28, v0;
	_ =	sdelay $0x2  }
0x103: {  	s29 =	sadd.s32 $0xFFFFFFF7, s24  }
0x104: {  	v54 =	vadd.s32 s29, v0;
	[tilespmem:s23+$0x200] =	vst v35  }
0x105: {  	v35 =	vand.u32 $0x7FF8, v54;
	v36 =	vld.idx.msk [tilespmem:v53+s3+$0x0], $0xffff  }
0x106: {  	v35 =	vor.u32 v2, v35;
	_ =	sdelay $0x3  }
0x107: {  	[tilespmem:s23+$0x400] =	vst v36  }
0x108: {  	s25 =	sadd.s32 $0xFFFFFFF8, s24;
	v35 =	vld.idx.msk [tilespmem:v35+s3+$0x0], $0xffff  }
0x109: {  	v55 =	vadd.s32 s25, v0;
	_ =	sdelay $0x3  }
0x10a: {  	[tilespmem:s23+$0x600] =	vst v35  }
0x10b: {  	s26 =	sadd.s32 $0xFFFFFFF9, s24;
	v35 =	vld.idx.msk [tilespmem:v55+s3+$0x0], $0xffff  }
0x10c: {  	v56 =	vadd.s32 s26, v0;
	_ =	sdelay $0x3  }
0x10d: {  	[tilespmem:s23+$0x800] =	vst v35  }
0x10e: {  	s28 =	sadd.s32 $0xFFFFFFFA, s24;
	v35 =	vld.idx.msk [tilespmem:v56+s3+$0x0], $0xffff  }
0x10f: {  	v57 =	vadd.s32 s28, v0;
	_ =	sdelay $0x3  }
0x110: {  	[tilespmem:s23+$0xA00] =	vst v35  }
0x111: {  	s29 =	sadd.s32 $0xFFFFFFFB, s24;
	v35 =	vld.idx.msk [tilespmem:v57+s3+$0x0], $0xffff  }
0x112: {  	v58 =	vadd.s32 s29, v0;
	_ =	sdelay $0x3  }
0x113: {  	[tilespmem:s23+$0xC00] =	vst v35  }
0x114: {  	s25 =	sadd.s32 $0xFFFFFFFC, s24;
	v35 =	vld.idx.msk [tilespmem:v58+s3+$0x0], $0xffff  }
0x115: {  	v59 =	vadd.s32 s25, v0;
	_ =	sdelay $0x3  }
0x116: {  	[tilespmem:s23+$0xE00] =	vst v35  }
0x117: {  	s26 =	sadd.s32 $0xFFFFFFFD, s24;
	v35 =	vld.idx.msk [tilespmem:v59+s3+$0x0], $0xffff  }
0x118: {  	v60 =	vadd.s32 s26, v0;
	_ =	sdelay $0x3  }
0x119: {  	[tilespmem:s23+$0x1000] =	vst v35  }
0x11a: {  	s28 =	sadd.s32 $0xFFFFFFFE, s24;
	v35 =	vld.idx.msk [tilespmem:v60+s3+$0x0], $0xffff  }
0x11b: {  	v61 =	vadd.s32 s28, v0;
	_ =	sdelay $0x2  }
0x11c: {  	s29 =	sadd.s32 $0xFFFFFFFF, s24  }
0x11d: {  	v62 =	vadd.s32 s29, v0;
	[tilespmem:s23+$0x1200] =	vst v35  }
0x11e: {  	v35 =	vand.u32 $0x7FF8, v62;
	v36 =	vld.idx.msk [tilespmem:v61+s3+$0x0], $0xffff  }
0x11f: {  	v35 =	vor.u32 v2, v35;
	_ =	sdelay $0x3  }
0x120: {  	[tilespmem:s23+$0x1400] =	vst v36  }
0x121: {  	v35 =	vld.idx.msk [tilespmem:v35+s3+$0x0], $0xffff  }
0x122: {  	v63 =	vadd.s32 s24, v0;
	_ =	sdelay $0x3  }
0x123: {  	[tilespmem:s23+$0x1600] =	vst v35  }
0x124: {  	v35 =	vld.idx.msk [tilespmem:v63+s3+$0x0], $0xffff;
	_ =	sdelay $0x4  }
0x125: {  	s1 =	simm.s32 $0x80;
	s25 =	simm.s32 $0x3400;
	s26 =	simm.s32 $0x6800;
	[tilespmem:s23+$0x1800] =	vst v35  }
0x126: {  	[tilespmem:s26], [sflag:$0x1] =	stream.indirect.gather [hbm4b:s4+s1], $0x40, s25, s1, $0xb8;
	[tilespmem:$0xEC00] =	vst v63  }
0x127: {  	s28 =	simm.s32 $0x3480;
	s29 =	simm.s32 $0x8800;
	s23 =	simm.s32 $0x0  }
0x128: {  	[tilespmem:s29], [sflag:$0x2] =	stream.indirect.gather [hbm4b:s4+s1], $0x40, s28, s1, $0xb8;
	[tilespmem:$0xEC00] =	vst v63  }
.LBB2_4:
0x129: {  	_ =	swait.ge [sflag:s14], $0x2000;
	s1 =	simm.s32 $0x0  }
0x12a: {  	p0 =	seq.s32 s23, $0x0;
	[sflag:s14] =	ssyncset.done $0x0;
	v35 =	vmov s1  }
0x12b: {  	s1 =	simm.s32 @!p0 $0x3;
	[sflag:s14] =	ssyncadd.s32 $0xFFFFE000;
	v35 =	vshrl.u32 v35, $0x3  }
0x12c: {  	_ =	swait.ge @!p0 [sflag:s1], $0x2000;
	v35 =	vshll.u32 v35, v3  }
0x12d: {  	[sflag:s1] =	ssyncset.done @!p0 $0x0;
	v35 =	vbroadcast v35, $0x0  }
0x12e: {  	s25 =	simm.s32 $0x6900;
	[sflag:s1] =	ssyncadd.s32 @!p0 $0xFFFFE000  }
0x12f: {  	v36 =	vld [tilespmem:s25+$0xFFFFFF00];
	v37 =	vadd.s32 v1, v35;
	_ =	sdelay $0x4  }
0x130: {  	[tilespmem:v37+s15+$0x0] =	vst.idx.msk $0xffff, v36  }
0x131: {  	v52 =	vadd.s32 v4, v35;
	v36 =	vld [tilespmem:s25+$0xFFFFFF10];
	_ =	sdelay $0x4  }
0x132: {  	[tilespmem:v52+s15+$0x0] =	vst.idx.msk $0xffff, v36  }
0x133: {  	v53 =	vadd.s32 v5, v35;
	v36 =	vld [tilespmem:s25+$0xFFFFFF20];
	_ =	sdelay $0x4  }
0x134: {  	[tilespmem:v53+s15+$0x0] =	vst.idx.msk $0xffff, v36  }
0x135: {  	s26 =	simm.s32 $0x1;
	v35 =	vadd.s32 v6, v35;
	v36 =	vld [tilespmem:s25+$0xFFFFFF30]  }
0x136: {  	v54 =	vmov s26  }
0x137: {  	v37 =	vshrl.u32 v54, $0x3  }
0x138: {  	v37 =	vshll.u32 v37, v3  }
0x139: {  	v37 =	vbroadcast v37, $0x0  }
0x13a: {  	[tilespmem:v35+s15+$0x0] =	vst.idx.msk $0xffff, v36  }
0x13b: {  	v55 =	vadd.s32 v7, v37;
	v35 =	vld [tilespmem:s25+$0xFFFFFF40];
	_ =	sdelay $0x4  }
0x13c: {  	[tilespmem:v55+s15+$0x0] =	vst.idx.msk $0xffff, v35  }
0x13d: {  	v56 =	vadd.s32 v8, v37;
	v35 =	vld [tilespmem:s25+$0xFFFFFF50];
	_ =	sdelay $0x4  }
0x13e: {  	[tilespmem:v56+s15+$0x0] =	vst.idx.msk $0xffff, v35  }
0x13f: {  	v57 =	vadd.s32 v9, v37;
	v35 =	vld [tilespmem:s25+$0xFFFFFF60];
	_ =	sdelay $0x4  }
0x140: {  	[tilespmem:v57+s15+$0x0] =	vst.idx.msk $0xffff, v35  }
0x141: {  	s24 =	simm.s32 $0x2;
	v58 =	vadd.s32 v10, v37;
	v35 =	vld [tilespmem:s25+$0xFFFFFF70]  }
0x142: {  	v59 =	vmov s24  }
0x143: {  	v37 =	vshrl.u32 v59, $0x3  }
0x144: {  	v37 =	vshll.u32 v37, v3  }
0x145: {  	v37 =	vbroadcast v37, $0x0  }
0x146: {  	[tilespmem:v58+s15+$0x0] =	vst.idx.msk $0xffff, v35  }
0x147: {  	v60 =	vadd.s32 v11, v37;
	v35 =	vld [tilespmem:s25+$0xFFFFFF80];
	_ =	sdelay $0x4  }
0x148: {  	[tilespmem:v60+s15+$0x0] =	vst.idx.msk $0xffff, v35  }
0x149: {  	v61 =	vadd.s32 v12, v37;
	v35 =	vld [tilespmem:s25+$0xFFFFFF90];
	_ =	sdelay $0x4  }
0x14a: {  	[tilespmem:v61+s15+$0x0] =	vst.idx.msk $0xffff, v35  }
0x14b: {  	v62 =	vadd.s32 v13, v37;
	v35 =	vld [tilespmem:s25+$0xFFFFFFA0];
	_ =	sdelay $0x4  }
0x14c: {  	[tilespmem:v62+s15+$0x0] =	vst.idx.msk $0xffff, v35  }
0x14d: {  	s26 =	simm.s32 $0x3;
	v63 =	vadd.s32 v14, v37;
	v35 =	vld [tilespmem:s25+$0xFFFFFFB0]  }
0x14e: {  	v40 =	vmov s26  }
0x14f: {  	v37 =	vshrl.u32 v40, $0x3  }
0x150: {  	v37 =	vshll.u32 v37, v3  }
0x151: {  	v37 =	vbroadcast v37, $0x0  }
0x152: {  	[tilespmem:v63+s15+$0x0] =	vst.idx.msk $0xffff, v35  }
0x153: {  	v41 =	vadd.s32 v15, v37;
	v35 =	vld [tilespmem:s25+$0xFFFFFFC0];
	_ =	sdelay $0x4  }
0x154: {  	[tilespmem:v41+s15+$0x0] =	vst.idx.msk $0xffff, v35  }
0x155: {  	v42 =	vadd.s32 v16, v37;
	v35 =	vld [tilespmem:s25+$0xFFFFFFD0];
	_ =	sdelay $0x4  }
0x156: {  	[tilespmem:v42+s15+$0x0] =	vst.idx.msk $0xffff, v35  }
0x157: {  	v43 =	vadd.s32 v17, v37;
	v35 =	vld [tilespmem:s25+$0xFFFFFFE0];
	_ =	sdelay $0x4  }
0x158: {  	[tilespmem:v43+s15+$0x0] =	vst.idx.msk $0xffff, v35  }
0x159: {  	s24 =	simm.s32 $0x4;
	v44 =	vadd.s32 v18, v37;
	v35 =	vld [tilespmem:s25+$0xFFFFFFF0]  }
0x15a: {  	v45 =	vmov s24  }
0x15b: {  	v37 =	vshrl.u32 v45, $0x3  }
0x15c: {  	v37 =	vshll.u32 v37, v3  }
0x15d: {  	v37 =	vbroadcast v37, $0x0  }
0x15e: {  	[tilespmem:v44+s15+$0x0] =	vst.idx.msk $0xffff, v35  }
0x15f: {  	v46 =	vadd.s32 v19, v37;
	v35 =	vld [tilespmem:s25+$0x0];
	_ =	sdelay $0x4  }
0x160: {  	[tilespmem:v46+s15+$0x0] =	vst.idx.msk $0xffff, v35  }
0x161: {  	v47 =	vadd.s32 v20, v37;
	v35 =	vld [tilespmem:s25+$0x10];
	_ =	sdelay $0x4  }
0x162: {  	[tilespmem:v47+s15+$0x0] =	vst.idx.msk $0xffff, v35  }
0x163: {  	v48 =	vadd.s32 v21, v37;
	v35 =	vld [tilespmem:s25+$0x20];
	_ =	sdelay $0x4  }
0x164: {  	[tilespmem:v48+s15+$0x0] =	vst.idx.msk $0xffff, v35  }
0x165: {  	s26 =	simm.s32 $0x5;
	v49 =	vadd.s32 v22, v37;
	v35 =	vld [tilespmem:s25+$0x30]  }
0x166: {  	v50 =	vmov s26  }
0x167: {  	v37 =	vshrl.u32 v50, $0x3  }
0x168: {  	v37 =	vshll.u32 v37, v3  }
0x169: {  	v37 =	vbroadcast v37, $0x0  }
0x16a: {  	[tilespmem:v49+s15+$0x0] =	vst.idx.msk $0xffff, v35  }
0x16b: {  	v51 =	vadd.s32 v23, v37;
	v35 =	vld [tilespmem:s25+$0x40];
	_ =	sdelay $0x4  }
0x16c: {  	[tilespmem:v51+s15+$0x0] =	vst.idx.msk $0xffff, v35  }
0x16d: {  	v52 =	vadd.s32 v24, v37;
	v35 =	vld [tilespmem:s25+$0x50];
	_ =	sdelay $0x4  }
0x16e: {  	[tilespmem:v52+s15+$0x0] =	vst.idx.msk $0xffff, v35  }
0x16f: {  	v53 =	vadd.s32 v25, v37;
	v35 =	vld [tilespmem:s25+$0x60];
	_ =	sdelay $0x4  }
0x170: {  	[tilespmem:v53+s15+$0x0] =	vst.idx.msk $0xffff, v35  }
0x171: {  	s24 =	simm.s32 $0x6;
	v54 =	vadd.s32 v26, v37;
	v35 =	vld [tilespmem:s25+$0x70]  }
0x172: {  	v55 =	vmov s24  }
0x173: {  	v37 =	vshrl.u32 v55, $0x3  }
0x174: {  	v37 =	vshll.u32 v37, v3  }
0x175: {  	v37 =	vbroadcast v37, $0x0  }
0x176: {  	[tilespmem:v54+s15+$0x0] =	vst.idx.msk $0xffff, v35  }
0x177: {  	v56 =	vadd.s32 v27, v37;
	v35 =	vld [tilespmem:s25+$0x80];
	_ =	sdelay $0x4  }
0x178: {  	[tilespmem:v56+s15+$0x0] =	vst.idx.msk $0xffff, v35  }
0x179: {  	v57 =	vadd.s32 v28, v37;
	v35 =	vld [tilespmem:s25+$0x90];
	_ =	sdelay $0x4  }
0x17a: {  	[tilespmem:v57+s15+$0x0] =	vst.idx.msk $0xffff, v35  }
0x17b: {  	v58 =	vadd.s32 v29, v37;
	v35 =	vld [tilespmem:s25+$0xA0];
	_ =	sdelay $0x4  }
0x17c: {  	[tilespmem:v58+s15+$0x0] =	vst.idx.msk $0xffff, v35  }
0x17d: {  	s26 =	simm.s32 $0x7;
	v59 =	vadd.s32 v30, v37;
	v35 =	vld [tilespmem:s25+$0xB0]  }
0x17e: {  	v60 =	vmov s26  }
0x17f: {  	v37 =	vshrl.u32 v60, $0x3  }
0x180: {  	v37 =	vshll.u32 v37, v3  }
0x181: {  	v37 =	vbroadcast v37, $0x0  }
0x182: {  	[tilespmem:v59+s15+$0x0] =	vst.idx.msk $0xffff, v35  }
0x183: {  	v61 =	vadd.s32 v31, v37;
	v35 =	vld [tilespmem:s25+$0xC0];
	_ =	sdelay $0x4  }
0x184: {  	[tilespmem:v61+s15+$0x0] =	vst.idx.msk $0xffff, v35  }
0x185: {  	v62 =	vadd.s32 v32, v37;
	v35 =	vld [tilespmem:s25+$0xD0];
	_ =	sdelay $0x4  }
0x186: {  	[tilespmem:v62+s15+$0x0] =	vst.idx.msk $0xffff, v35  }
0x187: {  	v63 =	vadd.s32 v33, v37;
	v35 =	vld [tilespmem:s25+$0xE0];
	_ =	sdelay $0x4  }
0x188: {  	s29 =	simm.s32 $0x8;
	[tilespmem:v63+s15+$0x0] =	vst.idx.msk $0xffff, v35  }
0x189: {  	s28 =	simm.s32 $0x17;
	s24 =	sshll.u32 s23, $0xB;
	s26 =	simm.s32 $0xF;
	v36 =	vadd.s32 v34, v37;
	v35 =	vld [tilespmem:s25+$0xF0]  }
.LBB2_5:
0x18a: {  	p1 =	sne.s32 s28, $0x7F;
	v37 =	vmov s29  }
0x18b: {  	v37 =	vshrl.u32 v37, $0x3  }
0x18c: {  	v37 =	vshll.u32 v37, v3  }
0x18d: {  	v37 =	vbroadcast v37, $0x0  }
0x18e: {  	s25 =	sadd.s32 $0x200, s25;
	[tilespmem:v36+s15+$0x0] =	vst.idx.msk $0xffff, v35  }
0x18f: {  	v35 =	vld [tilespmem:s25+$0xFFFFFF00];
	v36 =	vadd.s32 v1, v37;
	_ =	sdelay $0x4  }
0x190: {  	[tilespmem:v36+s15+$0x0] =	vst.idx.msk $0xffff, v35  }
0x191: {  	v36 =	vadd.s32 v4, v37;
	v35 =	vld [tilespmem:s25+$0xFFFFFF10];
	_ =	sdelay $0x4  }
0x192: {  	[tilespmem:v36+s15+$0x0] =	vst.idx.msk $0xffff, v35  }
0x193: {  	v36 =	vadd.s32 v5, v37;
	v35 =	vld [tilespmem:s25+$0xFFFFFF20];
	_ =	sdelay $0x4  }
0x194: {  	[tilespmem:v36+s15+$0x0] =	vst.idx.msk $0xffff, v35  }
0x195: {  	s1 =	sadd.s32 $0xFFFFFFFA, s26;
	v36 =	vadd.s32 v6, v37;
	v35 =	vld [tilespmem:s25+$0xFFFFFF30]  }
0x196: {  	v37 =	vmov s1  }
0x197: {  	v37 =	vshrl.u32 v37, $0x3  }
0x198: {  	v37 =	vshll.u32 v37, v3  }
0x199: {  	v37 =	vbroadcast v37, $0x0  }
0x19a: {  	[tilespmem:v36+s15+$0x0] =	vst.idx.msk $0xffff, v35  }
0x19b: {  	v36 =	vadd.s32 v7, v37;
	v35 =	vld [tilespmem:s25+$0xFFFFFF40];
	_ =	sdelay $0x4  }
0x19c: {  	[tilespmem:v36+s15+$0x0] =	vst.idx.msk $0xffff, v35  }
0x19d: {  	v36 =	vadd.s32 v8, v37;
	v35 =	vld [tilespmem:s25+$0xFFFFFF50];
	_ =	sdelay $0x4  }
0x19e: {  	[tilespmem:v36+s15+$0x0] =	vst.idx.msk $0xffff, v35  }
0x19f: {  	v36 =	vadd.s32 v9, v37;
	v35 =	vld [tilespmem:s25+$0xFFFFFF60];
	_ =	sdelay $0x4  }
0x1a0: {  	[tilespmem:v36+s15+$0x0] =	vst.idx.msk $0xffff, v35  }
0x1a1: {  	s1 =	sadd.s32 $0xFFFFFFFB, s26;
	v36 =	vadd.s32 v10, v37;
	v35 =	vld [tilespmem:s25+$0xFFFFFF70]  }
0x1a2: {  	v37 =	vmov s1  }
0x1a3: {  	v37 =	vshrl.u32 v37, $0x3  }
0x1a4: {  	v37 =	vshll.u32 v37, v3  }
0x1a5: {  	v37 =	vbroadcast v37, $0x0  }
0x1a6: {  	[tilespmem:v36+s15+$0x0] =	vst.idx.msk $0xffff, v35  }
0x1a7: {  	v36 =	vadd.s32 v11, v37;
	v35 =	vld [tilespmem:s25+$0xFFFFFF80];
	_ =	sdelay $0x4  }
0x1a8: {  	[tilespmem:v36+s15+$0x0] =	vst.idx.msk $0xffff, v35  }
0x1a9: {  	v36 =	vadd.s32 v12, v37;
	v35 =	vld [tilespmem:s25+$0xFFFFFF90];
	_ =	sdelay $0x4  }
0x1aa: {  	[tilespmem:v36+s15+$0x0] =	vst.idx.msk $0xffff, v35  }
0x1ab: {  	v36 =	vadd.s32 v13, v37;
	v35 =	vld [tilespmem:s25+$0xFFFFFFA0];
	_ =	sdelay $0x4  }
0x1ac: {  	[tilespmem:v36+s15+$0x0] =	vst.idx.msk $0xffff, v35  }
0x1ad: {  	s1 =	sadd.s32 $0xFFFFFFFC, s26;
	v36 =	vadd.s32 v14, v37;
	v35 =	vld [tilespmem:s25+$0xFFFFFFB0]  }
0x1ae: {  	v37 =	vmov s1  }
0x1af: {  	v37 =	vshrl.u32 v37, $0x3  }
0x1b0: {  	v37 =	vshll.u32 v37, v3  }
0x1b1: {  	v37 =	vbroadcast v37, $0x0  }
0x1b2: {  	[tilespmem:v36+s15+$0x0] =	vst.idx.msk $0xffff, v35  }
0x1b3: {  	v36 =	vadd.s32 v15, v37;
	v35 =	vld [tilespmem:s25+$0xFFFFFFC0];
	_ =	sdelay $0x4  }
0x1b4: {  	[tilespmem:v36+s15+$0x0] =	vst.idx.msk $0xffff, v35  }
0x1b5: {  	v36 =	vadd.s32 v16, v37;
	v35 =	vld [tilespmem:s25+$0xFFFFFFD0];
	_ =	sdelay $0x4  }
0x1b6: {  	[tilespmem:v36+s15+$0x0] =	vst.idx.msk $0xffff, v35  }
0x1b7: {  	v36 =	vadd.s32 v17, v37;
	v35 =	vld [tilespmem:s25+$0xFFFFFFE0];
	_ =	sdelay $0x4  }
0x1b8: {  	[tilespmem:v36+s15+$0x0] =	vst.idx.msk $0xffff, v35  }
0x1b9: {  	s1 =	sadd.s32 $0xFFFFFFFD, s26;
	v36 =	vadd.s32 v18, v37;
	v35 =	vld [tilespmem:s25+$0xFFFFFFF0]  }
0x1ba: {  	v37 =	vmov s1  }
0x1bb: {  	v37 =	vshrl.u32 v37, $0x3  }
0x1bc: {  	v37 =	vshll.u32 v37, v3  }
0x1bd: {  	v37 =	vbroadcast v37, $0x0  }
0x1be: {  	[tilespmem:v36+s15+$0x0] =	vst.idx.msk $0xffff, v35  }
0x1bf: {  	v36 =	vadd.s32 v19, v37;
	v35 =	vld [tilespmem:s25+$0x0];
	_ =	sdelay $0x4  }
0x1c0: {  	[tilespmem:v36+s15+$0x0] =	vst.idx.msk $0xffff, v35  }
0x1c1: {  	v36 =	vadd.s32 v20, v37;
	v35 =	vld [tilespmem:s25+$0x10];
	_ =	sdelay $0x4  }
0x1c2: {  	[tilespmem:v36+s15+$0x0] =	vst.idx.msk $0xffff, v35  }
0x1c3: {  	v36 =	vadd.s32 v21, v37;
	v35 =	vld [tilespmem:s25+$0x20];
	_ =	sdelay $0x4  }
0x1c4: {  	[tilespmem:v36+s15+$0x0] =	vst.idx.msk $0xffff, v35  }
0x1c5: {  	s1 =	sadd.s32 $0xFFFFFFFE, s26;
	v36 =	vadd.s32 v22, v37;
	v35 =	vld [tilespmem:s25+$0x30]  }
0x1c6: {  	v37 =	vmov s1  }
0x1c7: {  	v37 =	vshrl.u32 v37, $0x3  }
0x1c8: {  	v37 =	vshll.u32 v37, v3  }
0x1c9: {  	v37 =	vbroadcast v37, $0x0  }
0x1ca: {  	[tilespmem:v36+s15+$0x0] =	vst.idx.msk $0xffff, v35  }
0x1cb: {  	v36 =	vadd.s32 v23, v37;
	v35 =	vld [tilespmem:s25+$0x40];
	_ =	sdelay $0x4  }
0x1cc: {  	[tilespmem:v36+s15+$0x0] =	vst.idx.msk $0xffff, v35  }
0x1cd: {  	v36 =	vadd.s32 v24, v37;
	v35 =	vld [tilespmem:s25+$0x50];
	_ =	sdelay $0x4  }
0x1ce: {  	[tilespmem:v36+s15+$0x0] =	vst.idx.msk $0xffff, v35  }
0x1cf: {  	v36 =	vadd.s32 v25, v37;
	v35 =	vld [tilespmem:s25+$0x60];
	_ =	sdelay $0x4  }
0x1d0: {  	[tilespmem:v36+s15+$0x0] =	vst.idx.msk $0xffff, v35  }
0x1d1: {  	s1 =	sadd.s32 $0xFFFFFFFF, s26;
	v36 =	vadd.s32 v26, v37;
	v35 =	vld [tilespmem:s25+$0x70]  }
0x1d2: {  	v37 =	vmov s1  }
0x1d3: {  	v37 =	vshrl.u32 v37, $0x3  }
0x1d4: {  	v37 =	vshll.u32 v37, v3  }
0x1d5: {  	v37 =	vbroadcast v37, $0x0  }
0x1d6: {  	[tilespmem:v36+s15+$0x0] =	vst.idx.msk $0xffff, v35  }
0x1d7: {  	v36 =	vadd.s32 v27, v37;
	v35 =	vld [tilespmem:s25+$0x80];
	_ =	sdelay $0x4  }
0x1d8: {  	[tilespmem:v36+s15+$0x0] =	vst.idx.msk $0xffff, v35  }
0x1d9: {  	v36 =	vadd.s32 v28, v37;
	v35 =	vld [tilespmem:s25+$0x90];
	_ =	sdelay $0x4  }
0x1da: {  	[tilespmem:v36+s15+$0x0] =	vst.idx.msk $0xffff, v35  }
0x1db: {  	v36 =	vadd.s32 v29, v37;
	v35 =	vld [tilespmem:s25+$0xA0];
	_ =	sdelay $0x4  }
0x1dc: {  	[tilespmem:v36+s15+$0x0] =	vst.idx.msk $0xffff, v35  }
0x1dd: {  	v36 =	vadd.s32 v30, v37;
	v35 =	vld [tilespmem:s25+$0xB0]  }
0x1de: {  	v37 =	vmov s26;
	s26 =	smov.u32 s28  }
0x1df: {  	v37 =	vshrl.u32 v37, $0x3  }
0x1e0: {  	v37 =	vshll.u32 v37, v3  }
0x1e1: {  	v37 =	vbroadcast v37, $0x0  }
0x1e2: {  	[tilespmem:v36+s15+$0x0] =	vst.idx.msk $0xffff, v35  }
0x1e3: {  	v36 =	vadd.s32 v31, v37;
	v35 =	vld [tilespmem:s25+$0xC0];
	_ =	sdelay $0x4  }
0x1e4: {  	[tilespmem:v36+s15+$0x0] =	vst.idx.msk $0xffff, v35  }
0x1e5: {  	v36 =	vadd.s32 v32, v37;
	v35 =	vld [tilespmem:s25+$0xD0];
	_ =	sdelay $0x4  }
0x1e6: {  	[tilespmem:v36+s15+$0x0] =	vst.idx.msk $0xffff, v35  }
0x1e7: {  	v36 =	vadd.s32 v33, v37;
	v35 =	vld [tilespmem:s25+$0xE0];
	_ =	sdelay $0x1  }
.Ltmp1:
0x1e8: {  	(pc) =	sbr.rel @p1 .LBB2_5-.Ltmp1, $3  }
0x1e9: {  	_ =	sdelay $0x1  }
0x1ea: {  	[tilespmem:v36+s15+$0x0] =	vst.idx.msk $0xffff, v35  }
0x1eb: {  	s28 =	sadd.s32 $0x8, s28;
	s29 =	sadd.s32 $0xFFFFFFF9, s26;
	v36 =	vadd.s32 v34, v37;
	v35 =	vld [tilespmem:s25+$0xF0]  }
0x1ec: {  	v37 =	vmov s29  }
0x1ed: {  	v37 =	vshrl.u32 v37, $0x3  }
0x1ee: {  	v37 =	vshll.u32 v37, v3  }
0x1ef: {  	v37 =	vbroadcast v37, $0x0  }
0x1f0: {  	s25 =	sadd.s32 $0x200, s25;
	[tilespmem:v36+s15+$0x0] =	vst.idx.msk $0xffff, v35  }
0x1f1: {  	v35 =	vld [tilespmem:s25+$0xFFFFFF00];
	v58 =	vadd.s32 v1, v37;
	_ =	sdelay $0x4  }
0x1f2: {  	[tilespmem:v58+s15+$0x0] =	vst.idx.msk $0xffff, v35  }
0x1f3: {  	v59 =	vadd.s32 v4, v37;
	v35 =	vld [tilespmem:s25+$0xFFFFFF10];
	_ =	sdelay $0x4  }
0x1f4: {  	[tilespmem:v59+s15+$0x0] =	vst.idx.msk $0xffff, v35  }
0x1f5: {  	v60 =	vadd.s32 v5, v37;
	v35 =	vld [tilespmem:s25+$0xFFFFFF20];
	_ =	sdelay $0x4  }
0x1f6: {  	[tilespmem:v60+s15+$0x0] =	vst.idx.msk $0xffff, v35  }
0x1f7: {  	s1 =	sadd.s32 $0xFFFFFFFA, s26;
	v61 =	vadd.s32 v6, v37;
	v35 =	vld [tilespmem:s25+$0xFFFFFF30]  }
0x1f8: {  	v62 =	vmov s1  }
0x1f9: {  	v37 =	vshrl.u32 v62, $0x3  }
0x1fa: {  	v37 =	vshll.u32 v37, v3  }
0x1fb: {  	v37 =	vbroadcast v37, $0x0  }
0x1fc: {  	[tilespmem:v61+s15+$0x0] =	vst.idx.msk $0xffff, v35  }
0x1fd: {  	v63 =	vadd.s32 v7, v37;
	v35 =	vld [tilespmem:s25+$0xFFFFFF40];
	_ =	sdelay $0x4  }
0x1fe: {  	[tilespmem:v63+s15+$0x0] =	vst.idx.msk $0xffff, v35  }
0x1ff: {  	v40 =	vadd.s32 v8, v37;
	v35 =	vld [tilespmem:s25+$0xFFFFFF50];
	_ =	sdelay $0x4  }
0x200: {  	[tilespmem:v40+s15+$0x0] =	vst.idx.msk $0xffff, v35  }
0x201: {  	v41 =	vadd.s32 v9, v37;
	v35 =	vld [tilespmem:s25+$0xFFFFFF60];
	_ =	sdelay $0x4  }
0x202: {  	[tilespmem:v41+s15+$0x0] =	vst.idx.msk $0xffff, v35  }
0x203: {  	s1 =	sadd.s32 $0xFFFFFFFB, s26;
	v42 =	vadd.s32 v10, v37;
	v35 =	vld [tilespmem:s25+$0xFFFFFF70]  }
0x204: {  	v43 =	vmov s1  }
0x205: {  	v37 =	vshrl.u32 v43, $0x3  }
0x206: {  	v37 =	vshll.u32 v37, v3  }
0x207: {  	v37 =	vbroadcast v37, $0x0  }
0x208: {  	[tilespmem:v42+s15+$0x0] =	vst.idx.msk $0xffff, v35  }
0x209: {  	v44 =	vadd.s32 v11, v37;
	v35 =	vld [tilespmem:s25+$0xFFFFFF80];
	_ =	sdelay $0x4  }
0x20a: {  	[tilespmem:v44+s15+$0x0] =	vst.idx.msk $0xffff, v35  }
0x20b: {  	v45 =	vadd.s32 v12, v37;
	v35 =	vld [tilespmem:s25+$0xFFFFFF90];
	_ =	sdelay $0x4  }
0x20c: {  	[tilespmem:v45+s15+$0x0] =	vst.idx.msk $0xffff, v35  }
0x20d: {  	v46 =	vadd.s32 v13, v37;
	v35 =	vld [tilespmem:s25+$0xFFFFFFA0];
	_ =	sdelay $0x4  }
0x20e: {  	[tilespmem:v46+s15+$0x0] =	vst.idx.msk $0xffff, v35  }
0x20f: {  	s1 =	sadd.s32 $0xFFFFFFFC, s26;
	v47 =	vadd.s32 v14, v37;
	v35 =	vld [tilespmem:s25+$0xFFFFFFB0]  }
0x210: {  	v48 =	vmov s1  }
0x211: {  	v37 =	vshrl.u32 v48, $0x3  }
0x212: {  	v37 =	vshll.u32 v37, v3  }
0x213: {  	v37 =	vbroadcast v37, $0x0  }
0x214: {  	[tilespmem:v47+s15+$0x0] =	vst.idx.msk $0xffff, v35  }
0x215: {  	v49 =	vadd.s32 v15, v37;
	v35 =	vld [tilespmem:s25+$0xFFFFFFC0];
	_ =	sdelay $0x4  }
0x216: {  	[tilespmem:v49+s15+$0x0] =	vst.idx.msk $0xffff, v35  }
0x217: {  	v50 =	vadd.s32 v16, v37;
	v35 =	vld [tilespmem:s25+$0xFFFFFFD0];
	_ =	sdelay $0x4  }
0x218: {  	[tilespmem:v50+s15+$0x0] =	vst.idx.msk $0xffff, v35  }
0x219: {  	v51 =	vadd.s32 v17, v37;
	v35 =	vld [tilespmem:s25+$0xFFFFFFE0];
	_ =	sdelay $0x4  }
0x21a: {  	[tilespmem:v51+s15+$0x0] =	vst.idx.msk $0xffff, v35  }
0x21b: {  	s1 =	sadd.s32 $0xFFFFFFFD, s26;
	v52 =	vadd.s32 v18, v37;
	v35 =	vld [tilespmem:s25+$0xFFFFFFF0]  }
0x21c: {  	v53 =	vmov s1  }
0x21d: {  	v37 =	vshrl.u32 v53, $0x3  }
0x21e: {  	v37 =	vshll.u32 v37, v3  }
0x21f: {  	v37 =	vbroadcast v37, $0x0  }
0x220: {  	[tilespmem:v52+s15+$0x0] =	vst.idx.msk $0xffff, v35  }
0x221: {  	v54 =	vadd.s32 v19, v37;
	v35 =	vld [tilespmem:s25+$0x0];
	_ =	sdelay $0x4  }
0x222: {  	[tilespmem:v54+s15+$0x0] =	vst.idx.msk $0xffff, v35  }
0x223: {  	v55 =	vadd.s32 v20, v37;
	v35 =	vld [tilespmem:s25+$0x10];
	_ =	sdelay $0x4  }
0x224: {  	[tilespmem:v55+s15+$0x0] =	vst.idx.msk $0xffff, v35  }
0x225: {  	v56 =	vadd.s32 v21, v37;
	v35 =	vld [tilespmem:s25+$0x20];
	_ =	sdelay $0x4  }
0x226: {  	[tilespmem:v56+s15+$0x0] =	vst.idx.msk $0xffff, v35  }
0x227: {  	s1 =	sadd.s32 $0xFFFFFFFE, s26;
	v57 =	vadd.s32 v22, v37;
	v35 =	vld [tilespmem:s25+$0x30]  }
0x228: {  	v58 =	vmov s1  }
0x229: {  	v37 =	vshrl.u32 v58, $0x3  }
0x22a: {  	v37 =	vshll.u32 v37, v3  }
0x22b: {  	v37 =	vbroadcast v37, $0x0  }
0x22c: {  	[tilespmem:v57+s15+$0x0] =	vst.idx.msk $0xffff, v35  }
0x22d: {  	v59 =	vadd.s32 v23, v37;
	v35 =	vld [tilespmem:s25+$0x40];
	_ =	sdelay $0x4  }
0x22e: {  	[tilespmem:v59+s15+$0x0] =	vst.idx.msk $0xffff, v35  }
0x22f: {  	v60 =	vadd.s32 v24, v37;
	v35 =	vld [tilespmem:s25+$0x50];
	_ =	sdelay $0x4  }
0x230: {  	[tilespmem:v60+s15+$0x0] =	vst.idx.msk $0xffff, v35  }
0x231: {  	v61 =	vadd.s32 v25, v37;
	v35 =	vld [tilespmem:s25+$0x60];
	_ =	sdelay $0x4  }
0x232: {  	[tilespmem:v61+s15+$0x0] =	vst.idx.msk $0xffff, v35  }
0x233: {  	s1 =	sadd.s32 $0xFFFFFFFF, s26;
	v62 =	vadd.s32 v26, v37;
	v35 =	vld [tilespmem:s25+$0x70]  }
0x234: {  	v63 =	vmov s1  }
0x235: {  	v37 =	vshrl.u32 v63, $0x3  }
0x236: {  	v37 =	vshll.u32 v37, v3  }
0x237: {  	v37 =	vbroadcast v37, $0x0  }
0x238: {  	[tilespmem:v62+s15+$0x0] =	vst.idx.msk $0xffff, v35  }
0x239: {  	v40 =	vadd.s32 v27, v37;
	v35 =	vld [tilespmem:s25+$0x80];
	_ =	sdelay $0x4  }
0x23a: {  	[tilespmem:v40+s15+$0x0] =	vst.idx.msk $0xffff, v35  }
0x23b: {  	v41 =	vadd.s32 v28, v37;
	v35 =	vld [tilespmem:s25+$0x90];
	_ =	sdelay $0x4  }
0x23c: {  	[tilespmem:v41+s15+$0x0] =	vst.idx.msk $0xffff, v35  }
0x23d: {  	v42 =	vadd.s32 v29, v37;
	v35 =	vld [tilespmem:s25+$0xA0];
	_ =	sdelay $0x4  }
0x23e: {  	[tilespmem:v42+s15+$0x0] =	vst.idx.msk $0xffff, v35  }
0x23f: {  	v43 =	vadd.s32 v30, v37;
	v35 =	vld [tilespmem:s25+$0xB0]  }
0x240: {  	v44 =	vmov s26  }
0x241: {  	v37 =	vshrl.u32 v44, $0x3  }
0x242: {  	v37 =	vshll.u32 v37, v3  }
0x243: {  	v37 =	vbroadcast v37, $0x0  }
0x244: {  	[tilespmem:v43+s15+$0x0] =	vst.idx.msk $0xffff, v35  }
0x245: {  	v45 =	vadd.s32 v31, v37;
	v35 =	vld [tilespmem:s25+$0xC0];
	_ =	sdelay $0x4  }
0x246: {  	[tilespmem:v45+s15+$0x0] =	vst.idx.msk $0xffff, v35  }
0x247: {  	v46 =	vadd.s32 v32, v37;
	v35 =	vld [tilespmem:s25+$0xD0];
	_ =	sdelay $0x4  }
0x248: {  	[tilespmem:v46+s15+$0x0] =	vst.idx.msk $0xffff, v35  }
0x249: {  	v47 =	vadd.s32 v33, v37;
	v35 =	vld [tilespmem:s25+$0xE0];
	_ =	sdelay $0x4  }
0x24a: {  	[tilespmem:v47+s15+$0x0] =	vst.idx.msk $0xffff, v35  }
0x24b: {  	p1 =	seq.s32 s23, $0x33;
	v48 =	vadd.s32 v34, v37;
	v35 =	vld [tilespmem:s25+$0xF0]  }
0x24c: {  	s25 =	sshll.u32 @!p1 s23, $0xA  }
0x24d: {  	s1 =	sadd.s32 @!p1 $0x400, s25  }
0x24e: {  	s1 =	sand.u32 @!p1 $0x1FC00, s1  }
0x24f: {  	s1 =	sshrl.u32 @!p1 s1, $0x2  }
0x250: {  	s28 =	simm.s32 @!p1 $0x6800;
	s26 =	simm.s32 @!p1 $0x80;
	s1 =	sadd.s32 @!p1 $0x3400, s1;
	[tilespmem:v48+s15+$0x0] =	vst.idx.msk $0xffff, v35  }
0x251: {  	[tilespmem:s28], [sflag:$0x1] =	stream.indirect.gather @!p1 [hbm4b:s4+s26], $0x40, s1, s26, $0xb8;
	[tilespmem:$0xEC00] =	vst v63  }
0x252: {  	s24 =	sand.u32 $0x800, s24;
	s26 =	sshll.u32 s23, $0x13  }
0x253: {  	s1 =	sor.u32 s6, s24;
	s24 =	sand.u32 $0x1F00000, s26  }
0x254: {  	s1 =	sor.u32 s24, s1  }
0x255: {  	s24 =	sshrl.u32 s1, $0x3  }
0x256: {  	s26 =	sadd.s32 s2, s24  }
0x257: {  	[hbm4b:s26+s3] =	stream.linear.scatter [tilespmem:s15], [sflag:$0x3], $0x80, $0x38;
	[tilespmem:$0xEC00] =	vst v63  }
0x258: {  	s28 =	simm.s32 $0xA888;
	s1 =	sadd.s32 $0x10, s26  }
0x259: {  	[hbm4b:s1+s3] =	stream.linear.scatter [tilespmem:s28], [sflag:$0x3], $0x80, $0x38;
	[tilespmem:$0xEC00] =	vst v63  }
0x25a: {  	s1 =	sadd.s32 $0x20, s26;
	s28 =	simm.s32 $0xA910  }
0x25b: {  	[hbm4b:s1+s3] =	stream.linear.scatter [tilespmem:s28], [sflag:$0x3], $0x80, $0x38;
	[tilespmem:$0xEC00] =	vst v63  }
0x25c: {  	s1 =	sadd.s32 $0x30, s26;
	s28 =	simm.s32 $0xA998  }
0x25d: {  	[hbm4b:s1+s3] =	stream.linear.scatter [tilespmem:s28], [sflag:$0x3], $0x80, $0x38;
	[tilespmem:$0xEC00] =	vst v63  }
0x25e: {  	s1 =	sadd.s32 $0x40, s26;
	s28 =	simm.s32 $0xAA20  }
0x25f: {  	[hbm4b:s1+s3] =	stream.linear.scatter [tilespmem:s28], [sflag:$0x3], $0x80, $0x38;
	[tilespmem:$0xEC00] =	vst v63  }
0x260: {  	s1 =	sadd.s32 $0x50, s26;
	s28 =	simm.s32 $0xAAA8  }
0x261: {  	[hbm4b:s1+s3] =	stream.linear.scatter [tilespmem:s28], [sflag:$0x3], $0x80, $0x38;
	[tilespmem:$0xEC00] =	vst v63  }
0x262: {  	s1 =	sadd.s32 $0x60, s26;
	s28 =	simm.s32 $0xAB30  }
0x263: {  	[hbm4b:s1+s3] =	stream.linear.scatter [tilespmem:s28], [sflag:$0x3], $0x80, $0x38;
	[tilespmem:$0xEC00] =	vst v63  }
0x264: {  	s1 =	sadd.s32 $0x70, s26;
	s28 =	simm.s32 $0xABB8  }
0x265: {  	[hbm4b:s1+s3] =	stream.linear.scatter [tilespmem:s28], [sflag:$0x3], $0x80, $0x38;
	[tilespmem:$0xEC00] =	vst v63  }
0x266: {  	s1 =	sadd.s32 $0x4000, s26;
	s28 =	simm.s32 $0xAC40  }
0x267: {  	[hbm4b:s1+s3] =	stream.linear.scatter [tilespmem:s28], [sflag:$0x3], $0x80, $0x38;
	[tilespmem:$0xEC00] =	vst v63  }
0x268: {  	s1 =	sadd.s32 $0x4010, s26;
	s28 =	simm.s32 $0xACC8  }
0x269: {  	[hbm4b:s1+s3] =	stream.linear.scatter [tilespmem:s28], [sflag:$0x3], $0x80, $0x38;
	[tilespmem:$0xEC00] =	vst v63  }
0x26a: {  	s1 =	sadd.s32 $0x4020, s26;
	s28 =	simm.s32 $0xAD50  }
0x26b: {  	[hbm4b:s1+s3] =	stream.linear.scatter [tilespmem:s28], [sflag:$0x3], $0x80, $0x38;
	[tilespmem:$0xEC00] =	vst v63  }
0x26c: {  	s1 =	sadd.s32 $0x4030, s26;
	s28 =	simm.s32 $0xADD8  }
0x26d: {  	[hbm4b:s1+s3] =	stream.linear.scatter [tilespmem:s28], [sflag:$0x3], $0x80, $0x38;
	[tilespmem:$0xEC00] =	vst v63  }
0x26e: {  	s1 =	sadd.s32 $0x4040, s26;
	s28 =	simm.s32 $0xAE60  }
0x26f: {  	[hbm4b:s1+s3] =	stream.linear.scatter [tilespmem:s28], [sflag:$0x3], $0x80, $0x38;
	[tilespmem:$0xEC00] =	vst v63  }
0x270: {  	s1 =	sadd.s32 $0x4050, s26;
	s28 =	simm.s32 $0xAEE8  }
0x271: {  	[hbm4b:s1+s3] =	stream.linear.scatter [tilespmem:s28], [sflag:$0x3], $0x80, $0x38;
	[tilespmem:$0xEC00] =	vst v63  }
0x272: {  	s1 =	sadd.s32 $0x4060, s26;
	s28 =	simm.s32 $0xAF70  }
0x273: {  	[hbm4b:s1+s3] =	stream.linear.scatter [tilespmem:s28], [sflag:$0x3], $0x80, $0x38;
	[tilespmem:$0xEC00] =	vst v63  }
0x274: {  	s1 =	sadd.s32 $0x4070, s26;
	s28 =	simm.s32 $0xAFF8  }
0x275: {  	[hbm4b:s1+s3] =	stream.linear.scatter [tilespmem:s28], [sflag:$0x3], $0x80, $0x38;
	[tilespmem:$0xEC00] =	vst v63  }
0x276: {  	s1 =	sadd.s32 $0x8000, s26;
	s28 =	simm.s32 $0xB080  }
0x277: {  	[hbm4b:s1+s3] =	stream.linear.scatter [tilespmem:s28], [sflag:$0x3], $0x80, $0x38;
	[tilespmem:$0xEC00] =	vst v63  }
0x278: {  	s1 =	sadd.s32 $0x8010, s26;
	s28 =	simm.s32 $0xB108  }
0x279: {  	[hbm4b:s1+s3] =	stream.linear.scatter [tilespmem:s28], [sflag:$0x3], $0x80, $0x38;
	[tilespmem:$0xEC00] =	vst v63  }
0x27a: {  	s1 =	sadd.s32 $0x8020, s26;
	s28 =	simm.s32 $0xB190  }
0x27b: {  	[hbm4b:s1+s3] =	stream.linear.scatter [tilespmem:s28], [sflag:$0x3], $0x80, $0x38;
	[tilespmem:$0xEC00] =	vst v63  }
0x27c: {  	s1 =	sadd.s32 $0x8030, s26;
	s28 =	simm.s32 $0xB218  }
0x27d: {  	[hbm4b:s1+s3] =	stream.linear.scatter [tilespmem:s28], [sflag:$0x3], $0x80, $0x38;
	[tilespmem:$0xEC00] =	vst v63  }
0x27e: {  	s1 =	sadd.s32 $0x8040, s26;
	s28 =	simm.s32 $0xB2A0  }
0x27f: {  	[hbm4b:s1+s3] =	stream.linear.scatter [tilespmem:s28], [sflag:$0x3], $0x80, $0x38;
	[tilespmem:$0xEC00] =	vst v63  }
0x280: {  	s1 =	sadd.s32 $0x8050, s26;
	s28 =	simm.s32 $0xB328  }
0x281: {  	[hbm4b:s1+s3] =	stream.linear.scatter [tilespmem:s28], [sflag:$0x3], $0x80, $0x38;
	[tilespmem:$0xEC00] =	vst v63  }
0x282: {  	s1 =	sadd.s32 $0x8060, s26;
	s28 =	simm.s32 $0xB3B0  }
0x283: {  	[hbm4b:s1+s3] =	stream.linear.scatter [tilespmem:s28], [sflag:$0x3], $0x80, $0x38;
	[tilespmem:$0xEC00] =	vst v63  }
0x284: {  	s1 =	sadd.s32 $0x8070, s26;
	s28 =	simm.s32 $0xB438  }
0x285: {  	[hbm4b:s1+s3] =	stream.linear.scatter [tilespmem:s28], [sflag:$0x3], $0x80, $0x38;
	[tilespmem:$0xEC00] =	vst v63  }
0x286: {  	s1 =	sadd.s32 $0xC000, s26;
	s28 =	simm.s32 $0xB4C0  }
0x287: {  	[hbm4b:s1+s3] =	stream.linear.scatter [tilespmem:s28], [sflag:$0x3], $0x80, $0x38;
	[tilespmem:$0xEC00] =	vst v63  }
0x288: {  	s1 =	sadd.s32 $0xC010, s26;
	s28 =	simm.s32 $0xB548  }
0x289: {  	[hbm4b:s1+s3] =	stream.linear.scatter [tilespmem:s28], [sflag:$0x3], $0x80, $0x38;
	[tilespmem:$0xEC00] =	vst v63  }
0x28a: {  	s1 =	sadd.s32 $0xC020, s26;
	s28 =	simm.s32 $0xB5D0  }
0x28b: {  	[hbm4b:s1+s3] =	stream.linear.scatter [tilespmem:s28], [sflag:$0x3], $0x80, $0x38;
	[tilespmem:$0xEC00] =	vst v63  }
0x28c: {  	s1 =	sadd.s32 $0xC030, s26;
	s28 =	simm.s32 $0xB658  }
0x28d: {  	[hbm4b:s1+s3] =	stream.linear.scatter [tilespmem:s28], [sflag:$0x3], $0x80, $0x38;
	[tilespmem:$0xEC00] =	vst v63  }
0x28e: {  	s1 =	sadd.s32 $0xC040, s26;
	s28 =	simm.s32 $0xB6E0  }
0x28f: {  	[hbm4b:s1+s3] =	stream.linear.scatter [tilespmem:s28], [sflag:$0x3], $0x80, $0x38;
	[tilespmem:$0xEC00] =	vst v63  }
0x290: {  	s1 =	sadd.s32 $0xC050, s26;
	s28 =	simm.s32 $0xB768  }
0x291: {  	[hbm4b:s1+s3] =	stream.linear.scatter [tilespmem:s28], [sflag:$0x3], $0x80, $0x38;
	[tilespmem:$0xEC00] =	vst v63  }
0x292: {  	s1 =	sadd.s32 $0xC060, s26;
	s28 =	simm.s32 $0xB7F0  }
0x293: {  	[hbm4b:s1+s3] =	stream.linear.scatter [tilespmem:s28], [sflag:$0x3], $0x80, $0x38;
	[tilespmem:$0xEC00] =	vst v63  }
0x294: {  	s1 =	sadd.s32 $0xC070, s26;
	s28 =	simm.s32 $0xB878  }
0x295: {  	[hbm4b:s1+s3] =	stream.linear.scatter [tilespmem:s28], [sflag:$0x3], $0x80, $0x38;
	[tilespmem:$0xEC00] =	vst v63  }
0x296: {  	s1 =	sadd.s32 $0x10000, s26;
	s28 =	simm.s32 $0xB900  }
0x297: {  	[hbm4b:s1+s3] =	stream.linear.scatter [tilespmem:s28], [sflag:$0x3], $0x80, $0x38;
	[tilespmem:$0xEC00] =	vst v63  }
0x298: {  	s29 =	simm.s32 $0xB988;
	s28 =	sadd.s32 $0x10, s1  }
0x299: {  	[hbm4b:s28+s3] =	stream.linear.scatter [tilespmem:s29], [sflag:$0x3], $0x80, $0x38;
	[tilespmem:$0xEC00] =	vst v63  }
0x29a: {  	s28 =	sadd.s32 $0x20, s1;
	s29 =	simm.s32 $0xBA10  }
0x29b: {  	[hbm4b:s28+s3] =	stream.linear.scatter [tilespmem:s29], [sflag:$0x3], $0x80, $0x38;
	[tilespmem:$0xEC00] =	vst v63  }
0x29c: {  	s28 =	sadd.s32 $0x30, s1;
	s29 =	simm.s32 $0xBA98  }
0x29d: {  	[hbm4b:s28+s3] =	stream.linear.scatter [tilespmem:s29], [sflag:$0x3], $0x80, $0x38;
	[tilespmem:$0xEC00] =	vst v63  }
0x29e: {  	s28 =	sadd.s32 $0x40, s1;
	s29 =	simm.s32 $0xBB20  }
0x29f: {  	[hbm4b:s28+s3] =	stream.linear.scatter [tilespmem:s29], [sflag:$0x3], $0x80, $0x38;
	[tilespmem:$0xEC00] =	vst v63  }
0x2a0: {  	s28 =	sadd.s32 $0x50, s1;
	s29 =	simm.s32 $0xBBA8  }
0x2a1: {  	[hbm4b:s28+s3] =	stream.linear.scatter [tilespmem:s29], [sflag:$0x3], $0x80, $0x38;
	[tilespmem:$0xEC00] =	vst v63  }
0x2a2: {  	s28 =	sadd.s32 $0x60, s1;
	s29 =	simm.s32 $0xBC30  }
0x2a3: {  	[hbm4b:s28+s3] =	stream.linear.scatter [tilespmem:s29], [sflag:$0x3], $0x80, $0x38;
	[tilespmem:$0xEC00] =	vst v63  }
0x2a4: {  	s1 =	sadd.s32 $0x70, s1;
	s28 =	simm.s32 $0xBCB8  }
0x2a5: {  	[hbm4b:s1+s3] =	stream.linear.scatter [tilespmem:s28], [sflag:$0x3], $0x80, $0x38;
	[tilespmem:$0xEC00] =	vst v63  }
0x2a6: {  	s1 =	sadd.s32 $0x14000, s26;
	s28 =	simm.s32 $0xBD40  }
0x2a7: {  	[hbm4b:s1+s3] =	stream.linear.scatter [tilespmem:s28], [sflag:$0x3], $0x80, $0x38;
	[tilespmem:$0xEC00] =	vst v63  }
0x2a8: {  	s29 =	simm.s32 $0xBDC8;
	s28 =	sadd.s32 $0x10, s1  }
0x2a9: {  	[hbm4b:s28+s3] =	stream.linear.scatter [tilespmem:s29], [sflag:$0x3], $0x80, $0x38;
	[tilespmem:$0xEC00] =	vst v63  }
0x2aa: {  	s28 =	sadd.s32 $0x20, s1;
	s29 =	simm.s32 $0xBE50  }
0x2ab: {  	[hbm4b:s28+s3] =	stream.linear.scatter [tilespmem:s29], [sflag:$0x3], $0x80, $0x38;
	[tilespmem:$0xEC00] =	vst v63  }
0x2ac: {  	s28 =	sadd.s32 $0x30, s1;
	s29 =	simm.s32 $0xBED8  }
0x2ad: {  	[hbm4b:s28+s3] =	stream.linear.scatter [tilespmem:s29], [sflag:$0x3], $0x80, $0x38;
	[tilespmem:$0xEC00] =	vst v63  }
0x2ae: {  	s28 =	sadd.s32 $0x40, s1;
	s29 =	simm.s32 $0xBF60  }
0x2af: {  	[hbm4b:s28+s3] =	stream.linear.scatter [tilespmem:s29], [sflag:$0x3], $0x80, $0x38;
	[tilespmem:$0xEC00] =	vst v63  }
0x2b0: {  	s28 =	sadd.s32 $0x50, s1;
	s29 =	simm.s32 $0xBFE8  }
0x2b1: {  	[hbm4b:s28+s3] =	stream.linear.scatter [tilespmem:s29], [sflag:$0x3], $0x80, $0x38;
	[tilespmem:$0xEC00] =	vst v63  }
0x2b2: {  	s28 =	sadd.s32 $0x60, s1;
	s29 =	simm.s32 $0xC070  }
0x2b3: {  	[hbm4b:s28+s3] =	stream.linear.scatter [tilespmem:s29], [sflag:$0x3], $0x80, $0x38;
	[tilespmem:$0xEC00] =	vst v63  }
0x2b4: {  	s1 =	sadd.s32 $0x70, s1;
	s28 =	simm.s32 $0xC0F8  }
0x2b5: {  	[hbm4b:s1+s3] =	stream.linear.scatter [tilespmem:s28], [sflag:$0x3], $0x80, $0x38;
	[tilespmem:$0xEC00] =	vst v63  }
0x2b6: {  	s1 =	sadd.s32 $0x18000, s26;
	s28 =	simm.s32 $0xC180  }
0x2b7: {  	[hbm4b:s1+s3] =	stream.linear.scatter [tilespmem:s28], [sflag:$0x3], $0x80, $0x38;
	[tilespmem:$0xEC00] =	vst v63  }
0x2b8: {  	s29 =	simm.s32 $0xC208;
	s28 =	sadd.s32 $0x10, s1  }
0x2b9: {  	[hbm4b:s28+s3] =	stream.linear.scatter [tilespmem:s29], [sflag:$0x3], $0x80, $0x38;
	[tilespmem:$0xEC00] =	vst v63  }
0x2ba: {  	s28 =	sadd.s32 $0x20, s1;
	s29 =	simm.s32 $0xC290  }
0x2bb: {  	[hbm4b:s28+s3] =	stream.linear.scatter [tilespmem:s29], [sflag:$0x3], $0x80, $0x38;
	[tilespmem:$0xEC00] =	vst v63  }
0x2bc: {  	s28 =	sadd.s32 $0x30, s1;
	s29 =	simm.s32 $0xC318  }
0x2bd: {  	[hbm4b:s28+s3] =	stream.linear.scatter [tilespmem:s29], [sflag:$0x3], $0x80, $0x38;
	[tilespmem:$0xEC00] =	vst v63  }
0x2be: {  	s28 =	sadd.s32 $0x40, s1;
	s29 =	simm.s32 $0xC3A0  }
0x2bf: {  	[hbm4b:s28+s3] =	stream.linear.scatter [tilespmem:s29], [sflag:$0x3], $0x80, $0x38;
	[tilespmem:$0xEC00] =	vst v63  }
0x2c0: {  	s28 =	sadd.s32 $0x50, s1;
	s29 =	simm.s32 $0xC428  }
0x2c1: {  	[hbm4b:s28+s3] =	stream.linear.scatter [tilespmem:s29], [sflag:$0x3], $0x80, $0x38;
	[tilespmem:$0xEC00] =	vst v63  }
0x2c2: {  	s28 =	sadd.s32 $0x60, s1;
	s29 =	simm.s32 $0xC4B0  }
0x2c3: {  	[hbm4b:s28+s3] =	stream.linear.scatter [tilespmem:s29], [sflag:$0x3], $0x80, $0x38;
	[tilespmem:$0xEC00] =	vst v63  }
0x2c4: {  	s1 =	sadd.s32 $0x70, s1;
	s28 =	simm.s32 $0xC538  }
0x2c5: {  	[hbm4b:s1+s3] =	stream.linear.scatter [tilespmem:s28], [sflag:$0x3], $0x80, $0x38;
	[tilespmem:$0xEC00] =	vst v63  }
0x2c6: {  	s1 =	sadd.s32 $0x1C000, s26;
	s26 =	simm.s32 $0xC5C0  }
0x2c7: {  	[hbm4b:s1+s3] =	stream.linear.scatter [tilespmem:s26], [sflag:$0x3], $0x80, $0x38;
	[tilespmem:$0xEC00] =	vst v63  }
0x2c8: {  	s28 =	simm.s32 $0xC648;
	s26 =	sadd.s32 $0x10, s1  }
0x2c9: {  	[hbm4b:s26+s3] =	stream.linear.scatter [tilespmem:s28], [sflag:$0x3], $0x80, $0x38;
	[tilespmem:$0xEC00] =	vst v63  }
0x2ca: {  	s26 =	sadd.s32 $0x20, s1;
	s28 =	simm.s32 $0xC6D0  }
0x2cb: {  	[hbm4b:s26+s3] =	stream.linear.scatter [tilespmem:s28], [sflag:$0x3], $0x80, $0x38;
	[tilespmem:$0xEC00] =	vst v63  }
0x2cc: {  	s26 =	sadd.s32 $0x30, s1;
	s28 =	simm.s32 $0xC758  }
0x2cd: {  	[hbm4b:s26+s3] =	stream.linear.scatter [tilespmem:s28], [sflag:$0x3], $0x80, $0x38;
	[tilespmem:$0xEC00] =	vst v63  }
0x2ce: {  	s26 =	sadd.s32 $0x40, s1;
	s28 =	simm.s32 $0xC7E0  }
0x2cf: {  	[hbm4b:s26+s3] =	stream.linear.scatter [tilespmem:s28], [sflag:$0x3], $0x80, $0x38;
	[tilespmem:$0xEC00] =	vst v63  }
0x2d0: {  	s26 =	sadd.s32 $0x50, s1;
	s28 =	simm.s32 $0xC868  }
0x2d1: {  	[hbm4b:s26+s3] =	stream.linear.scatter [tilespmem:s28], [sflag:$0x3], $0x80, $0x38;
	[tilespmem:$0xEC00] =	vst v63  }
0x2d2: {  	s26 =	sadd.s32 $0x60, s1;
	s28 =	simm.s32 $0xC8F0  }
0x2d3: {  	[hbm4b:s26+s3] =	stream.linear.scatter [tilespmem:s28], [sflag:$0x3], $0x80, $0x38;
	[tilespmem:$0xEC00] =	vst v63  }
0x2d4: {  	s1 =	sadd.s32 $0x70, s1;
	s26 =	simm.s32 $0xC978  }
0x2d5: {  	[hbm4b:s1+s3] =	stream.linear.scatter [tilespmem:s26], [sflag:$0x3], $0x80, $0x38;
	[tilespmem:$0xEC00] =	vst v63  }
0x2d6: {  	s26 =	simm.s32 $0x0;
	_ =	swait.ge [sflag:s30], $0x2000  }
0x2d7: {  	v49 =	vmov s26;
	[sflag:s30] =	ssyncset.done $0x0  }
0x2d8: {  	s1 =	simm.s32 @!p0 $0x4;
	v35 =	vshrl.u32 v49, $0x3;
	[sflag:s30] =	ssyncadd.s32 $0xFFFFE000  }
0x2d9: {  	v35 =	vshll.u32 v35, v3;
	_ =	swait.ge @!p0 [sflag:s1], $0x2000  }
0x2da: {  	v35 =	vbroadcast v35, $0x0;
	[sflag:s1] =	ssyncset.done @!p0 $0x0  }
0x2db: {  	s26 =	simm.s32 $0x89F0;
	[sflag:s1] =	ssyncadd.s32 @!p0 $0xFFFFE000  }
0x2dc: {  	v51 =	vadd.s32 v1, v35;
	v50 =	vld [tilespmem:s26+$0xFFFFFE10];
	_ =	sdelay $0x4  }
0x2dd: {  	[tilespmem:v51+s31+$0x0] =	vst.idx.msk $0xffff, v50  }
0x2de: {  	v52 =	vadd.s32 v4, v35;
	v36 =	vld [tilespmem:s26+$0xFFFFFE20];
	_ =	sdelay $0x4  }
0x2df: {  	[tilespmem:v52+s31+$0x0] =	vst.idx.msk $0xffff, v36  }
0x2e0: {  	v53 =	vadd.s32 v5, v35;
	v36 =	vld [tilespmem:s26+$0xFFFFFE30];
	_ =	sdelay $0x4  }
0x2e1: {  	[tilespmem:v53+s31+$0x0] =	vst.idx.msk $0xffff, v36  }
0x2e2: {  	v35 =	vadd.s32 v6, v35;
	s1 =	simm.s32 $0x1;
	v36 =	vld [tilespmem:s26+$0xFFFFFE40]  }
0x2e3: {  	v54 =	vmov s1  }
0x2e4: {  	v37 =	vshrl.u32 v54, $0x3  }
0x2e5: {  	v37 =	vshll.u32 v37, v3  }
0x2e6: {  	v37 =	vbroadcast v37, $0x0  }
0x2e7: {  	[tilespmem:v35+s31+$0x0] =	vst.idx.msk $0xffff, v36  }
0x2e8: {  	v55 =	vadd.s32 v7, v37;
	v35 =	vld [tilespmem:s26+$0xFFFFFE50];
	_ =	sdelay $0x4  }
0x2e9: {  	[tilespmem:v55+s31+$0x0] =	vst.idx.msk $0xffff, v35  }
0x2ea: {  	v56 =	vadd.s32 v8, v37;
	v35 =	vld [tilespmem:s26+$0xFFFFFE60];
	_ =	sdelay $0x4  }
0x2eb: {  	[tilespmem:v56+s31+$0x0] =	vst.idx.msk $0xffff, v35  }
0x2ec: {  	v57 =	vadd.s32 v9, v37;
	v35 =	vld [tilespmem:s26+$0xFFFFFE70];
	_ =	sdelay $0x4  }
0x2ed: {  	[tilespmem:v57+s31+$0x0] =	vst.idx.msk $0xffff, v35  }
0x2ee: {  	s1 =	simm.s32 $0x2;
	v58 =	vadd.s32 v10, v37;
	v35 =	vld [tilespmem:s26+$0xFFFFFE80]  }
0x2ef: {  	v59 =	vmov s1  }
0x2f0: {  	v37 =	vshrl.u32 v59, $0x3  }
0x2f1: {  	v37 =	vshll.u32 v37, v3  }
0x2f2: {  	v37 =	vbroadcast v37, $0x0  }
0x2f3: {  	[tilespmem:v58+s31+$0x0] =	vst.idx.msk $0xffff, v35  }
0x2f4: {  	v60 =	vadd.s32 v11, v37;
	v35 =	vld [tilespmem:s26+$0xFFFFFE90];
	_ =	sdelay $0x4  }
0x2f5: {  	[tilespmem:v60+s31+$0x0] =	vst.idx.msk $0xffff, v35  }
0x2f6: {  	v61 =	vadd.s32 v12, v37;
	v35 =	vld [tilespmem:s26+$0xFFFFFEA0];
	_ =	sdelay $0x4  }
0x2f7: {  	[tilespmem:v61+s31+$0x0] =	vst.idx.msk $0xffff, v35  }
0x2f8: {  	v62 =	vadd.s32 v13, v37;
	v35 =	vld [tilespmem:s26+$0xFFFFFEB0];
	_ =	sdelay $0x4  }
0x2f9: {  	[tilespmem:v62+s31+$0x0] =	vst.idx.msk $0xffff, v35  }
0x2fa: {  	s1 =	simm.s32 $0x3;
	v63 =	vadd.s32 v14, v37;
	v35 =	vld [tilespmem:s26+$0xFFFFFEC0]  }
0x2fb: {  	v40 =	vmov s1  }
0x2fc: {  	v37 =	vshrl.u32 v40, $0x3  }
0x2fd: {  	v37 =	vshll.u32 v37, v3  }
0x2fe: {  	v37 =	vbroadcast v37, $0x0  }
0x2ff: {  	[tilespmem:v63+s31+$0x0] =	vst.idx.msk $0xffff, v35  }
0x300: {  	v41 =	vadd.s32 v15, v37;
	v35 =	vld [tilespmem:s26+$0xFFFFFED0];
	_ =	sdelay $0x4  }
0x301: {  	[tilespmem:v41+s31+$0x0] =	vst.idx.msk $0xffff, v35  }
0x302: {  	v42 =	vadd.s32 v16, v37;
	v35 =	vld [tilespmem:s26+$0xFFFFFEE0];
	_ =	sdelay $0x4  }
0x303: {  	[tilespmem:v42+s31+$0x0] =	vst.idx.msk $0xffff, v35  }
0x304: {  	v43 =	vadd.s32 v17, v37;
	v35 =	vld [tilespmem:s26+$0xFFFFFEF0];
	_ =	sdelay $0x4  }
0x305: {  	[tilespmem:v43+s31+$0x0] =	vst.idx.msk $0xffff, v35  }
0x306: {  	s1 =	simm.s32 $0x4;
	v44 =	vadd.s32 v18, v37;
	v35 =	vld [tilespmem:s26+$0xFFFFFF00]  }
0x307: {  	v45 =	vmov s1  }
0x308: {  	v37 =	vshrl.u32 v45, $0x3  }
0x309: {  	v37 =	vshll.u32 v37, v3  }
0x30a: {  	v37 =	vbroadcast v37, $0x0  }
0x30b: {  	[tilespmem:v44+s31+$0x0] =	vst.idx.msk $0xffff, v35  }
0x30c: {  	v46 =	vadd.s32 v19, v37;
	v35 =	vld [tilespmem:s26+$0xFFFFFF10];
	_ =	sdelay $0x4  }
0x30d: {  	[tilespmem:v46+s31+$0x0] =	vst.idx.msk $0xffff, v35  }
0x30e: {  	v47 =	vadd.s32 v20, v37;
	v35 =	vld [tilespmem:s26+$0xFFFFFF20];
	_ =	sdelay $0x4  }
0x30f: {  	[tilespmem:v47+s31+$0x0] =	vst.idx.msk $0xffff, v35  }
0x310: {  	v48 =	vadd.s32 v21, v37;
	v35 =	vld [tilespmem:s26+$0xFFFFFF30];
	_ =	sdelay $0x4  }
0x311: {  	[tilespmem:v48+s31+$0x0] =	vst.idx.msk $0xffff, v35  }
0x312: {  	s1 =	simm.s32 $0x5;
	v49 =	vadd.s32 v22, v37;
	v35 =	vld [tilespmem:s26+$0xFFFFFF40]  }
0x313: {  	v50 =	vmov s1  }
0x314: {  	v37 =	vshrl.u32 v50, $0x3  }
0x315: {  	v37 =	vshll.u32 v37, v3  }
0x316: {  	v37 =	vbroadcast v37, $0x0  }
0x317: {  	[tilespmem:v49+s31+$0x0] =	vst.idx.msk $0xffff, v35  }
0x318: {  	v51 =	vadd.s32 v23, v37;
	v35 =	vld [tilespmem:s26+$0xFFFFFF50];
	_ =	sdelay $0x4  }
0x319: {  	[tilespmem:v51+s31+$0x0] =	vst.idx.msk $0xffff, v35  }
0x31a: {  	v52 =	vadd.s32 v24, v37;
	v35 =	vld [tilespmem:s26+$0xFFFFFF60];
	_ =	sdelay $0x4  }
0x31b: {  	[tilespmem:v52+s31+$0x0] =	vst.idx.msk $0xffff, v35  }
0x31c: {  	v53 =	vadd.s32 v25, v37;
	v35 =	vld [tilespmem:s26+$0xFFFFFF70];
	_ =	sdelay $0x4  }
0x31d: {  	[tilespmem:v53+s31+$0x0] =	vst.idx.msk $0xffff, v35  }
0x31e: {  	s1 =	simm.s32 $0x6;
	v54 =	vadd.s32 v26, v37;
	v35 =	vld [tilespmem:s26+$0xFFFFFF80]  }
0x31f: {  	v55 =	vmov s1  }
0x320: {  	v37 =	vshrl.u32 v55, $0x3  }
0x321: {  	v37 =	vshll.u32 v37, v3  }
0x322: {  	v37 =	vbroadcast v37, $0x0  }
0x323: {  	[tilespmem:v54+s31+$0x0] =	vst.idx.msk $0xffff, v35  }
0x324: {  	v56 =	vadd.s32 v27, v37;
	v35 =	vld [tilespmem:s26+$0xFFFFFF90];
	_ =	sdelay $0x4  }
0x325: {  	[tilespmem:v56+s31+$0x0] =	vst.idx.msk $0xffff, v35  }
0x326: {  	v57 =	vadd.s32 v28, v37;
	v35 =	vld [tilespmem:s26+$0xFFFFFFA0];
	_ =	sdelay $0x4  }
0x327: {  	[tilespmem:v57+s31+$0x0] =	vst.idx.msk $0xffff, v35  }
0x328: {  	v58 =	vadd.s32 v29, v37;
	v35 =	vld [tilespmem:s26+$0xFFFFFFB0];
	_ =	sdelay $0x4  }
0x329: {  	[tilespmem:v58+s31+$0x0] =	vst.idx.msk $0xffff, v35  }
0x32a: {  	s1 =	simm.s32 $0x7;
	v59 =	vadd.s32 v30, v37;
	v35 =	vld [tilespmem:s26+$0xFFFFFFC0]  }
0x32b: {  	v60 =	vmov s1  }
0x32c: {  	v37 =	vshrl.u32 v60, $0x3  }
0x32d: {  	v37 =	vshll.u32 v37, v3  }
0x32e: {  	v37 =	vbroadcast v37, $0x0  }
0x32f: {  	[tilespmem:v59+s31+$0x0] =	vst.idx.msk $0xffff, v35  }
0x330: {  	v61 =	vadd.s32 v31, v37;
	v35 =	vld [tilespmem:s26+$0xFFFFFFD0];
	_ =	sdelay $0x4  }
0x331: {  	[tilespmem:v61+s31+$0x0] =	vst.idx.msk $0xffff, v35  }
0x332: {  	v62 =	vadd.s32 v32, v37;
	v35 =	vld [tilespmem:s26+$0xFFFFFFE0];
	_ =	sdelay $0x4  }
0x333: {  	[tilespmem:v62+s31+$0x0] =	vst.idx.msk $0xffff, v35  }
0x334: {  	v63 =	vadd.s32 v33, v37;
	v35 =	vld [tilespmem:s26+$0xFFFFFFF0];
	_ =	sdelay $0x4  }
0x335: {  	[tilespmem:v63+s31+$0x0] =	vst.idx.msk $0xffff, v35  }
0x336: {  	s29 =	simm.s32 $0x17;
	s28 =	simm.s32 $0xF;
	s1 =	simm.s32 $0x8;
	v36 =	vadd.s32 v34, v37;
	v35 =	vld [tilespmem:s26+$0x0]  }
.LBB2_7:
0x337: {  	p0 =	sne.s32 s29, $0x7F;
	v37 =	vmov s1  }
0x338: {  	v37 =	vshrl.u32 v37, $0x3  }
0x339: {  	v37 =	vshll.u32 v37, v3  }
0x33a: {  	v37 =	vbroadcast v37, $0x0  }
0x33b: {  	s26 =	sadd.s32 $0x200, s26;
	[tilespmem:v36+s31+$0x0] =	vst.idx.msk $0xffff, v35  }
0x33c: {  	v35 =	vld [tilespmem:s26+$0xFFFFFE10];
	v36 =	vadd.s32 v1, v37;
	_ =	sdelay $0x4  }
0x33d: {  	[tilespmem:v36+s31+$0x0] =	vst.idx.msk $0xffff, v35  }
0x33e: {  	v36 =	vadd.s32 v4, v37;
	v35 =	vld [tilespmem:s26+$0xFFFFFE20];
	_ =	sdelay $0x4  }
0x33f: {  	[tilespmem:v36+s31+$0x0] =	vst.idx.msk $0xffff, v35  }
0x340: {  	v36 =	vadd.s32 v5, v37;
	v35 =	vld [tilespmem:s26+$0xFFFFFE30];
	_ =	sdelay $0x4  }
0x341: {  	[tilespmem:v36+s31+$0x0] =	vst.idx.msk $0xffff, v35  }
0x342: {  	s1 =	sadd.s32 $0xFFFFFFFA, s28;
	v36 =	vadd.s32 v6, v37;
	v35 =	vld [tilespmem:s26+$0xFFFFFE40]  }
0x343: {  	v37 =	vmov s1  }
0x344: {  	v37 =	vshrl.u32 v37, $0x3  }
0x345: {  	v37 =	vshll.u32 v37, v3  }
0x346: {  	v37 =	vbroadcast v37, $0x0  }
0x347: {  	[tilespmem:v36+s31+$0x0] =	vst.idx.msk $0xffff, v35  }
0x348: {  	v36 =	vadd.s32 v7, v37;
	v35 =	vld [tilespmem:s26+$0xFFFFFE50];
	_ =	sdelay $0x4  }
0x349: {  	[tilespmem:v36+s31+$0x0] =	vst.idx.msk $0xffff, v35  }
0x34a: {  	v36 =	vadd.s32 v8, v37;
	v35 =	vld [tilespmem:s26+$0xFFFFFE60];
	_ =	sdelay $0x4  }
0x34b: {  	[tilespmem:v36+s31+$0x0] =	vst.idx.msk $0xffff, v35  }
0x34c: {  	v36 =	vadd.s32 v9, v37;
	v35 =	vld [tilespmem:s26+$0xFFFFFE70];
	_ =	sdelay $0x4  }
0x34d: {  	[tilespmem:v36+s31+$0x0] =	vst.idx.msk $0xffff, v35  }
0x34e: {  	s1 =	sadd.s32 $0xFFFFFFFB, s28;
	v36 =	vadd.s32 v10, v37;
	v35 =	vld [tilespmem:s26+$0xFFFFFE80]  }
0x34f: {  	v37 =	vmov s1  }
0x350: {  	v37 =	vshrl.u32 v37, $0x3  }
0x351: {  	v37 =	vshll.u32 v37, v3  }
0x352: {  	v37 =	vbroadcast v37, $0x0  }
0x353: {  	[tilespmem:v36+s31+$0x0] =	vst.idx.msk $0xffff, v35  }
0x354: {  	v36 =	vadd.s32 v11, v37;
	v35 =	vld [tilespmem:s26+$0xFFFFFE90];
	_ =	sdelay $0x4  }
0x355: {  	[tilespmem:v36+s31+$0x0] =	vst.idx.msk $0xffff, v35  }
0x356: {  	v36 =	vadd.s32 v12, v37;
	v35 =	vld [tilespmem:s26+$0xFFFFFEA0];
	_ =	sdelay $0x4  }
0x357: {  	[tilespmem:v36+s31+$0x0] =	vst.idx.msk $0xffff, v35  }
0x358: {  	v36 =	vadd.s32 v13, v37;
	v35 =	vld [tilespmem:s26+$0xFFFFFEB0];
	_ =	sdelay $0x4  }
0x359: {  	[tilespmem:v36+s31+$0x0] =	vst.idx.msk $0xffff, v35  }
0x35a: {  	s1 =	sadd.s32 $0xFFFFFFFC, s28;
	v36 =	vadd.s32 v14, v37;
	v35 =	vld [tilespmem:s26+$0xFFFFFEC0]  }
0x35b: {  	v37 =	vmov s1  }
0x35c: {  	v37 =	vshrl.u32 v37, $0x3  }
0x35d: {  	v37 =	vshll.u32 v37, v3  }
0x35e: {  	v37 =	vbroadcast v37, $0x0  }
0x35f: {  	[tilespmem:v36+s31+$0x0] =	vst.idx.msk $0xffff, v35  }
0x360: {  	v36 =	vadd.s32 v15, v37;
	v35 =	vld [tilespmem:s26+$0xFFFFFED0];
	_ =	sdelay $0x4  }
0x361: {  	[tilespmem:v36+s31+$0x0] =	vst.idx.msk $0xffff, v35  }
0x362: {  	v36 =	vadd.s32 v16, v37;
	v35 =	vld [tilespmem:s26+$0xFFFFFEE0];
	_ =	sdelay $0x4  }
0x363: {  	[tilespmem:v36+s31+$0x0] =	vst.idx.msk $0xffff, v35  }
0x364: {  	v36 =	vadd.s32 v17, v37;
	v35 =	vld [tilespmem:s26+$0xFFFFFEF0];
	_ =	sdelay $0x4  }
0x365: {  	[tilespmem:v36+s31+$0x0] =	vst.idx.msk $0xffff, v35  }
0x366: {  	s1 =	sadd.s32 $0xFFFFFFFD, s28;
	v36 =	vadd.s32 v18, v37;
	v35 =	vld [tilespmem:s26+$0xFFFFFF00]  }
0x367: {  	v37 =	vmov s1  }
0x368: {  	v37 =	vshrl.u32 v37, $0x3  }
0x369: {  	v37 =	vshll.u32 v37, v3  }
0x36a: {  	v37 =	vbroadcast v37, $0x0  }
0x36b: {  	[tilespmem:v36+s31+$0x0] =	vst.idx.msk $0xffff, v35  }
0x36c: {  	v36 =	vadd.s32 v19, v37;
	v35 =	vld [tilespmem:s26+$0xFFFFFF10];
	_ =	sdelay $0x4  }
0x36d: {  	[tilespmem:v36+s31+$0x0] =	vst.idx.msk $0xffff, v35  }
0x36e: {  	v36 =	vadd.s32 v20, v37;
	v35 =	vld [tilespmem:s26+$0xFFFFFF20];
	_ =	sdelay $0x4  }
0x36f: {  	[tilespmem:v36+s31+$0x0] =	vst.idx.msk $0xffff, v35  }
0x370: {  	v36 =	vadd.s32 v21, v37;
	v35 =	vld [tilespmem:s26+$0xFFFFFF30];
	_ =	sdelay $0x4  }
0x371: {  	[tilespmem:v36+s31+$0x0] =	vst.idx.msk $0xffff, v35  }
0x372: {  	s1 =	sadd.s32 $0xFFFFFFFE, s28;
	v36 =	vadd.s32 v22, v37;
	v35 =	vld [tilespmem:s26+$0xFFFFFF40]  }
0x373: {  	v37 =	vmov s1  }
0x374: {  	v37 =	vshrl.u32 v37, $0x3  }
0x375: {  	v37 =	vshll.u32 v37, v3  }
0x376: {  	v37 =	vbroadcast v37, $0x0  }
0x377: {  	[tilespmem:v36+s31+$0x0] =	vst.idx.msk $0xffff, v35  }
0x378: {  	v36 =	vadd.s32 v23, v37;
	v35 =	vld [tilespmem:s26+$0xFFFFFF50];
	_ =	sdelay $0x4  }
0x379: {  	[tilespmem:v36+s31+$0x0] =	vst.idx.msk $0xffff, v35  }
0x37a: {  	v36 =	vadd.s32 v24, v37;
	v35 =	vld [tilespmem:s26+$0xFFFFFF60];
	_ =	sdelay $0x4  }
0x37b: {  	[tilespmem:v36+s31+$0x0] =	vst.idx.msk $0xffff, v35  }
0x37c: {  	v36 =	vadd.s32 v25, v37;
	v35 =	vld [tilespmem:s26+$0xFFFFFF70];
	_ =	sdelay $0x4  }
0x37d: {  	[tilespmem:v36+s31+$0x0] =	vst.idx.msk $0xffff, v35  }
0x37e: {  	s1 =	sadd.s32 $0xFFFFFFFF, s28;
	v36 =	vadd.s32 v26, v37;
	v35 =	vld [tilespmem:s26+$0xFFFFFF80]  }
0x37f: {  	v37 =	vmov s1  }
0x380: {  	v37 =	vshrl.u32 v37, $0x3  }
0x381: {  	v37 =	vshll.u32 v37, v3  }
0x382: {  	v37 =	vbroadcast v37, $0x0  }
0x383: {  	[tilespmem:v36+s31+$0x0] =	vst.idx.msk $0xffff, v35  }
0x384: {  	v36 =	vadd.s32 v27, v37;
	v35 =	vld [tilespmem:s26+$0xFFFFFF90];
	_ =	sdelay $0x4  }
0x385: {  	[tilespmem:v36+s31+$0x0] =	vst.idx.msk $0xffff, v35  }
0x386: {  	v36 =	vadd.s32 v28, v37;
	v35 =	vld [tilespmem:s26+$0xFFFFFFA0];
	_ =	sdelay $0x4  }
0x387: {  	[tilespmem:v36+s31+$0x0] =	vst.idx.msk $0xffff, v35  }
0x388: {  	v36 =	vadd.s32 v29, v37;
	v35 =	vld [tilespmem:s26+$0xFFFFFFB0];
	_ =	sdelay $0x4  }
0x389: {  	[tilespmem:v36+s31+$0x0] =	vst.idx.msk $0xffff, v35  }
0x38a: {  	v36 =	vadd.s32 v30, v37;
	v35 =	vld [tilespmem:s26+$0xFFFFFFC0]  }
0x38b: {  	v37 =	vmov s28;
	s28 =	smov.u32 s29  }
0x38c: {  	v37 =	vshrl.u32 v37, $0x3  }
0x38d: {  	v37 =	vshll.u32 v37, v3  }
0x38e: {  	v37 =	vbroadcast v37, $0x0  }
0x38f: {  	[tilespmem:v36+s31+$0x0] =	vst.idx.msk $0xffff, v35  }
0x390: {  	v36 =	vadd.s32 v31, v37;
	v35 =	vld [tilespmem:s26+$0xFFFFFFD0];
	_ =	sdelay $0x4  }
0x391: {  	[tilespmem:v36+s31+$0x0] =	vst.idx.msk $0xffff, v35  }
0x392: {  	v36 =	vadd.s32 v32, v37;
	v35 =	vld [tilespmem:s26+$0xFFFFFFE0];
	_ =	sdelay $0x4  }
0x393: {  	[tilespmem:v36+s31+$0x0] =	vst.idx.msk $0xffff, v35  }
0x394: {  	v36 =	vadd.s32 v33, v37;
	v35 =	vld [tilespmem:s26+$0xFFFFFFF0];
	_ =	sdelay $0x1  }
.Ltmp2:
0x395: {  	(pc) =	sbr.rel @p0 .LBB2_7-.Ltmp2, $3  }
0x396: {  	_ =	sdelay $0x1  }
0x397: {  	[tilespmem:v36+s31+$0x0] =	vst.idx.msk $0xffff, v35  }
0x398: {  	s29 =	sadd.s32 $0x8, s29;
	s1 =	sadd.s32 $0xFFFFFFF9, s28;
	v36 =	vadd.s32 v34, v37;
	v35 =	vld [tilespmem:s26+$0x0]  }
0x399: {  	v37 =	vmov s1  }
0x39a: {  	v37 =	vshrl.u32 v37, $0x3  }
0x39b: {  	v37 =	vshll.u32 v37, v3  }
0x39c: {  	v37 =	vbroadcast v37, $0x0  }
0x39d: {  	s26 =	sadd.s32 $0x200, s26;
	[tilespmem:v36+s31+$0x0] =	vst.idx.msk $0xffff, v35  }
0x39e: {  	v35 =	vld [tilespmem:s26+$0xFFFFFE10];
	v49 =	vadd.s32 v1, v37;
	_ =	sdelay $0x4  }
0x39f: {  	[tilespmem:v49+s31+$0x0] =	vst.idx.msk $0xffff, v35  }
0x3a0: {  	v50 =	vadd.s32 v4, v37;
	v35 =	vld [tilespmem:s26+$0xFFFFFE20];
	_ =	sdelay $0x4  }
0x3a1: {  	[tilespmem:v50+s31+$0x0] =	vst.idx.msk $0xffff, v35  }
0x3a2: {  	v51 =	vadd.s32 v5, v37;
	v35 =	vld [tilespmem:s26+$0xFFFFFE30];
	_ =	sdelay $0x4  }
0x3a3: {  	[tilespmem:v51+s31+$0x0] =	vst.idx.msk $0xffff, v35  }
0x3a4: {  	s29 =	sadd.s32 $0xFFFFFFFA, s28;
	v52 =	vadd.s32 v6, v37;
	v35 =	vld [tilespmem:s26+$0xFFFFFE40]  }
0x3a5: {  	v53 =	vmov s29  }
0x3a6: {  	v37 =	vshrl.u32 v53, $0x3  }
0x3a7: {  	v37 =	vshll.u32 v37, v3  }
0x3a8: {  	v37 =	vbroadcast v37, $0x0  }
0x3a9: {  	[tilespmem:v52+s31+$0x0] =	vst.idx.msk $0xffff, v35  }
0x3aa: {  	v54 =	vadd.s32 v7, v37;
	v35 =	vld [tilespmem:s26+$0xFFFFFE50];
	_ =	sdelay $0x4  }
0x3ab: {  	[tilespmem:v54+s31+$0x0] =	vst.idx.msk $0xffff, v35  }
0x3ac: {  	v55 =	vadd.s32 v8, v37;
	v35 =	vld [tilespmem:s26+$0xFFFFFE60];
	_ =	sdelay $0x4  }
0x3ad: {  	[tilespmem:v55+s31+$0x0] =	vst.idx.msk $0xffff, v35  }
0x3ae: {  	v56 =	vadd.s32 v9, v37;
	v35 =	vld [tilespmem:s26+$0xFFFFFE70];
	_ =	sdelay $0x4  }
0x3af: {  	[tilespmem:v56+s31+$0x0] =	vst.idx.msk $0xffff, v35  }
0x3b0: {  	s29 =	sadd.s32 $0xFFFFFFFB, s28;
	v57 =	vadd.s32 v10, v37;
	v35 =	vld [tilespmem:s26+$0xFFFFFE80]  }
0x3b1: {  	v58 =	vmov s29  }
0x3b2: {  	v37 =	vshrl.u32 v58, $0x3  }
0x3b3: {  	v37 =	vshll.u32 v37, v3  }
0x3b4: {  	v37 =	vbroadcast v37, $0x0  }
0x3b5: {  	[tilespmem:v57+s31+$0x0] =	vst.idx.msk $0xffff, v35  }
0x3b6: {  	v59 =	vadd.s32 v11, v37;
	v35 =	vld [tilespmem:s26+$0xFFFFFE90];
	_ =	sdelay $0x4  }
0x3b7: {  	[tilespmem:v59+s31+$0x0] =	vst.idx.msk $0xffff, v35  }
0x3b8: {  	v60 =	vadd.s32 v12, v37;
	v35 =	vld [tilespmem:s26+$0xFFFFFEA0];
	_ =	sdelay $0x4  }
0x3b9: {  	[tilespmem:v60+s31+$0x0] =	vst.idx.msk $0xffff, v35  }
0x3ba: {  	v61 =	vadd.s32 v13, v37;
	v35 =	vld [tilespmem:s26+$0xFFFFFEB0];
	_ =	sdelay $0x4  }
0x3bb: {  	[tilespmem:v61+s31+$0x0] =	vst.idx.msk $0xffff, v35  }
0x3bc: {  	s29 =	sadd.s32 $0xFFFFFFFC, s28;
	v62 =	vadd.s32 v14, v37;
	v35 =	vld [tilespmem:s26+$0xFFFFFEC0]  }
0x3bd: {  	v63 =	vmov s29  }
0x3be: {  	v37 =	vshrl.u32 v63, $0x3  }
0x3bf: {  	v37 =	vshll.u32 v37, v3  }
0x3c0: {  	v37 =	vbroadcast v37, $0x0  }
0x3c1: {  	[tilespmem:v62+s31+$0x0] =	vst.idx.msk $0xffff, v35  }
0x3c2: {  	v40 =	vadd.s32 v15, v37;
	v35 =	vld [tilespmem:s26+$0xFFFFFED0];
	_ =	sdelay $0x4  }
0x3c3: {  	[tilespmem:v40+s31+$0x0] =	vst.idx.msk $0xffff, v35  }
0x3c4: {  	v41 =	vadd.s32 v16, v37;
	v35 =	vld [tilespmem:s26+$0xFFFFFEE0];
	_ =	sdelay $0x4  }
0x3c5: {  	[tilespmem:v41+s31+$0x0] =	vst.idx.msk $0xffff, v35  }
0x3c6: {  	v42 =	vadd.s32 v17, v37;
	v35 =	vld [tilespmem:s26+$0xFFFFFEF0];
	_ =	sdelay $0x4  }
0x3c7: {  	[tilespmem:v42+s31+$0x0] =	vst.idx.msk $0xffff, v35  }
0x3c8: {  	s29 =	sadd.s32 $0xFFFFFFFD, s28;
	v43 =	vadd.s32 v18, v37;
	v35 =	vld [tilespmem:s26+$0xFFFFFF00]  }
0x3c9: {  	v44 =	vmov s29  }
0x3ca: {  	v37 =	vshrl.u32 v44, $0x3  }
0x3cb: {  	v37 =	vshll.u32 v37, v3  }
0x3cc: {  	v37 =	vbroadcast v37, $0x0  }
0x3cd: {  	[tilespmem:v43+s31+$0x0] =	vst.idx.msk $0xffff, v35  }
0x3ce: {  	v45 =	vadd.s32 v19, v37;
	v35 =	vld [tilespmem:s26+$0xFFFFFF10];
	_ =	sdelay $0x4  }
0x3cf: {  	[tilespmem:v45+s31+$0x0] =	vst.idx.msk $0xffff, v35  }
0x3d0: {  	v46 =	vadd.s32 v20, v37;
	v35 =	vld [tilespmem:s26+$0xFFFFFF20];
	_ =	sdelay $0x4  }
0x3d1: {  	[tilespmem:v46+s31+$0x0] =	vst.idx.msk $0xffff, v35  }
0x3d2: {  	v47 =	vadd.s32 v21, v37;
	v35 =	vld [tilespmem:s26+$0xFFFFFF30];
	_ =	sdelay $0x4  }
0x3d3: {  	[tilespmem:v47+s31+$0x0] =	vst.idx.msk $0xffff, v35  }
0x3d4: {  	s29 =	sadd.s32 $0xFFFFFFFE, s28;
	v48 =	vadd.s32 v22, v37;
	v35 =	vld [tilespmem:s26+$0xFFFFFF40]  }
0x3d5: {  	v49 =	vmov s29  }
0x3d6: {  	v37 =	vshrl.u32 v49, $0x3  }
0x3d7: {  	v37 =	vshll.u32 v37, v3  }
0x3d8: {  	v37 =	vbroadcast v37, $0x0  }
0x3d9: {  	[tilespmem:v48+s31+$0x0] =	vst.idx.msk $0xffff, v35  }
0x3da: {  	v50 =	vadd.s32 v23, v37;
	v35 =	vld [tilespmem:s26+$0xFFFFFF50];
	_ =	sdelay $0x4  }
0x3db: {  	[tilespmem:v50+s31+$0x0] =	vst.idx.msk $0xffff, v35  }
0x3dc: {  	v51 =	vadd.s32 v24, v37;
	v35 =	vld [tilespmem:s26+$0xFFFFFF60];
	_ =	sdelay $0x4  }
0x3dd: {  	[tilespmem:v51+s31+$0x0] =	vst.idx.msk $0xffff, v35  }
0x3de: {  	v52 =	vadd.s32 v25, v37;
	v35 =	vld [tilespmem:s26+$0xFFFFFF70];
	_ =	sdelay $0x4  }
0x3df: {  	[tilespmem:v52+s31+$0x0] =	vst.idx.msk $0xffff, v35  }
0x3e0: {  	s29 =	sadd.s32 $0xFFFFFFFF, s28;
	v53 =	vadd.s32 v26, v37;
	v35 =	vld [tilespmem:s26+$0xFFFFFF80]  }
0x3e1: {  	v54 =	vmov s29  }
0x3e2: {  	v37 =	vshrl.u32 v54, $0x3  }
0x3e3: {  	v37 =	vshll.u32 v37, v3  }
0x3e4: {  	v37 =	vbroadcast v37, $0x0  }
0x3e5: {  	[tilespmem:v53+s31+$0x0] =	vst.idx.msk $0xffff, v35  }
0x3e6: {  	v55 =	vadd.s32 v27, v37;
	v35 =	vld [tilespmem:s26+$0xFFFFFF90];
	_ =	sdelay $0x4  }
0x3e7: {  	[tilespmem:v55+s31+$0x0] =	vst.idx.msk $0xffff, v35  }
0x3e8: {  	v56 =	vadd.s32 v28, v37;
	v35 =	vld [tilespmem:s26+$0xFFFFFFA0];
	_ =	sdelay $0x4  }
0x3e9: {  	[tilespmem:v56+s31+$0x0] =	vst.idx.msk $0xffff, v35  }
0x3ea: {  	v57 =	vadd.s32 v29, v37;
	v35 =	vld [tilespmem:s26+$0xFFFFFFB0];
	_ =	sdelay $0x4  }
0x3eb: {  	[tilespmem:v57+s31+$0x0] =	vst.idx.msk $0xffff, v35  }
0x3ec: {  	v58 =	vadd.s32 v30, v37;
	v35 =	vld [tilespmem:s26+$0xFFFFFFC0]  }
0x3ed: {  	v59 =	vmov s28  }
0x3ee: {  	v37 =	vshrl.u32 v59, $0x3  }
0x3ef: {  	v37 =	vshll.u32 v37, v3  }
0x3f0: {  	v37 =	vbroadcast v37, $0x0  }
0x3f1: {  	[tilespmem:v58+s31+$0x0] =	vst.idx.msk $0xffff, v35  }
0x3f2: {  	v60 =	vadd.s32 v31, v37;
	v35 =	vld [tilespmem:s26+$0xFFFFFFD0];
	_ =	sdelay $0x4  }
0x3f3: {  	[tilespmem:v60+s31+$0x0] =	vst.idx.msk $0xffff, v35  }
0x3f4: {  	v61 =	vadd.s32 v32, v37;
	v35 =	vld [tilespmem:s26+$0xFFFFFFE0];
	_ =	sdelay $0x4  }
0x3f5: {  	[tilespmem:v61+s31+$0x0] =	vst.idx.msk $0xffff, v35  }
0x3f6: {  	v62 =	vadd.s32 v33, v37;
	v35 =	vld [tilespmem:s26+$0xFFFFFFF0];
	_ =	sdelay $0x4  }
0x3f7: {  	[tilespmem:v62+s31+$0x0] =	vst.idx.msk $0xffff, v35  }
0x3f8: {  	v63 =	vadd.s32 v34, v37;
	v35 =	vld [tilespmem:s26+$0x0];
	_ =	sdelay $0x1  }
0x3f9: {  	s1 =	sadd.s32 @!p1 $0x600, s25  }
0x3fa: {  	s1 =	sand.u32 @!p1 $0x1FE00, s1  }
0x3fb: {  	s1 =	sshrl.u32 @!p1 s1, $0x2  }
0x3fc: {  	s25 =	simm.s32 @!p1 $0x80;
	s1 =	sadd.s32 @!p1 $0x3400, s1;
	s26 =	simm.s32 @!p1 $0x8800;
	[tilespmem:v63+s31+$0x0] =	vst.idx.msk $0xffff, v35  }
0x3fd: {  	[tilespmem:s26], [sflag:$0x2] =	stream.indirect.gather @!p1 [hbm4b:s4+s25], $0x40, s1, s25, $0xb8;
	[tilespmem:$0xEC00] =	vst v63  }
0x3fe: {  	s1 =	sadd.s32 s24, s2  }
0x3ff: {  	s26 =	sadd.s32 $0x80, s1  }
0x400: {  	[hbm4b:s26+s3] =	stream.linear.scatter [tilespmem:s31], [sflag:$0x4], $0x80, $0x38;
	[tilespmem:$0xEC00] =	vst v63  }
0x401: {  	s29 =	simm.s32 $0xCA88;
	s28 =	sadd.s32 $0x90, s1  }
0x402: {  	[hbm4b:s28+s3] =	stream.linear.scatter [tilespmem:s29], [sflag:$0x4], $0x80, $0x38;
	[tilespmem:$0xEC00] =	vst v63  }
0x403: {  	s28 =	sadd.s32 $0xA0, s1;
	s29 =	simm.s32 $0xCB10  }
0x404: {  	[hbm4b:s28+s3] =	stream.linear.scatter [tilespmem:s29], [sflag:$0x4], $0x80, $0x38;
	[tilespmem:$0xEC00] =	vst v63  }
0x405: {  	s28 =	sadd.s32 $0xB0, s1;
	s29 =	simm.s32 $0xCB98  }
0x406: {  	[hbm4b:s28+s3] =	stream.linear.scatter [tilespmem:s29], [sflag:$0x4], $0x80, $0x38;
	[tilespmem:$0xEC00] =	vst v63  }
0x407: {  	s28 =	sadd.s32 $0xC0, s1;
	s29 =	simm.s32 $0xCC20  }
0x408: {  	[hbm4b:s28+s3] =	stream.linear.scatter [tilespmem:s29], [sflag:$0x4], $0x80, $0x38;
	[tilespmem:$0xEC00] =	vst v63  }
0x409: {  	s28 =	sadd.s32 $0xD0, s1;
	s29 =	simm.s32 $0xCCA8  }
0x40a: {  	[hbm4b:s28+s3] =	stream.linear.scatter [tilespmem:s29], [sflag:$0x4], $0x80, $0x38;
	[tilespmem:$0xEC00] =	vst v63  }
0x40b: {  	s26 =	sadd.s32 $0xE0, s1;
	s28 =	simm.s32 $0xCD30  }
0x40c: {  	[hbm4b:s26+s3] =	stream.linear.scatter [tilespmem:s28], [sflag:$0x4], $0x80, $0x38;
	[tilespmem:$0xEC00] =	vst v63  }
0x40d: {  	s25 =	sor.u32 $0x4080, s24;
	s1 =	sadd.s32 $0xF0, s1;
	s29 =	simm.s32 $0xCDB8  }
0x40e: {  	[hbm4b:s1+s3] =	stream.linear.scatter [tilespmem:s29], [sflag:$0x4], $0x80, $0x38;
	[tilespmem:$0xEC00] =	vst v63  }
0x40f: {  	s26 =	simm.s32 $0xCE40;
	s1 =	sadd.s32 s2, s25  }
0x410: {  	[hbm4b:s1+s3] =	stream.linear.scatter [tilespmem:s26], [sflag:$0x4], $0x80, $0x38;
	[tilespmem:$0xEC00] =	vst v63  }
0x411: {  	s29 =	simm.s32 $0xCEC8;
	s28 =	sadd.s32 $0x10, s1  }
0x412: {  	[hbm4b:s28+s3] =	stream.linear.scatter [tilespmem:s29], [sflag:$0x4], $0x80, $0x38;
	[tilespmem:$0xEC00] =	vst v63  }
0x413: {  	s28 =	sadd.s32 $0x20, s1;
	s29 =	simm.s32 $0xCF50  }
0x414: {  	[hbm4b:s28+s3] =	stream.linear.scatter [tilespmem:s29], [sflag:$0x4], $0x80, $0x38;
	[tilespmem:$0xEC00] =	vst v63  }
0x415: {  	s28 =	sadd.s32 $0x30, s1;
	s29 =	simm.s32 $0xCFD8  }
0x416: {  	[hbm4b:s28+s3] =	stream.linear.scatter [tilespmem:s29], [sflag:$0x4], $0x80, $0x38;
	[tilespmem:$0xEC00] =	vst v63  }
0x417: {  	s28 =	sadd.s32 $0x40, s1;
	s29 =	simm.s32 $0xD060  }
0x418: {  	[hbm4b:s28+s3] =	stream.linear.scatter [tilespmem:s29], [sflag:$0x4], $0x80, $0x38;
	[tilespmem:$0xEC00] =	vst v63  }
0x419: {  	s28 =	sadd.s32 $0x50, s1;
	s29 =	simm.s32 $0xD0E8  }
0x41a: {  	[hbm4b:s28+s3] =	stream.linear.scatter [tilespmem:s29], [sflag:$0x4], $0x80, $0x38;
	[tilespmem:$0xEC00] =	vst v63  }
0x41b: {  	s26 =	sadd.s32 $0x60, s1;
	s28 =	simm.s32 $0xD170  }
0x41c: {  	[hbm4b:s26+s3] =	stream.linear.scatter [tilespmem:s28], [sflag:$0x4], $0x80, $0x38;
	[tilespmem:$0xEC00] =	vst v63  }
0x41d: {  	s25 =	sor.u32 $0x8080, s24;
	s1 =	sadd.s32 $0x70, s1;
	s29 =	simm.s32 $0xD1F8  }
0x41e: {  	[hbm4b:s1+s3] =	stream.linear.scatter [tilespmem:s29], [sflag:$0x4], $0x80, $0x38;
	[tilespmem:$0xEC00] =	vst v63  }
0x41f: {  	s26 =	simm.s32 $0xD280;
	s1 =	sadd.s32 s2, s25  }
0x420: {  	[hbm4b:s1+s3] =	stream.linear.scatter [tilespmem:s26], [sflag:$0x4], $0x80, $0x38;
	[tilespmem:$0xEC00] =	vst v63  }
0x421: {  	s29 =	simm.s32 $0xD308;
	s28 =	sadd.s32 $0x10, s1  }
0x422: {  	[hbm4b:s28+s3] =	stream.linear.scatter [tilespmem:s29], [sflag:$0x4], $0x80, $0x38;
	[tilespmem:$0xEC00] =	vst v63  }
0x423: {  	s28 =	sadd.s32 $0x20, s1;
	s29 =	simm.s32 $0xD390  }
0x424: {  	[hbm4b:s28+s3] =	stream.linear.scatter [tilespmem:s29], [sflag:$0x4], $0x80, $0x38;
	[tilespmem:$0xEC00] =	vst v63  }
0x425: {  	s28 =	sadd.s32 $0x30, s1;
	s29 =	simm.s32 $0xD418  }
0x426: {  	[hbm4b:s28+s3] =	stream.linear.scatter [tilespmem:s29], [sflag:$0x4], $0x80, $0x38;
	[tilespmem:$0xEC00] =	vst v63  }
0x427: {  	s28 =	sadd.s32 $0x40, s1;
	s29 =	simm.s32 $0xD4A0  }
0x428: {  	[hbm4b:s28+s3] =	stream.linear.scatter [tilespmem:s29], [sflag:$0x4], $0x80, $0x38;
	[tilespmem:$0xEC00] =	vst v63  }
0x429: {  	s28 =	sadd.s32 $0x50, s1;
	s29 =	simm.s32 $0xD528  }
0x42a: {  	[hbm4b:s28+s3] =	stream.linear.scatter [tilespmem:s29], [sflag:$0x4], $0x80, $0x38;
	[tilespmem:$0xEC00] =	vst v63  }
0x42b: {  	s26 =	sadd.s32 $0x60, s1;
	s28 =	simm.s32 $0xD5B0  }
0x42c: {  	[hbm4b:s26+s3] =	stream.linear.scatter [tilespmem:s28], [sflag:$0x4], $0x80, $0x38;
	[tilespmem:$0xEC00] =	vst v63  }
0x42d: {  	s25 =	sor.u32 $0xC080, s24;
	s1 =	sadd.s32 $0x70, s1;
	s29 =	simm.s32 $0xD638  }
0x42e: {  	[hbm4b:s1+s3] =	stream.linear.scatter [tilespmem:s29], [sflag:$0x4], $0x80, $0x38;
	[tilespmem:$0xEC00] =	vst v63  }
0x42f: {  	s26 =	simm.s32 $0xD6C0;
	s1 =	sadd.s32 s2, s25  }
0x430: {  	[hbm4b:s1+s3] =	stream.linear.scatter [tilespmem:s26], [sflag:$0x4], $0x80, $0x38;
	[tilespmem:$0xEC00] =	vst v63  }
0x431: {  	s29 =	simm.s32 $0xD748;
	s28 =	sadd.s32 $0x10, s1  }
0x432: {  	[hbm4b:s28+s3] =	stream.linear.scatter [tilespmem:s29], [sflag:$0x4], $0x80, $0x38;
	[tilespmem:$0xEC00] =	vst v63  }
0x433: {  	s28 =	sadd.s32 $0x20, s1;
	s29 =	simm.s32 $0xD7D0  }
0x434: {  	[hbm4b:s28+s3] =	stream.linear.scatter [tilespmem:s29], [sflag:$0x4], $0x80, $0x38;
	[tilespmem:$0xEC00] =	vst v63  }
0x435: {  	s28 =	sadd.s32 $0x30, s1;
	s29 =	simm.s32 $0xD858  }
0x436: {  	[hbm4b:s28+s3] =	stream.linear.scatter [tilespmem:s29], [sflag:$0x4], $0x80, $0x38;
	[tilespmem:$0xEC00] =	vst v63  }
0x437: {  	s28 =	sadd.s32 $0x40, s1;
	s29 =	simm.s32 $0xD8E0  }
0x438: {  	[hbm4b:s28+s3] =	stream.linear.scatter [tilespmem:s29], [sflag:$0x4], $0x80, $0x38;
	[tilespmem:$0xEC00] =	vst v63  }
0x439: {  	s28 =	sadd.s32 $0x50, s1;
	s29 =	simm.s32 $0xD968  }
0x43a: {  	[hbm4b:s28+s3] =	stream.linear.scatter [tilespmem:s29], [sflag:$0x4], $0x80, $0x38;
	[tilespmem:$0xEC00] =	vst v63  }
0x43b: {  	s26 =	sadd.s32 $0x60, s1;
	s28 =	simm.s32 $0xD9F0  }
0x43c: {  	[hbm4b:s26+s3] =	stream.linear.scatter [tilespmem:s28], [sflag:$0x4], $0x80, $0x38;
	[tilespmem:$0xEC00] =	vst v63  }
0x43d: {  	s25 =	sor.u32 $0x10080, s24;
	s1 =	sadd.s32 $0x70, s1;
	s29 =	simm.s32 $0xDA78  }
0x43e: {  	[hbm4b:s1+s3] =	stream.linear.scatter [tilespmem:s29], [sflag:$0x4], $0x80, $0x38;
	[tilespmem:$0xEC00] =	vst v63  }
0x43f: {  	s26 =	simm.s32 $0xDB00;
	s1 =	sadd.s32 s2, s25  }
0x440: {  	[hbm4b:s1+s3] =	stream.linear.scatter [tilespmem:s26], [sflag:$0x4], $0x80, $0x38;
	[tilespmem:$0xEC00] =	vst v63  }
0x441: {  	s29 =	simm.s32 $0xDB88;
	s28 =	sadd.s32 $0x10, s1  }
0x442: {  	[hbm4b:s28+s3] =	stream.linear.scatter [tilespmem:s29], [sflag:$0x4], $0x80, $0x38;
	[tilespmem:$0xEC00] =	vst v63  }
0x443: {  	s28 =	sadd.s32 $0x20, s1;
	s29 =	simm.s32 $0xDC10  }
0x444: {  	[hbm4b:s28+s3] =	stream.linear.scatter [tilespmem:s29], [sflag:$0x4], $0x80, $0x38;
	[tilespmem:$0xEC00] =	vst v63  }
0x445: {  	s28 =	sadd.s32 $0x30, s1;
	s29 =	simm.s32 $0xDC98  }
0x446: {  	[hbm4b:s28+s3] =	stream.linear.scatter [tilespmem:s29], [sflag:$0x4], $0x80, $0x38;
	[tilespmem:$0xEC00] =	vst v63  }
0x447: {  	s28 =	sadd.s32 $0x40, s1;
	s29 =	simm.s32 $0xDD20  }
0x448: {  	[hbm4b:s28+s3] =	stream.linear.scatter [tilespmem:s29], [sflag:$0x4], $0x80, $0x38;
	[tilespmem:$0xEC00] =	vst v63  }
0x449: {  	s28 =	sadd.s32 $0x50, s1;
	s29 =	simm.s32 $0xDDA8  }
0x44a: {  	[hbm4b:s28+s3] =	stream.linear.scatter [tilespmem:s29], [sflag:$0x4], $0x80, $0x38;
	[tilespmem:$0xEC00] =	vst v63  }
0x44b: {  	s26 =	sadd.s32 $0x60, s1;
	s28 =	simm.s32 $0xDE30  }
0x44c: {  	[hbm4b:s26+s3] =	stream.linear.scatter [tilespmem:s28], [sflag:$0x4], $0x80, $0x38;
	[tilespmem:$0xEC00] =	vst v63  }
0x44d: {  	s25 =	sor.u32 $0x14080, s24;
	s1 =	sadd.s32 $0x70, s1;
	s29 =	simm.s32 $0xDEB8  }
0x44e: {  	[hbm4b:s1+s3] =	stream.linear.scatter [tilespmem:s29], [sflag:$0x4], $0x80, $0x38;
	[tilespmem:$0xEC00] =	vst v63  }
0x44f: {  	s26 =	simm.s32 $0xDF40;
	s1 =	sadd.s32 s2, s25  }
0x450: {  	[hbm4b:s1+s3] =	stream.linear.scatter [tilespmem:s26], [sflag:$0x4], $0x80, $0x38;
	[tilespmem:$0xEC00] =	vst v63  }
0x451: {  	s29 =	simm.s32 $0xDFC8;
	s28 =	sadd.s32 $0x10, s1  }
0x452: {  	[hbm4b:s28+s3] =	stream.linear.scatter [tilespmem:s29], [sflag:$0x4], $0x80, $0x38;
	[tilespmem:$0xEC00] =	vst v63  }
0x453: {  	s28 =	sadd.s32 $0x20, s1;
	s29 =	simm.s32 $0xE050  }
0x454: {  	[hbm4b:s28+s3] =	stream.linear.scatter [tilespmem:s29], [sflag:$0x4], $0x80, $0x38;
	[tilespmem:$0xEC00] =	vst v63  }
0x455: {  	s28 =	sadd.s32 $0x30, s1;
	s29 =	simm.s32 $0xE0D8  }
0x456: {  	[hbm4b:s28+s3] =	stream.linear.scatter [tilespmem:s29], [sflag:$0x4], $0x80, $0x38;
	[tilespmem:$0xEC00] =	vst v63  }
0x457: {  	s28 =	sadd.s32 $0x40, s1;
	s29 =	simm.s32 $0xE160  }
0x458: {  	[hbm4b:s28+s3] =	stream.linear.scatter [tilespmem:s29], [sflag:$0x4], $0x80, $0x38;
	[tilespmem:$0xEC00] =	vst v63  }
0x459: {  	s28 =	sadd.s32 $0x50, s1;
	s29 =	simm.s32 $0xE1E8  }
0x45a: {  	[hbm4b:s28+s3] =	stream.linear.scatter [tilespmem:s29], [sflag:$0x4], $0x80, $0x38;
	[tilespmem:$0xEC00] =	vst v63  }
0x45b: {  	s26 =	sadd.s32 $0x60, s1;
	s28 =	simm.s32 $0xE270  }
0x45c: {  	[hbm4b:s26+s3] =	stream.linear.scatter [tilespmem:s28], [sflag:$0x4], $0x80, $0x38;
	[tilespmem:$0xEC00] =	vst v63  }
0x45d: {  	s25 =	sor.u32 $0x18080, s24;
	s1 =	sadd.s32 $0x70, s1;
	s29 =	simm.s32 $0xE2F8  }
0x45e: {  	[hbm4b:s1+s3] =	stream.linear.scatter [tilespmem:s29], [sflag:$0x4], $0x80, $0x38;
	[tilespmem:$0xEC00] =	vst v63  }
0x45f: {  	s1 =	sadd.s32 s2, s25  }
0x460: {  	[hbm4b:s1+s3] =	stream.linear.scatter [tilespmem:s0], [sflag:$0x4], $0x80, $0x38;
	[tilespmem:$0xEC00] =	vst v63  }
0x461: {  	s26 =	sadd.s32 $0x10, s1  }
0x462: {  	[hbm4b:s26+s3] =	stream.linear.scatter [tilespmem:s10], [sflag:$0x4], $0x80, $0x38;
	[tilespmem:$0xEC00] =	vst v63  }
0x463: {  	s28 =	sadd.s32 $0x20, s1  }
0x464: {  	[hbm4b:s28+s3] =	stream.linear.scatter [tilespmem:s11], [sflag:$0x4], $0x80, $0x38;
	[tilespmem:$0xEC00] =	vst v63  }
0x465: {  	s29 =	sadd.s32 $0x30, s1  }
0x466: {  	[hbm4b:s29+s3] =	stream.linear.scatter [tilespmem:s12], [sflag:$0x4], $0x80, $0x38;
	[tilespmem:$0xEC00] =	vst v63  }
0x467: {  	s26 =	sadd.s32 $0x40, s1  }
0x468: {  	[hbm4b:s26+s3] =	stream.linear.scatter [tilespmem:s13], [sflag:$0x4], $0x80, $0x38;
	[tilespmem:$0xEC00] =	vst v63  }
0x469: {  	s28 =	sadd.s32 $0x50, s1  }
0x46a: {  	[hbm4b:s28+s3] =	stream.linear.scatter [tilespmem:s9], [sflag:$0x4], $0x80, $0x38;
	[tilespmem:$0xEC00] =	vst v63  }
0x46b: {  	s29 =	sadd.s32 $0x60, s1  }
0x46c: {  	[hbm4b:s29+s3] =	stream.linear.scatter [tilespmem:s5], [sflag:$0x4], $0x80, $0x38;
	[tilespmem:$0xEC00] =	vst v63  }
0x46d: {  	s1 =	sadd.s32 $0x70, s1;
	s26 =	sor.u32 $0x1C080, s24  }
0x46e: {  	[hbm4b:s1+s3] =	stream.linear.scatter [tilespmem:s7], [sflag:$0x4], $0x80, $0x38;
	[tilespmem:$0xEC00] =	vst v63  }
0x46f: {  	s1 =	sadd.s32 s2, s26  }
0x470: {  	[hbm4b:s1+s3] =	stream.linear.scatter [tilespmem:s8], [sflag:$0x4], $0x80, $0x38;
	[tilespmem:$0xEC00] =	vst v63  }
0x471: {  	s28 =	sadd.s32 $0x10, s1  }
0x472: {  	[hbm4b:s28+s3] =	stream.linear.scatter [tilespmem:s16], [sflag:$0x4], $0x80, $0x38;
	[tilespmem:$0xEC00] =	vst v63  }
0x473: {  	s29 =	sadd.s32 $0x20, s1  }
0x474: {  	[hbm4b:s29+s3] =	stream.linear.scatter [tilespmem:s17], [sflag:$0x4], $0x80, $0x38;
	[tilespmem:$0xEC00] =	vst v63  }
0x475: {  	s25 =	sadd.s32 $0x30, s1  }
0x476: {  	[hbm4b:s25+s3] =	stream.linear.scatter [tilespmem:s18], [sflag:$0x4], $0x80, $0x38;
	[tilespmem:$0xEC00] =	vst v63  }
0x477: {  	s23 =	sadd.s32 $0x1, s23;
	s26 =	sadd.s32 $0x40, s1  }
0x478: {  	[hbm4b:s26+s3] =	stream.linear.scatter [tilespmem:s19], [sflag:$0x4], $0x80, $0x38;
	[tilespmem:$0xEC00] =	vst v63  }
0x479: {  	p0 =	sne.s32 s23, $0x34;
	s28 =	sadd.s32 $0x50, s1  }
0x47a: {  	[hbm4b:s28+s3] =	stream.linear.scatter [tilespmem:s20], [sflag:$0x4], $0x80, $0x38;
	[tilespmem:$0xEC00] =	vst v63  }
.Ltmp3:
0x47b: {  	_ = 	snop;
	(pc) =	sbr.rel @p0 .LBB2_4-.Ltmp3, $4  }
0x47c: {  	s29 =	sadd.s32 $0x60, s1  }
0x47d: {  	[hbm4b:s29+s3] =	stream.linear.scatter [tilespmem:s21], [sflag:$0x4], $0x80, $0x38;
	[tilespmem:$0xEC00] =	vst v63  }
0x47e: {  	s1 =	sadd.s32 $0x70, s1  }
0x47f: {  	[hbm4b:s1+s3] =	stream.linear.scatter [tilespmem:s22], [sflag:$0x4], $0x80, $0x38;
	[tilespmem:$0xEC00] =	vst v63  }
0x480: {  	s1 =	simm.s32 $0x3  }
0x481: {  	_ =	swait.ge [sflag:s1], $0x2000  }
0x482: {  	[sflag:s1] =	ssyncset.done $0x0  }
0x483: {  	s23 =	simm.s32 $0x4;
	[sflag:s1] =	ssyncadd.s32 $0xFFFFE000  }
0x484: {  	_ =	swait.ge [sflag:s23], $0x2000  }
0x485: {  	s24 =	rddreg [dreg:$0x5]  }
0x486: {  	s29 =	rddreg [dreg:$0x4];
	s24 =	sadd.s32 $0x1, s24  }
0x487: {  	p0 =	sne.s32 s24, s29  }
.Ltmp4:
0x488: {  	_ = 	snop;
	(pc) =	sbr.rel @p0 .LBB2_1-.Ltmp4, $3  }
0x489: {  	_ =	sdelay $0x1  }
0x48a: {  	[sflag:s23] =	ssyncset.done $0x0  }
0x48b: {  	[sflag:s23] =	ssyncadd.s32 $0xFFFFE000  }
0x48c: {  	_ =	sfence.sel $0x180000  }
0x48d: {  	[bflag:$0x0] =	sbarrier.arrive $0xFFFF  }
0x48e: {  	_ =	strace $0x90000047  }
0x48f: {  	s0 =	stileid.u32;
	[bflag:$0x2] =	sbarrier.arrive $0xFFFF  }
0x490: {  	p0 =	sne.s32 s0, $0x0;
	s0 =	rddreg [dreg:$0x2]  }
0x491: {  	s0 =	sadd.s32 @!p0 $0x100000, s0  }
0x492: {  	[sflag:s0] =	ssyncadd.tile.s32 @!p0 $0x1;
	_ =	shalt  }
.Lfunc_end2:
_tile_overlayer_lowered:
.L_overlay_start_2:
0x493: {  	(tag) =	ssettag $0x2  }
0x494: {  	s0 =	rddreg [dreg:$0x0];
	s2 =	stileid.u32  }
0x495: {  	s1 =	rddreg [dreg:$0x1];
	p0 =	sne.s32 s2, $0x0  }
0x496: {  	s3 =	rddreg [dreg:$0x2];
	[bflag:$0x3] =	sbarrier.arrive $0xFFFF;
	s2 =	simm.s32 @!p0 $0x1C05  }
0x497: {  	[timem:s3], [sflag:s2] =	dma.local @!p0 [hbm:s0], s1  }
0x498: {  	s0 =	simm.s32 @!p0 $0x5  }
0x499: {  	_ =	swait.ge @!p0 [sflag:s0], s1  }
0x49a: {  	s1 =	ssub.s32 @!p0 $0x0, s1;
	[sflag:s0] =	ssyncset.done @!p0 $0x0  }
0x49b: {  	[sflag:s0] =	ssyncadd.s32 @!p0 s1  }
0x49c: {  	[bflag:$0x3] =	sbarrier.arrive $0xFFFF  }
0x49d: {  	_ =	shalt  }

</sc_bundles>
